<compile_context>
chip_gen: v7x
topology: tpu7x:2x2x1
jax: 0.10.2.dev20260603
libtpu: 0.0.44.dev20260713+nightly
codegen_flags: <defaults>
</compile_context>

<pallas_src>
import functools

import jax
import jax.numpy as jnp
from jax import lax
from jax.experimental import pallas as pl
from jax.experimental.pallas import tpu as pltpu
from jax.experimental.pallas import tpu_sc as plsc

N = 10000
E = 320000
H = 128
P = 64
S = 156

_NC = 2
_NS = 16
_NW = _NC * _NS
_CHUNK = 128

N_ACC = 10112
E_CPT = 80
E_PAD = _NW * E_CPT * _CHUNK
NPART = P + 1
S_PAD = 160
PART_ACC = 128
PE_CPT = 8
PE_PAD = _NW * PE_CPT * _CHUNK


def _seg_sum_gather(d, n_acc, cpt):
    rows_per_tile = n_acc // _NS
    n_half = 2 if cpt >= 16 else 1
    half = cpt // n_half
    mesh = plsc.VectorSubcoreMesh(core_axis_name="c", subcore_axis_name="s")

    @functools.partial(
        pl.kernel,
        out_type=jax.ShapeDtypeStruct((_NC, n_acc, d), jnp.float32),
        mesh=mesh,
        scratch_types=[
            pltpu.VMEM((half, _CHUNK), jnp.int32),
            pltpu.VMEM((half, _CHUNK), jnp.int32),
            pltpu.VMEM((_CHUNK, d), jnp.float32),
            pltpu.VMEM((_CHUNK, d), jnp.float32),
            pltpu.VMEM_SHARED((n_acc, d), jnp.float32),
            pltpu.SemaphoreType.DMA,
            pltpu.SemaphoreType.DMA,
        ],
    )
    def seg_sum(vals_hbm, src_hbm, dst_hbm, zeros_hbm, out_hbm,
                src_v, dst_v, rows_a, rows_b, acc_sh, sem_a, sem_b):
        cid = lax.axis_index("c")
        sid = lax.axis_index("s")
        r0 = pl.multiple_of(sid * rows_per_tile, 8)
        c0 = pl.multiple_of((cid * _NS + sid) * cpt, 8)
        pltpu.sync_copy(zeros_hbm.at[pl.ds(r0, rows_per_tile)],
                        acc_sh.at[pl.ds(r0, rows_per_tile)])
        plsc.subcore_barrier()

        for h in range(n_half):
            c0h = pl.multiple_of(c0 + h * half, 8)
            pltpu.sync_copy(src_hbm.at[pl.ds(c0h, half)], src_v)
            pltpu.sync_copy(dst_hbm.at[pl.ds(c0h, half)], dst_v)

            pltpu.async_copy(vals_hbm.at[src_v.at[0]], rows_a, sem_a)

            @pl.loop(0, half // 2 - 1)
            def _(p):
                k = p * 2
                pltpu.make_async_copy(vals_hbm.at[src_v.at[k]], rows_a,
                                      sem_a).wait()
                pltpu.async_copy(vals_hbm.at[src_v.at[k + 1]], rows_b, sem_b)
                pltpu.sync_copy(rows_a, acc_sh.at[dst_v.at[k]], add=True)
                pltpu.make_async_copy(vals_hbm.at[src_v.at[k + 1]], rows_b,
                                      sem_b).wait()
                pltpu.async_copy(vals_hbm.at[src_v.at[k + 2]], rows_a, sem_a)
                pltpu.sync_copy(rows_b, acc_sh.at[dst_v.at[k + 1]], add=True)

            k_last = half - 2
            pltpu.make_async_copy(vals_hbm.at[src_v.at[k_last]], rows_a,
                                  sem_a).wait()
            pltpu.async_copy(vals_hbm.at[src_v.at[k_last + 1]], rows_b, sem_b)
            pltpu.sync_copy(rows_a, acc_sh.at[dst_v.at[k_last]], add=True)
            pltpu.make_async_copy(vals_hbm.at[src_v.at[k_last + 1]], rows_b,
                                  sem_b).wait()
            pltpu.sync_copy(rows_b, acc_sh.at[dst_v.at[k_last + 1]], add=True)

        plsc.subcore_barrier()
        pltpu.sync_copy(acc_sh.at[pl.ds(r0, rows_per_tile)],
                        out_hbm.at[cid, pl.ds(r0, rows_per_tile)])

    return seg_sum


def _ones_hist(d, n_acc, cpt):
    rows_per_tile = n_acc // _NS
    mesh = plsc.VectorSubcoreMesh(core_axis_name="c", subcore_axis_name="s")

    @functools.partial(
        pl.kernel,
        out_type=jax.ShapeDtypeStruct((_NC, n_acc, d), jnp.float32),
        mesh=mesh,
        scratch_types=[
            pltpu.VMEM((cpt, _CHUNK), jnp.int32),
            pltpu.VMEM((_CHUNK, d), jnp.float32),
            pltpu.VMEM_SHARED((n_acc, d), jnp.float32),
        ],
    )
    def ones_hist(ones_hbm, dst_hbm, zeros_hbm, out_hbm, dst_v, rows_v, acc_sh):
        cid = lax.axis_index("c")
        sid = lax.axis_index("s")
        r0 = pl.multiple_of(sid * rows_per_tile, 8)
        c0 = pl.multiple_of((cid * _NS + sid) * cpt, 8)
        pltpu.sync_copy(dst_hbm.at[pl.ds(c0, cpt)], dst_v)
        pltpu.sync_copy(zeros_hbm.at[pl.ds(r0, rows_per_tile)],
                        acc_sh.at[pl.ds(r0, rows_per_tile)])
        pltpu.sync_copy(ones_hbm, rows_v)
        plsc.subcore_barrier()

        @pl.loop(0, cpt)
        def _(k):
            pltpu.sync_copy(rows_v, acc_sh.at[dst_v.at[k]], add=True)

        plsc.subcore_barrier()
        pltpu.sync_copy(acc_sh.at[pl.ds(r0, rows_per_tile)],
                        out_hbm.at[cid, pl.ds(r0, rows_per_tile)])

    return ones_hist


def _dinv_from(d0, d1):
    deg = d0 + d1 + 1.0
    return lax.rsqrt(jnp.maximum(deg, 1e-12))


def _k1_body(x_ref, w_ref, d0_ref, d1_ref, g_ref):
    dinv = _dinv_from(d0_ref[...], d1_ref[...])
    g_ref[...] = jnp.dot(x_ref[...], w_ref[...],
                         preferred_element_type=jnp.float32) * dinv


def _bn_relu(t):
    mu = jnp.mean(t, axis=0, keepdims=True)
    var = jnp.mean((t - mu) ** 2, axis=0, keepdims=True)
    return jnp.maximum((t - mu) * lax.rsqrt(var + 1e-5), 0.0)


def _k2_body(s0_ref, s1_ref, g_ref, d0_ref, d1_ref, b_ref, w_ref, out_ref):
    dinv = _dinv_from(d0_ref[...], d1_ref[...])
    t = dinv * (s0_ref[...] + s1_ref[...] + g_ref[...]) + b_ref[...]
    y = _bn_relu(t)
    out_ref[...] = jnp.dot(y, w_ref[...],
                           preferred_element_type=jnp.float32) * dinv


def _k3_body(s0_ref, s1_ref, g_ref, d0_ref, d1_ref, b_ref, out_ref):
    dinv = _dinv_from(d0_ref[...], d1_ref[...])
    t = dinv * (s0_ref[...] + s1_ref[...] + g_ref[...]) + b_ref[...]
    y = _bn_relu(t)
    out_ref[...] = jnp.concatenate(
        [y, jnp.zeros((N_ACC - N, H), jnp.float32)], axis=0)


def _k4_body(pe0_ref, pe1_ref, w1_ref, b1_ref, w2_ref, b2_ref, out_ref):
    pe_a = pe0_ref[...] + pe1_ref[...]
    xc = lax.slice(pe_a, (P, 0), (P + 1, H))
    pemb = lax.slice(pe_a, (0, 0), (P, H))
    w_top = lax.slice(w1_ref[...], (0, 0), (H, H))
    w_bot = lax.slice(w1_ref[...], (H, 0), (2 * H, H))
    z = jnp.maximum(
        jnp.dot(pemb, w_bot, preferred_element_type=jnp.float32)
        + jnp.dot(xc, w_top, preferred_element_type=jnp.float32)
        + b1_ref[...], 0.0)
    out_ref[...] = jnp.dot(z, w2_ref[...],
                           preferred_element_type=jnp.float32) + b2_ref[...]


def kernel(x, edge_index, curr_node_id, partitions, core_values,
           W0, b0, W1, b1, W2, b2, lin1_W, lin1_b, lin2_W, lin2_b):
    del core_values

    f32 = jnp.float32
    i32 = jnp.int32

    ep = E_PAD - E
    src = jnp.concatenate(
        [edge_index[0], jnp.arange(ep, dtype=i32) % N]).reshape(-1, _CHUNK)
    dst = jnp.concatenate(
        [edge_index[1],
         N + jnp.arange(ep, dtype=i32) % (N_ACC - N)]).reshape(-1, _CHUNK)

    zpad = N + jnp.arange(NPART * (S_PAD - S), dtype=i32) % (N_ACC - N)
    parts_pad = jnp.concatenate(
        [jnp.concatenate([partitions,
                          (N + jnp.arange(S, dtype=i32) % (N_ACC - N))
                          .at[0].set(jnp.asarray(curr_node_id, i32))
                          .reshape(1, S)], axis=0),
         zpad.reshape(NPART, S_PAD - S)], axis=1)
    ptail = PE_PAD - NPART * S_PAD
    pidx = jnp.concatenate(
        [parts_pad.reshape(-1),
         jnp.arange(ptail, dtype=i32) % N]).reshape(-1, _CHUNK)
    pdst = jnp.concatenate(
        [jnp.repeat(jnp.arange(NPART, dtype=i32), S_PAD),
         NPART + jnp.arange(ptail, dtype=i32) % (PART_ACC - NPART)]
    ).reshape(-1, _CHUNK)

    zeros_node = jnp.zeros((N_ACC, H), f32)
    zeros_part = jnp.zeros((PART_ACC, H), f32)

    b0r = b0.reshape(1, H)
    b1r = b1.reshape(1, H)
    b2r = b2.reshape(1, H)
    lin1_br = lin1_b.reshape(1, H)
    lin2_br = lin2_b.reshape(1, 1)

    deg_k = _ones_hist(H, N_ACC, E_CPT)
    edge_k = _seg_sum_gather(H, N_ACC, E_CPT)
    part_k = _seg_sum_gather(H, PART_ACC, PE_CPT)

    ones_rows = jnp.ones((_CHUNK, H), f32)
    degp = deg_k(ones_rows, dst, zeros_node)
    d0 = degp[0, :N, :1]
    d1 = degp[1, :N, :1]

    g = pl.pallas_call(
        _k1_body,
        out_shape=jax.ShapeDtypeStruct((N, H), f32),
    )(x, W0, d0, d1)

    for (b_l, W_next) in ((b0r, W1), (b1r, W2)):
        s = edge_k(g, src, dst, zeros_node)
        g = pl.pallas_call(
            _k2_body,
            out_shape=jax.ShapeDtypeStruct((N, H), f32),
        )(s[0, :N], s[1, :N], g, d0, d1, b_l, W_next)

    s = edge_k(g, src, dst, zeros_node)
    h_pad = pl.pallas_call(
        _k3_body,
        out_shape=jax.ShapeDtypeStruct((N_ACC, H), f32),
    )(s[0, :N], s[1, :N], g, d0, d1, b2r)

    pe = part_k(h_pad, pidx, pdst, zeros_part)

    out = pl.pallas_call(
        _k4_body,
        out_shape=jax.ShapeDtypeStruct((P, 1), f32),
    )(pe[0], pe[1], lin1_W, lin1_br, lin2_W, lin2_br)
    return out

# --- scband reference (transcript-rebuilt; emitter-appended) ---
"""Pipeline reference for scband-model-basic-38173669327415 (READ-ONLY COPY).

The authoritative reference and input builder live on the scoring server;
editing this copy changes nothing except your own understanding.
"""

import jax, jax.numpy as jnp
import numpy as np

N = 10000
E = 320000
F_IN = 128
H = 128
P = 64
S = 156


def _glorot(k, shape):
    lim = np.sqrt(6.0 / (shape[0] + shape[1]))
    return jax.random.uniform(k, shape, jnp.float32, -lim, lim)


def setup_inputs(seed: int = 0) -> dict:
    key = jax.random.key(seed)
    ks = jax.random.split(key, 14)
    inp = {}
    inp["x"] = jax.random.normal(ks[0], (N, F_IN), dtype=jnp.float32)
    inp["edge_index"] = jax.random.randint(ks[1], (2, E), 0, N, dtype=jnp.int32)
    inp["curr_node_id"] = 5000
    inp["partitions"] = jax.random.randint(ks[2], (P, S), 0, N, dtype=jnp.int32)
    inp["core_values"] = jax.random.normal(ks[3], (P,), dtype=jnp.float32)
    inp["W0"] = _glorot(ks[4], (F_IN, H)); inp["b0"] = jnp.zeros((H,), jnp.float32)
    inp["W1"] = _glorot(ks[5], (H, H)); inp["b1"] = jnp.zeros((H,), jnp.float32)
    inp["W2"] = _glorot(ks[6], (H, H)); inp["b2"] = jnp.zeros((H,), jnp.float32)
    inp["lin1_W"] = _glorot(ks[7], (2 * H, H)); inp["lin1_b"] = jnp.zeros((H,), jnp.float32)
    inp["lin2_W"] = _glorot(ks[8], (H, 1)); inp["lin2_b"] = jnp.zeros((1,), jnp.float32)
    return inp


def _gcn_conv(x, edge_index, W, b):
    # GCNConv: symmetric-normalized aggregation with self loops
    src = edge_index[0]
    dst = edge_index[1]
    loop = jnp.arange(N, dtype=src.dtype)
    src = jnp.concatenate([src, loop])
    dst = jnp.concatenate([dst, loop])
    deg = jax.ops.segment_sum(jnp.ones_like(dst, dtype=x.dtype), dst, num_segments=N)
    dinv = jax.lax.rsqrt(jnp.maximum(deg, 1e-12))
    norm = dinv[src] * dinv[dst]
    h = x @ W
    msg = h[src] * norm[:, None]
    out = jax.ops.segment_sum(msg, dst, num_segments=N)
    return out + b


def _bn(x, eps=1e-5):
    # BatchNorm1d(track_running_stats=False, affine=False): batch stats, no params
    mu = jnp.mean(x, axis=0)
    var = jnp.var(x, axis=0)
    return (x - mu) * jax.lax.rsqrt(var + eps)


def _forward(x, edge_index, curr_node_id, partitions, W0, b0, W1, b1, W2, b2, lin1_W, lin1_b, lin2_W, lin2_b):
    h = x
    for (W, b) in ((W0, b0), (W1, b1), (W2, b2)):
        h = _gcn_conv(h, edge_index, W, b)
        h = _bn(h)
        h = jax.nn.relu(h)
    # partition embedding: sum of node embeddings per partition (gather + reduce)
    part_emb = jnp.sum(h[partitions], axis=1)  # [P, H]
    x_curr = h[curr_node_id][None, :]
    z = jnp.concatenate([jnp.broadcast_to(x_curr, (partitions.shape[0], h.shape[1])), part_emb], axis=1)
    z = jax.nn.relu(z @ lin1_W + lin1_b)
    return z @ lin2_W + lin2_b


def reference(x, edge_index, curr_node_id, partitions, core_values, W0, b0, W1, b1, W2, b2, lin1_W, lin1_b, lin2_W, lin2_b):
    # core_values is accepted by the original forward but never used
    return _forward(x, edge_index, curr_node_id, partitions, W0, b0, W1, b1, W2, b2, lin1_W, lin1_b, lin2_W, lin2_b)

if __name__ == "__main__":
    import jax
    _d = setup_inputs()
    print(jax.jit(kernel)(*tuple(_d.values())))

</pallas_src>

<mosaic_0001>
#map = affine_map<(d0, d1) -> (0, 0)>
#map1 = affine_map<(d0, d1) -> (0, 0, 0)>
module attributes {stable_mosaic.version = 14 : i64} {
  func.func @seg_sum(%arg0: i32, %arg1: i32, %arg2: memref<10000x128xf32, #tpu.memory_space<hbm>>, %arg3: memref<2560x128xi32, #tpu.memory_space<hbm>>, %arg4: memref<2560x128xi32, #tpu.memory_space<hbm>>, %arg5: memref<10112x128xf32, #tpu.memory_space<hbm>>, %arg6: memref<2x10112x128xf32, #tpu.memory_space<hbm>>, %arg7: memref<40x128xi32, #tpu.memory_space<vmem>>, %arg8: memref<40x128xi32, #tpu.memory_space<vmem>>, %arg9: memref<128x128xf32, #tpu.memory_space<vmem>>, %arg10: memref<128x128xf32, #tpu.memory_space<vmem>>, %arg11: memref<10112x128xf32, #tpu.memory_space<vmem_shared>>, %arg12: memref<!tpu.dma_semaphore, #tpu.memory_space<semaphore_mem>>, %arg13: memref<!tpu.dma_semaphore, #tpu.memory_space<semaphore_mem>>) attributes {dimension_semantics = [#tpu.dimension_semantics<core_parallel>, #tpu.dimension_semantics<subcore_parallel>], iteration_bounds = array<i64: 2, 16>, scalar_prefetch = 0 : i64, scratch_operands = 7 : i64, tpu.core_type = #tpu.core_type<sc_vector_subcore>, window_params = [{transform_indices = #map}, {transform_indices = #map}, {transform_indices = #map}, {transform_indices = #map}, {transform_indices = #map1}]} {
    %mul3A = arith.constant 632 : i32
    %mul3A_0 = arith.muli %arg1, %mul3A : i32
    %multiple_of3A = tpu.assume_multiple %mul3A_0, 8 : i32
    %mul3A_1 = arith.constant 16 : i32
    %mul3A_2 = arith.muli %arg0, %mul3A_1 : i32
    %add3A = arith.addi %mul3A_2, %arg1 : i32
    %mul3A_3 = arith.constant 80 : i32
    %mul3A_4 = arith.muli %add3A, %mul3A_3 : i32
    %multiple_of3A_5 = tpu.assume_multiple %mul3A_4, 8 : i32
    "tpu.region"() ({
      %run_scoped3A_79 = tpu.sem_alloc : memref<!tpu.dma_semaphore, #tpu.memory_space<semaphore_mem>>
      %dma_start3A_80 = arith.constant 0 : i32
      %dma_start3A_81 = tpu.memref_slice %arg11[%multiple_of3A, %dma_start3A_80] : memref<10112x128xf32, #tpu.memory_space<vmem_shared>> -> memref<632x128xf32, #tpu.memory_space<vmem_shared>>
      %dma_start3A_82 = arith.constant 0 : i32
      %dma_start3A_83 = tpu.memref_slice %arg5[%multiple_of3A, %dma_start3A_82] : memref<10112x128xf32, #tpu.memory_space<hbm>> -> memref<632x128xf32, #tpu.memory_space<hbm>>
      tpu.enqueue_dma source(%dma_start3A_83 : memref<632x128xf32, #tpu.memory_space<hbm>>) target(%dma_start3A_81 : memref<632x128xf32, #tpu.memory_space<vmem_shared>>) target_semaphore(%run_scoped3A_79 : memref<!tpu.dma_semaphore, #tpu.memory_space<semaphore_mem>>)
      %dma_wait3A_84 = arith.constant 0 : i32
      %dma_wait3A_85 = tpu.memref_slice %arg11[%multiple_of3A, %dma_wait3A_84] : memref<10112x128xf32, #tpu.memory_space<vmem_shared>> -> memref<632x128xf32, #tpu.memory_space<vmem_shared>>
      %dma_wait3A_86 = arith.constant 0 : i32
      %dma_wait3A_87 = tpu.memref_slice %arg5[%multiple_of3A, %dma_wait3A_86] : memref<10112x128xf32, #tpu.memory_space<hbm>> -> memref<632x128xf32, #tpu.memory_space<hbm>>
      tpu.wait_dma2 semaphore(%run_scoped3A_79 : memref<!tpu.dma_semaphore, #tpu.memory_space<semaphore_mem>>) src(%dma_wait3A_87 : memref<632x128xf32, #tpu.memory_space<hbm>>) dst(%dma_wait3A_85 : memref<632x128xf32, #tpu.memory_space<vmem_shared>>)
      tpu.yield
    }) : () -> ()
    %barrier3A = arith.constant 0 : index
    tpu.barrier barrier_id(%barrier3A)
    %add3A_6 = arith.constant 0 : i32
    %add3A_7 = arith.addi %multiple_of3A_5, %add3A_6 : i32
    %multiple_of3A_8 = tpu.assume_multiple %add3A_7, 8 : i32
    "tpu.region"() ({
      %run_scoped3A_79 = tpu.sem_alloc : memref<!tpu.dma_semaphore, #tpu.memory_space<semaphore_mem>>
      %dma_start3A_80 = arith.constant 0 : i32
      %dma_start3A_81 = tpu.memref_slice %arg3[%multiple_of3A_8, %dma_start3A_80] : memref<2560x128xi32, #tpu.memory_space<hbm>> -> memref<40x128xi32, #tpu.memory_space<hbm>>
      %dma_start3A_82 = arith.constant 0 : i32
      %dma_start3A_83 = tpu.memref_slice %arg3[%multiple_of3A_8, %dma_start3A_82] : memref<2560x128xi32, #tpu.memory_space<hbm>> -> memref<40x128xi32, #tpu.memory_space<hbm>>
      tpu.enqueue_dma source(%dma_start3A_83 : memref<40x128xi32, #tpu.memory_space<hbm>>) target(%arg7 : memref<40x128xi32, #tpu.memory_space<vmem>>) target_semaphore(%run_scoped3A_79 : memref<!tpu.dma_semaphore, #tpu.memory_space<semaphore_mem>>)
      %dma_wait3A_84 = arith.constant 0 : i32
      %dma_wait3A_85 = tpu.memref_slice %arg3[%multiple_of3A_8, %dma_wait3A_84] : memref<2560x128xi32, #tpu.memory_space<hbm>> -> memref<40x128xi32, #tpu.memory_space<hbm>>
      %dma_wait3A_86 = arith.constant 0 : i32
      %dma_wait3A_87 = tpu.memref_slice %arg3[%multiple_of3A_8, %dma_wait3A_86] : memref<2560x128xi32, #tpu.memory_space<hbm>> -> memref<40x128xi32, #tpu.memory_space<hbm>>
      tpu.wait_dma2 semaphore(%run_scoped3A_79 : memref<!tpu.dma_semaphore, #tpu.memory_space<semaphore_mem>>) src(%dma_wait3A_87 : memref<40x128xi32, #tpu.memory_space<hbm>>) dst(%arg7 : memref<40x128xi32, #tpu.memory_space<vmem>>)
      tpu.yield
    }) : () -> ()
    "tpu.region"() ({
      %run_scoped3A_79 = tpu.sem_alloc : memref<!tpu.dma_semaphore, #tpu.memory_space<semaphore_mem>>
      %dma_start3A_80 = arith.constant 0 : i32
      %dma_start3A_81 = tpu.memref_slice %arg4[%multiple_of3A_8, %dma_start3A_80] : memref<2560x128xi32, #tpu.memory_space<hbm>> -> memref<40x128xi32, #tpu.memory_space<hbm>>
      %dma_start3A_82 = arith.constant 0 : i32
      %dma_start3A_83 = tpu.memref_slice %arg4[%multiple_of3A_8, %dma_start3A_82] : memref<2560x128xi32, #tpu.memory_space<hbm>> -> memref<40x128xi32, #tpu.memory_space<hbm>>
      tpu.enqueue_dma source(%dma_start3A_83 : memref<40x128xi32, #tpu.memory_space<hbm>>) target(%arg8 : memref<40x128xi32, #tpu.memory_space<vmem>>) target_semaphore(%run_scoped3A_79 : memref<!tpu.dma_semaphore, #tpu.memory_space<semaphore_mem>>)
      %dma_wait3A_84 = arith.constant 0 : i32
      %dma_wait3A_85 = tpu.memref_slice %arg4[%multiple_of3A_8, %dma_wait3A_84] : memref<2560x128xi32, #tpu.memory_space<hbm>> -> memref<40x128xi32, #tpu.memory_space<hbm>>
      %dma_wait3A_86 = arith.constant 0 : i32
      %dma_wait3A_87 = tpu.memref_slice %arg4[%multiple_of3A_8, %dma_wait3A_86] : memref<2560x128xi32, #tpu.memory_space<hbm>> -> memref<40x128xi32, #tpu.memory_space<hbm>>
      tpu.wait_dma2 semaphore(%run_scoped3A_79 : memref<!tpu.dma_semaphore, #tpu.memory_space<semaphore_mem>>) src(%dma_wait3A_87 : memref<40x128xi32, #tpu.memory_space<hbm>>) dst(%arg8 : memref<40x128xi32, #tpu.memory_space<vmem>>)
      tpu.yield
    }) : () -> ()
    %dma_start3A = arith.constant 0 : i32
    %dma_start3A_9 = arith.constant 0 : i32
    %dma_start3A_10 = tpu.memref_slice %arg7[%dma_start3A, %dma_start3A_9] : memref<40x128xi32, #tpu.memory_space<vmem>> -> memref<1x128xi32, #tpu.memory_space<vmem>>
    %dma_start3A_11 = tpu.memref_squeeze %dma_start3A_10 : memref<1x128xi32, #tpu.memory_space<vmem>> -> memref<128xi32, #tpu.memory_space<vmem>>
    %dma_start3A_12 = arith.constant 0 : i32
    %dma_start3A_13 = arith.constant 0 : i32
    %dma_start3A_14 = tpu.memref_slice %arg2[%dma_start3A_12, %dma_start3A_13] : memref<10000x128xf32, #tpu.memory_space<hbm>> -> memref<10000x128xf32, #tpu.memory_space<hbm>>
    tpu.enqueue_indirect_dma source(%dma_start3A_14 : memref<10000x128xf32, #tpu.memory_space<hbm>>) target(%arg9 : memref<128x128xf32, #tpu.memory_space<vmem>>) offsets(%dma_start3A_11 : memref<128xi32, #tpu.memory_space<vmem>>) semaphore(%arg12 : memref<!tpu.dma_semaphore, #tpu.memory_space<semaphore_mem>>)
    %scan3A = arith.constant 0 : i32
    %scan3A_15 = arith.constant 19 : i32
    %scan3A_16 = arith.addi %scan3A, %scan3A_15 : i32
    %scan3A_17 = arith.constant 1 : i32
    scf.for %scan3A_79 = %scan3A to %scan3A_16 step %scan3A_17  : i32 {
      %mul3A_80 = arith.constant 1 : i32
      %mul3A_81 = arith.muli %scan3A_79, %mul3A_80 : i32
      %add3A_82 = arith.constant 0 : i32
      %add3A_83 = arith.addi %add3A_82, %mul3A_81 : i32
      %mul3A_84 = arith.constant 2 : i32
      %mul3A_85 = arith.muli %add3A_83, %mul3A_84 : i32
      %dma_wait3A_86 = arith.constant 0 : i32
      %dma_wait3A_87 = tpu.memref_slice %arg7[%mul3A_85, %dma_wait3A_86] : memref<40x128xi32, #tpu.memory_space<vmem>> -> memref<1x128xi32, #tpu.memory_space<vmem>>
      %dma_wait3A_88 = tpu.memref_squeeze %dma_wait3A_87 : memref<1x128xi32, #tpu.memory_space<vmem>> -> memref<128xi32, #tpu.memory_space<vmem>>
      %dma_wait3A_89 = arith.constant 0 : i32
      %dma_wait3A_90 = arith.constant 0 : i32
      %dma_wait3A_91 = tpu.memref_slice %arg2[%dma_wait3A_89, %dma_wait3A_90] : memref<10000x128xf32, #tpu.memory_space<hbm>> -> memref<10000x128xf32, #tpu.memory_space<hbm>>
      tpu.wait_indirect_dma semaphore(%arg12 : memref<!tpu.dma_semaphore, #tpu.memory_space<semaphore_mem>>) src(%dma_wait3A_91 : memref<10000x128xf32, #tpu.memory_space<hbm>>) dst(%arg9 : memref<128x128xf32, #tpu.memory_space<vmem>>)
      %add3A_92 = arith.constant 1 : i32
      %add3A_93 = arith.addi %mul3A_85, %add3A_92 : i32
      %dma_start3A_94 = arith.constant 0 : i32
      %dma_start3A_95 = tpu.memref_slice %arg7[%add3A_93, %dma_start3A_94] : memref<40x128xi32, #tpu.memory_space<vmem>> -> memref<1x128xi32, #tpu.memory_space<vmem>>
      %dma_start3A_96 = tpu.memref_squeeze %dma_start3A_95 : memref<1x128xi32, #tpu.memory_space<vmem>> -> memref<128xi32, #tpu.memory_space<vmem>>
      %dma_start3A_97 = arith.constant 0 : i32
      %dma_start3A_98 = arith.constant 0 : i32
      %dma_start3A_99 = tpu.memref_slice %arg2[%dma_start3A_97, %dma_start3A_98] : memref<10000x128xf32, #tpu.memory_space<hbm>> -> memref<10000x128xf32, #tpu.memory_space<hbm>>
      tpu.enqueue_indirect_dma source(%dma_start3A_99 : memref<10000x128xf32, #tpu.memory_space<hbm>>) target(%arg10 : memref<128x128xf32, #tpu.memory_space<vmem>>) offsets(%dma_start3A_96 : memref<128xi32, #tpu.memory_space<vmem>>) semaphore(%arg13 : memref<!tpu.dma_semaphore, #tpu.memory_space<semaphore_mem>>)
      "tpu.region"() ({
        %run_scoped3A_118 = tpu.sem_alloc : memref<!tpu.dma_semaphore, #tpu.memory_space<semaphore_mem>>
        %dma_start3A_119 = arith.constant 0 : i32
        %dma_start3A_120 = tpu.memref_slice %arg8[%mul3A_85, %dma_start3A_119] : memref<40x128xi32, #tpu.memory_space<vmem>> -> memref<1x128xi32, #tpu.memory_space<vmem>>
        %dma_start3A_121 = tpu.memref_squeeze %dma_start3A_120 : memref<1x128xi32, #tpu.memory_space<vmem>> -> memref<128xi32, #tpu.memory_space<vmem>>
        %dma_start3A_122 = arith.constant 0 : i32
        %dma_start3A_123 = arith.constant 0 : i32
        %dma_start3A_124 = tpu.memref_slice %arg11[%dma_start3A_122, %dma_start3A_123] : memref<10112x128xf32, #tpu.memory_space<vmem_shared>> -> memref<10112x128xf32, #tpu.memory_space<vmem_shared>>
        tpu.enqueue_indirect_dma source(%arg9 : memref<128x128xf32, #tpu.memory_space<vmem>>) target(%dma_start3A_124 : memref<10112x128xf32, #tpu.memory_space<vmem_shared>>) offsets(%dma_start3A_121 : memref<128xi32, #tpu.memory_space<vmem>>) semaphore(%run_scoped3A_118 : memref<!tpu.dma_semaphore, #tpu.memory_space<semaphore_mem>>) {add = true}
        %dma_wait3A_125 = arith.constant 0 : i32
        %dma_wait3A_126 = tpu.memref_slice %arg8[%mul3A_85, %dma_wait3A_125] : memref<40x128xi32, #tpu.memory_space<vmem>> -> memref<1x128xi32, #tpu.memory_space<vmem>>
        %dma_wait3A_127 = tpu.memref_squeeze %dma_wait3A_126 : memref<1x128xi32, #tpu.memory_space<vmem>> -> memref<128xi32, #tpu.memory_space<vmem>>
        %dma_wait3A_128 = arith.constant 0 : i32
        %dma_wait3A_129 = arith.constant 0 : i32
        %dma_wait3A_130 = tpu.memref_slice %arg11[%dma_wait3A_128, %dma_wait3A_129] : memref<10112x128xf32, #tpu.memory_space<vmem_shared>> -> memref<10112x128xf32, #tpu.memory_space<vmem_shared>>
        tpu.wait_indirect_dma semaphore(%run_scoped3A_118 : memref<!tpu.dma_semaphore, #tpu.memory_space<semaphore_mem>>) src(%arg9 : memref<128x128xf32, #tpu.memory_space<vmem>>) dst(%dma_wait3A_130 : memref<10112x128xf32, #tpu.memory_space<vmem_shared>>)
        tpu.yield
      }) : () -> ()
      %add3A_100 = arith.constant 1 : i32
      %add3A_101 = arith.addi %mul3A_85, %add3A_100 : i32
      %dma_wait3A_102 = arith.constant 0 : i32
      %dma_wait3A_103 = tpu.memref_slice %arg7[%add3A_101, %dma_wait3A_102] : memref<40x128xi32, #tpu.memory_space<vmem>> -> memref<1x128xi32, #tpu.memory_space<vmem>>
      %dma_wait3A_104 = tpu.memref_squeeze %dma_wait3A_103 : memref<1x128xi32, #tpu.memory_space<vmem>> -> memref<128xi32, #tpu.memory_space<vmem>>
      %dma_wait3A_105 = arith.constant 0 : i32
      %dma_wait3A_106 = arith.constant 0 : i32
      %dma_wait3A_107 = tpu.memref_slice %arg2[%dma_wait3A_105, %dma_wait3A_106] : memref<10000x128xf32, #tpu.memory_space<hbm>> -> memref<10000x128xf32, #tpu.memory_space<hbm>>
      tpu.wait_indirect_dma semaphore(%arg13 : memref<!tpu.dma_semaphore, #tpu.memory_space<semaphore_mem>>) src(%dma_wait3A_107 : memref<10000x128xf32, #tpu.memory_space<hbm>>) dst(%arg10 : memref<128x128xf32, #tpu.memory_space<vmem>>)
      %add3A_108 = arith.constant 2 : i32
      %add3A_109 = arith.addi %mul3A_85, %add3A_108 : i32
      %dma_start3A_110 = arith.constant 0 : i32
      %dma_start3A_111 = tpu.memref_slice %arg7[%add3A_109, %dma_start3A_110] : memref<40x128xi32, #tpu.memory_space<vmem>> -> memref<1x128xi32, #tpu.memory_space<vmem>>
      %dma_start3A_112 = tpu.memref_squeeze %dma_start3A_111 : memref<1x128xi32, #tpu.memory_space<vmem>> -> memref<128xi32, #tpu.memory_space<vmem>>
      %dma_start3A_113 = arith.constant 0 : i32
      %dma_start3A_114 = arith.constant 0 : i32
      %dma_start3A_115 = tpu.memref_slice %arg2[%dma_start3A_113, %dma_start3A_114] : memref<10000x128xf32, #tpu.memory_space<hbm>> -> memref<10000x128xf32, #tpu.memory_space<hbm>>
      tpu.enqueue_indirect_dma source(%dma_start3A_115 : memref<10000x128xf32, #tpu.memory_space<hbm>>) target(%arg9 : memref<128x128xf32, #tpu.memory_space<vmem>>) offsets(%dma_start3A_112 : memref<128xi32, #tpu.memory_space<vmem>>) semaphore(%arg12 : memref<!tpu.dma_semaphore, #tpu.memory_space<semaphore_mem>>)
      %add3A_116 = arith.constant 1 : i32
      %add3A_117 = arith.addi %mul3A_85, %add3A_116 : i32
      "tpu.region"() ({
        %run_scoped3A_118 = tpu.sem_alloc : memref<!tpu.dma_semaphore, #tpu.memory_space<semaphore_mem>>
        %dma_start3A_119 = arith.constant 0 : i32
        %dma_start3A_120 = tpu.memref_slice %arg8[%add3A_117, %dma_start3A_119] : memref<40x128xi32, #tpu.memory_space<vmem>> -> memref<1x128xi32, #tpu.memory_space<vmem>>
        %dma_start3A_121 = tpu.memref_squeeze %dma_start3A_120 : memref<1x128xi32, #tpu.memory_space<vmem>> -> memref<128xi32, #tpu.memory_space<vmem>>
        %dma_start3A_122 = arith.constant 0 : i32
        %dma_start3A_123 = arith.constant 0 : i32
        %dma_start3A_124 = tpu.memref_slice %arg11[%dma_start3A_122, %dma_start3A_123] : memref<10112x128xf32, #tpu.memory_space<vmem_shared>> -> memref<10112x128xf32, #tpu.memory_space<vmem_shared>>
        tpu.enqueue_indirect_dma source(%arg10 : memref<128x128xf32, #tpu.memory_space<vmem>>) target(%dma_start3A_124 : memref<10112x128xf32, #tpu.memory_space<vmem_shared>>) offsets(%dma_start3A_121 : memref<128xi32, #tpu.memory_space<vmem>>) semaphore(%run_scoped3A_118 : memref<!tpu.dma_semaphore, #tpu.memory_space<semaphore_mem>>) {add = true}
        %dma_wait3A_125 = arith.constant 0 : i32
        %dma_wait3A_126 = tpu.memref_slice %arg8[%add3A_117, %dma_wait3A_125] : memref<40x128xi32, #tpu.memory_space<vmem>> -> memref<1x128xi32, #tpu.memory_space<vmem>>
        %dma_wait3A_127 = tpu.memref_squeeze %dma_wait3A_126 : memref<1x128xi32, #tpu.memory_space<vmem>> -> memref<128xi32, #tpu.memory_space<vmem>>
        %dma_wait3A_128 = arith.constant 0 : i32
        %dma_wait3A_129 = arith.constant 0 : i32
        %dma_wait3A_130 = tpu.memref_slice %arg11[%dma_wait3A_128, %dma_wait3A_129] : memref<10112x128xf32, #tpu.memory_space<vmem_shared>> -> memref<10112x128xf32, #tpu.memory_space<vmem_shared>>
        tpu.wait_indirect_dma semaphore(%run_scoped3A_118 : memref<!tpu.dma_semaphore, #tpu.memory_space<semaphore_mem>>) src(%arg10 : memref<128x128xf32, #tpu.memory_space<vmem>>) dst(%dma_wait3A_130 : memref<10112x128xf32, #tpu.memory_space<vmem_shared>>)
        tpu.yield
      }) : () -> ()
    }
    %scan3A_18 = arith.constant 19 : i32
    %dma_wait3A = arith.constant 38 : i32
    %dma_wait3A_19 = arith.constant 0 : i32
    %dma_wait3A_20 = tpu.memref_slice %arg7[%dma_wait3A, %dma_wait3A_19] : memref<40x128xi32, #tpu.memory_space<vmem>> -> memref<1x128xi32, #tpu.memory_space<vmem>>
    %dma_wait3A_21 = tpu.memref_squeeze %dma_wait3A_20 : memref<1x128xi32, #tpu.memory_space<vmem>> -> memref<128xi32, #tpu.memory_space<vmem>>
    %dma_wait3A_22 = arith.constant 0 : i32
    %dma_wait3A_23 = arith.constant 0 : i32
    %dma_wait3A_24 = tpu.memref_slice %arg2[%dma_wait3A_22, %dma_wait3A_23] : memref<10000x128xf32, #tpu.memory_space<hbm>> -> memref<10000x128xf32, #tpu.memory_space<hbm>>
    tpu.wait_indirect_dma semaphore(%arg12 : memref<!tpu.dma_semaphore, #tpu.memory_space<semaphore_mem>>) src(%dma_wait3A_24 : memref<10000x128xf32, #tpu.memory_space<hbm>>) dst(%arg9 : memref<128x128xf32, #tpu.memory_space<vmem>>)
    %dma_start3A_25 = arith.constant 39 : i32
    %dma_start3A_26 = arith.constant 0 : i32
    %dma_start3A_27 = tpu.memref_slice %arg7[%dma_start3A_25, %dma_start3A_26] : memref<40x128xi32, #tpu.memory_space<vmem>> -> memref<1x128xi32, #tpu.memory_space<vmem>>
    %dma_start3A_28 = tpu.memref_squeeze %dma_start3A_27 : memref<1x128xi32, #tpu.memory_space<vmem>> -> memref<128xi32, #tpu.memory_space<vmem>>
    %dma_start3A_29 = arith.constant 0 : i32
    %dma_start3A_30 = arith.constant 0 : i32
    %dma_start3A_31 = tpu.memref_slice %arg2[%dma_start3A_29, %dma_start3A_30] : memref<10000x128xf32, #tpu.memory_space<hbm>> -> memref<10000x128xf32, #tpu.memory_space<hbm>>
    tpu.enqueue_indirect_dma source(%dma_start3A_31 : memref<10000x128xf32, #tpu.memory_space<hbm>>) target(%arg10 : memref<128x128xf32, #tpu.memory_space<vmem>>) offsets(%dma_start3A_28 : memref<128xi32, #tpu.memory_space<vmem>>) semaphore(%arg13 : memref<!tpu.dma_semaphore, #tpu.memory_space<semaphore_mem>>)
    %run_scoped3A = arith.constant 38 : i32
    "tpu.region"() ({
      %run_scoped3A_79 = tpu.sem_alloc : memref<!tpu.dma_semaphore, #tpu.memory_space<semaphore_mem>>
      %dma_start3A_80 = arith.constant 0 : i32
      %dma_start3A_81 = tpu.memref_slice %arg8[%run_scoped3A, %dma_start3A_80] : memref<40x128xi32, #tpu.memory_space<vmem>> -> memref<1x128xi32, #tpu.memory_space<vmem>>
      %dma_start3A_82 = tpu.memref_squeeze %dma_start3A_81 : memref<1x128xi32, #tpu.memory_space<vmem>> -> memref<128xi32, #tpu.memory_space<vmem>>
      %dma_start3A_83 = arith.constant 0 : i32
      %dma_start3A_84 = arith.constant 0 : i32
      %dma_start3A_85 = tpu.memref_slice %arg11[%dma_start3A_83, %dma_start3A_84] : memref<10112x128xf32, #tpu.memory_space<vmem_shared>> -> memref<10112x128xf32, #tpu.memory_space<vmem_shared>>
      tpu.enqueue_indirect_dma source(%arg9 : memref<128x128xf32, #tpu.memory_space<vmem>>) target(%dma_start3A_85 : memref<10112x128xf32, #tpu.memory_space<vmem_shared>>) offsets(%dma_start3A_82 : memref<128xi32, #tpu.memory_space<vmem>>) semaphore(%run_scoped3A_79 : memref<!tpu.dma_semaphore, #tpu.memory_space<semaphore_mem>>) {add = true}
      %dma_wait3A_86 = arith.constant 0 : i32
      %dma_wait3A_87 = tpu.memref_slice %arg8[%run_scoped3A, %dma_wait3A_86] : memref<40x128xi32, #tpu.memory_space<vmem>> -> memref<1x128xi32, #tpu.memory_space<vmem>>
      %dma_wait3A_88 = tpu.memref_squeeze %dma_wait3A_87 : memref<1x128xi32, #tpu.memory_space<vmem>> -> memref<128xi32, #tpu.memory_space<vmem>>
      %dma_wait3A_89 = arith.constant 0 : i32
      %dma_wait3A_90 = arith.constant 0 : i32
      %dma_wait3A_91 = tpu.memref_slice %arg11[%dma_wait3A_89, %dma_wait3A_90] : memref<10112x128xf32, #tpu.memory_space<vmem_shared>> -> memref<10112x128xf32, #tpu.memory_space<vmem_shared>>
      tpu.wait_indirect_dma semaphore(%run_scoped3A_79 : memref<!tpu.dma_semaphore, #tpu.memory_space<semaphore_mem>>) src(%arg9 : memref<128x128xf32, #tpu.memory_space<vmem>>) dst(%dma_wait3A_91 : memref<10112x128xf32, #tpu.memory_space<vmem_shared>>)
      tpu.yield
    }) : () -> ()
    %dma_wait3A_32 = arith.constant 39 : i32
    %dma_wait3A_33 = arith.constant 0 : i32
    %dma_wait3A_34 = tpu.memref_slice %arg7[%dma_wait3A_32, %dma_wait3A_33] : memref<40x128xi32, #tpu.memory_space<vmem>> -> memref<1x128xi32, #tpu.memory_space<vmem>>
    %dma_wait3A_35 = tpu.memref_squeeze %dma_wait3A_34 : memref<1x128xi32, #tpu.memory_space<vmem>> -> memref<128xi32, #tpu.memory_space<vmem>>
    %dma_wait3A_36 = arith.constant 0 : i32
    %dma_wait3A_37 = arith.constant 0 : i32
    %dma_wait3A_38 = tpu.memref_slice %arg2[%dma_wait3A_36, %dma_wait3A_37] : memref<10000x128xf32, #tpu.memory_space<hbm>> -> memref<10000x128xf32, #tpu.memory_space<hbm>>
    tpu.wait_indirect_dma semaphore(%arg13 : memref<!tpu.dma_semaphore, #tpu.memory_space<semaphore_mem>>) src(%dma_wait3A_38 : memref<10000x128xf32, #tpu.memory_space<hbm>>) dst(%arg10 : memref<128x128xf32, #tpu.memory_space<vmem>>)
    %run_scoped3A_39 = arith.constant 39 : i32
    "tpu.region"() ({
      %run_scoped3A_79 = tpu.sem_alloc : memref<!tpu.dma_semaphore, #tpu.memory_space<semaphore_mem>>
      %dma_start3A_80 = arith.constant 0 : i32
      %dma_start3A_81 = tpu.memref_slice %arg8[%run_scoped3A_39, %dma_start3A_80] : memref<40x128xi32, #tpu.memory_space<vmem>> -> memref<1x128xi32, #tpu.memory_space<vmem>>
      %dma_start3A_82 = tpu.memref_squeeze %dma_start3A_81 : memref<1x128xi32, #tpu.memory_space<vmem>> -> memref<128xi32, #tpu.memory_space<vmem>>
      %dma_start3A_83 = arith.constant 0 : i32
      %dma_start3A_84 = arith.constant 0 : i32
      %dma_start3A_85 = tpu.memref_slice %arg11[%dma_start3A_83, %dma_start3A_84] : memref<10112x128xf32, #tpu.memory_space<vmem_shared>> -> memref<10112x128xf32, #tpu.memory_space<vmem_shared>>
      tpu.enqueue_indirect_dma source(%arg10 : memref<128x128xf32, #tpu.memory_space<vmem>>) target(%dma_start3A_85 : memref<10112x128xf32, #tpu.memory_space<vmem_shared>>) offsets(%dma_start3A_82 : memref<128xi32, #tpu.memory_space<vmem>>) semaphore(%run_scoped3A_79 : memref<!tpu.dma_semaphore, #tpu.memory_space<semaphore_mem>>) {add = true}
      %dma_wait3A_86 = arith.constant 0 : i32
      %dma_wait3A_87 = tpu.memref_slice %arg8[%run_scoped3A_39, %dma_wait3A_86] : memref<40x128xi32, #tpu.memory_space<vmem>> -> memref<1x128xi32, #tpu.memory_space<vmem>>
      %dma_wait3A_88 = tpu.memref_squeeze %dma_wait3A_87 : memref<1x128xi32, #tpu.memory_space<vmem>> -> memref<128xi32, #tpu.memory_space<vmem>>
      %dma_wait3A_89 = arith.constant 0 : i32
      %dma_wait3A_90 = arith.constant 0 : i32
      %dma_wait3A_91 = tpu.memref_slice %arg11[%dma_wait3A_89, %dma_wait3A_90] : memref<10112x128xf32, #tpu.memory_space<vmem_shared>> -> memref<10112x128xf32, #tpu.memory_space<vmem_shared>>
      tpu.wait_indirect_dma semaphore(%run_scoped3A_79 : memref<!tpu.dma_semaphore, #tpu.memory_space<semaphore_mem>>) src(%arg10 : memref<128x128xf32, #tpu.memory_space<vmem>>) dst(%dma_wait3A_91 : memref<10112x128xf32, #tpu.memory_space<vmem_shared>>)
      tpu.yield
    }) : () -> ()
    %add3A_40 = arith.constant 40 : i32
    %add3A_41 = arith.addi %multiple_of3A_5, %add3A_40 : i32
    %multiple_of3A_42 = tpu.assume_multiple %add3A_41, 8 : i32
    "tpu.region"() ({
      %run_scoped3A_79 = tpu.sem_alloc : memref<!tpu.dma_semaphore, #tpu.memory_space<semaphore_mem>>
      %dma_start3A_80 = arith.constant 0 : i32
      %dma_start3A_81 = tpu.memref_slice %arg3[%multiple_of3A_42, %dma_start3A_80] : memref<2560x128xi32, #tpu.memory_space<hbm>> -> memref<40x128xi32, #tpu.memory_space<hbm>>
      %dma_start3A_82 = arith.constant 0 : i32
      %dma_start3A_83 = tpu.memref_slice %arg3[%multiple_of3A_42, %dma_start3A_82] : memref<2560x128xi32, #tpu.memory_space<hbm>> -> memref<40x128xi32, #tpu.memory_space<hbm>>
      tpu.enqueue_dma source(%dma_start3A_83 : memref<40x128xi32, #tpu.memory_space<hbm>>) target(%arg7 : memref<40x128xi32, #tpu.memory_space<vmem>>) target_semaphore(%run_scoped3A_79 : memref<!tpu.dma_semaphore, #tpu.memory_space<semaphore_mem>>)
      %dma_wait3A_84 = arith.constant 0 : i32
      %dma_wait3A_85 = tpu.memref_slice %arg3[%multiple_of3A_42, %dma_wait3A_84] : memref<2560x128xi32, #tpu.memory_space<hbm>> -> memref<40x128xi32, #tpu.memory_space<hbm>>
      %dma_wait3A_86 = arith.constant 0 : i32
      %dma_wait3A_87 = tpu.memref_slice %arg3[%multiple_of3A_42, %dma_wait3A_86] : memref<2560x128xi32, #tpu.memory_space<hbm>> -> memref<40x128xi32, #tpu.memory_space<hbm>>
      tpu.wait_dma2 semaphore(%run_scoped3A_79 : memref<!tpu.dma_semaphore, #tpu.memory_space<semaphore_mem>>) src(%dma_wait3A_87 : memref<40x128xi32, #tpu.memory_space<hbm>>) dst(%arg7 : memref<40x128xi32, #tpu.memory_space<vmem>>)
      tpu.yield
    }) : () -> ()
    "tpu.region"() ({
      %run_scoped3A_79 = tpu.sem_alloc : memref<!tpu.dma_semaphore, #tpu.memory_space<semaphore_mem>>
      %dma_start3A_80 = arith.constant 0 : i32
      %dma_start3A_81 = tpu.memref_slice %arg4[%multiple_of3A_42, %dma_start3A_80] : memref<2560x128xi32, #tpu.memory_space<hbm>> -> memref<40x128xi32, #tpu.memory_space<hbm>>
      %dma_start3A_82 = arith.constant 0 : i32
      %dma_start3A_83 = tpu.memref_slice %arg4[%multiple_of3A_42, %dma_start3A_82] : memref<2560x128xi32, #tpu.memory_space<hbm>> -> memref<40x128xi32, #tpu.memory_space<hbm>>
      tpu.enqueue_dma source(%dma_start3A_83 : memref<40x128xi32, #tpu.memory_space<hbm>>) target(%arg8 : memref<40x128xi32, #tpu.memory_space<vmem>>) target_semaphore(%run_scoped3A_79 : memref<!tpu.dma_semaphore, #tpu.memory_space<semaphore_mem>>)
      %dma_wait3A_84 = arith.constant 0 : i32
      %dma_wait3A_85 = tpu.memref_slice %arg4[%multiple_of3A_42, %dma_wait3A_84] : memref<2560x128xi32, #tpu.memory_space<hbm>> -> memref<40x128xi32, #tpu.memory_space<hbm>>
      %dma_wait3A_86 = arith.constant 0 : i32
      %dma_wait3A_87 = tpu.memref_slice %arg4[%multiple_of3A_42, %dma_wait3A_86] : memref<2560x128xi32, #tpu.memory_space<hbm>> -> memref<40x128xi32, #tpu.memory_space<hbm>>
      tpu.wait_dma2 semaphore(%run_scoped3A_79 : memref<!tpu.dma_semaphore, #tpu.memory_space<semaphore_mem>>) src(%dma_wait3A_87 : memref<40x128xi32, #tpu.memory_space<hbm>>) dst(%arg8 : memref<40x128xi32, #tpu.memory_space<vmem>>)
      tpu.yield
    }) : () -> ()
    %dma_start3A_43 = arith.constant 0 : i32
    %dma_start3A_44 = arith.constant 0 : i32
    %dma_start3A_45 = tpu.memref_slice %arg7[%dma_start3A_43, %dma_start3A_44] : memref<40x128xi32, #tpu.memory_space<vmem>> -> memref<1x128xi32, #tpu.memory_space<vmem>>
    %dma_start3A_46 = tpu.memref_squeeze %dma_start3A_45 : memref<1x128xi32, #tpu.memory_space<vmem>> -> memref<128xi32, #tpu.memory_space<vmem>>
    %dma_start3A_47 = arith.constant 0 : i32
    %dma_start3A_48 = arith.constant 0 : i32
    %dma_start3A_49 = tpu.memref_slice %arg2[%dma_start3A_47, %dma_start3A_48] : memref<10000x128xf32, #tpu.memory_space<hbm>> -> memref<10000x128xf32, #tpu.memory_space<hbm>>
    tpu.enqueue_indirect_dma source(%dma_start3A_49 : memref<10000x128xf32, #tpu.memory_space<hbm>>) target(%arg9 : memref<128x128xf32, #tpu.memory_space<vmem>>) offsets(%dma_start3A_46 : memref<128xi32, #tpu.memory_space<vmem>>) semaphore(%arg12 : memref<!tpu.dma_semaphore, #tpu.memory_space<semaphore_mem>>)
    %scan3A_50 = arith.constant 0 : i32
    %scan3A_51 = arith.constant 19 : i32
    %scan3A_52 = arith.addi %scan3A_50, %scan3A_51 : i32
    %scan3A_53 = arith.constant 1 : i32
    scf.for %scan3A_79 = %scan3A_50 to %scan3A_52 step %scan3A_53  : i32 {
      %mul3A_80 = arith.constant 1 : i32
      %mul3A_81 = arith.muli %scan3A_79, %mul3A_80 : i32
      %add3A_82 = arith.constant 0 : i32
      %add3A_83 = arith.addi %add3A_82, %mul3A_81 : i32
      %mul3A_84 = arith.constant 2 : i32
      %mul3A_85 = arith.muli %add3A_83, %mul3A_84 : i32
      %dma_wait3A_86 = arith.constant 0 : i32
      %dma_wait3A_87 = tpu.memref_slice %arg7[%mul3A_85, %dma_wait3A_86] : memref<40x128xi32, #tpu.memory_space<vmem>> -> memref<1x128xi32, #tpu.memory_space<vmem>>
      %dma_wait3A_88 = tpu.memref_squeeze %dma_wait3A_87 : memref<1x128xi32, #tpu.memory_space<vmem>> -> memref<128xi32, #tpu.memory_space<vmem>>
      %dma_wait3A_89 = arith.constant 0 : i32
      %dma_wait3A_90 = arith.constant 0 : i32
      %dma_wait3A_91 = tpu.memref_slice %arg2[%dma_wait3A_89, %dma_wait3A_90] : memref<10000x128xf32, #tpu.memory_space<hbm>> -> memref<10000x128xf32, #tpu.memory_space<hbm>>
      tpu.wait_indirect_dma semaphore(%arg12 : memref<!tpu.dma_semaphore, #tpu.memory_space<semaphore_mem>>) src(%dma_wait3A_91 : memref<10000x128xf32, #tpu.memory_space<hbm>>) dst(%arg9 : memref<128x128xf32, #tpu.memory_space<vmem>>)
      %add3A_92 = arith.constant 1 : i32
      %add3A_93 = arith.addi %mul3A_85, %add3A_92 : i32
      %dma_start3A_94 = arith.constant 0 : i32
      %dma_start3A_95 = tpu.memref_slice %arg7[%add3A_93, %dma_start3A_94] : memref<40x128xi32, #tpu.memory_space<vmem>> -> memref<1x128xi32, #tpu.memory_space<vmem>>
      %dma_start3A_96 = tpu.memref_squeeze %dma_start3A_95 : memref<1x128xi32, #tpu.memory_space<vmem>> -> memref<128xi32, #tpu.memory_space<vmem>>
      %dma_start3A_97 = arith.constant 0 : i32
      %dma_start3A_98 = arith.constant 0 : i32
      %dma_start3A_99 = tpu.memref_slice %arg2[%dma_start3A_97, %dma_start3A_98] : memref<10000x128xf32, #tpu.memory_space<hbm>> -> memref<10000x128xf32, #tpu.memory_space<hbm>>
      tpu.enqueue_indirect_dma source(%dma_start3A_99 : memref<10000x128xf32, #tpu.memory_space<hbm>>) target(%arg10 : memref<128x128xf32, #tpu.memory_space<vmem>>) offsets(%dma_start3A_96 : memref<128xi32, #tpu.memory_space<vmem>>) semaphore(%arg13 : memref<!tpu.dma_semaphore, #tpu.memory_space<semaphore_mem>>)
      "tpu.region"() ({
        %run_scoped3A_118 = tpu.sem_alloc : memref<!tpu.dma_semaphore, #tpu.memory_space<semaphore_mem>>
        %dma_start3A_119 = arith.constant 0 : i32
        %dma_start3A_120 = tpu.memref_slice %arg8[%mul3A_85, %dma_start3A_119] : memref<40x128xi32, #tpu.memory_space<vmem>> -> memref<1x128xi32, #tpu.memory_space<vmem>>
        %dma_start3A_121 = tpu.memref_squeeze %dma_start3A_120 : memref<1x128xi32, #tpu.memory_space<vmem>> -> memref<128xi32, #tpu.memory_space<vmem>>
        %dma_start3A_122 = arith.constant 0 : i32
        %dma_start3A_123 = arith.constant 0 : i32
        %dma_start3A_124 = tpu.memref_slice %arg11[%dma_start3A_122, %dma_start3A_123] : memref<10112x128xf32, #tpu.memory_space<vmem_shared>> -> memref<10112x128xf32, #tpu.memory_space<vmem_shared>>
        tpu.enqueue_indirect_dma source(%arg9 : memref<128x128xf32, #tpu.memory_space<vmem>>) target(%dma_start3A_124 : memref<10112x128xf32, #tpu.memory_space<vmem_shared>>) offsets(%dma_start3A_121 : memref<128xi32, #tpu.memory_space<vmem>>) semaphore(%run_scoped3A_118 : memref<!tpu.dma_semaphore, #tpu.memory_space<semaphore_mem>>) {add = true}
        %dma_wait3A_125 = arith.constant 0 : i32
        %dma_wait3A_126 = tpu.memref_slice %arg8[%mul3A_85, %dma_wait3A_125] : memref<40x128xi32, #tpu.memory_space<vmem>> -> memref<1x128xi32, #tpu.memory_space<vmem>>
        %dma_wait3A_127 = tpu.memref_squeeze %dma_wait3A_126 : memref<1x128xi32, #tpu.memory_space<vmem>> -> memref<128xi32, #tpu.memory_space<vmem>>
        %dma_wait3A_128 = arith.constant 0 : i32
        %dma_wait3A_129 = arith.constant 0 : i32
        %dma_wait3A_130 = tpu.memref_slice %arg11[%dma_wait3A_128, %dma_wait3A_129] : memref<10112x128xf32, #tpu.memory_space<vmem_shared>> -> memref<10112x128xf32, #tpu.memory_space<vmem_shared>>
        tpu.wait_indirect_dma semaphore(%run_scoped3A_118 : memref<!tpu.dma_semaphore, #tpu.memory_space<semaphore_mem>>) src(%arg9 : memref<128x128xf32, #tpu.memory_space<vmem>>) dst(%dma_wait3A_130 : memref<10112x128xf32, #tpu.memory_space<vmem_shared>>)
        tpu.yield
      }) : () -> ()
      %add3A_100 = arith.constant 1 : i32
      %add3A_101 = arith.addi %mul3A_85, %add3A_100 : i32
      %dma_wait3A_102 = arith.constant 0 : i32
      %dma_wait3A_103 = tpu.memref_slice %arg7[%add3A_101, %dma_wait3A_102] : memref<40x128xi32, #tpu.memory_space<vmem>> -> memref<1x128xi32, #tpu.memory_space<vmem>>
      %dma_wait3A_104 = tpu.memref_squeeze %dma_wait3A_103 : memref<1x128xi32, #tpu.memory_space<vmem>> -> memref<128xi32, #tpu.memory_space<vmem>>
      %dma_wait3A_105 = arith.constant 0 : i32
      %dma_wait3A_106 = arith.constant 0 : i32
      %dma_wait3A_107 = tpu.memref_slice %arg2[%dma_wait3A_105, %dma_wait3A_106] : memref<10000x128xf32, #tpu.memory_space<hbm>> -> memref<10000x128xf32, #tpu.memory_space<hbm>>
      tpu.wait_indirect_dma semaphore(%arg13 : memref<!tpu.dma_semaphore, #tpu.memory_space<semaphore_mem>>) src(%dma_wait3A_107 : memref<10000x128xf32, #tpu.memory_space<hbm>>) dst(%arg10 : memref<128x128xf32, #tpu.memory_space<vmem>>)
      %add3A_108 = arith.constant 2 : i32
      %add3A_109 = arith.addi %mul3A_85, %add3A_108 : i32
      %dma_start3A_110 = arith.constant 0 : i32
      %dma_start3A_111 = tpu.memref_slice %arg7[%add3A_109, %dma_start3A_110] : memref<40x128xi32, #tpu.memory_space<vmem>> -> memref<1x128xi32, #tpu.memory_space<vmem>>
      %dma_start3A_112 = tpu.memref_squeeze %dma_start3A_111 : memref<1x128xi32, #tpu.memory_space<vmem>> -> memref<128xi32, #tpu.memory_space<vmem>>
      %dma_start3A_113 = arith.constant 0 : i32
      %dma_start3A_114 = arith.constant 0 : i32
      %dma_start3A_115 = tpu.memref_slice %arg2[%dma_start3A_113, %dma_start3A_114] : memref<10000x128xf32, #tpu.memory_space<hbm>> -> memref<10000x128xf32, #tpu.memory_space<hbm>>
      tpu.enqueue_indirect_dma source(%dma_start3A_115 : memref<10000x128xf32, #tpu.memory_space<hbm>>) target(%arg9 : memref<128x128xf32, #tpu.memory_space<vmem>>) offsets(%dma_start3A_112 : memref<128xi32, #tpu.memory_space<vmem>>) semaphore(%arg12 : memref<!tpu.dma_semaphore, #tpu.memory_space<semaphore_mem>>)
      %add3A_116 = arith.constant 1 : i32
      %add3A_117 = arith.addi %mul3A_85, %add3A_116 : i32
      "tpu.region"() ({
        %run_scoped3A_118 = tpu.sem_alloc : memref<!tpu.dma_semaphore, #tpu.memory_space<semaphore_mem>>
        %dma_start3A_119 = arith.constant 0 : i32
        %dma_start3A_120 = tpu.memref_slice %arg8[%add3A_117, %dma_start3A_119] : memref<40x128xi32, #tpu.memory_space<vmem>> -> memref<1x128xi32, #tpu.memory_space<vmem>>
        %dma_start3A_121 = tpu.memref_squeeze %dma_start3A_120 : memref<1x128xi32, #tpu.memory_space<vmem>> -> memref<128xi32, #tpu.memory_space<vmem>>
        %dma_start3A_122 = arith.constant 0 : i32
        %dma_start3A_123 = arith.constant 0 : i32
        %dma_start3A_124 = tpu.memref_slice %arg11[%dma_start3A_122, %dma_start3A_123] : memref<10112x128xf32, #tpu.memory_space<vmem_shared>> -> memref<10112x128xf32, #tpu.memory_space<vmem_shared>>
        tpu.enqueue_indirect_dma source(%arg10 : memref<128x128xf32, #tpu.memory_space<vmem>>) target(%dma_start3A_124 : memref<10112x128xf32, #tpu.memory_space<vmem_shared>>) offsets(%dma_start3A_121 : memref<128xi32, #tpu.memory_space<vmem>>) semaphore(%run_scoped3A_118 : memref<!tpu.dma_semaphore, #tpu.memory_space<semaphore_mem>>) {add = true}
        %dma_wait3A_125 = arith.constant 0 : i32
        %dma_wait3A_126 = tpu.memref_slice %arg8[%add3A_117, %dma_wait3A_125] : memref<40x128xi32, #tpu.memory_space<vmem>> -> memref<1x128xi32, #tpu.memory_space<vmem>>
        %dma_wait3A_127 = tpu.memref_squeeze %dma_wait3A_126 : memref<1x128xi32, #tpu.memory_space<vmem>> -> memref<128xi32, #tpu.memory_space<vmem>>
        %dma_wait3A_128 = arith.constant 0 : i32
        %dma_wait3A_129 = arith.constant 0 : i32
        %dma_wait3A_130 = tpu.memref_slice %arg11[%dma_wait3A_128, %dma_wait3A_129] : memref<10112x128xf32, #tpu.memory_space<vmem_shared>> -> memref<10112x128xf32, #tpu.memory_space<vmem_shared>>
        tpu.wait_indirect_dma semaphore(%run_scoped3A_118 : memref<!tpu.dma_semaphore, #tpu.memory_space<semaphore_mem>>) src(%arg10 : memref<128x128xf32, #tpu.memory_space<vmem>>) dst(%dma_wait3A_130 : memref<10112x128xf32, #tpu.memory_space<vmem_shared>>)
        tpu.yield
      }) : () -> ()
    }
    %scan3A_54 = arith.constant 19 : i32
    %dma_wait3A_55 = arith.constant 38 : i32
    %dma_wait3A_56 = arith.constant 0 : i32
    %dma_wait3A_57 = tpu.memref_slice %arg7[%dma_wait3A_55, %dma_wait3A_56] : memref<40x128xi32, #tpu.memory_space<vmem>> -> memref<1x128xi32, #tpu.memory_space<vmem>>
    %dma_wait3A_58 = tpu.memref_squeeze %dma_wait3A_57 : memref<1x128xi32, #tpu.memory_space<vmem>> -> memref<128xi32, #tpu.memory_space<vmem>>
    %dma_wait3A_59 = arith.constant 0 : i32
    %dma_wait3A_60 = arith.constant 0 : i32
    %dma_wait3A_61 = tpu.memref_slice %arg2[%dma_wait3A_59, %dma_wait3A_60] : memref<10000x128xf32, #tpu.memory_space<hbm>> -> memref<10000x128xf32, #tpu.memory_space<hbm>>
    tpu.wait_indirect_dma semaphore(%arg12 : memref<!tpu.dma_semaphore, #tpu.memory_space<semaphore_mem>>) src(%dma_wait3A_61 : memref<10000x128xf32, #tpu.memory_space<hbm>>) dst(%arg9 : memref<128x128xf32, #tpu.memory_space<vmem>>)
    %dma_start3A_62 = arith.constant 39 : i32
    %dma_start3A_63 = arith.constant 0 : i32
    %dma_start3A_64 = tpu.memref_slice %arg7[%dma_start3A_62, %dma_start3A_63] : memref<40x128xi32, #tpu.memory_space<vmem>> -> memref<1x128xi32, #tpu.memory_space<vmem>>
    %dma_start3A_65 = tpu.memref_squeeze %dma_start3A_64 : memref<1x128xi32, #tpu.memory_space<vmem>> -> memref<128xi32, #tpu.memory_space<vmem>>
    %dma_start3A_66 = arith.constant 0 : i32
    %dma_start3A_67 = arith.constant 0 : i32
    %dma_start3A_68 = tpu.memref_slice %arg2[%dma_start3A_66, %dma_start3A_67] : memref<10000x128xf32, #tpu.memory_space<hbm>> -> memref<10000x128xf32, #tpu.memory_space<hbm>>
    tpu.enqueue_indirect_dma source(%dma_start3A_68 : memref<10000x128xf32, #tpu.memory_space<hbm>>) target(%arg10 : memref<128x128xf32, #tpu.memory_space<vmem>>) offsets(%dma_start3A_65 : memref<128xi32, #tpu.memory_space<vmem>>) semaphore(%arg13 : memref<!tpu.dma_semaphore, #tpu.memory_space<semaphore_mem>>)
    %run_scoped3A_69 = arith.constant 38 : i32
    "tpu.region"() ({
      %run_scoped3A_79 = tpu.sem_alloc : memref<!tpu.dma_semaphore, #tpu.memory_space<semaphore_mem>>
      %dma_start3A_80 = arith.constant 0 : i32
      %dma_start3A_81 = tpu.memref_slice %arg8[%run_scoped3A_69, %dma_start3A_80] : memref<40x128xi32, #tpu.memory_space<vmem>> -> memref<1x128xi32, #tpu.memory_space<vmem>>
      %dma_start3A_82 = tpu.memref_squeeze %dma_start3A_81 : memref<1x128xi32, #tpu.memory_space<vmem>> -> memref<128xi32, #tpu.memory_space<vmem>>
      %dma_start3A_83 = arith.constant 0 : i32
      %dma_start3A_84 = arith.constant 0 : i32
      %dma_start3A_85 = tpu.memref_slice %arg11[%dma_start3A_83, %dma_start3A_84] : memref<10112x128xf32, #tpu.memory_space<vmem_shared>> -> memref<10112x128xf32, #tpu.memory_space<vmem_shared>>
      tpu.enqueue_indirect_dma source(%arg9 : memref<128x128xf32, #tpu.memory_space<vmem>>) target(%dma_start3A_85 : memref<10112x128xf32, #tpu.memory_space<vmem_shared>>) offsets(%dma_start3A_82 : memref<128xi32, #tpu.memory_space<vmem>>) semaphore(%run_scoped3A_79 : memref<!tpu.dma_semaphore, #tpu.memory_space<semaphore_mem>>) {add = true}
      %dma_wait3A_86 = arith.constant 0 : i32
      %dma_wait3A_87 = tpu.memref_slice %arg8[%run_scoped3A_69, %dma_wait3A_86] : memref<40x128xi32, #tpu.memory_space<vmem>> -> memref<1x128xi32, #tpu.memory_space<vmem>>
      %dma_wait3A_88 = tpu.memref_squeeze %dma_wait3A_87 : memref<1x128xi32, #tpu.memory_space<vmem>> -> memref<128xi32, #tpu.memory_space<vmem>>
      %dma_wait3A_89 = arith.constant 0 : i32
      %dma_wait3A_90 = arith.constant 0 : i32
      %dma_wait3A_91 = tpu.memref_slice %arg11[%dma_wait3A_89, %dma_wait3A_90] : memref<10112x128xf32, #tpu.memory_space<vmem_shared>> -> memref<10112x128xf32, #tpu.memory_space<vmem_shared>>
      tpu.wait_indirect_dma semaphore(%run_scoped3A_79 : memref<!tpu.dma_semaphore, #tpu.memory_space<semaphore_mem>>) src(%arg9 : memref<128x128xf32, #tpu.memory_space<vmem>>) dst(%dma_wait3A_91 : memref<10112x128xf32, #tpu.memory_space<vmem_shared>>)
      tpu.yield
    }) : () -> ()
    %dma_wait3A_70 = arith.constant 39 : i32
    %dma_wait3A_71 = arith.constant 0 : i32
    %dma_wait3A_72 = tpu.memref_slice %arg7[%dma_wait3A_70, %dma_wait3A_71] : memref<40x128xi32, #tpu.memory_space<vmem>> -> memref<1x128xi32, #tpu.memory_space<vmem>>
    %dma_wait3A_73 = tpu.memref_squeeze %dma_wait3A_72 : memref<1x128xi32, #tpu.memory_space<vmem>> -> memref<128xi32, #tpu.memory_space<vmem>>
    %dma_wait3A_74 = arith.constant 0 : i32
    %dma_wait3A_75 = arith.constant 0 : i32
    %dma_wait3A_76 = tpu.memref_slice %arg2[%dma_wait3A_74, %dma_wait3A_75] : memref<10000x128xf32, #tpu.memory_space<hbm>> -> memref<10000x128xf32, #tpu.memory_space<hbm>>
    tpu.wait_indirect_dma semaphore(%arg13 : memref<!tpu.dma_semaphore, #tpu.memory_space<semaphore_mem>>) src(%dma_wait3A_76 : memref<10000x128xf32, #tpu.memory_space<hbm>>) dst(%arg10 : memref<128x128xf32, #tpu.memory_space<vmem>>)
    %run_scoped3A_77 = arith.constant 39 : i32
    "tpu.region"() ({
      %run_scoped3A_79 = tpu.sem_alloc : memref<!tpu.dma_semaphore, #tpu.memory_space<semaphore_mem>>
      %dma_start3A_80 = arith.constant 0 : i32
      %dma_start3A_81 = tpu.memref_slice %arg8[%run_scoped3A_77, %dma_start3A_80] : memref<40x128xi32, #tpu.memory_space<vmem>> -> memref<1x128xi32, #tpu.memory_space<vmem>>
      %dma_start3A_82 = tpu.memref_squeeze %dma_start3A_81 : memref<1x128xi32, #tpu.memory_space<vmem>> -> memref<128xi32, #tpu.memory_space<vmem>>
      %dma_start3A_83 = arith.constant 0 : i32
      %dma_start3A_84 = arith.constant 0 : i32
      %dma_start3A_85 = tpu.memref_slice %arg11[%dma_start3A_83, %dma_start3A_84] : memref<10112x128xf32, #tpu.memory_space<vmem_shared>> -> memref<10112x128xf32, #tpu.memory_space<vmem_shared>>
      tpu.enqueue_indirect_dma source(%arg10 : memref<128x128xf32, #tpu.memory_space<vmem>>) target(%dma_start3A_85 : memref<10112x128xf32, #tpu.memory_space<vmem_shared>>) offsets(%dma_start3A_82 : memref<128xi32, #tpu.memory_space<vmem>>) semaphore(%run_scoped3A_79 : memref<!tpu.dma_semaphore, #tpu.memory_space<semaphore_mem>>) {add = true}
      %dma_wait3A_86 = arith.constant 0 : i32
      %dma_wait3A_87 = tpu.memref_slice %arg8[%run_scoped3A_77, %dma_wait3A_86] : memref<40x128xi32, #tpu.memory_space<vmem>> -> memref<1x128xi32, #tpu.memory_space<vmem>>
      %dma_wait3A_88 = tpu.memref_squeeze %dma_wait3A_87 : memref<1x128xi32, #tpu.memory_space<vmem>> -> memref<128xi32, #tpu.memory_space<vmem>>
      %dma_wait3A_89 = arith.constant 0 : i32
      %dma_wait3A_90 = arith.constant 0 : i32
      %dma_wait3A_91 = tpu.memref_slice %arg11[%dma_wait3A_89, %dma_wait3A_90] : memref<10112x128xf32, #tpu.memory_space<vmem_shared>> -> memref<10112x128xf32, #tpu.memory_space<vmem_shared>>
      tpu.wait_indirect_dma semaphore(%run_scoped3A_79 : memref<!tpu.dma_semaphore, #tpu.memory_space<semaphore_mem>>) src(%arg10 : memref<128x128xf32, #tpu.memory_space<vmem>>) dst(%dma_wait3A_91 : memref<10112x128xf32, #tpu.memory_space<vmem_shared>>)
      tpu.yield
    }) : () -> ()
    %barrier3A_78 = arith.constant 0 : index
    tpu.barrier barrier_id(%barrier3A_78)
    "tpu.region"() ({
      %run_scoped3A_79 = tpu.sem_alloc : memref<!tpu.dma_semaphore, #tpu.memory_space<semaphore_mem>>
      %dma_start3A_80 = arith.constant 0 : i32
      %dma_start3A_81 = tpu.memref_slice %arg6[%arg0, %multiple_of3A, %dma_start3A_80] : memref<2x10112x128xf32, #tpu.memory_space<hbm>> -> memref<1x632x128xf32, #tpu.memory_space<hbm>>
      %dma_start3A_82 = tpu.memref_squeeze %dma_start3A_81 : memref<1x632x128xf32, #tpu.memory_space<hbm>> -> memref<632x128xf32, #tpu.memory_space<hbm>>
      %dma_start3A_83 = arith.constant 0 : i32
      %dma_start3A_84 = tpu.memref_slice %arg11[%multiple_of3A, %dma_start3A_83] : memref<10112x128xf32, #tpu.memory_space<vmem_shared>> -> memref<632x128xf32, #tpu.memory_space<vmem_shared>>
      tpu.enqueue_dma source(%dma_start3A_84 : memref<632x128xf32, #tpu.memory_space<vmem_shared>>) target(%dma_start3A_82 : memref<632x128xf32, #tpu.memory_space<hbm>>) target_semaphore(%run_scoped3A_79 : memref<!tpu.dma_semaphore, #tpu.memory_space<semaphore_mem>>)
      %dma_wait3A_85 = arith.constant 0 : i32
      %dma_wait3A_86 = tpu.memref_slice %arg6[%arg0, %multiple_of3A, %dma_wait3A_85] : memref<2x10112x128xf32, #tpu.memory_space<hbm>> -> memref<1x632x128xf32, #tpu.memory_space<hbm>>
      %dma_wait3A_87 = tpu.memref_squeeze %dma_wait3A_86 : memref<1x632x128xf32, #tpu.memory_space<hbm>> -> memref<632x128xf32, #tpu.memory_space<hbm>>
      %dma_wait3A_88 = arith.constant 0 : i32
      %dma_wait3A_89 = tpu.memref_slice %arg11[%multiple_of3A, %dma_wait3A_88] : memref<10112x128xf32, #tpu.memory_space<vmem_shared>> -> memref<632x128xf32, #tpu.memory_space<vmem_shared>>
      tpu.wait_dma2 semaphore(%run_scoped3A_79 : memref<!tpu.dma_semaphore, #tpu.memory_space<semaphore_mem>>) src(%dma_wait3A_89 : memref<632x128xf32, #tpu.memory_space<vmem_shared>>) dst(%dma_wait3A_87 : memref<632x128xf32, #tpu.memory_space<hbm>>)
      tpu.yield
    }) : () -> ()
    return
  }
}

#map = affine_map<(d0, d1) -> (0, 0)>
#map1 = affine_map<(d0, d1) -> (0, 0, 0)>
module attributes {stable_mosaic.version = 14 : i64} {
  func.func @seg_sum(%arg0: i32, %arg1: i32, %arg2: memref<10000x128xf32, #tpu.memory_space<hbm>>, %arg3: memref<2560x128xi32, #tpu.memory_space<hbm>>, %arg4: memref<2560x128xi32, #tpu.memory_space<hbm>>, %arg5: memref<10112x128xf32, #tpu.memory_space<hbm>>, %arg6: memref<2x10112x128xf32, #tpu.memory_space<hbm>>, %arg7: memref<40x128xi32, #tpu.memory_space<vmem>>, %arg8: memref<40x128xi32, #tpu.memory_space<vmem>>, %arg9: memref<128x128xf32, #tpu.memory_space<vmem>>, %arg10: memref<128x128xf32, #tpu.memory_space<vmem>>, %arg11: memref<10112x128xf32, #tpu.memory_space<vmem_shared>>, %arg12: memref<!tpu.dma_semaphore, #tpu.memory_space<semaphore_mem>>, %arg13: memref<!tpu.dma_semaphore, #tpu.memory_space<semaphore_mem>>) attributes {dimension_semantics = [#tpu.dimension_semantics<core_parallel>, #tpu.dimension_semantics<subcore_parallel>], iteration_bounds = array<i64: 2, 16>, scalar_prefetch = 0 : i64, scratch_operands = 7 : i64, tpu.core_type = #tpu.core_type<sc_vector_subcore>, window_params = [{transform_indices = #map}, {transform_indices = #map}, {transform_indices = #map}, {transform_indices = #map}, {transform_indices = #map1}]} {
    %mul3A = arith.constant 632 : i32
    %mul3A_0 = arith.muli %arg1, %mul3A : i32
    %multiple_of3A = tpu.assume_multiple %mul3A_0, 8 : i32
    %mul3A_1 = arith.constant 16 : i32
    %mul3A_2 = arith.muli %arg0, %mul3A_1 : i32
    %add3A = arith.addi %mul3A_2, %arg1 : i32
    %mul3A_3 = arith.constant 80 : i32
    %mul3A_4 = arith.muli %add3A, %mul3A_3 : i32
    %multiple_of3A_5 = tpu.assume_multiple %mul3A_4, 8 : i32
    "tpu.region"() ({
      %run_scoped3A_79 = tpu.sem_alloc : memref<!tpu.dma_semaphore, #tpu.memory_space<semaphore_mem>>
      %dma_start3A_80 = arith.constant 0 : i32
      %dma_start3A_81 = tpu.memref_slice %arg11[%multiple_of3A, %dma_start3A_80] : memref<10112x128xf32, #tpu.memory_space<vmem_shared>> -> memref<632x128xf32, #tpu.memory_space<vmem_shared>>
      %dma_start3A_82 = arith.constant 0 : i32
      %dma_start3A_83 = tpu.memref_slice %arg5[%multiple_of3A, %dma_start3A_82] : memref<10112x128xf32, #tpu.memory_space<hbm>> -> memref<632x128xf32, #tpu.memory_space<hbm>>
      tpu.enqueue_dma source(%dma_start3A_83 : memref<632x128xf32, #tpu.memory_space<hbm>>) target(%dma_start3A_81 : memref<632x128xf32, #tpu.memory_space<vmem_shared>>) target_semaphore(%run_scoped3A_79 : memref<!tpu.dma_semaphore, #tpu.memory_space<semaphore_mem>>)
      %dma_wait3A_84 = arith.constant 0 : i32
      %dma_wait3A_85 = tpu.memref_slice %arg11[%multiple_of3A, %dma_wait3A_84] : memref<10112x128xf32, #tpu.memory_space<vmem_shared>> -> memref<632x128xf32, #tpu.memory_space<vmem_shared>>
      %dma_wait3A_86 = arith.constant 0 : i32
      %dma_wait3A_87 = tpu.memref_slice %arg5[%multiple_of3A, %dma_wait3A_86] : memref<10112x128xf32, #tpu.memory_space<hbm>> -> memref<632x128xf32, #tpu.memory_space<hbm>>
      tpu.wait_dma2 semaphore(%run_scoped3A_79 : memref<!tpu.dma_semaphore, #tpu.memory_space<semaphore_mem>>) src(%dma_wait3A_87 : memref<632x128xf32, #tpu.memory_space<hbm>>) dst(%dma_wait3A_85 : memref<632x128xf32, #tpu.memory_space<vmem_shared>>)
      tpu.yield
    }) : () -> ()
    %barrier3A = arith.constant 0 : index
    tpu.barrier barrier_id(%barrier3A)
    %add3A_6 = arith.constant 0 : i32
    %add3A_7 = arith.addi %multiple_of3A_5, %add3A_6 : i32
    %multiple_of3A_8 = tpu.assume_multiple %add3A_7, 8 : i32
    "tpu.region"() ({
      %run_scoped3A_79 = tpu.sem_alloc : memref<!tpu.dma_semaphore, #tpu.memory_space<semaphore_mem>>
      %dma_start3A_80 = arith.constant 0 : i32
      %dma_start3A_81 = tpu.memref_slice %arg3[%multiple_of3A_8, %dma_start3A_80] : memref<2560x128xi32, #tpu.memory_space<hbm>> -> memref<40x128xi32, #tpu.memory_space<hbm>>
      %dma_start3A_82 = arith.constant 0 : i32
      %dma_start3A_83 = tpu.memref_slice %arg3[%multiple_of3A_8, %dma_start3A_82] : memref<2560x128xi32, #tpu.memory_space<hbm>> -> memref<40x128xi32, #tpu.memory_space<hbm>>
      tpu.enqueue_dma source(%dma_start3A_83 : memref<40x128xi32, #tpu.memory_space<hbm>>) target(%arg7 : memref<40x128xi32, #tpu.memory_space<vmem>>) target_semaphore(%run_scoped3A_79 : memref<!tpu.dma_semaphore, #tpu.memory_space<semaphore_mem>>)
      %dma_wait3A_84 = arith.constant 0 : i32
      %dma_wait3A_85 = tpu.memref_slice %arg3[%multiple_of3A_8, %dma_wait3A_84] : memref<2560x128xi32, #tpu.memory_space<hbm>> -> memref<40x128xi32, #tpu.memory_space<hbm>>
      %dma_wait3A_86 = arith.constant 0 : i32
      %dma_wait3A_87 = tpu.memref_slice %arg3[%multiple_of3A_8, %dma_wait3A_86] : memref<2560x128xi32, #tpu.memory_space<hbm>> -> memref<40x128xi32, #tpu.memory_space<hbm>>
      tpu.wait_dma2 semaphore(%run_scoped3A_79 : memref<!tpu.dma_semaphore, #tpu.memory_space<semaphore_mem>>) src(%dma_wait3A_87 : memref<40x128xi32, #tpu.memory_space<hbm>>) dst(%arg7 : memref<40x128xi32, #tpu.memory_space<vmem>>)
      tpu.yield
    }) : () -> ()
    "tpu.region"() ({
      %run_scoped3A_79 = tpu.sem_alloc : memref<!tpu.dma_semaphore, #tpu.memory_space<semaphore_mem>>
      %dma_start3A_80 = arith.constant 0 : i32
      %dma_start3A_81 = tpu.memref_slice %arg4[%multiple_of3A_8, %dma_start3A_80] : memref<2560x128xi32, #tpu.memory_space<hbm>> -> memref<40x128xi32, #tpu.memory_space<hbm>>
      %dma_start3A_82 = arith.constant 0 : i32
      %dma_start3A_83 = tpu.memref_slice %arg4[%multiple_of3A_8, %dma_start3A_82] : memref<2560x128xi32, #tpu.memory_space<hbm>> -> memref<40x128xi32, #tpu.memory_space<hbm>>
      tpu.enqueue_dma source(%dma_start3A_83 : memref<40x128xi32, #tpu.memory_space<hbm>>) target(%arg8 : memref<40x128xi32, #tpu.memory_space<vmem>>) target_semaphore(%run_scoped3A_79 : memref<!tpu.dma_semaphore, #tpu.memory_space<semaphore_mem>>)
      %dma_wait3A_84 = arith.constant 0 : i32
      %dma_wait3A_85 = tpu.memref_slice %arg4[%multiple_of3A_8, %dma_wait3A_84] : memref<2560x128xi32, #tpu.memory_space<hbm>> -> memref<40x128xi32, #tpu.memory_space<hbm>>
      %dma_wait3A_86 = arith.constant 0 : i32
      %dma_wait3A_87 = tpu.memref_slice %arg4[%multiple_of3A_8, %dma_wait3A_86] : memref<2560x128xi32, #tpu.memory_space<hbm>> -> memref<40x128xi32, #tpu.memory_space<hbm>>
      tpu.wait_dma2 semaphore(%run_scoped3A_79 : memref<!tpu.dma_semaphore, #tpu.memory_space<semaphore_mem>>) src(%dma_wait3A_87 : memref<40x128xi32, #tpu.memory_space<hbm>>) dst(%arg8 : memref<40x128xi32, #tpu.memory_space<vmem>>)
      tpu.yield
    }) : () -> ()
    %dma_start3A = arith.constant 0 : i32
    %dma_start3A_9 = arith.constant 0 : i32
    %dma_start3A_10 = tpu.memref_slice %arg7[%dma_start3A, %dma_start3A_9] : memref<40x128xi32, #tpu.memory_space<vmem>> -> memref<1x128xi32, #tpu.memory_space<vmem>>
    %dma_start3A_11 = tpu.memref_squeeze %dma_start3A_10 : memref<1x128xi32, #tpu.memory_space<vmem>> -> memref<128xi32, #tpu.memory_space<vmem>>
    %dma_start3A_12 = arith.constant 0 : i32
    %dma_start3A_13 = arith.constant 0 : i32
    %dma_start3A_14 = tpu.memref_slice %arg2[%dma_start3A_12, %dma_start3A_13] : memref<10000x128xf32, #tpu.memory_space<hbm>> -> memref<10000x128xf32, #tpu.memory_space<hbm>>
    tpu.enqueue_indirect_dma source(%dma_start3A_14 : memref<10000x128xf32, #tpu.memory_space<hbm>>) target(%arg9 : memref<128x128xf32, #tpu.memory_space<vmem>>) offsets(%dma_start3A_11 : memref<128xi32, #tpu.memory_space<vmem>>) semaphore(%arg12 : memref<!tpu.dma_semaphore, #tpu.memory_space<semaphore_mem>>)
    %scan3A = arith.constant 0 : i32
    %scan3A_15 = arith.constant 19 : i32
    %scan3A_16 = arith.addi %scan3A, %scan3A_15 : i32
    %scan3A_17 = arith.constant 1 : i32
    scf.for %scan3A_79 = %scan3A to %scan3A_16 step %scan3A_17  : i32 {
      %mul3A_80 = arith.constant 1 : i32
      %mul3A_81 = arith.muli %scan3A_79, %mul3A_80 : i32
      %add3A_82 = arith.constant 0 : i32
      %add3A_83 = arith.addi %add3A_82, %mul3A_81 : i32
      %mul3A_84 = arith.constant 2 : i32
      %mul3A_85 = arith.muli %add3A_83, %mul3A_84 : i32
      %dma_wait3A_86 = arith.constant 0 : i32
      %dma_wait3A_87 = tpu.memref_slice %arg7[%mul3A_85, %dma_wait3A_86] : memref<40x128xi32, #tpu.memory_space<vmem>> -> memref<1x128xi32, #tpu.memory_space<vmem>>
      %dma_wait3A_88 = tpu.memref_squeeze %dma_wait3A_87 : memref<1x128xi32, #tpu.memory_space<vmem>> -> memref<128xi32, #tpu.memory_space<vmem>>
      %dma_wait3A_89 = arith.constant 0 : i32
      %dma_wait3A_90 = arith.constant 0 : i32
      %dma_wait3A_91 = tpu.memref_slice %arg2[%dma_wait3A_89, %dma_wait3A_90] : memref<10000x128xf32, #tpu.memory_space<hbm>> -> memref<10000x128xf32, #tpu.memory_space<hbm>>
      tpu.wait_indirect_dma semaphore(%arg12 : memref<!tpu.dma_semaphore, #tpu.memory_space<semaphore_mem>>) src(%dma_wait3A_91 : memref<10000x128xf32, #tpu.memory_space<hbm>>) dst(%arg9 : memref<128x128xf32, #tpu.memory_space<vmem>>)
      %add3A_92 = arith.constant 1 : i32
      %add3A_93 = arith.addi %mul3A_85, %add3A_92 : i32
      %dma_start3A_94 = arith.constant 0 : i32
      %dma_start3A_95 = tpu.memref_slice %arg7[%add3A_93, %dma_start3A_94] : memref<40x128xi32, #tpu.memory_space<vmem>> -> memref<1x128xi32, #tpu.memory_space<vmem>>
      %dma_start3A_96 = tpu.memref_squeeze %dma_start3A_95 : memref<1x128xi32, #tpu.memory_space<vmem>> -> memref<128xi32, #tpu.memory_space<vmem>>
      %dma_start3A_97 = arith.constant 0 : i32
      %dma_start3A_98 = arith.constant 0 : i32
      %dma_start3A_99 = tpu.memref_slice %arg2[%dma_start3A_97, %dma_start3A_98] : memref<10000x128xf32, #tpu.memory_space<hbm>> -> memref<10000x128xf32, #tpu.memory_space<hbm>>
      tpu.enqueue_indirect_dma source(%dma_start3A_99 : memref<10000x128xf32, #tpu.memory_space<hbm>>) target(%arg10 : memref<128x128xf32, #tpu.memory_space<vmem>>) offsets(%dma_start3A_96 : memref<128xi32, #tpu.memory_space<vmem>>) semaphore(%arg13 : memref<!tpu.dma_semaphore, #tpu.memory_space<semaphore_mem>>)
      "tpu.region"() ({
        %run_scoped3A_118 = tpu.sem_alloc : memref<!tpu.dma_semaphore, #tpu.memory_space<semaphore_mem>>
        %dma_start3A_119 = arith.constant 0 : i32
        %dma_start3A_120 = tpu.memref_slice %arg8[%mul3A_85, %dma_start3A_119] : memref<40x128xi32, #tpu.memory_space<vmem>> -> memref<1x128xi32, #tpu.memory_space<vmem>>
        %dma_start3A_121 = tpu.memref_squeeze %dma_start3A_120 : memref<1x128xi32, #tpu.memory_space<vmem>> -> memref<128xi32, #tpu.memory_space<vmem>>
        %dma_start3A_122 = arith.constant 0 : i32
        %dma_start3A_123 = arith.constant 0 : i32
        %dma_start3A_124 = tpu.memref_slice %arg11[%dma_start3A_122, %dma_start3A_123] : memref<10112x128xf32, #tpu.memory_space<vmem_shared>> -> memref<10112x128xf32, #tpu.memory_space<vmem_shared>>
        tpu.enqueue_indirect_dma source(%arg9 : memref<128x128xf32, #tpu.memory_space<vmem>>) target(%dma_start3A_124 : memref<10112x128xf32, #tpu.memory_space<vmem_shared>>) offsets(%dma_start3A_121 : memref<128xi32, #tpu.memory_space<vmem>>) semaphore(%run_scoped3A_118 : memref<!tpu.dma_semaphore, #tpu.memory_space<semaphore_mem>>) {add = true}
        %dma_wait3A_125 = arith.constant 0 : i32
        %dma_wait3A_126 = tpu.memref_slice %arg8[%mul3A_85, %dma_wait3A_125] : memref<40x128xi32, #tpu.memory_space<vmem>> -> memref<1x128xi32, #tpu.memory_space<vmem>>
        %dma_wait3A_127 = tpu.memref_squeeze %dma_wait3A_126 : memref<1x128xi32, #tpu.memory_space<vmem>> -> memref<128xi32, #tpu.memory_space<vmem>>
        %dma_wait3A_128 = arith.constant 0 : i32
        %dma_wait3A_129 = arith.constant 0 : i32
        %dma_wait3A_130 = tpu.memref_slice %arg11[%dma_wait3A_128, %dma_wait3A_129] : memref<10112x128xf32, #tpu.memory_space<vmem_shared>> -> memref<10112x128xf32, #tpu.memory_space<vmem_shared>>
        tpu.wait_indirect_dma semaphore(%run_scoped3A_118 : memref<!tpu.dma_semaphore, #tpu.memory_space<semaphore_mem>>) src(%arg9 : memref<128x128xf32, #tpu.memory_space<vmem>>) dst(%dma_wait3A_130 : memref<10112x128xf32, #tpu.memory_space<vmem_shared>>)
        tpu.yield
      }) : () -> ()
      %add3A_100 = arith.constant 1 : i32
      %add3A_101 = arith.addi %mul3A_85, %add3A_100 : i32
      %dma_wait3A_102 = arith.constant 0 : i32
      %dma_wait3A_103 = tpu.memref_slice %arg7[%add3A_101, %dma_wait3A_102] : memref<40x128xi32, #tpu.memory_space<vmem>> -> memref<1x128xi32, #tpu.memory_space<vmem>>
      %dma_wait3A_104 = tpu.memref_squeeze %dma_wait3A_103 : memref<1x128xi32, #tpu.memory_space<vmem>> -> memref<128xi32, #tpu.memory_space<vmem>>
      %dma_wait3A_105 = arith.constant 0 : i32
      %dma_wait3A_106 = arith.constant 0 : i32
      %dma_wait3A_107 = tpu.memref_slice %arg2[%dma_wait3A_105, %dma_wait3A_106] : memref<10000x128xf32, #tpu.memory_space<hbm>> -> memref<10000x128xf32, #tpu.memory_space<hbm>>
      tpu.wait_indirect_dma semaphore(%arg13 : memref<!tpu.dma_semaphore, #tpu.memory_space<semaphore_mem>>) src(%dma_wait3A_107 : memref<10000x128xf32, #tpu.memory_space<hbm>>) dst(%arg10 : memref<128x128xf32, #tpu.memory_space<vmem>>)
      %add3A_108 = arith.constant 2 : i32
      %add3A_109 = arith.addi %mul3A_85, %add3A_108 : i32
      %dma_start3A_110 = arith.constant 0 : i32
      %dma_start3A_111 = tpu.memref_slice %arg7[%add3A_109, %dma_start3A_110] : memref<40x128xi32, #tpu.memory_space<vmem>> -> memref<1x128xi32, #tpu.memory_space<vmem>>
      %dma_start3A_112 = tpu.memref_squeeze %dma_start3A_111 : memref<1x128xi32, #tpu.memory_space<vmem>> -> memref<128xi32, #tpu.memory_space<vmem>>
      %dma_start3A_113 = arith.constant 0 : i32
      %dma_start3A_114 = arith.constant 0 : i32
      %dma_start3A_115 = tpu.memref_slice %arg2[%dma_start3A_113, %dma_start3A_114] : memref<10000x128xf32, #tpu.memory_space<hbm>> -> memref<10000x128xf32, #tpu.memory_space<hbm>>
      tpu.enqueue_indirect_dma source(%dma_start3A_115 : memref<10000x128xf32, #tpu.memory_space<hbm>>) target(%arg9 : memref<128x128xf32, #tpu.memory_space<vmem>>) offsets(%dma_start3A_112 : memref<128xi32, #tpu.memory_space<vmem>>) semaphore(%arg12 : memref<!tpu.dma_semaphore, #tpu.memory_space<semaphore_mem>>)
      %add3A_116 = arith.constant 1 : i32
      %add3A_117 = arith.addi %mul3A_85, %add3A_116 : i32
      "tpu.region"() ({
        %run_scoped3A_118 = tpu.sem_alloc : memref<!tpu.dma_semaphore, #tpu.memory_space<semaphore_mem>>
        %dma_start3A_119 = arith.constant 0 : i32
        %dma_start3A_120 = tpu.memref_slice %arg8[%add3A_117, %dma_start3A_119] : memref<40x128xi32, #tpu.memory_space<vmem>> -> memref<1x128xi32, #tpu.memory_space<vmem>>
        %dma_start3A_121 = tpu.memref_squeeze %dma_start3A_120 : memref<1x128xi32, #tpu.memory_space<vmem>> -> memref<128xi32, #tpu.memory_space<vmem>>
        %dma_start3A_122 = arith.constant 0 : i32
        %dma_start3A_123 = arith.constant 0 : i32
        %dma_start3A_124 = tpu.memref_slice %arg11[%dma_start3A_122, %dma_start3A_123] : memref<10112x128xf32, #tpu.memory_space<vmem_shared>> -> memref<10112x128xf32, #tpu.memory_space<vmem_shared>>
        tpu.enqueue_indirect_dma source(%arg10 : memref<128x128xf32, #tpu.memory_space<vmem>>) target(%dma_start3A_124 : memref<10112x128xf32, #tpu.memory_space<vmem_shared>>) offsets(%dma_start3A_121 : memref<128xi32, #tpu.memory_space<vmem>>) semaphore(%run_scoped3A_118 : memref<!tpu.dma_semaphore, #tpu.memory_space<semaphore_mem>>) {add = true}
        %dma_wait3A_125 = arith.constant 0 : i32
        %dma_wait3A_126 = tpu.memref_slice %arg8[%add3A_117, %dma_wait3A_125] : memref<40x128xi32, #tpu.memory_space<vmem>> -> memref<1x128xi32, #tpu.memory_space<vmem>>
        %dma_wait3A_127 = tpu.memref_squeeze %dma_wait3A_126 : memref<1x128xi32, #tpu.memory_space<vmem>> -> memref<128xi32, #tpu.memory_space<vmem>>
        %dma_wait3A_128 = arith.constant 0 : i32
        %dma_wait3A_129 = arith.constant 0 : i32
        %dma_wait3A_130 = tpu.memref_slice %arg11[%dma_wait3A_128, %dma_wait3A_129] : memref<10112x128xf32, #tpu.memory_space<vmem_shared>> -> memref<10112x128xf32, #tpu.memory_space<vmem_shared>>
        tpu.wait_indirect_dma semaphore(%run_scoped3A_118 : memref<!tpu.dma_semaphore, #tpu.memory_space<semaphore_mem>>) src(%arg10 : memref<128x128xf32, #tpu.memory_space<vmem>>) dst(%dma_wait3A_130 : memref<10112x128xf32, #tpu.memory_space<vmem_shared>>)
        tpu.yield
      }) : () -> ()
    }
    %scan3A_18 = arith.constant 19 : i32
    %dma_wait3A = arith.constant 38 : i32
    %dma_wait3A_19 = arith.constant 0 : i32
    %dma_wait3A_20 = tpu.memref_slice %arg7[%dma_wait3A, %dma_wait3A_19] : memref<40x128xi32, #tpu.memory_space<vmem>> -> memref<1x128xi32, #tpu.memory_space<vmem>>
    %dma_wait3A_21 = tpu.memref_squeeze %dma_wait3A_20 : memref<1x128xi32, #tpu.memory_space<vmem>> -> memref<128xi32, #tpu.memory_space<vmem>>
    %dma_wait3A_22 = arith.constant 0 : i32
    %dma_wait3A_23 = arith.constant 0 : i32
    %dma_wait3A_24 = tpu.memref_slice %arg2[%dma_wait3A_22, %dma_wait3A_23] : memref<10000x128xf32, #tpu.memory_space<hbm>> -> memref<10000x128xf32, #tpu.memory_space<hbm>>
    tpu.wait_indirect_dma semaphore(%arg12 : memref<!tpu.dma_semaphore, #tpu.memory_space<semaphore_mem>>) src(%dma_wait3A_24 : memref<10000x128xf32, #tpu.memory_space<hbm>>) dst(%arg9 : memref<128x128xf32, #tpu.memory_space<vmem>>)
    %dma_start3A_25 = arith.constant 39 : i32
    %dma_start3A_26 = arith.constant 0 : i32
    %dma_start3A_27 = tpu.memref_slice %arg7[%dma_start3A_25, %dma_start3A_26] : memref<40x128xi32, #tpu.memory_space<vmem>> -> memref<1x128xi32, #tpu.memory_space<vmem>>
    %dma_start3A_28 = tpu.memref_squeeze %dma_start3A_27 : memref<1x128xi32, #tpu.memory_space<vmem>> -> memref<128xi32, #tpu.memory_space<vmem>>
    %dma_start3A_29 = arith.constant 0 : i32
    %dma_start3A_30 = arith.constant 0 : i32
    %dma_start3A_31 = tpu.memref_slice %arg2[%dma_start3A_29, %dma_start3A_30] : memref<10000x128xf32, #tpu.memory_space<hbm>> -> memref<10000x128xf32, #tpu.memory_space<hbm>>
    tpu.enqueue_indirect_dma source(%dma_start3A_31 : memref<10000x128xf32, #tpu.memory_space<hbm>>) target(%arg10 : memref<128x128xf32, #tpu.memory_space<vmem>>) offsets(%dma_start3A_28 : memref<128xi32, #tpu.memory_space<vmem>>) semaphore(%arg13 : memref<!tpu.dma_semaphore, #tpu.memory_space<semaphore_mem>>)
    %run_scoped3A = arith.constant 38 : i32
    "tpu.region"() ({
      %run_scoped3A_79 = tpu.sem_alloc : memref<!tpu.dma_semaphore, #tpu.memory_space<semaphore_mem>>
      %dma_start3A_80 = arith.constant 0 : i32
      %dma_start3A_81 = tpu.memref_slice %arg8[%run_scoped3A, %dma_start3A_80] : memref<40x128xi32, #tpu.memory_space<vmem>> -> memref<1x128xi32, #tpu.memory_space<vmem>>
      %dma_start3A_82 = tpu.memref_squeeze %dma_start3A_81 : memref<1x128xi32, #tpu.memory_space<vmem>> -> memref<128xi32, #tpu.memory_space<vmem>>
      %dma_start3A_83 = arith.constant 0 : i32
      %dma_start3A_84 = arith.constant 0 : i32
      %dma_start3A_85 = tpu.memref_slice %arg11[%dma_start3A_83, %dma_start3A_84] : memref<10112x128xf32, #tpu.memory_space<vmem_shared>> -> memref<10112x128xf32, #tpu.memory_space<vmem_shared>>
      tpu.enqueue_indirect_dma source(%arg9 : memref<128x128xf32, #tpu.memory_space<vmem>>) target(%dma_start3A_85 : memref<10112x128xf32, #tpu.memory_space<vmem_shared>>) offsets(%dma_start3A_82 : memref<128xi32, #tpu.memory_space<vmem>>) semaphore(%run_scoped3A_79 : memref<!tpu.dma_semaphore, #tpu.memory_space<semaphore_mem>>) {add = true}
      %dma_wait3A_86 = arith.constant 0 : i32
      %dma_wait3A_87 = tpu.memref_slice %arg8[%run_scoped3A, %dma_wait3A_86] : memref<40x128xi32, #tpu.memory_space<vmem>> -> memref<1x128xi32, #tpu.memory_space<vmem>>
      %dma_wait3A_88 = tpu.memref_squeeze %dma_wait3A_87 : memref<1x128xi32, #tpu.memory_space<vmem>> -> memref<128xi32, #tpu.memory_space<vmem>>
      %dma_wait3A_89 = arith.constant 0 : i32
      %dma_wait3A_90 = arith.constant 0 : i32
      %dma_wait3A_91 = tpu.memref_slice %arg11[%dma_wait3A_89, %dma_wait3A_90] : memref<10112x128xf32, #tpu.memory_space<vmem_shared>> -> memref<10112x128xf32, #tpu.memory_space<vmem_shared>>
      tpu.wait_indirect_dma semaphore(%run_scoped3A_79 : memref<!tpu.dma_semaphore, #tpu.memory_space<semaphore_mem>>) src(%arg9 : memref<128x128xf32, #tpu.memory_space<vmem>>) dst(%dma_wait3A_91 : memref<10112x128xf32, #tpu.memory_space<vmem_shared>>)
      tpu.yield
    }) : () -> ()
    %dma_wait3A_32 = arith.constant 39 : i32
    %dma_wait3A_33 = arith.constant 0 : i32
    %dma_wait3A_34 = tpu.memref_slice %arg7[%dma_wait3A_32, %dma_wait3A_33] : memref<40x128xi32, #tpu.memory_space<vmem>> -> memref<1x128xi32, #tpu.memory_space<vmem>>
    %dma_wait3A_35 = tpu.memref_squeeze %dma_wait3A_34 : memref<1x128xi32, #tpu.memory_space<vmem>> -> memref<128xi32, #tpu.memory_space<vmem>>
    %dma_wait3A_36 = arith.constant 0 : i32
    %dma_wait3A_37 = arith.constant 0 : i32
    %dma_wait3A_38 = tpu.memref_slice %arg2[%dma_wait3A_36, %dma_wait3A_37] : memref<10000x128xf32, #tpu.memory_space<hbm>> -> memref<10000x128xf32, #tpu.memory_space<hbm>>
    tpu.wait_indirect_dma semaphore(%arg13 : memref<!tpu.dma_semaphore, #tpu.memory_space<semaphore_mem>>) src(%dma_wait3A_38 : memref<10000x128xf32, #tpu.memory_space<hbm>>) dst(%arg10 : memref<128x128xf32, #tpu.memory_space<vmem>>)
    %run_scoped3A_39 = arith.constant 39 : i32
    "tpu.region"() ({
      %run_scoped3A_79 = tpu.sem_alloc : memref<!tpu.dma_semaphore, #tpu.memory_space<semaphore_mem>>
      %dma_start3A_80 = arith.constant 0 : i32
      %dma_start3A_81 = tpu.memref_slice %arg8[%run_scoped3A_39, %dma_start3A_80] : memref<40x128xi32, #tpu.memory_space<vmem>> -> memref<1x128xi32, #tpu.memory_space<vmem>>
      %dma_start3A_82 = tpu.memref_squeeze %dma_start3A_81 : memref<1x128xi32, #tpu.memory_space<vmem>> -> memref<128xi32, #tpu.memory_space<vmem>>
      %dma_start3A_83 = arith.constant 0 : i32
      %dma_start3A_84 = arith.constant 0 : i32
      %dma_start3A_85 = tpu.memref_slice %arg11[%dma_start3A_83, %dma_start3A_84] : memref<10112x128xf32, #tpu.memory_space<vmem_shared>> -> memref<10112x128xf32, #tpu.memory_space<vmem_shared>>
      tpu.enqueue_indirect_dma source(%arg10 : memref<128x128xf32, #tpu.memory_space<vmem>>) target(%dma_start3A_85 : memref<10112x128xf32, #tpu.memory_space<vmem_shared>>) offsets(%dma_start3A_82 : memref<128xi32, #tpu.memory_space<vmem>>) semaphore(%run_scoped3A_79 : memref<!tpu.dma_semaphore, #tpu.memory_space<semaphore_mem>>) {add = true}
      %dma_wait3A_86 = arith.constant 0 : i32
      %dma_wait3A_87 = tpu.memref_slice %arg8[%run_scoped3A_39, %dma_wait3A_86] : memref<40x128xi32, #tpu.memory_space<vmem>> -> memref<1x128xi32, #tpu.memory_space<vmem>>
      %dma_wait3A_88 = tpu.memref_squeeze %dma_wait3A_87 : memref<1x128xi32, #tpu.memory_space<vmem>> -> memref<128xi32, #tpu.memory_space<vmem>>
      %dma_wait3A_89 = arith.constant 0 : i32
      %dma_wait3A_90 = arith.constant 0 : i32
      %dma_wait3A_91 = tpu.memref_slice %arg11[%dma_wait3A_89, %dma_wait3A_90] : memref<10112x128xf32, #tpu.memory_space<vmem_shared>> -> memref<10112x128xf32, #tpu.memory_space<vmem_shared>>
      tpu.wait_indirect_dma semaphore(%run_scoped3A_79 : memref<!tpu.dma_semaphore, #tpu.memory_space<semaphore_mem>>) src(%arg10 : memref<128x128xf32, #tpu.memory_space<vmem>>) dst(%dma_wait3A_91 : memref<10112x128xf32, #tpu.memory_space<vmem_shared>>)
      tpu.yield
    }) : () -> ()
    %add3A_40 = arith.constant 40 : i32
    %add3A_41 = arith.addi %multiple_of3A_5, %add3A_40 : i32
    %multiple_of3A_42 = tpu.assume_multiple %add3A_41, 8 : i32
    "tpu.region"() ({
      %run_scoped3A_79 = tpu.sem_alloc : memref<!tpu.dma_semaphore, #tpu.memory_space<semaphore_mem>>
      %dma_start3A_80 = arith.constant 0 : i32
      %dma_start3A_81 = tpu.memref_slice %arg3[%multiple_of3A_42, %dma_start3A_80] : memref<2560x128xi32, #tpu.memory_space<hbm>> -> memref<40x128xi32, #tpu.memory_space<hbm>>
      %dma_start3A_82 = arith.constant 0 : i32
      %dma_start3A_83 = tpu.memref_slice %arg3[%multiple_of3A_42, %dma_start3A_82] : memref<2560x128xi32, #tpu.memory_space<hbm>> -> memref<40x128xi32, #tpu.memory_space<hbm>>
      tpu.enqueue_dma source(%dma_start3A_83 : memref<40x128xi32, #tpu.memory_space<hbm>>) target(%arg7 : memref<40x128xi32, #tpu.memory_space<vmem>>) target_semaphore(%run_scoped3A_79 : memref<!tpu.dma_semaphore, #tpu.memory_space<semaphore_mem>>)
      %dma_wait3A_84 = arith.constant 0 : i32
      %dma_wait3A_85 = tpu.memref_slice %arg3[%multiple_of3A_42, %dma_wait3A_84] : memref<2560x128xi32, #tpu.memory_space<hbm>> -> memref<40x128xi32, #tpu.memory_space<hbm>>
      %dma_wait3A_86 = arith.constant 0 : i32
      %dma_wait3A_87 = tpu.memref_slice %arg3[%multiple_of3A_42, %dma_wait3A_86] : memref<2560x128xi32, #tpu.memory_space<hbm>> -> memref<40x128xi32, #tpu.memory_space<hbm>>
      tpu.wait_dma2 semaphore(%run_scoped3A_79 : memref<!tpu.dma_semaphore, #tpu.memory_space<semaphore_mem>>) src(%dma_wait3A_87 : memref<40x128xi32, #tpu.memory_space<hbm>>) dst(%arg7 : memref<40x128xi32, #tpu.memory_space<vmem>>)
      tpu.yield
    }) : () -> ()
    "tpu.region"() ({
      %run_scoped3A_79 = tpu.sem_alloc : memref<!tpu.dma_semaphore, #tpu.memory_space<semaphore_mem>>
      %dma_start3A_80 = arith.constant 0 : i32
      %dma_start3A_81 = tpu.memref_slice %arg4[%multiple_of3A_42, %dma_start3A_80] : memref<2560x128xi32, #tpu.memory_space<hbm>> -> memref<40x128xi32, #tpu.memory_space<hbm>>
      %dma_start3A_82 = arith.constant 0 : i32
      %dma_start3A_83 = tpu.memref_slice %arg4[%multiple_of3A_42, %dma_start3A_82] : memref<2560x128xi32, #tpu.memory_space<hbm>> -> memref<40x128xi32, #tpu.memory_space<hbm>>
      tpu.enqueue_dma source(%dma_start3A_83 : memref<40x128xi32, #tpu.memory_space<hbm>>) target(%arg8 : memref<40x128xi32, #tpu.memory_space<vmem>>) target_semaphore(%run_scoped3A_79 : memref<!tpu.dma_semaphore, #tpu.memory_space<semaphore_mem>>)
      %dma_wait3A_84 = arith.constant 0 : i32
      %dma_wait3A_85 = tpu.memref_slice %arg4[%multiple_of3A_42, %dma_wait3A_84] : memref<2560x128xi32, #tpu.memory_space<hbm>> -> memref<40x128xi32, #tpu.memory_space<hbm>>
      %dma_wait3A_86 = arith.constant 0 : i32
      %dma_wait3A_87 = tpu.memref_slice %arg4[%multiple_of3A_42, %dma_wait3A_86] : memref<2560x128xi32, #tpu.memory_space<hbm>> -> memref<40x128xi32, #tpu.memory_space<hbm>>
      tpu.wait_dma2 semaphore(%run_scoped3A_79 : memref<!tpu.dma_semaphore, #tpu.memory_space<semaphore_mem>>) src(%dma_wait3A_87 : memref<40x128xi32, #tpu.memory_space<hbm>>) dst(%arg8 : memref<40x128xi32, #tpu.memory_space<vmem>>)
      tpu.yield
    }) : () -> ()
    %dma_start3A_43 = arith.constant 0 : i32
    %dma_start3A_44 = arith.constant 0 : i32
    %dma_start3A_45 = tpu.memref_slice %arg7[%dma_start3A_43, %dma_start3A_44] : memref<40x128xi32, #tpu.memory_space<vmem>> -> memref<1x128xi32, #tpu.memory_space<vmem>>
    %dma_start3A_46 = tpu.memref_squeeze %dma_start3A_45 : memref<1x128xi32, #tpu.memory_space<vmem>> -> memref<128xi32, #tpu.memory_space<vmem>>
    %dma_start3A_47 = arith.constant 0 : i32
    %dma_start3A_48 = arith.constant 0 : i32
    %dma_start3A_49 = tpu.memref_slice %arg2[%dma_start3A_47, %dma_start3A_48] : memref<10000x128xf32, #tpu.memory_space<hbm>> -> memref<10000x128xf32, #tpu.memory_space<hbm>>
    tpu.enqueue_indirect_dma source(%dma_start3A_49 : memref<10000x128xf32, #tpu.memory_space<hbm>>) target(%arg9 : memref<128x128xf32, #tpu.memory_space<vmem>>) offsets(%dma_start3A_46 : memref<128xi32, #tpu.memory_space<vmem>>) semaphore(%arg12 : memref<!tpu.dma_semaphore, #tpu.memory_space<semaphore_mem>>)
    %scan3A_50 = arith.constant 0 : i32
    %scan3A_51 = arith.constant 19 : i32
    %scan3A_52 = arith.addi %scan3A_50, %scan3A_51 : i32
    %scan3A_53 = arith.constant 1 : i32
    scf.for %scan3A_79 = %scan3A_50 to %scan3A_52 step %scan3A_53  : i32 {
      %mul3A_80 = arith.constant 1 : i32
      %mul3A_81 = arith.muli %scan3A_79, %mul3A_80 : i32
      %add3A_82 = arith.constant 0 : i32
      %add3A_83 = arith.addi %add3A_82, %mul3A_81 : i32
      %mul3A_84 = arith.constant 2 : i32
      %mul3A_85 = arith.muli %add3A_83, %mul3A_84 : i32
      %dma_wait3A_86 = arith.constant 0 : i32
      %dma_wait3A_87 = tpu.memref_slice %arg7[%mul3A_85, %dma_wait3A_86] : memref<40x128xi32, #tpu.memory_space<vmem>> -> memref<1x128xi32, #tpu.memory_space<vmem>>
      %dma_wait3A_88 = tpu.memref_squeeze %dma_wait3A_87 : memref<1x128xi32, #tpu.memory_space<vmem>> -> memref<128xi32, #tpu.memory_space<vmem>>
      %dma_wait3A_89 = arith.constant 0 : i32
      %dma_wait3A_90 = arith.constant 0 : i32
      %dma_wait3A_91 = tpu.memref_slice %arg2[%dma_wait3A_89, %dma_wait3A_90] : memref<10000x128xf32, #tpu.memory_space<hbm>> -> memref<10000x128xf32, #tpu.memory_space<hbm>>
      tpu.wait_indirect_dma semaphore(%arg12 : memref<!tpu.dma_semaphore, #tpu.memory_space<semaphore_mem>>) src(%dma_wait3A_91 : memref<10000x128xf32, #tpu.memory_space<hbm>>) dst(%arg9 : memref<128x128xf32, #tpu.memory_space<vmem>>)
      %add3A_92 = arith.constant 1 : i32
      %add3A_93 = arith.addi %mul3A_85, %add3A_92 : i32
      %dma_start3A_94 = arith.constant 0 : i32
      %dma_start3A_95 = tpu.memref_slice %arg7[%add3A_93, %dma_start3A_94] : memref<40x128xi32, #tpu.memory_space<vmem>> -> memref<1x128xi32, #tpu.memory_space<vmem>>
      %dma_start3A_96 = tpu.memref_squeeze %dma_start3A_95 : memref<1x128xi32, #tpu.memory_space<vmem>> -> memref<128xi32, #tpu.memory_space<vmem>>
      %dma_start3A_97 = arith.constant 0 : i32
      %dma_start3A_98 = arith.constant 0 : i32
      %dma_start3A_99 = tpu.memref_slice %arg2[%dma_start3A_97, %dma_start3A_98] : memref<10000x128xf32, #tpu.memory_space<hbm>> -> memref<10000x128xf32, #tpu.memory_space<hbm>>
      tpu.enqueue_indirect_dma source(%dma_start3A_99 : memref<10000x128xf32, #tpu.memory_space<hbm>>) target(%arg10 : memref<128x128xf32, #tpu.memory_space<vmem>>) offsets(%dma_start3A_96 : memref<128xi32, #tpu.memory_space<vmem>>) semaphore(%arg13 : memref<!tpu.dma_semaphore, #tpu.memory_space<semaphore_mem>>)
      "tpu.region"() ({
        %run_scoped3A_118 = tpu.sem_alloc : memref<!tpu.dma_semaphore, #tpu.memory_space<semaphore_mem>>
        %dma_start3A_119 = arith.constant 0 : i32
        %dma_start3A_120 = tpu.memref_slice %arg8[%mul3A_85, %dma_start3A_119] : memref<40x128xi32, #tpu.memory_space<vmem>> -> memref<1x128xi32, #tpu.memory_space<vmem>>
        %dma_start3A_121 = tpu.memref_squeeze %dma_start3A_120 : memref<1x128xi32, #tpu.memory_space<vmem>> -> memref<128xi32, #tpu.memory_space<vmem>>
        %dma_start3A_122 = arith.constant 0 : i32
        %dma_start3A_123 = arith.constant 0 : i32
        %dma_start3A_124 = tpu.memref_slice %arg11[%dma_start3A_122, %dma_start3A_123] : memref<10112x128xf32, #tpu.memory_space<vmem_shared>> -> memref<10112x128xf32, #tpu.memory_space<vmem_shared>>
        tpu.enqueue_indirect_dma source(%arg9 : memref<128x128xf32, #tpu.memory_space<vmem>>) target(%dma_start3A_124 : memref<10112x128xf32, #tpu.memory_space<vmem_shared>>) offsets(%dma_start3A_121 : memref<128xi32, #tpu.memory_space<vmem>>) semaphore(%run_scoped3A_118 : memref<!tpu.dma_semaphore, #tpu.memory_space<semaphore_mem>>) {add = true}
        %dma_wait3A_125 = arith.constant 0 : i32
        %dma_wait3A_126 = tpu.memref_slice %arg8[%mul3A_85, %dma_wait3A_125] : memref<40x128xi32, #tpu.memory_space<vmem>> -> memref<1x128xi32, #tpu.memory_space<vmem>>
        %dma_wait3A_127 = tpu.memref_squeeze %dma_wait3A_126 : memref<1x128xi32, #tpu.memory_space<vmem>> -> memref<128xi32, #tpu.memory_space<vmem>>
        %dma_wait3A_128 = arith.constant 0 : i32
        %dma_wait3A_129 = arith.constant 0 : i32
        %dma_wait3A_130 = tpu.memref_slice %arg11[%dma_wait3A_128, %dma_wait3A_129] : memref<10112x128xf32, #tpu.memory_space<vmem_shared>> -> memref<10112x128xf32, #tpu.memory_space<vmem_shared>>
        tpu.wait_indirect_dma semaphore(%run_scoped3A_118 : memref<!tpu.dma_semaphore, #tpu.memory_space<semaphore_mem>>) src(%arg9 : memref<128x128xf32, #tpu.memory_space<vmem>>) dst(%dma_wait3A_130 : memref<10112x128xf32, #tpu.memory_space<vmem_shared>>)
        tpu.yield
      }) : () -> ()
      %add3A_100 = arith.constant 1 : i32
      %add3A_101 = arith.addi %mul3A_85, %add3A_100 : i32
      %dma_wait3A_102 = arith.constant 0 : i32
      %dma_wait3A_103 = tpu.memref_slice %arg7[%add3A_101, %dma_wait3A_102] : memref<40x128xi32, #tpu.memory_space<vmem>> -> memref<1x128xi32, #tpu.memory_space<vmem>>
      %dma_wait3A_104 = tpu.memref_squeeze %dma_wait3A_103 : memref<1x128xi32, #tpu.memory_space<vmem>> -> memref<128xi32, #tpu.memory_space<vmem>>
      %dma_wait3A_105 = arith.constant 0 : i32
      %dma_wait3A_106 = arith.constant 0 : i32
      %dma_wait3A_107 = tpu.memref_slice %arg2[%dma_wait3A_105, %dma_wait3A_106] : memref<10000x128xf32, #tpu.memory_space<hbm>> -> memref<10000x128xf32, #tpu.memory_space<hbm>>
      tpu.wait_indirect_dma semaphore(%arg13 : memref<!tpu.dma_semaphore, #tpu.memory_space<semaphore_mem>>) src(%dma_wait3A_107 : memref<10000x128xf32, #tpu.memory_space<hbm>>) dst(%arg10 : memref<128x128xf32, #tpu.memory_space<vmem>>)
      %add3A_108 = arith.constant 2 : i32
      %add3A_109 = arith.addi %mul3A_85, %add3A_108 : i32
      %dma_start3A_110 = arith.constant 0 : i32
      %dma_start3A_111 = tpu.memref_slice %arg7[%add3A_109, %dma_start3A_110] : memref<40x128xi32, #tpu.memory_space<vmem>> -> memref<1x128xi32, #tpu.memory_space<vmem>>
      %dma_start3A_112 = tpu.memref_squeeze %dma_start3A_111 : memref<1x128xi32, #tpu.memory_space<vmem>> -> memref<128xi32, #tpu.memory_space<vmem>>
      %dma_start3A_113 = arith.constant 0 : i32
      %dma_start3A_114 = arith.constant 0 : i32
      %dma_start3A_115 = tpu.memref_slice %arg2[%dma_start3A_113, %dma_start3A_114] : memref<10000x128xf32, #tpu.memory_space<hbm>> -> memref<10000x128xf32, #tpu.memory_space<hbm>>
      tpu.enqueue_indirect_dma source(%dma_start3A_115 : memref<10000x128xf32, #tpu.memory_space<hbm>>) target(%arg9 : memref<128x128xf32, #tpu.memory_space<vmem>>) offsets(%dma_start3A_112 : memref<128xi32, #tpu.memory_space<vmem>>) semaphore(%arg12 : memref<!tpu.dma_semaphore, #tpu.memory_space<semaphore_mem>>)
      %add3A_116 = arith.constant 1 : i32
      %add3A_117 = arith.addi %mul3A_85, %add3A_116 : i32
      "tpu.region"() ({
        %run_scoped3A_118 = tpu.sem_alloc : memref<!tpu.dma_semaphore, #tpu.memory_space<semaphore_mem>>
        %dma_start3A_119 = arith.constant 0 : i32
        %dma_start3A_120 = tpu.memref_slice %arg8[%add3A_117, %dma_start3A_119] : memref<40x128xi32, #tpu.memory_space<vmem>> -> memref<1x128xi32, #tpu.memory_space<vmem>>
        %dma_start3A_121 = tpu.memref_squeeze %dma_start3A_120 : memref<1x128xi32, #tpu.memory_space<vmem>> -> memref<128xi32, #tpu.memory_space<vmem>>
        %dma_start3A_122 = arith.constant 0 : i32
        %dma_start3A_123 = arith.constant 0 : i32
        %dma_start3A_124 = tpu.memref_slice %arg11[%dma_start3A_122, %dma_start3A_123] : memref<10112x128xf32, #tpu.memory_space<vmem_shared>> -> memref<10112x128xf32, #tpu.memory_space<vmem_shared>>
        tpu.enqueue_indirect_dma source(%arg10 : memref<128x128xf32, #tpu.memory_space<vmem>>) target(%dma_start3A_124 : memref<10112x128xf32, #tpu.memory_space<vmem_shared>>) offsets(%dma_start3A_121 : memref<128xi32, #tpu.memory_space<vmem>>) semaphore(%run_scoped3A_118 : memref<!tpu.dma_semaphore, #tpu.memory_space<semaphore_mem>>) {add = true}
        %dma_wait3A_125 = arith.constant 0 : i32
        %dma_wait3A_126 = tpu.memref_slice %arg8[%add3A_117, %dma_wait3A_125] : memref<40x128xi32, #tpu.memory_space<vmem>> -> memref<1x128xi32, #tpu.memory_space<vmem>>
        %dma_wait3A_127 = tpu.memref_squeeze %dma_wait3A_126 : memref<1x128xi32, #tpu.memory_space<vmem>> -> memref<128xi32, #tpu.memory_space<vmem>>
        %dma_wait3A_128 = arith.constant 0 : i32
        %dma_wait3A_129 = arith.constant 0 : i32
        %dma_wait3A_130 = tpu.memref_slice %arg11[%dma_wait3A_128, %dma_wait3A_129] : memref<10112x128xf32, #tpu.memory_space<vmem_shared>> -> memref<10112x128xf32, #tpu.memory_space<vmem_shared>>
        tpu.wait_indirect_dma semaphore(%run_scoped3A_118 : memref<!tpu.dma_semaphore, #tpu.memory_space<semaphore_mem>>) src(%arg10 : memref<128x128xf32, #tpu.memory_space<vmem>>) dst(%dma_wait3A_130 : memref<10112x128xf32, #tpu.memory_space<vmem_shared>>)
        tpu.yield
      }) : () -> ()
    }
    %scan3A_54 = arith.constant 19 : i32
    %dma_wait3A_55 = arith.constant 38 : i32
    %dma_wait3A_56 = arith.constant 0 : i32
    %dma_wait3A_57 = tpu.memref_slice %arg7[%dma_wait3A_55, %dma_wait3A_56] : memref<40x128xi32, #tpu.memory_space<vmem>> -> memref<1x128xi32, #tpu.memory_space<vmem>>
    %dma_wait3A_58 = tpu.memref_squeeze %dma_wait3A_57 : memref<1x128xi32, #tpu.memory_space<vmem>> -> memref<128xi32, #tpu.memory_space<vmem>>
    %dma_wait3A_59 = arith.constant 0 : i32
    %dma_wait3A_60 = arith.constant 0 : i32
    %dma_wait3A_61 = tpu.memref_slice %arg2[%dma_wait3A_59, %dma_wait3A_60] : memref<10000x128xf32, #tpu.memory_space<hbm>> -> memref<10000x128xf32, #tpu.memory_space<hbm>>
    tpu.wait_indirect_dma semaphore(%arg12 : memref<!tpu.dma_semaphore, #tpu.memory_space<semaphore_mem>>) src(%dma_wait3A_61 : memref<10000x128xf32, #tpu.memory_space<hbm>>) dst(%arg9 : memref<128x128xf32, #tpu.memory_space<vmem>>)
    %dma_start3A_62 = arith.constant 39 : i32
    %dma_start3A_63 = arith.constant 0 : i32
    %dma_start3A_64 = tpu.memref_slice %arg7[%dma_start3A_62, %dma_start3A_63] : memref<40x128xi32, #tpu.memory_space<vmem>> -> memref<1x128xi32, #tpu.memory_space<vmem>>
    %dma_start3A_65 = tpu.memref_squeeze %dma_start3A_64 : memref<1x128xi32, #tpu.memory_space<vmem>> -> memref<128xi32, #tpu.memory_space<vmem>>
    %dma_start3A_66 = arith.constant 0 : i32
    %dma_start3A_67 = arith.constant 0 : i32
    %dma_start3A_68 = tpu.memref_slice %arg2[%dma_start3A_66, %dma_start3A_67] : memref<10000x128xf32, #tpu.memory_space<hbm>> -> memref<10000x128xf32, #tpu.memory_space<hbm>>
    tpu.enqueue_indirect_dma source(%dma_start3A_68 : memref<10000x128xf32, #tpu.memory_space<hbm>>) target(%arg10 : memref<128x128xf32, #tpu.memory_space<vmem>>) offsets(%dma_start3A_65 : memref<128xi32, #tpu.memory_space<vmem>>) semaphore(%arg13 : memref<!tpu.dma_semaphore, #tpu.memory_space<semaphore_mem>>)
    %run_scoped3A_69 = arith.constant 38 : i32
    "tpu.region"() ({
      %run_scoped3A_79 = tpu.sem_alloc : memref<!tpu.dma_semaphore, #tpu.memory_space<semaphore_mem>>
      %dma_start3A_80 = arith.constant 0 : i32
      %dma_start3A_81 = tpu.memref_slice %arg8[%run_scoped3A_69, %dma_start3A_80] : memref<40x128xi32, #tpu.memory_space<vmem>> -> memref<1x128xi32, #tpu.memory_space<vmem>>
      %dma_start3A_82 = tpu.memref_squeeze %dma_start3A_81 : memref<1x128xi32, #tpu.memory_space<vmem>> -> memref<128xi32, #tpu.memory_space<vmem>>
      %dma_start3A_83 = arith.constant 0 : i32
      %dma_start3A_84 = arith.constant 0 : i32
      %dma_start3A_85 = tpu.memref_slice %arg11[%dma_start3A_83, %dma_start3A_84] : memref<10112x128xf32, #tpu.memory_space<vmem_shared>> -> memref<10112x128xf32, #tpu.memory_space<vmem_shared>>
      tpu.enqueue_indirect_dma source(%arg9 : memref<128x128xf32, #tpu.memory_space<vmem>>) target(%dma_start3A_85 : memref<10112x128xf32, #tpu.memory_space<vmem_shared>>) offsets(%dma_start3A_82 : memref<128xi32, #tpu.memory_space<vmem>>) semaphore(%run_scoped3A_79 : memref<!tpu.dma_semaphore, #tpu.memory_space<semaphore_mem>>) {add = true}
      %dma_wait3A_86 = arith.constant 0 : i32
      %dma_wait3A_87 = tpu.memref_slice %arg8[%run_scoped3A_69, %dma_wait3A_86] : memref<40x128xi32, #tpu.memory_space<vmem>> -> memref<1x128xi32, #tpu.memory_space<vmem>>
      %dma_wait3A_88 = tpu.memref_squeeze %dma_wait3A_87 : memref<1x128xi32, #tpu.memory_space<vmem>> -> memref<128xi32, #tpu.memory_space<vmem>>
      %dma_wait3A_89 = arith.constant 0 : i32
      %dma_wait3A_90 = arith.constant 0 : i32
      %dma_wait3A_91 = tpu.memref_slice %arg11[%dma_wait3A_89, %dma_wait3A_90] : memref<10112x128xf32, #tpu.memory_space<vmem_shared>> -> memref<10112x128xf32, #tpu.memory_space<vmem_shared>>
      tpu.wait_indirect_dma semaphore(%run_scoped3A_79 : memref<!tpu.dma_semaphore, #tpu.memory_space<semaphore_mem>>) src(%arg9 : memref<128x128xf32, #tpu.memory_space<vmem>>) dst(%dma_wait3A_91 : memref<10112x128xf32, #tpu.memory_space<vmem_shared>>)
      tpu.yield
    }) : () -> ()
    %dma_wait3A_70 = arith.constant 39 : i32
    %dma_wait3A_71 = arith.constant 0 : i32
    %dma_wait3A_72 = tpu.memref_slice %arg7[%dma_wait3A_70, %dma_wait3A_71] : memref<40x128xi32, #tpu.memory_space<vmem>> -> memref<1x128xi32, #tpu.memory_space<vmem>>
    %dma_wait3A_73 = tpu.memref_squeeze %dma_wait3A_72 : memref<1x128xi32, #tpu.memory_space<vmem>> -> memref<128xi32, #tpu.memory_space<vmem>>
    %dma_wait3A_74 = arith.constant 0 : i32
    %dma_wait3A_75 = arith.constant 0 : i32
    %dma_wait3A_76 = tpu.memref_slice %arg2[%dma_wait3A_74, %dma_wait3A_75] : memref<10000x128xf32, #tpu.memory_space<hbm>> -> memref<10000x128xf32, #tpu.memory_space<hbm>>
    tpu.wait_indirect_dma semaphore(%arg13 : memref<!tpu.dma_semaphore, #tpu.memory_space<semaphore_mem>>) src(%dma_wait3A_76 : memref<10000x128xf32, #tpu.memory_space<hbm>>) dst(%arg10 : memref<128x128xf32, #tpu.memory_space<vmem>>)
    %run_scoped3A_77 = arith.constant 39 : i32
    "tpu.region"() ({
      %run_scoped3A_79 = tpu.sem_alloc : memref<!tpu.dma_semaphore, #tpu.memory_space<semaphore_mem>>
      %dma_start3A_80 = arith.constant 0 : i32
      %dma_start3A_81 = tpu.memref_slice %arg8[%run_scoped3A_77, %dma_start3A_80] : memref<40x128xi32, #tpu.memory_space<vmem>> -> memref<1x128xi32, #tpu.memory_space<vmem>>
      %dma_start3A_82 = tpu.memref_squeeze %dma_start3A_81 : memref<1x128xi32, #tpu.memory_space<vmem>> -> memref<128xi32, #tpu.memory_space<vmem>>
      %dma_start3A_83 = arith.constant 0 : i32
      %dma_start3A_84 = arith.constant 0 : i32
      %dma_start3A_85 = tpu.memref_slice %arg11[%dma_start3A_83, %dma_start3A_84] : memref<10112x128xf32, #tpu.memory_space<vmem_shared>> -> memref<10112x128xf32, #tpu.memory_space<vmem_shared>>
      tpu.enqueue_indirect_dma source(%arg10 : memref<128x128xf32, #tpu.memory_space<vmem>>) target(%dma_start3A_85 : memref<10112x128xf32, #tpu.memory_space<vmem_shared>>) offsets(%dma_start3A_82 : memref<128xi32, #tpu.memory_space<vmem>>) semaphore(%run_scoped3A_79 : memref<!tpu.dma_semaphore, #tpu.memory_space<semaphore_mem>>) {add = true}
      %dma_wait3A_86 = arith.constant 0 : i32
      %dma_wait3A_87 = tpu.memref_slice %arg8[%run_scoped3A_77, %dma_wait3A_86] : memref<40x128xi32, #tpu.memory_space<vmem>> -> memref<1x128xi32, #tpu.memory_space<vmem>>
      %dma_wait3A_88 = tpu.memref_squeeze %dma_wait3A_87 : memref<1x128xi32, #tpu.memory_space<vmem>> -> memref<128xi32, #tpu.memory_space<vmem>>
      %dma_wait3A_89 = arith.constant 0 : i32
      %dma_wait3A_90 = arith.constant 0 : i32
      %dma_wait3A_91 = tpu.memref_slice %arg11[%dma_wait3A_89, %dma_wait3A_90] : memref<10112x128xf32, #tpu.memory_space<vmem_shared>> -> memref<10112x128xf32, #tpu.memory_space<vmem_shared>>
      tpu.wait_indirect_dma semaphore(%run_scoped3A_79 : memref<!tpu.dma_semaphore, #tpu.memory_space<semaphore_mem>>) src(%arg10 : memref<128x128xf32, #tpu.memory_space<vmem>>) dst(%dma_wait3A_91 : memref<10112x128xf32, #tpu.memory_space<vmem_shared>>)
      tpu.yield
    }) : () -> ()
    %barrier3A_78 = arith.constant 0 : index
    tpu.barrier barrier_id(%barrier3A_78)
    "tpu.region"() ({
      %run_scoped3A_79 = tpu.sem_alloc : memref<!tpu.dma_semaphore, #tpu.memory_space<semaphore_mem>>
      %dma_start3A_80 = arith.constant 0 : i32
      %dma_start3A_81 = tpu.memref_slice %arg6[%arg0, %multiple_of3A, %dma_start3A_80] : memref<2x10112x128xf32, #tpu.memory_space<hbm>> -> memref<1x632x128xf32, #tpu.memory_space<hbm>>
      %dma_start3A_82 = tpu.memref_squeeze %dma_start3A_81 : memref<1x632x128xf32, #tpu.memory_space<hbm>> -> memref<632x128xf32, #tpu.memory_space<hbm>>
      %dma_start3A_83 = arith.constant 0 : i32
      %dma_start3A_84 = tpu.memref_slice %arg11[%multiple_of3A, %dma_start3A_83] : memref<10112x128xf32, #tpu.memory_space<vmem_shared>> -> memref<632x128xf32, #tpu.memory_space<vmem_shared>>
      tpu.enqueue_dma source(%dma_start3A_84 : memref<632x128xf32, #tpu.memory_space<vmem_shared>>) target(%dma_start3A_82 : memref<632x128xf32, #tpu.memory_space<hbm>>) target_semaphore(%run_scoped3A_79 : memref<!tpu.dma_semaphore, #tpu.memory_space<semaphore_mem>>)
      %dma_wait3A_85 = arith.constant 0 : i32
      %dma_wait3A_86 = tpu.memref_slice %arg6[%arg0, %multiple_of3A, %dma_wait3A_85] : memref<2x10112x128xf32, #tpu.memory_space<hbm>> -> memref<1x632x128xf32, #tpu.memory_space<hbm>>
      %dma_wait3A_87 = tpu.memref_squeeze %dma_wait3A_86 : memref<1x632x128xf32, #tpu.memory_space<hbm>> -> memref<632x128xf32, #tpu.memory_space<hbm>>
      %dma_wait3A_88 = arith.constant 0 : i32
      %dma_wait3A_89 = tpu.memref_slice %arg11[%multiple_of3A, %dma_wait3A_88] : memref<10112x128xf32, #tpu.memory_space<vmem_shared>> -> memref<632x128xf32, #tpu.memory_space<vmem_shared>>
      tpu.wait_dma2 semaphore(%run_scoped3A_79 : memref<!tpu.dma_semaphore, #tpu.memory_space<semaphore_mem>>) src(%dma_wait3A_89 : memref<632x128xf32, #tpu.memory_space<vmem_shared>>) dst(%dma_wait3A_87 : memref<632x128xf32, #tpu.memory_space<hbm>>)
      tpu.yield
    }) : () -> ()
    return
  }
}

#map = affine_map<(d0, d1) -> (0, 0)>
#map1 = affine_map<(d0, d1) -> (0, 0, 0)>
module attributes {stable_mosaic.version = 14 : i64} {
  func.func @seg_sum(%arg0: i32, %arg1: i32, %arg2: memref<10000x128xf32, #tpu.memory_space<hbm>>, %arg3: memref<2560x128xi32, #tpu.memory_space<hbm>>, %arg4: memref<2560x128xi32, #tpu.memory_space<hbm>>, %arg5: memref<10112x128xf32, #tpu.memory_space<hbm>>, %arg6: memref<2x10112x128xf32, #tpu.memory_space<hbm>>, %arg7: memref<40x128xi32, #tpu.memory_space<vmem>>, %arg8: memref<40x128xi32, #tpu.memory_space<vmem>>, %arg9: memref<128x128xf32, #tpu.memory_space<vmem>>, %arg10: memref<128x128xf32, #tpu.memory_space<vmem>>, %arg11: memref<10112x128xf32, #tpu.memory_space<vmem_shared>>, %arg12: memref<!tpu.dma_semaphore, #tpu.memory_space<semaphore_mem>>, %arg13: memref<!tpu.dma_semaphore, #tpu.memory_space<semaphore_mem>>) attributes {dimension_semantics = [#tpu.dimension_semantics<core_parallel>, #tpu.dimension_semantics<subcore_parallel>], iteration_bounds = array<i64: 2, 16>, scalar_prefetch = 0 : i64, scratch_operands = 7 : i64, tpu.core_type = #tpu.core_type<sc_vector_subcore>, window_params = [{transform_indices = #map}, {transform_indices = #map}, {transform_indices = #map}, {transform_indices = #map}, {transform_indices = #map1}]} {
    %mul3A = arith.constant 632 : i32
    %mul3A_0 = arith.muli %arg1, %mul3A : i32
    %multiple_of3A = tpu.assume_multiple %mul3A_0, 8 : i32
    %mul3A_1 = arith.constant 16 : i32
    %mul3A_2 = arith.muli %arg0, %mul3A_1 : i32
    %add3A = arith.addi %mul3A_2, %arg1 : i32
    %mul3A_3 = arith.constant 80 : i32
    %mul3A_4 = arith.muli %add3A, %mul3A_3 : i32
    %multiple_of3A_5 = tpu.assume_multiple %mul3A_4, 8 : i32
    "tpu.region"() ({
      %run_scoped3A_79 = tpu.sem_alloc : memref<!tpu.dma_semaphore, #tpu.memory_space<semaphore_mem>>
      %dma_start3A_80 = arith.constant 0 : i32
      %dma_start3A_81 = tpu.memref_slice %arg11[%multiple_of3A, %dma_start3A_80] : memref<10112x128xf32, #tpu.memory_space<vmem_shared>> -> memref<632x128xf32, #tpu.memory_space<vmem_shared>>
      %dma_start3A_82 = arith.constant 0 : i32
      %dma_start3A_83 = tpu.memref_slice %arg5[%multiple_of3A, %dma_start3A_82] : memref<10112x128xf32, #tpu.memory_space<hbm>> -> memref<632x128xf32, #tpu.memory_space<hbm>>
      tpu.enqueue_dma source(%dma_start3A_83 : memref<632x128xf32, #tpu.memory_space<hbm>>) target(%dma_start3A_81 : memref<632x128xf32, #tpu.memory_space<vmem_shared>>) target_semaphore(%run_scoped3A_79 : memref<!tpu.dma_semaphore, #tpu.memory_space<semaphore_mem>>)
      %dma_wait3A_84 = arith.constant 0 : i32
      %dma_wait3A_85 = tpu.memref_slice %arg11[%multiple_of3A, %dma_wait3A_84] : memref<10112x128xf32, #tpu.memory_space<vmem_shared>> -> memref<632x128xf32, #tpu.memory_space<vmem_shared>>
      %dma_wait3A_86 = arith.constant 0 : i32
      %dma_wait3A_87 = tpu.memref_slice %arg5[%multiple_of3A, %dma_wait3A_86] : memref<10112x128xf32, #tpu.memory_space<hbm>> -> memref<632x128xf32, #tpu.memory_space<hbm>>
      tpu.wait_dma2 semaphore(%run_scoped3A_79 : memref<!tpu.dma_semaphore, #tpu.memory_space<semaphore_mem>>) src(%dma_wait3A_87 : memref<632x128xf32, #tpu.memory_space<hbm>>) dst(%dma_wait3A_85 : memref<632x128xf32, #tpu.memory_space<vmem_shared>>)
      tpu.yield
    }) : () -> ()
    %barrier3A = arith.constant 0 : index
    tpu.barrier barrier_id(%barrier3A)
    %add3A_6 = arith.constant 0 : i32
    %add3A_7 = arith.addi %multiple_of3A_5, %add3A_6 : i32
    %multiple_of3A_8 = tpu.assume_multiple %add3A_7, 8 : i32
    "tpu.region"() ({
      %run_scoped3A_79 = tpu.sem_alloc : memref<!tpu.dma_semaphore, #tpu.memory_space<semaphore_mem>>
      %dma_start3A_80 = arith.constant 0 : i32
      %dma_start3A_81 = tpu.memref_slice %arg3[%multiple_of3A_8, %dma_start3A_80] : memref<2560x128xi32, #tpu.memory_space<hbm>> -> memref<40x128xi32, #tpu.memory_space<hbm>>
      %dma_start3A_82 = arith.constant 0 : i32
      %dma_start3A_83 = tpu.memref_slice %arg3[%multiple_of3A_8, %dma_start3A_82] : memref<2560x128xi32, #tpu.memory_space<hbm>> -> memref<40x128xi32, #tpu.memory_space<hbm>>
      tpu.enqueue_dma source(%dma_start3A_83 : memref<40x128xi32, #tpu.memory_space<hbm>>) target(%arg7 : memref<40x128xi32, #tpu.memory_space<vmem>>) target_semaphore(%run_scoped3A_79 : memref<!tpu.dma_semaphore, #tpu.memory_space<semaphore_mem>>)
      %dma_wait3A_84 = arith.constant 0 : i32
      %dma_wait3A_85 = tpu.memref_slice %arg3[%multiple_of3A_8, %dma_wait3A_84] : memref<2560x128xi32, #tpu.memory_space<hbm>> -> memref<40x128xi32, #tpu.memory_space<hbm>>
      %dma_wait3A_86 = arith.constant 0 : i32
      %dma_wait3A_87 = tpu.memref_slice %arg3[%multiple_of3A_8, %dma_wait3A_86] : memref<2560x128xi32, #tpu.memory_space<hbm>> -> memref<40x128xi32, #tpu.memory_space<hbm>>
      tpu.wait_dma2 semaphore(%run_scoped3A_79 : memref<!tpu.dma_semaphore, #tpu.memory_space<semaphore_mem>>) src(%dma_wait3A_87 : memref<40x128xi32, #tpu.memory_space<hbm>>) dst(%arg7 : memref<40x128xi32, #tpu.memory_space<vmem>>)
      tpu.yield
    }) : () -> ()
    "tpu.region"() ({
      %run_scoped3A_79 = tpu.sem_alloc : memref<!tpu.dma_semaphore, #tpu.memory_space<semaphore_mem>>
      %dma_start3A_80 = arith.constant 0 : i32
      %dma_start3A_81 = tpu.memref_slice %arg4[%multiple_of3A_8, %dma_start3A_80] : memref<2560x128xi32, #tpu.memory_space<hbm>> -> memref<40x128xi32, #tpu.memory_space<hbm>>
      %dma_start3A_82 = arith.constant 0 : i32
      %dma_start3A_83 = tpu.memref_slice %arg4[%multiple_of3A_8, %dma_start3A_82] : memref<2560x128xi32, #tpu.memory_space<hbm>> -> memref<40x128xi32, #tpu.memory_space<hbm>>
      tpu.enqueue_dma source(%dma_start3A_83 : memref<40x128xi32, #tpu.memory_space<hbm>>) target(%arg8 : memref<40x128xi32, #tpu.memory_space<vmem>>) target_semaphore(%run_scoped3A_79 : memref<!tpu.dma_semaphore, #tpu.memory_space<semaphore_mem>>)
      %dma_wait3A_84 = arith.constant 0 : i32
      %dma_wait3A_85 = tpu.memref_slice %arg4[%multiple_of3A_8, %dma_wait3A_84] : memref<2560x128xi32, #tpu.memory_space<hbm>> -> memref<40x128xi32, #tpu.memory_space<hbm>>
      %dma_wait3A_86 = arith.constant 0 : i32
      %dma_wait3A_87 = tpu.memref_slice %arg4[%multiple_of3A_8, %dma_wait3A_86] : memref<2560x128xi32, #tpu.memory_space<hbm>> -> memref<40x128xi32, #tpu.memory_space<hbm>>
      tpu.wait_dma2 semaphore(%run_scoped3A_79 : memref<!tpu.dma_semaphore, #tpu.memory_space<semaphore_mem>>) src(%dma_wait3A_87 : memref<40x128xi32, #tpu.memory_space<hbm>>) dst(%arg8 : memref<40x128xi32, #tpu.memory_space<vmem>>)
      tpu.yield
    }) : () -> ()
    %dma_start3A = arith.constant 0 : i32
    %dma_start3A_9 = arith.constant 0 : i32
    %dma_start3A_10 = tpu.memref_slice %arg7[%dma_start3A, %dma_start3A_9] : memref<40x128xi32, #tpu.memory_space<vmem>> -> memref<1x128xi32, #tpu.memory_space<vmem>>
    %dma_start3A_11 = tpu.memref_squeeze %dma_start3A_10 : memref<1x128xi32, #tpu.memory_space<vmem>> -> memref<128xi32, #tpu.memory_space<vmem>>
    %dma_start3A_12 = arith.constant 0 : i32
    %dma_start3A_13 = arith.constant 0 : i32
    %dma_start3A_14 = tpu.memref_slice %arg2[%dma_start3A_12, %dma_start3A_13] : memref<10000x128xf32, #tpu.memory_space<hbm>> -> memref<10000x128xf32, #tpu.memory_space<hbm>>
    tpu.enqueue_indirect_dma source(%dma_start3A_14 : memref<10000x128xf32, #tpu.memory_space<hbm>>) target(%arg9 : memref<128x128xf32, #tpu.memory_space<vmem>>) offsets(%dma_start3A_11 : memref<128xi32, #tpu.memory_space<vmem>>) semaphore(%arg12 : memref<!tpu.dma_semaphore, #tpu.memory_space<semaphore_mem>>)
    %scan3A = arith.constant 0 : i32
    %scan3A_15 = arith.constant 19 : i32
    %scan3A_16 = arith.addi %scan3A, %scan3A_15 : i32
    %scan3A_17 = arith.constant 1 : i32
    scf.for %scan3A_79 = %scan3A to %scan3A_16 step %scan3A_17  : i32 {
      %mul3A_80 = arith.constant 1 : i32
      %mul3A_81 = arith.muli %scan3A_79, %mul3A_80 : i32
      %add3A_82 = arith.constant 0 : i32
      %add3A_83 = arith.addi %add3A_82, %mul3A_81 : i32
      %mul3A_84 = arith.constant 2 : i32
      %mul3A_85 = arith.muli %add3A_83, %mul3A_84 : i32
      %dma_wait3A_86 = arith.constant 0 : i32
      %dma_wait3A_87 = tpu.memref_slice %arg7[%mul3A_85, %dma_wait3A_86] : memref<40x128xi32, #tpu.memory_space<vmem>> -> memref<1x128xi32, #tpu.memory_space<vmem>>
      %dma_wait3A_88 = tpu.memref_squeeze %dma_wait3A_87 : memref<1x128xi32, #tpu.memory_space<vmem>> -> memref<128xi32, #tpu.memory_space<vmem>>
      %dma_wait3A_89 = arith.constant 0 : i32
      %dma_wait3A_90 = arith.constant 0 : i32
      %dma_wait3A_91 = tpu.memref_slice %arg2[%dma_wait3A_89, %dma_wait3A_90] : memref<10000x128xf32, #tpu.memory_space<hbm>> -> memref<10000x128xf32, #tpu.memory_space<hbm>>
      tpu.wait_indirect_dma semaphore(%arg12 : memref<!tpu.dma_semaphore, #tpu.memory_space<semaphore_mem>>) src(%dma_wait3A_91 : memref<10000x128xf32, #tpu.memory_space<hbm>>) dst(%arg9 : memref<128x128xf32, #tpu.memory_space<vmem>>)
      %add3A_92 = arith.constant 1 : i32
      %add3A_93 = arith.addi %mul3A_85, %add3A_92 : i32
      %dma_start3A_94 = arith.constant 0 : i32
      %dma_start3A_95 = tpu.memref_slice %arg7[%add3A_93, %dma_start3A_94] : memref<40x128xi32, #tpu.memory_space<vmem>> -> memref<1x128xi32, #tpu.memory_space<vmem>>
      %dma_start3A_96 = tpu.memref_squeeze %dma_start3A_95 : memref<1x128xi32, #tpu.memory_space<vmem>> -> memref<128xi32, #tpu.memory_space<vmem>>
      %dma_start3A_97 = arith.constant 0 : i32
      %dma_start3A_98 = arith.constant 0 : i32
      %dma_start3A_99 = tpu.memref_slice %arg2[%dma_start3A_97, %dma_start3A_98] : memref<10000x128xf32, #tpu.memory_space<hbm>> -> memref<10000x128xf32, #tpu.memory_space<hbm>>
      tpu.enqueue_indirect_dma source(%dma_start3A_99 : memref<10000x128xf32, #tpu.memory_space<hbm>>) target(%arg10 : memref<128x128xf32, #tpu.memory_space<vmem>>) offsets(%dma_start3A_96 : memref<128xi32, #tpu.memory_space<vmem>>) semaphore(%arg13 : memref<!tpu.dma_semaphore, #tpu.memory_space<semaphore_mem>>)
      "tpu.region"() ({
        %run_scoped3A_118 = tpu.sem_alloc : memref<!tpu.dma_semaphore, #tpu.memory_space<semaphore_mem>>
        %dma_start3A_119 = arith.constant 0 : i32
        %dma_start3A_120 = tpu.memref_slice %arg8[%mul3A_85, %dma_start3A_119] : memref<40x128xi32, #tpu.memory_space<vmem>> -> memref<1x128xi32, #tpu.memory_space<vmem>>
        %dma_start3A_121 = tpu.memref_squeeze %dma_start3A_120 : memref<1x128xi32, #tpu.memory_space<vmem>> -> memref<128xi32, #tpu.memory_space<vmem>>
        %dma_start3A_122 = arith.constant 0 : i32
        %dma_start3A_123 = arith.constant 0 : i32
        %dma_start3A_124 = tpu.memref_slice %arg11[%dma_start3A_122, %dma_start3A_123] : memref<10112x128xf32, #tpu.memory_space<vmem_shared>> -> memref<10112x128xf32, #tpu.memory_space<vmem_shared>>
        tpu.enqueue_indirect_dma source(%arg9 : memref<128x128xf32, #tpu.memory_space<vmem>>) target(%dma_start3A_124 : memref<10112x128xf32, #tpu.memory_space<vmem_shared>>) offsets(%dma_start3A_121 : memref<128xi32, #tpu.memory_space<vmem>>) semaphore(%run_scoped3A_118 : memref<!tpu.dma_semaphore, #tpu.memory_space<semaphore_mem>>) {add = true}
        %dma_wait3A_125 = arith.constant 0 : i32
        %dma_wait3A_126 = tpu.memref_slice %arg8[%mul3A_85, %dma_wait3A_125] : memref<40x128xi32, #tpu.memory_space<vmem>> -> memref<1x128xi32, #tpu.memory_space<vmem>>
        %dma_wait3A_127 = tpu.memref_squeeze %dma_wait3A_126 : memref<1x128xi32, #tpu.memory_space<vmem>> -> memref<128xi32, #tpu.memory_space<vmem>>
        %dma_wait3A_128 = arith.constant 0 : i32
        %dma_wait3A_129 = arith.constant 0 : i32
        %dma_wait3A_130 = tpu.memref_slice %arg11[%dma_wait3A_128, %dma_wait3A_129] : memref<10112x128xf32, #tpu.memory_space<vmem_shared>> -> memref<10112x128xf32, #tpu.memory_space<vmem_shared>>
        tpu.wait_indirect_dma semaphore(%run_scoped3A_118 : memref<!tpu.dma_semaphore, #tpu.memory_space<semaphore_mem>>) src(%arg9 : memref<128x128xf32, #tpu.memory_space<vmem>>) dst(%dma_wait3A_130 : memref<10112x128xf32, #tpu.memory_space<vmem_shared>>)
        tpu.yield
      }) : () -> ()
      %add3A_100 = arith.constant 1 : i32
      %add3A_101 = arith.addi %mul3A_85, %add3A_100 : i32
      %dma_wait3A_102 = arith.constant 0 : i32
      %dma_wait3A_103 = tpu.memref_slice %arg7[%add3A_101, %dma_wait3A_102] : memref<40x128xi32, #tpu.memory_space<vmem>> -> memref<1x128xi32, #tpu.memory_space<vmem>>
      %dma_wait3A_104 = tpu.memref_squeeze %dma_wait3A_103 : memref<1x128xi32, #tpu.memory_space<vmem>> -> memref<128xi32, #tpu.memory_space<vmem>>
      %dma_wait3A_105 = arith.constant 0 : i32
      %dma_wait3A_106 = arith.constant 0 : i32
      %dma_wait3A_107 = tpu.memref_slice %arg2[%dma_wait3A_105, %dma_wait3A_106] : memref<10000x128xf32, #tpu.memory_space<hbm>> -> memref<10000x128xf32, #tpu.memory_space<hbm>>
      tpu.wait_indirect_dma semaphore(%arg13 : memref<!tpu.dma_semaphore, #tpu.memory_space<semaphore_mem>>) src(%dma_wait3A_107 : memref<10000x128xf32, #tpu.memory_space<hbm>>) dst(%arg10 : memref<128x128xf32, #tpu.memory_space<vmem>>)
      %add3A_108 = arith.constant 2 : i32
      %add3A_109 = arith.addi %mul3A_85, %add3A_108 : i32
      %dma_start3A_110 = arith.constant 0 : i32
      %dma_start3A_111 = tpu.memref_slice %arg7[%add3A_109, %dma_start3A_110] : memref<40x128xi32, #tpu.memory_space<vmem>> -> memref<1x128xi32, #tpu.memory_space<vmem>>
      %dma_start3A_112 = tpu.memref_squeeze %dma_start3A_111 : memref<1x128xi32, #tpu.memory_space<vmem>> -> memref<128xi32, #tpu.memory_space<vmem>>
      %dma_start3A_113 = arith.constant 0 : i32
      %dma_start3A_114 = arith.constant 0 : i32
      %dma_start3A_115 = tpu.memref_slice %arg2[%dma_start3A_113, %dma_start3A_114] : memref<10000x128xf32, #tpu.memory_space<hbm>> -> memref<10000x128xf32, #tpu.memory_space<hbm>>
      tpu.enqueue_indirect_dma source(%dma_start3A_115 : memref<10000x128xf32, #tpu.memory_space<hbm>>) target(%arg9 : memref<128x128xf32, #tpu.memory_space<vmem>>) offsets(%dma_start3A_112 : memref<128xi32, #tpu.memory_space<vmem>>) semaphore(%arg12 : memref<!tpu.dma_semaphore, #tpu.memory_space<semaphore_mem>>)
      %add3A_116 = arith.constant 1 : i32
      %add3A_117 = arith.addi %mul3A_85, %add3A_116 : i32
      "tpu.region"() ({
        %run_scoped3A_118 = tpu.sem_alloc : memref<!tpu.dma_semaphore, #tpu.memory_space<semaphore_mem>>
        %dma_start3A_119 = arith.constant 0 : i32
        %dma_start3A_120 = tpu.memref_slice %arg8[%add3A_117, %dma_start3A_119] : memref<40x128xi32, #tpu.memory_space<vmem>> -> memref<1x128xi32, #tpu.memory_space<vmem>>
        %dma_start3A_121 = tpu.memref_squeeze %dma_start3A_120 : memref<1x128xi32, #tpu.memory_space<vmem>> -> memref<128xi32, #tpu.memory_space<vmem>>
        %dma_start3A_122 = arith.constant 0 : i32
        %dma_start3A_123 = arith.constant 0 : i32
        %dma_start3A_124 = tpu.memref_slice %arg11[%dma_start3A_122, %dma_start3A_123] : memref<10112x128xf32, #tpu.memory_space<vmem_shared>> -> memref<10112x128xf32, #tpu.memory_space<vmem_shared>>
        tpu.enqueue_indirect_dma source(%arg10 : memref<128x128xf32, #tpu.memory_space<vmem>>) target(%dma_start3A_124 : memref<10112x128xf32, #tpu.memory_space<vmem_shared>>) offsets(%dma_start3A_121 : memref<128xi32, #tpu.memory_space<vmem>>) semaphore(%run_scoped3A_118 : memref<!tpu.dma_semaphore, #tpu.memory_space<semaphore_mem>>) {add = true}
        %dma_wait3A_125 = arith.constant 0 : i32
        %dma_wait3A_126 = tpu.memref_slice %arg8[%add3A_117, %dma_wait3A_125] : memref<40x128xi32, #tpu.memory_space<vmem>> -> memref<1x128xi32, #tpu.memory_space<vmem>>
        %dma_wait3A_127 = tpu.memref_squeeze %dma_wait3A_126 : memref<1x128xi32, #tpu.memory_space<vmem>> -> memref<128xi32, #tpu.memory_space<vmem>>
        %dma_wait3A_128 = arith.constant 0 : i32
        %dma_wait3A_129 = arith.constant 0 : i32
        %dma_wait3A_130 = tpu.memref_slice %arg11[%dma_wait3A_128, %dma_wait3A_129] : memref<10112x128xf32, #tpu.memory_space<vmem_shared>> -> memref<10112x128xf32, #tpu.memory_space<vmem_shared>>
        tpu.wait_indirect_dma semaphore(%run_scoped3A_118 : memref<!tpu.dma_semaphore, #tpu.memory_space<semaphore_mem>>) src(%arg10 : memref<128x128xf32, #tpu.memory_space<vmem>>) dst(%dma_wait3A_130 : memref<10112x128xf32, #tpu.memory_space<vmem_shared>>)
        tpu.yield
      }) : () -> ()
    }
    %scan3A_18 = arith.constant 19 : i32
    %dma_wait3A = arith.constant 38 : i32
    %dma_wait3A_19 = arith.constant 0 : i32
    %dma_wait3A_20 = tpu.memref_slice %arg7[%dma_wait3A, %dma_wait3A_19] : memref<40x128xi32, #tpu.memory_space<vmem>> -> memref<1x128xi32, #tpu.memory_space<vmem>>
    %dma_wait3A_21 = tpu.memref_squeeze %dma_wait3A_20 : memref<1x128xi32, #tpu.memory_space<vmem>> -> memref<128xi32, #tpu.memory_space<vmem>>
    %dma_wait3A_22 = arith.constant 0 : i32
    %dma_wait3A_23 = arith.constant 0 : i32
    %dma_wait3A_24 = tpu.memref_slice %arg2[%dma_wait3A_22, %dma_wait3A_23] : memref<10000x128xf32, #tpu.memory_space<hbm>> -> memref<10000x128xf32, #tpu.memory_space<hbm>>
    tpu.wait_indirect_dma semaphore(%arg12 : memref<!tpu.dma_semaphore, #tpu.memory_space<semaphore_mem>>) src(%dma_wait3A_24 : memref<10000x128xf32, #tpu.memory_space<hbm>>) dst(%arg9 : memref<128x128xf32, #tpu.memory_space<vmem>>)
    %dma_start3A_25 = arith.constant 39 : i32
    %dma_start3A_26 = arith.constant 0 : i32
    %dma_start3A_27 = tpu.memref_slice %arg7[%dma_start3A_25, %dma_start3A_26] : memref<40x128xi32, #tpu.memory_space<vmem>> -> memref<1x128xi32, #tpu.memory_space<vmem>>
    %dma_start3A_28 = tpu.memref_squeeze %dma_start3A_27 : memref<1x128xi32, #tpu.memory_space<vmem>> -> memref<128xi32, #tpu.memory_space<vmem>>
    %dma_start3A_29 = arith.constant 0 : i32
    %dma_start3A_30 = arith.constant 0 : i32
    %dma_start3A_31 = tpu.memref_slice %arg2[%dma_start3A_29, %dma_start3A_30] : memref<10000x128xf32, #tpu.memory_space<hbm>> -> memref<10000x128xf32, #tpu.memory_space<hbm>>
    tpu.enqueue_indirect_dma source(%dma_start3A_31 : memref<10000x128xf32, #tpu.memory_space<hbm>>) target(%arg10 : memref<128x128xf32, #tpu.memory_space<vmem>>) offsets(%dma_start3A_28 : memref<128xi32, #tpu.memory_space<vmem>>) semaphore(%arg13 : memref<!tpu.dma_semaphore, #tpu.memory_space<semaphore_mem>>)
    %run_scoped3A = arith.constant 38 : i32
    "tpu.region"() ({
      %run_scoped3A_79 = tpu.sem_alloc : memref<!tpu.dma_semaphore, #tpu.memory_space<semaphore_mem>>
      %dma_start3A_80 = arith.constant 0 : i32
      %dma_start3A_81 = tpu.memref_slice %arg8[%run_scoped3A, %dma_start3A_80] : memref<40x128xi32, #tpu.memory_space<vmem>> -> memref<1x128xi32, #tpu.memory_space<vmem>>
      %dma_start3A_82 = tpu.memref_squeeze %dma_start3A_81 : memref<1x128xi32, #tpu.memory_space<vmem>> -> memref<128xi32, #tpu.memory_space<vmem>>
      %dma_start3A_83 = arith.constant 0 : i32
      %dma_start3A_84 = arith.constant 0 : i32
      %dma_start3A_85 = tpu.memref_slice %arg11[%dma_start3A_83, %dma_start3A_84] : memref<10112x128xf32, #tpu.memory_space<vmem_shared>> -> memref<10112x128xf32, #tpu.memory_space<vmem_shared>>
      tpu.enqueue_indirect_dma source(%arg9 : memref<128x128xf32, #tpu.memory_space<vmem>>) target(%dma_start3A_85 : memref<10112x128xf32, #tpu.memory_space<vmem_shared>>) offsets(%dma_start3A_82 : memref<128xi32, #tpu.memory_space<vmem>>) semaphore(%run_scoped3A_79 : memref<!tpu.dma_semaphore, #tpu.memory_space<semaphore_mem>>) {add = true}
      %dma_wait3A_86 = arith.constant 0 : i32
      %dma_wait3A_87 = tpu.memref_slice %arg8[%run_scoped3A, %dma_wait3A_86] : memref<40x128xi32, #tpu.memory_space<vmem>> -> memref<1x128xi32, #tpu.memory_space<vmem>>
      %dma_wait3A_88 = tpu.memref_squeeze %dma_wait3A_87 : memref<1x128xi32, #tpu.memory_space<vmem>> -> memref<128xi32, #tpu.memory_space<vmem>>
      %dma_wait3A_89 = arith.constant 0 : i32
      %dma_wait3A_90 = arith.constant 0 : i32
      %dma_wait3A_91 = tpu.memref_slice %arg11[%dma_wait3A_89, %dma_wait3A_90] : memref<10112x128xf32, #tpu.memory_space<vmem_shared>> -> memref<10112x128xf32, #tpu.memory_space<vmem_shared>>
      tpu.wait_indirect_dma semaphore(%run_scoped3A_79 : memref<!tpu.dma_semaphore, #tpu.memory_space<semaphore_mem>>) src(%arg9 : memref<128x128xf32, #tpu.memory_space<vmem>>) dst(%dma_wait3A_91 : memref<10112x128xf32, #tpu.memory_space<vmem_shared>>)
      tpu.yield
    }) : () -> ()
    %dma_wait3A_32 = arith.constant 39 : i32
    %dma_wait3A_33 = arith.constant 0 : i32
    %dma_wait3A_34 = tpu.memref_slice %arg7[%dma_wait3A_32, %dma_wait3A_33] : memref<40x128xi32, #tpu.memory_space<vmem>> -> memref<1x128xi32, #tpu.memory_space<vmem>>
    %dma_wait3A_35 = tpu.memref_squeeze %dma_wait3A_34 : memref<1x128xi32, #tpu.memory_space<vmem>> -> memref<128xi32, #tpu.memory_space<vmem>>
    %dma_wait3A_36 = arith.constant 0 : i32
    %dma_wait3A_37 = arith.constant 0 : i32
    %dma_wait3A_38 = tpu.memref_slice %arg2[%dma_wait3A_36, %dma_wait3A_37] : memref<10000x128xf32, #tpu.memory_space<hbm>> -> memref<10000x128xf32, #tpu.memory_space<hbm>>
    tpu.wait_indirect_dma semaphore(%arg13 : memref<!tpu.dma_semaphore, #tpu.memory_space<semaphore_mem>>) src(%dma_wait3A_38 : memref<10000x128xf32, #tpu.memory_space<hbm>>) dst(%arg10 : memref<128x128xf32, #tpu.memory_space<vmem>>)
    %run_scoped3A_39 = arith.constant 39 : i32
    "tpu.region"() ({
      %run_scoped3A_79 = tpu.sem_alloc : memref<!tpu.dma_semaphore, #tpu.memory_space<semaphore_mem>>
      %dma_start3A_80 = arith.constant 0 : i32
      %dma_start3A_81 = tpu.memref_slice %arg8[%run_scoped3A_39, %dma_start3A_80] : memref<40x128xi32, #tpu.memory_space<vmem>> -> memref<1x128xi32, #tpu.memory_space<vmem>>
      %dma_start3A_82 = tpu.memref_squeeze %dma_start3A_81 : memref<1x128xi32, #tpu.memory_space<vmem>> -> memref<128xi32, #tpu.memory_space<vmem>>
      %dma_start3A_83 = arith.constant 0 : i32
      %dma_start3A_84 = arith.constant 0 : i32
      %dma_start3A_85 = tpu.memref_slice %arg11[%dma_start3A_83, %dma_start3A_84] : memref<10112x128xf32, #tpu.memory_space<vmem_shared>> -> memref<10112x128xf32, #tpu.memory_space<vmem_shared>>
      tpu.enqueue_indirect_dma source(%arg10 : memref<128x128xf32, #tpu.memory_space<vmem>>) target(%dma_start3A_85 : memref<10112x128xf32, #tpu.memory_space<vmem_shared>>) offsets(%dma_start3A_82 : memref<128xi32, #tpu.memory_space<vmem>>) semaphore(%run_scoped3A_79 : memref<!tpu.dma_semaphore, #tpu.memory_space<semaphore_mem>>) {add = true}
      %dma_wait3A_86 = arith.constant 0 : i32
      %dma_wait3A_87 = tpu.memref_slice %arg8[%run_scoped3A_39, %dma_wait3A_86] : memref<40x128xi32, #tpu.memory_space<vmem>> -> memref<1x128xi32, #tpu.memory_space<vmem>>
      %dma_wait3A_88 = tpu.memref_squeeze %dma_wait3A_87 : memref<1x128xi32, #tpu.memory_space<vmem>> -> memref<128xi32, #tpu.memory_space<vmem>>
      %dma_wait3A_89 = arith.constant 0 : i32
      %dma_wait3A_90 = arith.constant 0 : i32
      %dma_wait3A_91 = tpu.memref_slice %arg11[%dma_wait3A_89, %dma_wait3A_90] : memref<10112x128xf32, #tpu.memory_space<vmem_shared>> -> memref<10112x128xf32, #tpu.memory_space<vmem_shared>>
      tpu.wait_indirect_dma semaphore(%run_scoped3A_79 : memref<!tpu.dma_semaphore, #tpu.memory_space<semaphore_mem>>) src(%arg10 : memref<128x128xf32, #tpu.memory_space<vmem>>) dst(%dma_wait3A_91 : memref<10112x128xf32, #tpu.memory_space<vmem_shared>>)
      tpu.yield
    }) : () -> ()
    %add3A_40 = arith.constant 40 : i32
    %add3A_41 = arith.addi %multiple_of3A_5, %add3A_40 : i32
    %multiple_of3A_42 = tpu.assume_multiple %add3A_41, 8 : i32
    "tpu.region"() ({
      %run_scoped3A_79 = tpu.sem_alloc : memref<!tpu.dma_semaphore, #tpu.memory_space<semaphore_mem>>
      %dma_start3A_80 = arith.constant 0 : i32
      %dma_start3A_81 = tpu.memref_slice %arg3[%multiple_of3A_42, %dma_start3A_80] : memref<2560x128xi32, #tpu.memory_space<hbm>> -> memref<40x128xi32, #tpu.memory_space<hbm>>
      %dma_start3A_82 = arith.constant 0 : i32
      %dma_start3A_83 = tpu.memref_slice %arg3[%multiple_of3A_42, %dma_start3A_82] : memref<2560x128xi32, #tpu.memory_space<hbm>> -> memref<40x128xi32, #tpu.memory_space<hbm>>
      tpu.enqueue_dma source(%dma_start3A_83 : memref<40x128xi32, #tpu.memory_space<hbm>>) target(%arg7 : memref<40x128xi32, #tpu.memory_space<vmem>>) target_semaphore(%run_scoped3A_79 : memref<!tpu.dma_semaphore, #tpu.memory_space<semaphore_mem>>)
      %dma_wait3A_84 = arith.constant 0 : i32
      %dma_wait3A_85 = tpu.memref_slice %arg3[%multiple_of3A_42, %dma_wait3A_84] : memref<2560x128xi32, #tpu.memory_space<hbm>> -> memref<40x128xi32, #tpu.memory_space<hbm>>
      %dma_wait3A_86 = arith.constant 0 : i32
      %dma_wait3A_87 = tpu.memref_slice %arg3[%multiple_of3A_42, %dma_wait3A_86] : memref<2560x128xi32, #tpu.memory_space<hbm>> -> memref<40x128xi32, #tpu.memory_space<hbm>>
      tpu.wait_dma2 semaphore(%run_scoped3A_79 : memref<!tpu.dma_semaphore, #tpu.memory_space<semaphore_mem>>) src(%dma_wait3A_87 : memref<40x128xi32, #tpu.memory_space<hbm>>) dst(%arg7 : memref<40x128xi32, #tpu.memory_space<vmem>>)
      tpu.yield
    }) : () -> ()
    "tpu.region"() ({
      %run_scoped3A_79 = tpu.sem_alloc : memref<!tpu.dma_semaphore, #tpu.memory_space<semaphore_mem>>
      %dma_start3A_80 = arith.constant 0 : i32
      %dma_start3A_81 = tpu.memref_slice %arg4[%multiple_of3A_42, %dma_start3A_80] : memref<2560x128xi32, #tpu.memory_space<hbm>> -> memref<40x128xi32, #tpu.memory_space<hbm>>
      %dma_start3A_82 = arith.constant 0 : i32
      %dma_start3A_83 = tpu.memref_slice %arg4[%multiple_of3A_42, %dma_start3A_82] : memref<2560x128xi32, #tpu.memory_space<hbm>> -> memref<40x128xi32, #tpu.memory_space<hbm>>
      tpu.enqueue_dma source(%dma_start3A_83 : memref<40x128xi32, #tpu.memory_space<hbm>>) target(%arg8 : memref<40x128xi32, #tpu.memory_space<vmem>>) target_semaphore(%run_scoped3A_79 : memref<!tpu.dma_semaphore, #tpu.memory_space<semaphore_mem>>)
      %dma_wait3A_84 = arith.constant 0 : i32
      %dma_wait3A_85 = tpu.memref_slice %arg4[%multiple_of3A_42, %dma_wait3A_84] : memref<2560x128xi32, #tpu.memory_space<hbm>> -> memref<40x128xi32, #tpu.memory_space<hbm>>
      %dma_wait3A_86 = arith.constant 0 : i32
      %dma_wait3A_87 = tpu.memref_slice %arg4[%multiple_of3A_42, %dma_wait3A_86] : memref<2560x128xi32, #tpu.memory_space<hbm>> -> memref<40x128xi32, #tpu.memory_space<hbm>>
      tpu.wait_dma2 semaphore(%run_scoped3A_79 : memref<!tpu.dma_semaphore, #tpu.memory_space<semaphore_mem>>) src(%dma_wait3A_87 : memref<40x128xi32, #tpu.memory_space<hbm>>) dst(%arg8 : memref<40x128xi32, #tpu.memory_space<vmem>>)
      tpu.yield
    }) : () -> ()
    %dma_start3A_43 = arith.constant 0 : i32
    %dma_start3A_44 = arith.constant 0 : i32
    %dma_start3A_45 = tpu.memref_slice %arg7[%dma_start3A_43, %dma_start3A_44] : memref<40x128xi32, #tpu.memory_space<vmem>> -> memref<1x128xi32, #tpu.memory_space<vmem>>
    %dma_start3A_46 = tpu.memref_squeeze %dma_start3A_45 : memref<1x128xi32, #tpu.memory_space<vmem>> -> memref<128xi32, #tpu.memory_space<vmem>>
    %dma_start3A_47 = arith.constant 0 : i32
    %dma_start3A_48 = arith.constant 0 : i32
    %dma_start3A_49 = tpu.memref_slice %arg2[%dma_start3A_47, %dma_start3A_48] : memref<10000x128xf32, #tpu.memory_space<hbm>> -> memref<10000x128xf32, #tpu.memory_space<hbm>>
    tpu.enqueue_indirect_dma source(%dma_start3A_49 : memref<10000x128xf32, #tpu.memory_space<hbm>>) target(%arg9 : memref<128x128xf32, #tpu.memory_space<vmem>>) offsets(%dma_start3A_46 : memref<128xi32, #tpu.memory_space<vmem>>) semaphore(%arg12 : memref<!tpu.dma_semaphore, #tpu.memory_space<semaphore_mem>>)
    %scan3A_50 = arith.constant 0 : i32
    %scan3A_51 = arith.constant 19 : i32
    %scan3A_52 = arith.addi %scan3A_50, %scan3A_51 : i32
    %scan3A_53 = arith.constant 1 : i32
    scf.for %scan3A_79 = %scan3A_50 to %scan3A_52 step %scan3A_53  : i32 {
      %mul3A_80 = arith.constant 1 : i32
      %mul3A_81 = arith.muli %scan3A_79, %mul3A_80 : i32
      %add3A_82 = arith.constant 0 : i32
      %add3A_83 = arith.addi %add3A_82, %mul3A_81 : i32
      %mul3A_84 = arith.constant 2 : i32
      %mul3A_85 = arith.muli %add3A_83, %mul3A_84 : i32
      %dma_wait3A_86 = arith.constant 0 : i32
      %dma_wait3A_87 = tpu.memref_slice %arg7[%mul3A_85, %dma_wait3A_86] : memref<40x128xi32, #tpu.memory_space<vmem>> -> memref<1x128xi32, #tpu.memory_space<vmem>>
      %dma_wait3A_88 = tpu.memref_squeeze %dma_wait3A_87 : memref<1x128xi32, #tpu.memory_space<vmem>> -> memref<128xi32, #tpu.memory_space<vmem>>
      %dma_wait3A_89 = arith.constant 0 : i32
      %dma_wait3A_90 = arith.constant 0 : i32
      %dma_wait3A_91 = tpu.memref_slice %arg2[%dma_wait3A_89, %dma_wait3A_90] : memref<10000x128xf32, #tpu.memory_space<hbm>> -> memref<10000x128xf32, #tpu.memory_space<hbm>>
      tpu.wait_indirect_dma semaphore(%arg12 : memref<!tpu.dma_semaphore, #tpu.memory_space<semaphore_mem>>) src(%dma_wait3A_91 : memref<10000x128xf32, #tpu.memory_space<hbm>>) dst(%arg9 : memref<128x128xf32, #tpu.memory_space<vmem>>)
      %add3A_92 = arith.constant 1 : i32
      %add3A_93 = arith.addi %mul3A_85, %add3A_92 : i32
      %dma_start3A_94 = arith.constant 0 : i32
      %dma_start3A_95 = tpu.memref_slice %arg7[%add3A_93, %dma_start3A_94] : memref<40x128xi32, #tpu.memory_space<vmem>> -> memref<1x128xi32, #tpu.memory_space<vmem>>
      %dma_start3A_96 = tpu.memref_squeeze %dma_start3A_95 : memref<1x128xi32, #tpu.memory_space<vmem>> -> memref<128xi32, #tpu.memory_space<vmem>>
      %dma_start3A_97 = arith.constant 0 : i32
      %dma_start3A_98 = arith.constant 0 : i32
      %dma_start3A_99 = tpu.memref_slice %arg2[%dma_start3A_97, %dma_start3A_98] : memref<10000x128xf32, #tpu.memory_space<hbm>> -> memref<10000x128xf32, #tpu.memory_space<hbm>>
      tpu.enqueue_indirect_dma source(%dma_start3A_99 : memref<10000x128xf32, #tpu.memory_space<hbm>>) target(%arg10 : memref<128x128xf32, #tpu.memory_space<vmem>>) offsets(%dma_start3A_96 : memref<128xi32, #tpu.memory_space<vmem>>) semaphore(%arg13 : memref<!tpu.dma_semaphore, #tpu.memory_space<semaphore_mem>>)
      "tpu.region"() ({
        %run_scoped3A_118 = tpu.sem_alloc : memref<!tpu.dma_semaphore, #tpu.memory_space<semaphore_mem>>
        %dma_start3A_119 = arith.constant 0 : i32
        %dma_start3A_120 = tpu.memref_slice %arg8[%mul3A_85, %dma_start3A_119] : memref<40x128xi32, #tpu.memory_space<vmem>> -> memref<1x128xi32, #tpu.memory_space<vmem>>
        %dma_start3A_121 = tpu.memref_squeeze %dma_start3A_120 : memref<1x128xi32, #tpu.memory_space<vmem>> -> memref<128xi32, #tpu.memory_space<vmem>>
        %dma_start3A_122 = arith.constant 0 : i32
        %dma_start3A_123 = arith.constant 0 : i32
        %dma_start3A_124 = tpu.memref_slice %arg11[%dma_start3A_122, %dma_start3A_123] : memref<10112x128xf32, #tpu.memory_space<vmem_shared>> -> memref<10112x128xf32, #tpu.memory_space<vmem_shared>>
        tpu.enqueue_indirect_dma source(%arg9 : memref<128x128xf32, #tpu.memory_space<vmem>>) target(%dma_start3A_124 : memref<10112x128xf32, #tpu.memory_space<vmem_shared>>) offsets(%dma_start3A_121 : memref<128xi32, #tpu.memory_space<vmem>>) semaphore(%run_scoped3A_118 : memref<!tpu.dma_semaphore, #tpu.memory_space<semaphore_mem>>) {add = true}
        %dma_wait3A_125 = arith.constant 0 : i32
        %dma_wait3A_126 = tpu.memref_slice %arg8[%mul3A_85, %dma_wait3A_125] : memref<40x128xi32, #tpu.memory_space<vmem>> -> memref<1x128xi32, #tpu.memory_space<vmem>>
        %dma_wait3A_127 = tpu.memref_squeeze %dma_wait3A_126 : memref<1x128xi32, #tpu.memory_space<vmem>> -> memref<128xi32, #tpu.memory_space<vmem>>
        %dma_wait3A_128 = arith.constant 0 : i32
        %dma_wait3A_129 = arith.constant 0 : i32
        %dma_wait3A_130 = tpu.memref_slice %arg11[%dma_wait3A_128, %dma_wait3A_129] : memref<10112x128xf32, #tpu.memory_space<vmem_shared>> -> memref<10112x128xf32, #tpu.memory_space<vmem_shared>>
        tpu.wait_indirect_dma semaphore(%run_scoped3A_118 : memref<!tpu.dma_semaphore, #tpu.memory_space<semaphore_mem>>) src(%arg9 : memref<128x128xf32, #tpu.memory_space<vmem>>) dst(%dma_wait3A_130 : memref<10112x128xf32, #tpu.memory_space<vmem_shared>>)
        tpu.yield
      }) : () -> ()
      %add3A_100 = arith.constant 1 : i32
      %add3A_101 = arith.addi %mul3A_85, %add3A_100 : i32
      %dma_wait3A_102 = arith.constant 0 : i32
      %dma_wait3A_103 = tpu.memref_slice %arg7[%add3A_101, %dma_wait3A_102] : memref<40x128xi32, #tpu.memory_space<vmem>> -> memref<1x128xi32, #tpu.memory_space<vmem>>
      %dma_wait3A_104 = tpu.memref_squeeze %dma_wait3A_103 : memref<1x128xi32, #tpu.memory_space<vmem>> -> memref<128xi32, #tpu.memory_space<vmem>>
      %dma_wait3A_105 = arith.constant 0 : i32
      %dma_wait3A_106 = arith.constant 0 : i32
      %dma_wait3A_107 = tpu.memref_slice %arg2[%dma_wait3A_105, %dma_wait3A_106] : memref<10000x128xf32, #tpu.memory_space<hbm>> -> memref<10000x128xf32, #tpu.memory_space<hbm>>
      tpu.wait_indirect_dma semaphore(%arg13 : memref<!tpu.dma_semaphore, #tpu.memory_space<semaphore_mem>>) src(%dma_wait3A_107 : memref<10000x128xf32, #tpu.memory_space<hbm>>) dst(%arg10 : memref<128x128xf32, #tpu.memory_space<vmem>>)
      %add3A_108 = arith.constant 2 : i32
      %add3A_109 = arith.addi %mul3A_85, %add3A_108 : i32
      %dma_start3A_110 = arith.constant 0 : i32
      %dma_start3A_111 = tpu.memref_slice %arg7[%add3A_109, %dma_start3A_110] : memref<40x128xi32, #tpu.memory_space<vmem>> -> memref<1x128xi32, #tpu.memory_space<vmem>>
      %dma_start3A_112 = tpu.memref_squeeze %dma_start3A_111 : memref<1x128xi32, #tpu.memory_space<vmem>> -> memref<128xi32, #tpu.memory_space<vmem>>
      %dma_start3A_113 = arith.constant 0 : i32
      %dma_start3A_114 = arith.constant 0 : i32
      %dma_start3A_115 = tpu.memref_slice %arg2[%dma_start3A_113, %dma_start3A_114] : memref<10000x128xf32, #tpu.memory_space<hbm>> -> memref<10000x128xf32, #tpu.memory_space<hbm>>
      tpu.enqueue_indirect_dma source(%dma_start3A_115 : memref<10000x128xf32, #tpu.memory_space<hbm>>) target(%arg9 : memref<128x128xf32, #tpu.memory_space<vmem>>) offsets(%dma_start3A_112 : memref<128xi32, #tpu.memory_space<vmem>>) semaphore(%arg12 : memref<!tpu.dma_semaphore, #tpu.memory_space<semaphore_mem>>)
      %add3A_116 = arith.constant 1 : i32
      %add3A_117 = arith.addi %mul3A_85, %add3A_116 : i32
      "tpu.region"() ({
        %run_scoped3A_118 = tpu.sem_alloc : memref<!tpu.dma_semaphore, #tpu.memory_space<semaphore_mem>>
        %dma_start3A_119 = arith.constant 0 : i32
        %dma_start3A_120 = tpu.memref_slice %arg8[%add3A_117, %dma_start3A_119] : memref<40x128xi32, #tpu.memory_space<vmem>> -> memref<1x128xi32, #tpu.memory_space<vmem>>
        %dma_start3A_121 = tpu.memref_squeeze %dma_start3A_120 : memref<1x128xi32, #tpu.memory_space<vmem>> -> memref<128xi32, #tpu.memory_space<vmem>>
        %dma_start3A_122 = arith.constant 0 : i32
        %dma_start3A_123 = arith.constant 0 : i32
        %dma_start3A_124 = tpu.memref_slice %arg11[%dma_start3A_122, %dma_start3A_123] : memref<10112x128xf32, #tpu.memory_space<vmem_shared>> -> memref<10112x128xf32, #tpu.memory_space<vmem_shared>>
        tpu.enqueue_indirect_dma source(%arg10 : memref<128x128xf32, #tpu.memory_space<vmem>>) target(%dma_start3A_124 : memref<10112x128xf32, #tpu.memory_space<vmem_shared>>) offsets(%dma_start3A_121 : memref<128xi32, #tpu.memory_space<vmem>>) semaphore(%run_scoped3A_118 : memref<!tpu.dma_semaphore, #tpu.memory_space<semaphore_mem>>) {add = true}
        %dma_wait3A_125 = arith.constant 0 : i32
        %dma_wait3A_126 = tpu.memref_slice %arg8[%add3A_117, %dma_wait3A_125] : memref<40x128xi32, #tpu.memory_space<vmem>> -> memref<1x128xi32, #tpu.memory_space<vmem>>
        %dma_wait3A_127 = tpu.memref_squeeze %dma_wait3A_126 : memref<1x128xi32, #tpu.memory_space<vmem>> -> memref<128xi32, #tpu.memory_space<vmem>>
        %dma_wait3A_128 = arith.constant 0 : i32
        %dma_wait3A_129 = arith.constant 0 : i32
        %dma_wait3A_130 = tpu.memref_slice %arg11[%dma_wait3A_128, %dma_wait3A_129] : memref<10112x128xf32, #tpu.memory_space<vmem_shared>> -> memref<10112x128xf32, #tpu.memory_space<vmem_shared>>
        tpu.wait_indirect_dma semaphore(%run_scoped3A_118 : memref<!tpu.dma_semaphore, #tpu.memory_space<semaphore_mem>>) src(%arg10 : memref<128x128xf32, #tpu.memory_space<vmem>>) dst(%dma_wait3A_130 : memref<10112x128xf32, #tpu.memory_space<vmem_shared>>)
        tpu.yield
      }) : () -> ()
    }
    %scan3A_54 = arith.constant 19 : i32
    %dma_wait3A_55 = arith.constant 38 : i32
    %dma_wait3A_56 = arith.constant 0 : i32
    %dma_wait3A_57 = tpu.memref_slice %arg7[%dma_wait3A_55, %dma_wait3A_56] : memref<40x128xi32, #tpu.memory_space<vmem>> -> memref<1x128xi32, #tpu.memory_space<vmem>>
    %dma_wait3A_58 = tpu.memref_squeeze %dma_wait3A_57 : memref<1x128xi32, #tpu.memory_space<vmem>> -> memref<128xi32, #tpu.memory_space<vmem>>
    %dma_wait3A_59 = arith.constant 0 : i32
    %dma_wait3A_60 = arith.constant 0 : i32
    %dma_wait3A_61 = tpu.memref_slice %arg2[%dma_wait3A_59, %dma_wait3A_60] : memref<10000x128xf32, #tpu.memory_space<hbm>> -> memref<10000x128xf32, #tpu.memory_space<hbm>>
    tpu.wait_indirect_dma semaphore(%arg12 : memref<!tpu.dma_semaphore, #tpu.memory_space<semaphore_mem>>) src(%dma_wait3A_61 : memref<10000x128xf32, #tpu.memory_space<hbm>>) dst(%arg9 : memref<128x128xf32, #tpu.memory_space<vmem>>)
    %dma_start3A_62 = arith.constant 39 : i32
    %dma_start3A_63 = arith.constant 0 : i32
    %dma_start3A_64 = tpu.memref_slice %arg7[%dma_start3A_62, %dma_start3A_63] : memref<40x128xi32, #tpu.memory_space<vmem>> -> memref<1x128xi32, #tpu.memory_space<vmem>>
    %dma_start3A_65 = tpu.memref_squeeze %dma_start3A_64 : memref<1x128xi32, #tpu.memory_space<vmem>> -> memref<128xi32, #tpu.memory_space<vmem>>
    %dma_start3A_66 = arith.constant 0 : i32
    %dma_start3A_67 = arith.constant 0 : i32
    %dma_start3A_68 = tpu.memref_slice %arg2[%dma_start3A_66, %dma_start3A_67] : memref<10000x128xf32, #tpu.memory_space<hbm>> -> memref<10000x128xf32, #tpu.memory_space<hbm>>
    tpu.enqueue_indirect_dma source(%dma_start3A_68 : memref<10000x128xf32, #tpu.memory_space<hbm>>) target(%arg10 : memref<128x128xf32, #tpu.memory_space<vmem>>) offsets(%dma_start3A_65 : memref<128xi32, #tpu.memory_space<vmem>>) semaphore(%arg13 : memref<!tpu.dma_semaphore, #tpu.memory_space<semaphore_mem>>)
    %run_scoped3A_69 = arith.constant 38 : i32
    "tpu.region"() ({
      %run_scoped3A_79 = tpu.sem_alloc : memref<!tpu.dma_semaphore, #tpu.memory_space<semaphore_mem>>
      %dma_start3A_80 = arith.constant 0 : i32
      %dma_start3A_81 = tpu.memref_slice %arg8[%run_scoped3A_69, %dma_start3A_80] : memref<40x128xi32, #tpu.memory_space<vmem>> -> memref<1x128xi32, #tpu.memory_space<vmem>>
      %dma_start3A_82 = tpu.memref_squeeze %dma_start3A_81 : memref<1x128xi32, #tpu.memory_space<vmem>> -> memref<128xi32, #tpu.memory_space<vmem>>
      %dma_start3A_83 = arith.constant 0 : i32
      %dma_start3A_84 = arith.constant 0 : i32
      %dma_start3A_85 = tpu.memref_slice %arg11[%dma_start3A_83, %dma_start3A_84] : memref<10112x128xf32, #tpu.memory_space<vmem_shared>> -> memref<10112x128xf32, #tpu.memory_space<vmem_shared>>
      tpu.enqueue_indirect_dma source(%arg9 : memref<128x128xf32, #tpu.memory_space<vmem>>) target(%dma_start3A_85 : memref<10112x128xf32, #tpu.memory_space<vmem_shared>>) offsets(%dma_start3A_82 : memref<128xi32, #tpu.memory_space<vmem>>) semaphore(%run_scoped3A_79 : memref<!tpu.dma_semaphore, #tpu.memory_space<semaphore_mem>>) {add = true}
      %dma_wait3A_86 = arith.constant 0 : i32
      %dma_wait3A_87 = tpu.memref_slice %arg8[%run_scoped3A_69, %dma_wait3A_86] : memref<40x128xi32, #tpu.memory_space<vmem>> -> memref<1x128xi32, #tpu.memory_space<vmem>>
      %dma_wait3A_88 = tpu.memref_squeeze %dma_wait3A_87 : memref<1x128xi32, #tpu.memory_space<vmem>> -> memref<128xi32, #tpu.memory_space<vmem>>
      %dma_wait3A_89 = arith.constant 0 : i32
      %dma_wait3A_90 = arith.constant 0 : i32
      %dma_wait3A_91 = tpu.memref_slice %arg11[%dma_wait3A_89, %dma_wait3A_90] : memref<10112x128xf32, #tpu.memory_space<vmem_shared>> -> memref<10112x128xf32, #tpu.memory_space<vmem_shared>>
      tpu.wait_indirect_dma semaphore(%run_scoped3A_79 : memref<!tpu.dma_semaphore, #tpu.memory_space<semaphore_mem>>) src(%arg9 : memref<128x128xf32, #tpu.memory_space<vmem>>) dst(%dma_wait3A_91 : memref<10112x128xf32, #tpu.memory_space<vmem_shared>>)
      tpu.yield
    }) : () -> ()
    %dma_wait3A_70 = arith.constant 39 : i32
    %dma_wait3A_71 = arith.constant 0 : i32
    %dma_wait3A_72 = tpu.memref_slice %arg7[%dma_wait3A_70, %dma_wait3A_71] : memref<40x128xi32, #tpu.memory_space<vmem>> -> memref<1x128xi32, #tpu.memory_space<vmem>>
    %dma_wait3A_73 = tpu.memref_squeeze %dma_wait3A_72 : memref<1x128xi32, #tpu.memory_space<vmem>> -> memref<128xi32, #tpu.memory_space<vmem>>
    %dma_wait3A_74 = arith.constant 0 : i32
    %dma_wait3A_75 = arith.constant 0 : i32
    %dma_wait3A_76 = tpu.memref_slice %arg2[%dma_wait3A_74, %dma_wait3A_75] : memref<10000x128xf32, #tpu.memory_space<hbm>> -> memref<10000x128xf32, #tpu.memory_space<hbm>>
    tpu.wait_indirect_dma semaphore(%arg13 : memref<!tpu.dma_semaphore, #tpu.memory_space<semaphore_mem>>) src(%dma_wait3A_76 : memref<10000x128xf32, #tpu.memory_space<hbm>>) dst(%arg10 : memref<128x128xf32, #tpu.memory_space<vmem>>)
    %run_scoped3A_77 = arith.constant 39 : i32
    "tpu.region"() ({
      %run_scoped3A_79 = tpu.sem_alloc : memref<!tpu.dma_semaphore, #tpu.memory_space<semaphore_mem>>
      %dma_start3A_80 = arith.constant 0 : i32
      %dma_start3A_81 = tpu.memref_slice %arg8[%run_scoped3A_77, %dma_start3A_80] : memref<40x128xi32, #tpu.memory_space<vmem>> -> memref<1x128xi32, #tpu.memory_space<vmem>>
      %dma_start3A_82 = tpu.memref_squeeze %dma_start3A_81 : memref<1x128xi32, #tpu.memory_space<vmem>> -> memref<128xi32, #tpu.memory_space<vmem>>
      %dma_start3A_83 = arith.constant 0 : i32
      %dma_start3A_84 = arith.constant 0 : i32
      %dma_start3A_85 = tpu.memref_slice %arg11[%dma_start3A_83, %dma_start3A_84] : memref<10112x128xf32, #tpu.memory_space<vmem_shared>> -> memref<10112x128xf32, #tpu.memory_space<vmem_shared>>
      tpu.enqueue_indirect_dma source(%arg10 : memref<128x128xf32, #tpu.memory_space<vmem>>) target(%dma_start3A_85 : memref<10112x128xf32, #tpu.memory_space<vmem_shared>>) offsets(%dma_start3A_82 : memref<128xi32, #tpu.memory_space<vmem>>) semaphore(%run_scoped3A_79 : memref<!tpu.dma_semaphore, #tpu.memory_space<semaphore_mem>>) {add = true}
      %dma_wait3A_86 = arith.constant 0 : i32
      %dma_wait3A_87 = tpu.memref_slice %arg8[%run_scoped3A_77, %dma_wait3A_86] : memref<40x128xi32, #tpu.memory_space<vmem>> -> memref<1x128xi32, #tpu.memory_space<vmem>>
      %dma_wait3A_88 = tpu.memref_squeeze %dma_wait3A_87 : memref<1x128xi32, #tpu.memory_space<vmem>> -> memref<128xi32, #tpu.memory_space<vmem>>
      %dma_wait3A_89 = arith.constant 0 : i32
      %dma_wait3A_90 = arith.constant 0 : i32
      %dma_wait3A_91 = tpu.memref_slice %arg11[%dma_wait3A_89, %dma_wait3A_90] : memref<10112x128xf32, #tpu.memory_space<vmem_shared>> -> memref<10112x128xf32, #tpu.memory_space<vmem_shared>>
      tpu.wait_indirect_dma semaphore(%run_scoped3A_79 : memref<!tpu.dma_semaphore, #tpu.memory_space<semaphore_mem>>) src(%arg10 : memref<128x128xf32, #tpu.memory_space<vmem>>) dst(%dma_wait3A_91 : memref<10112x128xf32, #tpu.memory_space<vmem_shared>>)
      tpu.yield
    }) : () -> ()
    %barrier3A_78 = arith.constant 0 : index
    tpu.barrier barrier_id(%barrier3A_78)
    "tpu.region"() ({
      %run_scoped3A_79 = tpu.sem_alloc : memref<!tpu.dma_semaphore, #tpu.memory_space<semaphore_mem>>
      %dma_start3A_80 = arith.constant 0 : i32
      %dma_start3A_81 = tpu.memref_slice %arg6[%arg0, %multiple_of3A, %dma_start3A_80] : memref<2x10112x128xf32, #tpu.memory_space<hbm>> -> memref<1x632x128xf32, #tpu.memory_space<hbm>>
      %dma_start3A_82 = tpu.memref_squeeze %dma_start3A_81 : memref<1x632x128xf32, #tpu.memory_space<hbm>> -> memref<632x128xf32, #tpu.memory_space<hbm>>
      %dma_start3A_83 = arith.constant 0 : i32
      %dma_start3A_84 = tpu.memref_slice %arg11[%multiple_of3A, %dma_start3A_83] : memref<10112x128xf32, #tpu.memory_space<vmem_shared>> -> memref<632x128xf32, #tpu.memory_space<vmem_shared>>
      tpu.enqueue_dma source(%dma_start3A_84 : memref<632x128xf32, #tpu.memory_space<vmem_shared>>) target(%dma_start3A_82 : memref<632x128xf32, #tpu.memory_space<hbm>>) target_semaphore(%run_scoped3A_79 : memref<!tpu.dma_semaphore, #tpu.memory_space<semaphore_mem>>)
      %dma_wait3A_85 = arith.constant 0 : i32
      %dma_wait3A_86 = tpu.memref_slice %arg6[%arg0, %multiple_of3A, %dma_wait3A_85] : memref<2x10112x128xf32, #tpu.memory_space<hbm>> -> memref<1x632x128xf32, #tpu.memory_space<hbm>>
      %dma_wait3A_87 = tpu.memref_squeeze %dma_wait3A_86 : memref<1x632x128xf32, #tpu.memory_space<hbm>> -> memref<632x128xf32, #tpu.memory_space<hbm>>
      %dma_wait3A_88 = arith.constant 0 : i32
      %dma_wait3A_89 = tpu.memref_slice %arg11[%multiple_of3A, %dma_wait3A_88] : memref<10112x128xf32, #tpu.memory_space<vmem_shared>> -> memref<632x128xf32, #tpu.memory_space<vmem_shared>>
      tpu.wait_dma2 semaphore(%run_scoped3A_79 : memref<!tpu.dma_semaphore, #tpu.memory_space<semaphore_mem>>) src(%dma_wait3A_89 : memref<632x128xf32, #tpu.memory_space<vmem_shared>>) dst(%dma_wait3A_87 : memref<632x128xf32, #tpu.memory_space<hbm>>)
      tpu.yield
    }) : () -> ()
    return
  }
}

#map = affine_map<(d0, d1) -> (0, 0)>
#map1 = affine_map<(d0, d1) -> (0, 0, 0)>
module attributes {stable_mosaic.version = 14 : i64} {
  func.func @ones_hist(%arg0: i32, %arg1: i32, %arg2: memref<128x128xf32, #tpu.memory_space<hbm>>, %arg3: memref<2560x128xi32, #tpu.memory_space<hbm>>, %arg4: memref<10112x128xf32, #tpu.memory_space<hbm>>, %arg5: memref<2x10112x128xf32, #tpu.memory_space<hbm>>, %arg6: memref<80x128xi32, #tpu.memory_space<vmem>>, %arg7: memref<128x128xf32, #tpu.memory_space<vmem>>, %arg8: memref<10112x128xf32, #tpu.memory_space<vmem_shared>>) attributes {dimension_semantics = [#tpu.dimension_semantics<core_parallel>, #tpu.dimension_semantics<subcore_parallel>], iteration_bounds = array<i64: 2, 16>, scalar_prefetch = 0 : i64, scratch_operands = 3 : i64, tpu.core_type = #tpu.core_type<sc_vector_subcore>, window_params = [{transform_indices = #map}, {transform_indices = #map}, {transform_indices = #map}, {transform_indices = #map1}]} {
    %mul3A = arith.constant 632 : i32
    %mul3A_0 = arith.muli %arg1, %mul3A : i32
    %multiple_of3A = tpu.assume_multiple %mul3A_0, 8 : i32
    %mul3A_1 = arith.constant 16 : i32
    %mul3A_2 = arith.muli %arg0, %mul3A_1 : i32
    %add3A = arith.addi %mul3A_2, %arg1 : i32
    %mul3A_3 = arith.constant 80 : i32
    %mul3A_4 = arith.muli %add3A, %mul3A_3 : i32
    %multiple_of3A_5 = tpu.assume_multiple %mul3A_4, 8 : i32
    "tpu.region"() ({
      %run_scoped3A = tpu.sem_alloc : memref<!tpu.dma_semaphore, #tpu.memory_space<semaphore_mem>>
      %dma_start3A = arith.constant 0 : i32
      %dma_start3A_11 = tpu.memref_slice %arg3[%multiple_of3A_5, %dma_start3A] : memref<2560x128xi32, #tpu.memory_space<hbm>> -> memref<80x128xi32, #tpu.memory_space<hbm>>
      %dma_start3A_12 = arith.constant 0 : i32
      %dma_start3A_13 = tpu.memref_slice %arg3[%multiple_of3A_5, %dma_start3A_12] : memref<2560x128xi32, #tpu.memory_space<hbm>> -> memref<80x128xi32, #tpu.memory_space<hbm>>
      tpu.enqueue_dma source(%dma_start3A_13 : memref<80x128xi32, #tpu.memory_space<hbm>>) target(%arg6 : memref<80x128xi32, #tpu.memory_space<vmem>>) target_semaphore(%run_scoped3A : memref<!tpu.dma_semaphore, #tpu.memory_space<semaphore_mem>>)
      %dma_wait3A = arith.constant 0 : i32
      %dma_wait3A_14 = tpu.memref_slice %arg3[%multiple_of3A_5, %dma_wait3A] : memref<2560x128xi32, #tpu.memory_space<hbm>> -> memref<80x128xi32, #tpu.memory_space<hbm>>
      %dma_wait3A_15 = arith.constant 0 : i32
      %dma_wait3A_16 = tpu.memref_slice %arg3[%multiple_of3A_5, %dma_wait3A_15] : memref<2560x128xi32, #tpu.memory_space<hbm>> -> memref<80x128xi32, #tpu.memory_space<hbm>>
      tpu.wait_dma2 semaphore(%run_scoped3A : memref<!tpu.dma_semaphore, #tpu.memory_space<semaphore_mem>>) src(%dma_wait3A_16 : memref<80x128xi32, #tpu.memory_space<hbm>>) dst(%arg6 : memref<80x128xi32, #tpu.memory_space<vmem>>)
      tpu.yield
    }) : () -> ()
    "tpu.region"() ({
      %run_scoped3A = tpu.sem_alloc : memref<!tpu.dma_semaphore, #tpu.memory_space<semaphore_mem>>
      %dma_start3A = arith.constant 0 : i32
      %dma_start3A_11 = tpu.memref_slice %arg8[%multiple_of3A, %dma_start3A] : memref<10112x128xf32, #tpu.memory_space<vmem_shared>> -> memref<632x128xf32, #tpu.memory_space<vmem_shared>>
      %dma_start3A_12 = arith.constant 0 : i32
      %dma_start3A_13 = tpu.memref_slice %arg4[%multiple_of3A, %dma_start3A_12] : memref<10112x128xf32, #tpu.memory_space<hbm>> -> memref<632x128xf32, #tpu.memory_space<hbm>>
      tpu.enqueue_dma source(%dma_start3A_13 : memref<632x128xf32, #tpu.memory_space<hbm>>) target(%dma_start3A_11 : memref<632x128xf32, #tpu.memory_space<vmem_shared>>) target_semaphore(%run_scoped3A : memref<!tpu.dma_semaphore, #tpu.memory_space<semaphore_mem>>)
      %dma_wait3A = arith.constant 0 : i32
      %dma_wait3A_14 = tpu.memref_slice %arg8[%multiple_of3A, %dma_wait3A] : memref<10112x128xf32, #tpu.memory_space<vmem_shared>> -> memref<632x128xf32, #tpu.memory_space<vmem_shared>>
      %dma_wait3A_15 = arith.constant 0 : i32
      %dma_wait3A_16 = tpu.memref_slice %arg4[%multiple_of3A, %dma_wait3A_15] : memref<10112x128xf32, #tpu.memory_space<hbm>> -> memref<632x128xf32, #tpu.memory_space<hbm>>
      tpu.wait_dma2 semaphore(%run_scoped3A : memref<!tpu.dma_semaphore, #tpu.memory_space<semaphore_mem>>) src(%dma_wait3A_16 : memref<632x128xf32, #tpu.memory_space<hbm>>) dst(%dma_wait3A_14 : memref<632x128xf32, #tpu.memory_space<vmem_shared>>)
      tpu.yield
    }) : () -> ()
    "tpu.region"() ({
      %run_scoped3A = tpu.sem_alloc : memref<!tpu.dma_semaphore, #tpu.memory_space<semaphore_mem>>
      tpu.enqueue_dma source(%arg2 : memref<128x128xf32, #tpu.memory_space<hbm>>) target(%arg7 : memref<128x128xf32, #tpu.memory_space<vmem>>) target_semaphore(%run_scoped3A : memref<!tpu.dma_semaphore, #tpu.memory_space<semaphore_mem>>)
      tpu.wait_dma2 semaphore(%run_scoped3A : memref<!tpu.dma_semaphore, #tpu.memory_space<semaphore_mem>>) src(%arg2 : memref<128x128xf32, #tpu.memory_space<hbm>>) dst(%arg7 : memref<128x128xf32, #tpu.memory_space<vmem>>)
      tpu.yield
    }) : () -> ()
    %barrier3A = arith.constant 0 : index
    tpu.barrier barrier_id(%barrier3A)
    %scan3A = arith.constant 0 : i32
    %scan3A_6 = arith.constant 80 : i32
    %scan3A_7 = arith.addi %scan3A, %scan3A_6 : i32
    %scan3A_8 = arith.constant 1 : i32
    scf.for %scan3A_11 = %scan3A to %scan3A_7 step %scan3A_8  : i32 {
      %mul3A_12 = arith.constant 1 : i32
      %mul3A_13 = arith.muli %scan3A_11, %mul3A_12 : i32
      %add3A_14 = arith.constant 0 : i32
      %add3A_15 = arith.addi %add3A_14, %mul3A_13 : i32
      "tpu.region"() ({
        %run_scoped3A = tpu.sem_alloc : memref<!tpu.dma_semaphore, #tpu.memory_space<semaphore_mem>>
        %dma_start3A = arith.constant 0 : i32
        %dma_start3A_16 = tpu.memref_slice %arg6[%add3A_15, %dma_start3A] : memref<80x128xi32, #tpu.memory_space<vmem>> -> memref<1x128xi32, #tpu.memory_space<vmem>>
        %dma_start3A_17 = tpu.memref_squeeze %dma_start3A_16 : memref<1x128xi32, #tpu.memory_space<vmem>> -> memref<128xi32, #tpu.memory_space<vmem>>
        %dma_start3A_18 = arith.constant 0 : i32
        %dma_start3A_19 = arith.constant 0 : i32
        %dma_start3A_20 = tpu.memref_slice %arg8[%dma_start3A_18, %dma_start3A_19] : memref<10112x128xf32, #tpu.memory_space<vmem_shared>> -> memref<10112x128xf32, #tpu.memory_space<vmem_shared>>
        tpu.enqueue_indirect_dma source(%arg7 : memref<128x128xf32, #tpu.memory_space<vmem>>) target(%dma_start3A_20 : memref<10112x128xf32, #tpu.memory_space<vmem_shared>>) offsets(%dma_start3A_17 : memref<128xi32, #tpu.memory_space<vmem>>) semaphore(%run_scoped3A : memref<!tpu.dma_semaphore, #tpu.memory_space<semaphore_mem>>) {add = true}
        %dma_wait3A = arith.constant 0 : i32
        %dma_wait3A_21 = tpu.memref_slice %arg6[%add3A_15, %dma_wait3A] : memref<80x128xi32, #tpu.memory_space<vmem>> -> memref<1x128xi32, #tpu.memory_space<vmem>>
        %dma_wait3A_22 = tpu.memref_squeeze %dma_wait3A_21 : memref<1x128xi32, #tpu.memory_space<vmem>> -> memref<128xi32, #tpu.memory_space<vmem>>
        %dma_wait3A_23 = arith.constant 0 : i32
        %dma_wait3A_24 = arith.constant 0 : i32
        %dma_wait3A_25 = tpu.memref_slice %arg8[%dma_wait3A_23, %dma_wait3A_24] : memref<10112x128xf32, #tpu.memory_space<vmem_shared>> -> memref<10112x128xf32, #tpu.memory_space<vmem_shared>>
        tpu.wait_indirect_dma semaphore(%run_scoped3A : memref<!tpu.dma_semaphore, #tpu.memory_space<semaphore_mem>>) src(%arg7 : memref<128x128xf32, #tpu.memory_space<vmem>>) dst(%dma_wait3A_25 : memref<10112x128xf32, #tpu.memory_space<vmem_shared>>)
        tpu.yield
      }) : () -> ()
    }
    %scan3A_9 = arith.constant 80 : i32
    %barrier3A_10 = arith.constant 0 : index
    tpu.barrier barrier_id(%barrier3A_10)
    "tpu.region"() ({
      %run_scoped3A = tpu.sem_alloc : memref<!tpu.dma_semaphore, #tpu.memory_space<semaphore_mem>>
      %dma_start3A = arith.constant 0 : i32
      %dma_start3A_11 = tpu.memref_slice %arg5[%arg0, %multiple_of3A, %dma_start3A] : memref<2x10112x128xf32, #tpu.memory_space<hbm>> -> memref<1x632x128xf32, #tpu.memory_space<hbm>>
      %dma_start3A_12 = tpu.memref_squeeze %dma_start3A_11 : memref<1x632x128xf32, #tpu.memory_space<hbm>> -> memref<632x128xf32, #tpu.memory_space<hbm>>
      %dma_start3A_13 = arith.constant 0 : i32
      %dma_start3A_14 = tpu.memref_slice %arg8[%multiple_of3A, %dma_start3A_13] : memref<10112x128xf32, #tpu.memory_space<vmem_shared>> -> memref<632x128xf32, #tpu.memory_space<vmem_shared>>
      tpu.enqueue_dma source(%dma_start3A_14 : memref<632x128xf32, #tpu.memory_space<vmem_shared>>) target(%dma_start3A_12 : memref<632x128xf32, #tpu.memory_space<hbm>>) target_semaphore(%run_scoped3A : memref<!tpu.dma_semaphore, #tpu.memory_space<semaphore_mem>>)
      %dma_wait3A = arith.constant 0 : i32
      %dma_wait3A_15 = tpu.memref_slice %arg5[%arg0, %multiple_of3A, %dma_wait3A] : memref<2x10112x128xf32, #tpu.memory_space<hbm>> -> memref<1x632x128xf32, #tpu.memory_space<hbm>>
      %dma_wait3A_16 = tpu.memref_squeeze %dma_wait3A_15 : memref<1x632x128xf32, #tpu.memory_space<hbm>> -> memref<632x128xf32, #tpu.memory_space<hbm>>
      %dma_wait3A_17 = arith.constant 0 : i32
      %dma_wait3A_18 = tpu.memref_slice %arg8[%multiple_of3A, %dma_wait3A_17] : memref<10112x128xf32, #tpu.memory_space<vmem_shared>> -> memref<632x128xf32, #tpu.memory_space<vmem_shared>>
      tpu.wait_dma2 semaphore(%run_scoped3A : memref<!tpu.dma_semaphore, #tpu.memory_space<semaphore_mem>>) src(%dma_wait3A_18 : memref<632x128xf32, #tpu.memory_space<vmem_shared>>) dst(%dma_wait3A_16 : memref<632x128xf32, #tpu.memory_space<hbm>>)
      tpu.yield
    }) : () -> ()
    return
  }
}

#map = affine_map<(d0, d1) -> (0, 0)>
#map1 = affine_map<(d0, d1) -> (0, 0, 0)>
module attributes {stable_mosaic.version = 14 : i64} {
  func.func @seg_sum(%arg0: i32, %arg1: i32, %arg2: memref<10112x128xf32, #tpu.memory_space<hbm>>, %arg3: memref<256x128xi32, #tpu.memory_space<hbm>>, %arg4: memref<256x128xi32, #tpu.memory_space<hbm>>, %arg5: memref<128x128xf32, #tpu.memory_space<hbm>>, %arg6: memref<2x128x128xf32, #tpu.memory_space<hbm>>, %arg7: memref<8x128xi32, #tpu.memory_space<vmem>>, %arg8: memref<8x128xi32, #tpu.memory_space<vmem>>, %arg9: memref<128x128xf32, #tpu.memory_space<vmem>>, %arg10: memref<128x128xf32, #tpu.memory_space<vmem>>, %arg11: memref<128x128xf32, #tpu.memory_space<vmem_shared>>, %arg12: memref<!tpu.dma_semaphore, #tpu.memory_space<semaphore_mem>>, %arg13: memref<!tpu.dma_semaphore, #tpu.memory_space<semaphore_mem>>) attributes {dimension_semantics = [#tpu.dimension_semantics<core_parallel>, #tpu.dimension_semantics<subcore_parallel>], iteration_bounds = array<i64: 2, 16>, scalar_prefetch = 0 : i64, scratch_operands = 7 : i64, tpu.core_type = #tpu.core_type<sc_vector_subcore>, window_params = [{transform_indices = #map}, {transform_indices = #map}, {transform_indices = #map}, {transform_indices = #map}, {transform_indices = #map1}]} {
    %mul3A = arith.constant 8 : i32
    %mul3A_0 = arith.muli %arg1, %mul3A : i32
    %multiple_of3A = tpu.assume_multiple %mul3A_0, 8 : i32
    %mul3A_1 = arith.constant 16 : i32
    %mul3A_2 = arith.muli %arg0, %mul3A_1 : i32
    %add3A = arith.addi %mul3A_2, %arg1 : i32
    %mul3A_3 = arith.constant 8 : i32
    %mul3A_4 = arith.muli %add3A, %mul3A_3 : i32
    %multiple_of3A_5 = tpu.assume_multiple %mul3A_4, 8 : i32
    "tpu.region"() ({
      %run_scoped3A_41 = tpu.sem_alloc : memref<!tpu.dma_semaphore, #tpu.memory_space<semaphore_mem>>
      %dma_start3A_42 = arith.constant 0 : i32
      %dma_start3A_43 = tpu.memref_slice %arg11[%multiple_of3A, %dma_start3A_42] : memref<128x128xf32, #tpu.memory_space<vmem_shared>> -> memref<8x128xf32, #tpu.memory_space<vmem_shared>>
      %dma_start3A_44 = arith.constant 0 : i32
      %dma_start3A_45 = tpu.memref_slice %arg5[%multiple_of3A, %dma_start3A_44] : memref<128x128xf32, #tpu.memory_space<hbm>> -> memref<8x128xf32, #tpu.memory_space<hbm>>
      tpu.enqueue_dma source(%dma_start3A_45 : memref<8x128xf32, #tpu.memory_space<hbm>>) target(%dma_start3A_43 : memref<8x128xf32, #tpu.memory_space<vmem_shared>>) target_semaphore(%run_scoped3A_41 : memref<!tpu.dma_semaphore, #tpu.memory_space<semaphore_mem>>)
      %dma_wait3A_46 = arith.constant 0 : i32
      %dma_wait3A_47 = tpu.memref_slice %arg11[%multiple_of3A, %dma_wait3A_46] : memref<128x128xf32, #tpu.memory_space<vmem_shared>> -> memref<8x128xf32, #tpu.memory_space<vmem_shared>>
      %dma_wait3A_48 = arith.constant 0 : i32
      %dma_wait3A_49 = tpu.memref_slice %arg5[%multiple_of3A, %dma_wait3A_48] : memref<128x128xf32, #tpu.memory_space<hbm>> -> memref<8x128xf32, #tpu.memory_space<hbm>>
      tpu.wait_dma2 semaphore(%run_scoped3A_41 : memref<!tpu.dma_semaphore, #tpu.memory_space<semaphore_mem>>) src(%dma_wait3A_49 : memref<8x128xf32, #tpu.memory_space<hbm>>) dst(%dma_wait3A_47 : memref<8x128xf32, #tpu.memory_space<vmem_shared>>)
      tpu.yield
    }) : () -> ()
    %barrier3A = arith.constant 0 : index
    tpu.barrier barrier_id(%barrier3A)
    %add3A_6 = arith.constant 0 : i32
    %add3A_7 = arith.addi %multiple_of3A_5, %add3A_6 : i32
    %multiple_of3A_8 = tpu.assume_multiple %add3A_7, 8 : i32
    "tpu.region"() ({
      %run_scoped3A_41 = tpu.sem_alloc : memref<!tpu.dma_semaphore, #tpu.memory_space<semaphore_mem>>
      %dma_start3A_42 = arith.constant 0 : i32
      %dma_start3A_43 = tpu.memref_slice %arg3[%multiple_of3A_8, %dma_start3A_42] : memref<256x128xi32, #tpu.memory_space<hbm>> -> memref<8x128xi32, #tpu.memory_space<hbm>>
      %dma_start3A_44 = arith.constant 0 : i32
      %dma_start3A_45 = tpu.memref_slice %arg3[%multiple_of3A_8, %dma_start3A_44] : memref<256x128xi32, #tpu.memory_space<hbm>> -> memref<8x128xi32, #tpu.memory_space<hbm>>
      tpu.enqueue_dma source(%dma_start3A_45 : memref<8x128xi32, #tpu.memory_space<hbm>>) target(%arg7 : memref<8x128xi32, #tpu.memory_space<vmem>>) target_semaphore(%run_scoped3A_41 : memref<!tpu.dma_semaphore, #tpu.memory_space<semaphore_mem>>)
      %dma_wait3A_46 = arith.constant 0 : i32
      %dma_wait3A_47 = tpu.memref_slice %arg3[%multiple_of3A_8, %dma_wait3A_46] : memref<256x128xi32, #tpu.memory_space<hbm>> -> memref<8x128xi32, #tpu.memory_space<hbm>>
      %dma_wait3A_48 = arith.constant 0 : i32
      %dma_wait3A_49 = tpu.memref_slice %arg3[%multiple_of3A_8, %dma_wait3A_48] : memref<256x128xi32, #tpu.memory_space<hbm>> -> memref<8x128xi32, #tpu.memory_space<hbm>>
      tpu.wait_dma2 semaphore(%run_scoped3A_41 : memref<!tpu.dma_semaphore, #tpu.memory_space<semaphore_mem>>) src(%dma_wait3A_49 : memref<8x128xi32, #tpu.memory_space<hbm>>) dst(%arg7 : memref<8x128xi32, #tpu.memory_space<vmem>>)
      tpu.yield
    }) : () -> ()
    "tpu.region"() ({
      %run_scoped3A_41 = tpu.sem_alloc : memref<!tpu.dma_semaphore, #tpu.memory_space<semaphore_mem>>
      %dma_start3A_42 = arith.constant 0 : i32
      %dma_start3A_43 = tpu.memref_slice %arg4[%multiple_of3A_8, %dma_start3A_42] : memref<256x128xi32, #tpu.memory_space<hbm>> -> memref<8x128xi32, #tpu.memory_space<hbm>>
      %dma_start3A_44 = arith.constant 0 : i32
      %dma_start3A_45 = tpu.memref_slice %arg4[%multiple_of3A_8, %dma_start3A_44] : memref<256x128xi32, #tpu.memory_space<hbm>> -> memref<8x128xi32, #tpu.memory_space<hbm>>
      tpu.enqueue_dma source(%dma_start3A_45 : memref<8x128xi32, #tpu.memory_space<hbm>>) target(%arg8 : memref<8x128xi32, #tpu.memory_space<vmem>>) target_semaphore(%run_scoped3A_41 : memref<!tpu.dma_semaphore, #tpu.memory_space<semaphore_mem>>)
      %dma_wait3A_46 = arith.constant 0 : i32
      %dma_wait3A_47 = tpu.memref_slice %arg4[%multiple_of3A_8, %dma_wait3A_46] : memref<256x128xi32, #tpu.memory_space<hbm>> -> memref<8x128xi32, #tpu.memory_space<hbm>>
      %dma_wait3A_48 = arith.constant 0 : i32
      %dma_wait3A_49 = tpu.memref_slice %arg4[%multiple_of3A_8, %dma_wait3A_48] : memref<256x128xi32, #tpu.memory_space<hbm>> -> memref<8x128xi32, #tpu.memory_space<hbm>>
      tpu.wait_dma2 semaphore(%run_scoped3A_41 : memref<!tpu.dma_semaphore, #tpu.memory_space<semaphore_mem>>) src(%dma_wait3A_49 : memref<8x128xi32, #tpu.memory_space<hbm>>) dst(%arg8 : memref<8x128xi32, #tpu.memory_space<vmem>>)
      tpu.yield
    }) : () -> ()
    %dma_start3A = arith.constant 0 : i32
    %dma_start3A_9 = arith.constant 0 : i32
    %dma_start3A_10 = tpu.memref_slice %arg7[%dma_start3A, %dma_start3A_9] : memref<8x128xi32, #tpu.memory_space<vmem>> -> memref<1x128xi32, #tpu.memory_space<vmem>>
    %dma_start3A_11 = tpu.memref_squeeze %dma_start3A_10 : memref<1x128xi32, #tpu.memory_space<vmem>> -> memref<128xi32, #tpu.memory_space<vmem>>
    %dma_start3A_12 = arith.constant 0 : i32
    %dma_start3A_13 = arith.constant 0 : i32
    %dma_start3A_14 = tpu.memref_slice %arg2[%dma_start3A_12, %dma_start3A_13] : memref<10112x128xf32, #tpu.memory_space<hbm>> -> memref<10112x128xf32, #tpu.memory_space<hbm>>
    tpu.enqueue_indirect_dma source(%dma_start3A_14 : memref<10112x128xf32, #tpu.memory_space<hbm>>) target(%arg9 : memref<128x128xf32, #tpu.memory_space<vmem>>) offsets(%dma_start3A_11 : memref<128xi32, #tpu.memory_space<vmem>>) semaphore(%arg12 : memref<!tpu.dma_semaphore, #tpu.memory_space<semaphore_mem>>)
    %scan3A = arith.constant 0 : i32
    %scan3A_15 = arith.constant 3 : i32
    %scan3A_16 = arith.addi %scan3A, %scan3A_15 : i32
    %scan3A_17 = arith.constant 1 : i32
    scf.for %scan3A_41 = %scan3A to %scan3A_16 step %scan3A_17  : i32 {
      %mul3A_42 = arith.constant 1 : i32
      %mul3A_43 = arith.muli %scan3A_41, %mul3A_42 : i32
      %add3A_44 = arith.constant 0 : i32
      %add3A_45 = arith.addi %add3A_44, %mul3A_43 : i32
      %mul3A_46 = arith.constant 2 : i32
      %mul3A_47 = arith.muli %add3A_45, %mul3A_46 : i32
      %dma_wait3A_48 = arith.constant 0 : i32
      %dma_wait3A_49 = tpu.memref_slice %arg7[%mul3A_47, %dma_wait3A_48] : memref<8x128xi32, #tpu.memory_space<vmem>> -> memref<1x128xi32, #tpu.memory_space<vmem>>
      %dma_wait3A_50 = tpu.memref_squeeze %dma_wait3A_49 : memref<1x128xi32, #tpu.memory_space<vmem>> -> memref<128xi32, #tpu.memory_space<vmem>>
      %dma_wait3A_51 = arith.constant 0 : i32
      %dma_wait3A_52 = arith.constant 0 : i32
      %dma_wait3A_53 = tpu.memref_slice %arg2[%dma_wait3A_51, %dma_wait3A_52] : memref<10112x128xf32, #tpu.memory_space<hbm>> -> memref<10112x128xf32, #tpu.memory_space<hbm>>
      tpu.wait_indirect_dma semaphore(%arg12 : memref<!tpu.dma_semaphore, #tpu.memory_space<semaphore_mem>>) src(%dma_wait3A_53 : memref<10112x128xf32, #tpu.memory_space<hbm>>) dst(%arg9 : memref<128x128xf32, #tpu.memory_space<vmem>>)
      %add3A_54 = arith.constant 1 : i32
      %add3A_55 = arith.addi %mul3A_47, %add3A_54 : i32
      %dma_start3A_56 = arith.constant 0 : i32
      %dma_start3A_57 = tpu.memref_slice %arg7[%add3A_55, %dma_start3A_56] : memref<8x128xi32, #tpu.memory_space<vmem>> -> memref<1x128xi32, #tpu.memory_space<vmem>>
      %dma_start3A_58 = tpu.memref_squeeze %dma_start3A_57 : memref<1x128xi32, #tpu.memory_space<vmem>> -> memref<128xi32, #tpu.memory_space<vmem>>
      %dma_start3A_59 = arith.constant 0 : i32
      %dma_start3A_60 = arith.constant 0 : i32
      %dma_start3A_61 = tpu.memref_slice %arg2[%dma_start3A_59, %dma_start3A_60] : memref<10112x128xf32, #tpu.memory_space<hbm>> -> memref<10112x128xf32, #tpu.memory_space<hbm>>
      tpu.enqueue_indirect_dma source(%dma_start3A_61 : memref<10112x128xf32, #tpu.memory_space<hbm>>) target(%arg10 : memref<128x128xf32, #tpu.memory_space<vmem>>) offsets(%dma_start3A_58 : memref<128xi32, #tpu.memory_space<vmem>>) semaphore(%arg13 : memref<!tpu.dma_semaphore, #tpu.memory_space<semaphore_mem>>)
      "tpu.region"() ({
        %run_scoped3A_80 = tpu.sem_alloc : memref<!tpu.dma_semaphore, #tpu.memory_space<semaphore_mem>>
        %dma_start3A_81 = arith.constant 0 : i32
        %dma_start3A_82 = tpu.memref_slice %arg8[%mul3A_47, %dma_start3A_81] : memref<8x128xi32, #tpu.memory_space<vmem>> -> memref<1x128xi32, #tpu.memory_space<vmem>>
        %dma_start3A_83 = tpu.memref_squeeze %dma_start3A_82 : memref<1x128xi32, #tpu.memory_space<vmem>> -> memref<128xi32, #tpu.memory_space<vmem>>
        %dma_start3A_84 = arith.constant 0 : i32
        %dma_start3A_85 = arith.constant 0 : i32
        %dma_start3A_86 = tpu.memref_slice %arg11[%dma_start3A_84, %dma_start3A_85] : memref<128x128xf32, #tpu.memory_space<vmem_shared>> -> memref<128x128xf32, #tpu.memory_space<vmem_shared>>
        tpu.enqueue_indirect_dma source(%arg9 : memref<128x128xf32, #tpu.memory_space<vmem>>) target(%dma_start3A_86 : memref<128x128xf32, #tpu.memory_space<vmem_shared>>) offsets(%dma_start3A_83 : memref<128xi32, #tpu.memory_space<vmem>>) semaphore(%run_scoped3A_80 : memref<!tpu.dma_semaphore, #tpu.memory_space<semaphore_mem>>) {add = true}
        %dma_wait3A_87 = arith.constant 0 : i32
        %dma_wait3A_88 = tpu.memref_slice %arg8[%mul3A_47, %dma_wait3A_87] : memref<8x128xi32, #tpu.memory_space<vmem>> -> memref<1x128xi32, #tpu.memory_space<vmem>>
        %dma_wait3A_89 = tpu.memref_squeeze %dma_wait3A_88 : memref<1x128xi32, #tpu.memory_space<vmem>> -> memref<128xi32, #tpu.memory_space<vmem>>
        %dma_wait3A_90 = arith.constant 0 : i32
        %dma_wait3A_91 = arith.constant 0 : i32
        %dma_wait3A_92 = tpu.memref_slice %arg11[%dma_wait3A_90, %dma_wait3A_91] : memref<128x128xf32, #tpu.memory_space<vmem_shared>> -> memref<128x128xf32, #tpu.memory_space<vmem_shared>>
        tpu.wait_indirect_dma semaphore(%run_scoped3A_80 : memref<!tpu.dma_semaphore, #tpu.memory_space<semaphore_mem>>) src(%arg9 : memref<128x128xf32, #tpu.memory_space<vmem>>) dst(%dma_wait3A_92 : memref<128x128xf32, #tpu.memory_space<vmem_shared>>)
        tpu.yield
      }) : () -> ()
      %add3A_62 = arith.constant 1 : i32
      %add3A_63 = arith.addi %mul3A_47, %add3A_62 : i32
      %dma_wait3A_64 = arith.constant 0 : i32
      %dma_wait3A_65 = tpu.memref_slice %arg7[%add3A_63, %dma_wait3A_64] : memref<8x128xi32, #tpu.memory_space<vmem>> -> memref<1x128xi32, #tpu.memory_space<vmem>>
      %dma_wait3A_66 = tpu.memref_squeeze %dma_wait3A_65 : memref<1x128xi32, #tpu.memory_space<vmem>> -> memref<128xi32, #tpu.memory_space<vmem>>
      %dma_wait3A_67 = arith.constant 0 : i32
      %dma_wait3A_68 = arith.constant 0 : i32
      %dma_wait3A_69 = tpu.memref_slice %arg2[%dma_wait3A_67, %dma_wait3A_68] : memref<10112x128xf32, #tpu.memory_space<hbm>> -> memref<10112x128xf32, #tpu.memory_space<hbm>>
      tpu.wait_indirect_dma semaphore(%arg13 : memref<!tpu.dma_semaphore, #tpu.memory_space<semaphore_mem>>) src(%dma_wait3A_69 : memref<10112x128xf32, #tpu.memory_space<hbm>>) dst(%arg10 : memref<128x128xf32, #tpu.memory_space<vmem>>)
      %add3A_70 = arith.constant 2 : i32
      %add3A_71 = arith.addi %mul3A_47, %add3A_70 : i32
      %dma_start3A_72 = arith.constant 0 : i32
      %dma_start3A_73 = tpu.memref_slice %arg7[%add3A_71, %dma_start3A_72] : memref<8x128xi32, #tpu.memory_space<vmem>> -> memref<1x128xi32, #tpu.memory_space<vmem>>
      %dma_start3A_74 = tpu.memref_squeeze %dma_start3A_73 : memref<1x128xi32, #tpu.memory_space<vmem>> -> memref<128xi32, #tpu.memory_space<vmem>>
      %dma_start3A_75 = arith.constant 0 : i32
      %dma_start3A_76 = arith.constant 0 : i32
      %dma_start3A_77 = tpu.memref_slice %arg2[%dma_start3A_75, %dma_start3A_76] : memref<10112x128xf32, #tpu.memory_space<hbm>> -> memref<10112x128xf32, #tpu.memory_space<hbm>>
      tpu.enqueue_indirect_dma source(%dma_start3A_77 : memref<10112x128xf32, #tpu.memory_space<hbm>>) target(%arg9 : memref<128x128xf32, #tpu.memory_space<vmem>>) offsets(%dma_start3A_74 : memref<128xi32, #tpu.memory_space<vmem>>) semaphore(%arg12 : memref<!tpu.dma_semaphore, #tpu.memory_space<semaphore_mem>>)
      %add3A_78 = arith.constant 1 : i32
      %add3A_79 = arith.addi %mul3A_47, %add3A_78 : i32
      "tpu.region"() ({
        %run_scoped3A_80 = tpu.sem_alloc : memref<!tpu.dma_semaphore, #tpu.memory_space<semaphore_mem>>
        %dma_start3A_81 = arith.constant 0 : i32
        %dma_start3A_82 = tpu.memref_slice %arg8[%add3A_79, %dma_start3A_81] : memref<8x128xi32, #tpu.memory_space<vmem>> -> memref<1x128xi32, #tpu.memory_space<vmem>>
        %dma_start3A_83 = tpu.memref_squeeze %dma_start3A_82 : memref<1x128xi32, #tpu.memory_space<vmem>> -> memref<128xi32, #tpu.memory_space<vmem>>
        %dma_start3A_84 = arith.constant 0 : i32
        %dma_start3A_85 = arith.constant 0 : i32
        %dma_start3A_86 = tpu.memref_slice %arg11[%dma_start3A_84, %dma_start3A_85] : memref<128x128xf32, #tpu.memory_space<vmem_shared>> -> memref<128x128xf32, #tpu.memory_space<vmem_shared>>
        tpu.enqueue_indirect_dma source(%arg10 : memref<128x128xf32, #tpu.memory_space<vmem>>) target(%dma_start3A_86 : memref<128x128xf32, #tpu.memory_space<vmem_shared>>) offsets(%dma_start3A_83 : memref<128xi32, #tpu.memory_space<vmem>>) semaphore(%run_scoped3A_80 : memref<!tpu.dma_semaphore, #tpu.memory_space<semaphore_mem>>) {add = true}
        %dma_wait3A_87 = arith.constant 0 : i32
        %dma_wait3A_88 = tpu.memref_slice %arg8[%add3A_79, %dma_wait3A_87] : memref<8x128xi32, #tpu.memory_space<vmem>> -> memref<1x128xi32, #tpu.memory_space<vmem>>
        %dma_wait3A_89 = tpu.memref_squeeze %dma_wait3A_88 : memref<1x128xi32, #tpu.memory_space<vmem>> -> memref<128xi32, #tpu.memory_space<vmem>>
        %dma_wait3A_90 = arith.constant 0 : i32
        %dma_wait3A_91 = arith.constant 0 : i32
        %dma_wait3A_92 = tpu.memref_slice %arg11[%dma_wait3A_90, %dma_wait3A_91] : memref<128x128xf32, #tpu.memory_space<vmem_shared>> -> memref<128x128xf32, #tpu.memory_space<vmem_shared>>
        tpu.wait_indirect_dma semaphore(%run_scoped3A_80 : memref<!tpu.dma_semaphore, #tpu.memory_space<semaphore_mem>>) src(%arg10 : memref<128x128xf32, #tpu.memory_space<vmem>>) dst(%dma_wait3A_92 : memref<128x128xf32, #tpu.memory_space<vmem_shared>>)
        tpu.yield
      }) : () -> ()
    }
    %scan3A_18 = arith.constant 3 : i32
    %dma_wait3A = arith.constant 6 : i32
    %dma_wait3A_19 = arith.constant 0 : i32
    %dma_wait3A_20 = tpu.memref_slice %arg7[%dma_wait3A, %dma_wait3A_19] : memref<8x128xi32, #tpu.memory_space<vmem>> -> memref<1x128xi32, #tpu.memory_space<vmem>>
    %dma_wait3A_21 = tpu.memref_squeeze %dma_wait3A_20 : memref<1x128xi32, #tpu.memory_space<vmem>> -> memref<128xi32, #tpu.memory_space<vmem>>
    %dma_wait3A_22 = arith.constant 0 : i32
    %dma_wait3A_23 = arith.constant 0 : i32
    %dma_wait3A_24 = tpu.memref_slice %arg2[%dma_wait3A_22, %dma_wait3A_23] : memref<10112x128xf32, #tpu.memory_space<hbm>> -> memref<10112x128xf32, #tpu.memory_space<hbm>>
    tpu.wait_indirect_dma semaphore(%arg12 : memref<!tpu.dma_semaphore, #tpu.memory_space<semaphore_mem>>) src(%dma_wait3A_24 : memref<10112x128xf32, #tpu.memory_space<hbm>>) dst(%arg9 : memref<128x128xf32, #tpu.memory_space<vmem>>)
    %dma_start3A_25 = arith.constant 7 : i32
    %dma_start3A_26 = arith.constant 0 : i32
    %dma_start3A_27 = tpu.memref_slice %arg7[%dma_start3A_25, %dma_start3A_26] : memref<8x128xi32, #tpu.memory_space<vmem>> -> memref<1x128xi32, #tpu.memory_space<vmem>>
    %dma_start3A_28 = tpu.memref_squeeze %dma_start3A_27 : memref<1x128xi32, #tpu.memory_space<vmem>> -> memref<128xi32, #tpu.memory_space<vmem>>
    %dma_start3A_29 = arith.constant 0 : i32
    %dma_start3A_30 = arith.constant 0 : i32
    %dma_start3A_31 = tpu.memref_slice %arg2[%dma_start3A_29, %dma_start3A_30] : memref<10112x128xf32, #tpu.memory_space<hbm>> -> memref<10112x128xf32, #tpu.memory_space<hbm>>
    tpu.enqueue_indirect_dma source(%dma_start3A_31 : memref<10112x128xf32, #tpu.memory_space<hbm>>) target(%arg10 : memref<128x128xf32, #tpu.memory_space<vmem>>) offsets(%dma_start3A_28 : memref<128xi32, #tpu.memory_space<vmem>>) semaphore(%arg13 : memref<!tpu.dma_semaphore, #tpu.memory_space<semaphore_mem>>)
    %run_scoped3A = arith.constant 6 : i32
    "tpu.region"() ({
      %run_scoped3A_41 = tpu.sem_alloc : memref<!tpu.dma_semaphore, #tpu.memory_space<semaphore_mem>>
      %dma_start3A_42 = arith.constant 0 : i32
      %dma_start3A_43 = tpu.memref_slice %arg8[%run_scoped3A, %dma_start3A_42] : memref<8x128xi32, #tpu.memory_space<vmem>> -> memref<1x128xi32, #tpu.memory_space<vmem>>
      %dma_start3A_44 = tpu.memref_squeeze %dma_start3A_43 : memref<1x128xi32, #tpu.memory_space<vmem>> -> memref<128xi32, #tpu.memory_space<vmem>>
      %dma_start3A_45 = arith.constant 0 : i32
      %dma_start3A_46 = arith.constant 0 : i32
      %dma_start3A_47 = tpu.memref_slice %arg11[%dma_start3A_45, %dma_start3A_46] : memref<128x128xf32, #tpu.memory_space<vmem_shared>> -> memref<128x128xf32, #tpu.memory_space<vmem_shared>>
      tpu.enqueue_indirect_dma source(%arg9 : memref<128x128xf32, #tpu.memory_space<vmem>>) target(%dma_start3A_47 : memref<128x128xf32, #tpu.memory_space<vmem_shared>>) offsets(%dma_start3A_44 : memref<128xi32, #tpu.memory_space<vmem>>) semaphore(%run_scoped3A_41 : memref<!tpu.dma_semaphore, #tpu.memory_space<semaphore_mem>>) {add = true}
      %dma_wait3A_48 = arith.constant 0 : i32
      %dma_wait3A_49 = tpu.memref_slice %arg8[%run_scoped3A, %dma_wait3A_48] : memref<8x128xi32, #tpu.memory_space<vmem>> -> memref<1x128xi32, #tpu.memory_space<vmem>>
      %dma_wait3A_50 = tpu.memref_squeeze %dma_wait3A_49 : memref<1x128xi32, #tpu.memory_space<vmem>> -> memref<128xi32, #tpu.memory_space<vmem>>
      %dma_wait3A_51 = arith.constant 0 : i32
      %dma_wait3A_52 = arith.constant 0 : i32
      %dma_wait3A_53 = tpu.memref_slice %arg11[%dma_wait3A_51, %dma_wait3A_52] : memref<128x128xf32, #tpu.memory_space<vmem_shared>> -> memref<128x128xf32, #tpu.memory_space<vmem_shared>>
      tpu.wait_indirect_dma semaphore(%run_scoped3A_41 : memref<!tpu.dma_semaphore, #tpu.memory_space<semaphore_mem>>) src(%arg9 : memref<128x128xf32, #tpu.memory_space<vmem>>) dst(%dma_wait3A_53 : memref<128x128xf32, #tpu.memory_space<vmem_shared>>)
      tpu.yield
    }) : () -> ()
    %dma_wait3A_32 = arith.constant 7 : i32
    %dma_wait3A_33 = arith.constant 0 : i32
    %dma_wait3A_34 = tpu.memref_slice %arg7[%dma_wait3A_32, %dma_wait3A_33] : memref<8x128xi32, #tpu.memory_space<vmem>> -> memref<1x128xi32, #tpu.memory_space<vmem>>
    %dma_wait3A_35 = tpu.memref_squeeze %dma_wait3A_34 : memref<1x128xi32, #tpu.memory_space<vmem>> -> memref<128xi32, #tpu.memory_space<vmem>>
    %dma_wait3A_36 = arith.constant 0 : i32
    %dma_wait3A_37 = arith.constant 0 : i32
    %dma_wait3A_38 = tpu.memref_slice %arg2[%dma_wait3A_36, %dma_wait3A_37] : memref<10112x128xf32, #tpu.memory_space<hbm>> -> memref<10112x128xf32, #tpu.memory_space<hbm>>
    tpu.wait_indirect_dma semaphore(%arg13 : memref<!tpu.dma_semaphore, #tpu.memory_space<semaphore_mem>>) src(%dma_wait3A_38 : memref<10112x128xf32, #tpu.memory_space<hbm>>) dst(%arg10 : memref<128x128xf32, #tpu.memory_space<vmem>>)
    %run_scoped3A_39 = arith.constant 7 : i32
    "tpu.region"() ({
      %run_scoped3A_41 = tpu.sem_alloc : memref<!tpu.dma_semaphore, #tpu.memory_space<semaphore_mem>>
      %dma_start3A_42 = arith.constant 0 : i32
      %dma_start3A_43 = tpu.memref_slice %arg8[%run_scoped3A_39, %dma_start3A_42] : memref<8x128xi32, #tpu.memory_space<vmem>> -> memref<1x128xi32, #tpu.memory_space<vmem>>
      %dma_start3A_44 = tpu.memref_squeeze %dma_start3A_43 : memref<1x128xi32, #tpu.memory_space<vmem>> -> memref<128xi32, #tpu.memory_space<vmem>>
      %dma_start3A_45 = arith.constant 0 : i32
      %dma_start3A_46 = arith.constant 0 : i32
      %dma_start3A_47 = tpu.memref_slice %arg11[%dma_start3A_45, %dma_start3A_46] : memref<128x128xf32, #tpu.memory_space<vmem_shared>> -> memref<128x128xf32, #tpu.memory_space<vmem_shared>>
      tpu.enqueue_indirect_dma source(%arg10 : memref<128x128xf32, #tpu.memory_space<vmem>>) target(%dma_start3A_47 : memref<128x128xf32, #tpu.memory_space<vmem_shared>>) offsets(%dma_start3A_44 : memref<128xi32, #tpu.memory_space<vmem>>) semaphore(%run_scoped3A_41 : memref<!tpu.dma_semaphore, #tpu.memory_space<semaphore_mem>>) {add = true}
      %dma_wait3A_48 = arith.constant 0 : i32
      %dma_wait3A_49 = tpu.memref_slice %arg8[%run_scoped3A_39, %dma_wait3A_48] : memref<8x128xi32, #tpu.memory_space<vmem>> -> memref<1x128xi32, #tpu.memory_space<vmem>>
      %dma_wait3A_50 = tpu.memref_squeeze %dma_wait3A_49 : memref<1x128xi32, #tpu.memory_space<vmem>> -> memref<128xi32, #tpu.memory_space<vmem>>
      %dma_wait3A_51 = arith.constant 0 : i32
      %dma_wait3A_52 = arith.constant 0 : i32
      %dma_wait3A_53 = tpu.memref_slice %arg11[%dma_wait3A_51, %dma_wait3A_52] : memref<128x128xf32, #tpu.memory_space<vmem_shared>> -> memref<128x128xf32, #tpu.memory_space<vmem_shared>>
      tpu.wait_indirect_dma semaphore(%run_scoped3A_41 : memref<!tpu.dma_semaphore, #tpu.memory_space<semaphore_mem>>) src(%arg10 : memref<128x128xf32, #tpu.memory_space<vmem>>) dst(%dma_wait3A_53 : memref<128x128xf32, #tpu.memory_space<vmem_shared>>)
      tpu.yield
    }) : () -> ()
    %barrier3A_40 = arith.constant 0 : index
    tpu.barrier barrier_id(%barrier3A_40)
    "tpu.region"() ({
      %run_scoped3A_41 = tpu.sem_alloc : memref<!tpu.dma_semaphore, #tpu.memory_space<semaphore_mem>>
      %dma_start3A_42 = arith.constant 0 : i32
      %dma_start3A_43 = tpu.memref_slice %arg6[%arg0, %multiple_of3A, %dma_start3A_42] : memref<2x128x128xf32, #tpu.memory_space<hbm>> -> memref<1x8x128xf32, #tpu.memory_space<hbm>>
      %dma_start3A_44 = tpu.memref_squeeze %dma_start3A_43 : memref<1x8x128xf32, #tpu.memory_space<hbm>> -> memref<8x128xf32, #tpu.memory_space<hbm>>
      %dma_start3A_45 = arith.constant 0 : i32
      %dma_start3A_46 = tpu.memref_slice %arg11[%multiple_of3A, %dma_start3A_45] : memref<128x128xf32, #tpu.memory_space<vmem_shared>> -> memref<8x128xf32, #tpu.memory_space<vmem_shared>>
      tpu.enqueue_dma source(%dma_start3A_46 : memref<8x128xf32, #tpu.memory_space<vmem_shared>>) target(%dma_start3A_44 : memref<8x128xf32, #tpu.memory_space<hbm>>) target_semaphore(%run_scoped3A_41 : memref<!tpu.dma_semaphore, #tpu.memory_space<semaphore_mem>>)
      %dma_wait3A_47 = arith.constant 0 : i32
      %dma_wait3A_48 = tpu.memref_slice %arg6[%arg0, %multiple_of3A, %dma_wait3A_47] : memref<2x128x128xf32, #tpu.memory_space<hbm>> -> memref<1x8x128xf32, #tpu.memory_space<hbm>>
      %dma_wait3A_49 = tpu.memref_squeeze %dma_wait3A_48 : memref<1x8x128xf32, #tpu.memory_space<hbm>> -> memref<8x128xf32, #tpu.memory_space<hbm>>
      %dma_wait3A_50 = arith.constant 0 : i32
      %dma_wait3A_51 = tpu.memref_slice %arg11[%multiple_of3A, %dma_wait3A_50] : memref<128x128xf32, #tpu.memory_space<vmem_shared>> -> memref<8x128xf32, #tpu.memory_space<vmem_shared>>
      tpu.wait_dma2 semaphore(%run_scoped3A_41 : memref<!tpu.dma_semaphore, #tpu.memory_space<semaphore_mem>>) src(%dma_wait3A_51 : memref<8x128xf32, #tpu.memory_space<vmem_shared>>) dst(%dma_wait3A_49 : memref<8x128xf32, #tpu.memory_space<hbm>>)
      tpu.yield
    }) : () -> ()
    return
  }
}

module attributes {stable_mosaic.version = 14 : i64} {
  func.func @_k1_body(%arg0: memref<10000x128xf32, #tpu.memory_space<vmem>>, %arg1: memref<128x128xf32, #tpu.memory_space<vmem>>, %arg2: memref<10000x1xf32, #tpu.memory_space<vmem>>, %arg3: memref<10000x1xf32, #tpu.memory_space<vmem>>, %arg4: memref<10000x128xf32, #tpu.memory_space<vmem>>) attributes {dimension_semantics = [], scalar_prefetch = 0 : i64, scratch_operands = 0 : i64, tpu.core_type = #tpu.core_type<tc>} {
    %get3A = arith.constant 0 : index
    %get3A_0 = arith.constant 0 : index
    %get3A_1 = vector.load %arg2[%get3A, %get3A_0] : memref<10000x1xf32, #tpu.memory_space<vmem>>, vector<10000x1xf32>
    %get3A_2 = arith.constant 0 : index
    %get3A_3 = arith.constant 0 : index
    %get3A_4 = vector.load %arg3[%get3A_2, %get3A_3] : memref<10000x1xf32, #tpu.memory_space<vmem>>, vector<10000x1xf32>
    %add3A = arith.addf %get3A_1, %get3A_4 : vector<10000x1xf32>
    %add3A_5 = arith.constant 1.000000e+00 : f32
    %add3A_6 = vector.broadcast %add3A_5 : f32 to vector<10000x1xf32>
    %add3A_7 = arith.addf %add3A, %add3A_6 : vector<10000x1xf32>
    %max3A = arith.constant 9.99999996E-13 : f32
    %max3A_8 = vector.broadcast %max3A : f32 to vector<10000x1xf32>
    %max3A_9 = arith.maximumf %add3A_7, %max3A_8 : vector<10000x1xf32>
    %rsqrt3A = math.rsqrt %max3A_9 : vector<10000x1xf32>
    %get3A_10 = arith.constant 0 : index
    %get3A_11 = arith.constant 0 : index
    %get3A_12 = vector.load %arg0[%get3A_10, %get3A_11] : memref<10000x128xf32, #tpu.memory_space<vmem>>, vector<10000x128xf32>
    %get3A_13 = arith.constant 0 : index
    %get3A_14 = arith.constant 0 : index
    %get3A_15 = vector.load %arg1[%get3A_13, %get3A_14] : memref<128x128xf32, #tpu.memory_space<vmem>>, vector<128x128xf32>
    %dot_general3A = arith.constant dense<0.000000e+00> : vector<10000x128xf32>
    %dot_general3A_16 = tpu.matmul %get3A_12, %get3A_15, %dot_general3A {dimension_numbers = #tpu.dot_dimension_numbers<[1], [0], [0], [1], [0, 0, 1, 1], [], []>, transpose_lhs_hint = false} : vector<10000x128xf32>, vector<128x128xf32>, vector<10000x128xf32> -> vector<10000x128xf32>
    %mul3A = vector.broadcast %rsqrt3A : vector<10000x1xf32> to vector<10000x128xf32>
    %mul3A_17 = arith.mulf %dot_general3A_16, %mul3A : vector<10000x128xf32>
    %swap3A = arith.constant 0 : index
    %swap3A_18 = arith.constant 0 : index
    %swap3A_19 = vector.load %arg4[%swap3A, %swap3A_18] : memref<10000x128xf32, #tpu.memory_space<vmem>>, vector<10000x128xf32>
    tpu.vector_store %arg4[%swap3A, %swap3A_18], %mul3A_17 {strides = array<i32>} : memref<10000x128xf32, #tpu.memory_space<vmem>>, vector<10000x128xf32>,
    return
  }
}

module attributes {stable_mosaic.version = 14 : i64} {
  func.func @_k2_body(%arg0: memref<10000x128xf32, #tpu.memory_space<vmem>>, %arg1: memref<10000x128xf32, #tpu.memory_space<vmem>>, %arg2: memref<10000x128xf32, #tpu.memory_space<vmem>>, %arg3: memref<10000x1xf32, #tpu.memory_space<vmem>>, %arg4: memref<10000x1xf32, #tpu.memory_space<vmem>>, %arg5: memref<1x128xf32, #tpu.memory_space<vmem>>, %arg6: memref<128x128xf32, #tpu.memory_space<vmem>>, %arg7: memref<10000x128xf32, #tpu.memory_space<vmem>>) attributes {dimension_semantics = [], scalar_prefetch = 0 : i64, scratch_operands = 0 : i64, tpu.core_type = #tpu.core_type<tc>} {
    %get3A = arith.constant 0 : index
    %get3A_0 = arith.constant 0 : index
    %get3A_1 = vector.load %arg3[%get3A, %get3A_0] : memref<10000x1xf32, #tpu.memory_space<vmem>>, vector<10000x1xf32>
    %get3A_2 = arith.constant 0 : index
    %get3A_3 = arith.constant 0 : index
    %get3A_4 = vector.load %arg4[%get3A_2, %get3A_3] : memref<10000x1xf32, #tpu.memory_space<vmem>>, vector<10000x1xf32>
    %add3A = arith.addf %get3A_1, %get3A_4 : vector<10000x1xf32>
    %add3A_5 = arith.constant 1.000000e+00 : f32
    %add3A_6 = vector.broadcast %add3A_5 : f32 to vector<10000x1xf32>
    %add3A_7 = arith.addf %add3A, %add3A_6 : vector<10000x1xf32>
    %max3A = arith.constant 9.99999996E-13 : f32
    %max3A_8 = vector.broadcast %max3A : f32 to vector<10000x1xf32>
    %max3A_9 = arith.maximumf %add3A_7, %max3A_8 : vector<10000x1xf32>
    %rsqrt3A = math.rsqrt %max3A_9 : vector<10000x1xf32>
    %get3A_10 = arith.constant 0 : index
    %get3A_11 = arith.constant 0 : index
    %get3A_12 = vector.load %arg0[%get3A_10, %get3A_11] : memref<10000x128xf32, #tpu.memory_space<vmem>>, vector<10000x128xf32>
    %get3A_13 = arith.constant 0 : index
    %get3A_14 = arith.constant 0 : index
    %get3A_15 = vector.load %arg1[%get3A_13, %get3A_14] : memref<10000x128xf32, #tpu.memory_space<vmem>>, vector<10000x128xf32>
    %add3A_16 = arith.addf %get3A_12, %get3A_15 : vector<10000x128xf32>
    %get3A_17 = arith.constant 0 : index
    %get3A_18 = arith.constant 0 : index
    %get3A_19 = vector.load %arg2[%get3A_17, %get3A_18] : memref<10000x128xf32, #tpu.memory_space<vmem>>, vector<10000x128xf32>
    %add3A_20 = arith.addf %add3A_16, %get3A_19 : vector<10000x128xf32>
    %mul3A = vector.broadcast %rsqrt3A : vector<10000x1xf32> to vector<10000x128xf32>
    %mul3A_21 = arith.mulf %mul3A, %add3A_20 : vector<10000x128xf32>
    %get3A_22 = arith.constant 0 : index
    %get3A_23 = arith.constant 0 : index
    %get3A_24 = vector.load %arg5[%get3A_22, %get3A_23] : memref<1x128xf32, #tpu.memory_space<vmem>>, vector<1x128xf32>
    %add3A_25 = vector.broadcast %get3A_24 : vector<1x128xf32> to vector<10000x128xf32>
    %add3A_26 = arith.addf %mul3A_21, %add3A_25 : vector<10000x128xf32>
    %reduce_sum3A = arith.constant dense<0.000000e+00> : vector<128xf32>
    %reduce_sum3A_27 = vector.multi_reduction <add>, %add3A_26, %reduce_sum3A [0] : vector<10000x128xf32> to vector<128xf32>
    %broadcast_in_dim3A = vector.shape_cast %reduce_sum3A_27 : vector<128xf32> to vector<1x128xf32>
    %div3A = arith.constant 1.000000e+04 : f32
    %div3A_28 = vector.broadcast %div3A : f32 to vector<1x128xf32>
    %div3A_29 = arith.divf %broadcast_in_dim3A, %div3A_28 : vector<1x128xf32>
    %sub3A = vector.broadcast %div3A_29 : vector<1x128xf32> to vector<10000x128xf32>
    %sub3A_30 = arith.subf %add3A_26, %sub3A : vector<10000x128xf32>
    %integer_pow3A = arith.mulf %sub3A_30, %sub3A_30 : vector<10000x128xf32>
    %reduce_sum3A_31 = arith.constant dense<0.000000e+00> : vector<128xf32>
    %reduce_sum3A_32 = vector.multi_reduction <add>, %integer_pow3A, %reduce_sum3A_31 [0] : vector<10000x128xf32> to vector<128xf32>
    %broadcast_in_dim3A_33 = vector.shape_cast %reduce_sum3A_32 : vector<128xf32> to vector<1x128xf32>
    %div3A_34 = arith.constant 1.000000e+04 : f32
    %div3A_35 = vector.broadcast %div3A_34 : f32 to vector<1x128xf32>
    %div3A_36 = arith.divf %broadcast_in_dim3A_33, %div3A_35 : vector<1x128xf32>
    %sub3A_37 = vector.broadcast %div3A_29 : vector<1x128xf32> to vector<10000x128xf32>
    %sub3A_38 = arith.subf %add3A_26, %sub3A_37 : vector<10000x128xf32>
    %add3A_39 = arith.constant 9.99999974E-6 : f32
    %add3A_40 = vector.broadcast %add3A_39 : f32 to vector<1x128xf32>
    %add3A_41 = arith.addf %div3A_36, %add3A_40 : vector<1x128xf32>
    %rsqrt3A_42 = math.rsqrt %add3A_41 : vector<1x128xf32>
    %mul3A_43 = vector.broadcast %rsqrt3A_42 : vector<1x128xf32> to vector<10000x128xf32>
    %mul3A_44 = arith.mulf %sub3A_38, %mul3A_43 : vector<10000x128xf32>
    %max3A_45 = arith.constant 0.000000e+00 : f32
    %max3A_46 = vector.broadcast %max3A_45 : f32 to vector<10000x128xf32>
    %max3A_47 = arith.maximumf %mul3A_44, %max3A_46 : vector<10000x128xf32>
    %get3A_48 = arith.constant 0 : index
    %get3A_49 = arith.constant 0 : index
    %get3A_50 = vector.load %arg6[%get3A_48, %get3A_49] : memref<128x128xf32, #tpu.memory_space<vmem>>, vector<128x128xf32>
    %dot_general3A = arith.constant dense<0.000000e+00> : vector<10000x128xf32>
    %dot_general3A_51 = tpu.matmul %max3A_47, %get3A_50, %dot_general3A {dimension_numbers = #tpu.dot_dimension_numbers<[1], [0], [0], [1], [0, 0, 1, 1], [], []>, transpose_lhs_hint = false} : vector<10000x128xf32>, vector<128x128xf32>, vector<10000x128xf32> -> vector<10000x128xf32>
    %mul3A_52 = vector.broadcast %rsqrt3A : vector<10000x1xf32> to vector<10000x128xf32>
    %mul3A_53 = arith.mulf %dot_general3A_51, %mul3A_52 : vector<10000x128xf32>
    %swap3A = arith.constant 0 : index
    %swap3A_54 = arith.constant 0 : index
    %swap3A_55 = vector.load %arg7[%swap3A, %swap3A_54] : memref<10000x128xf32, #tpu.memory_space<vmem>>, vector<10000x128xf32>
    tpu.vector_store %arg7[%swap3A, %swap3A_54], %mul3A_53 {strides = array<i32>} : memref<10000x128xf32, #tpu.memory_space<vmem>>, vector<10000x128xf32>,
    return
  }
}

module attributes {stable_mosaic.version = 14 : i64} {
  func.func @_k3_body(%arg0: memref<10000x128xf32, #tpu.memory_space<vmem>>, %arg1: memref<10000x128xf32, #tpu.memory_space<vmem>>, %arg2: memref<10000x128xf32, #tpu.memory_space<vmem>>, %arg3: memref<10000x1xf32, #tpu.memory_space<vmem>>, %arg4: memref<10000x1xf32, #tpu.memory_space<vmem>>, %arg5: memref<1x128xf32, #tpu.memory_space<vmem>>, %arg6: memref<10112x128xf32, #tpu.memory_space<vmem>>) attributes {dimension_semantics = [], scalar_prefetch = 0 : i64, scratch_operands = 0 : i64, tpu.core_type = #tpu.core_type<tc>} {
    %get3A = arith.constant 0 : index
    %get3A_0 = arith.constant 0 : index
    %get3A_1 = vector.load %arg3[%get3A, %get3A_0] : memref<10000x1xf32, #tpu.memory_space<vmem>>, vector<10000x1xf32>
    %get3A_2 = arith.constant 0 : index
    %get3A_3 = arith.constant 0 : index
    %get3A_4 = vector.load %arg4[%get3A_2, %get3A_3] : memref<10000x1xf32, #tpu.memory_space<vmem>>, vector<10000x1xf32>
    %add3A = arith.addf %get3A_1, %get3A_4 : vector<10000x1xf32>
    %add3A_5 = arith.constant 1.000000e+00 : f32
    %add3A_6 = vector.broadcast %add3A_5 : f32 to vector<10000x1xf32>
    %add3A_7 = arith.addf %add3A, %add3A_6 : vector<10000x1xf32>
    %max3A = arith.constant 9.99999996E-13 : f32
    %max3A_8 = vector.broadcast %max3A : f32 to vector<10000x1xf32>
    %max3A_9 = arith.maximumf %add3A_7, %max3A_8 : vector<10000x1xf32>
    %rsqrt3A = math.rsqrt %max3A_9 : vector<10000x1xf32>
    %get3A_10 = arith.constant 0 : index
    %get3A_11 = arith.constant 0 : index
    %get3A_12 = vector.load %arg0[%get3A_10, %get3A_11] : memref<10000x128xf32, #tpu.memory_space<vmem>>, vector<10000x128xf32>
    %get3A_13 = arith.constant 0 : index
    %get3A_14 = arith.constant 0 : index
    %get3A_15 = vector.load %arg1[%get3A_13, %get3A_14] : memref<10000x128xf32, #tpu.memory_space<vmem>>, vector<10000x128xf32>
    %add3A_16 = arith.addf %get3A_12, %get3A_15 : vector<10000x128xf32>
    %get3A_17 = arith.constant 0 : index
    %get3A_18 = arith.constant 0 : index
    %get3A_19 = vector.load %arg2[%get3A_17, %get3A_18] : memref<10000x128xf32, #tpu.memory_space<vmem>>, vector<10000x128xf32>
    %add3A_20 = arith.addf %add3A_16, %get3A_19 : vector<10000x128xf32>
    %mul3A = vector.broadcast %rsqrt3A : vector<10000x1xf32> to vector<10000x128xf32>
    %mul3A_21 = arith.mulf %mul3A, %add3A_20 : vector<10000x128xf32>
    %get3A_22 = arith.constant 0 : index
    %get3A_23 = arith.constant 0 : index
    %get3A_24 = vector.load %arg5[%get3A_22, %get3A_23] : memref<1x128xf32, #tpu.memory_space<vmem>>, vector<1x128xf32>
    %add3A_25 = vector.broadcast %get3A_24 : vector<1x128xf32> to vector<10000x128xf32>
    %add3A_26 = arith.addf %mul3A_21, %add3A_25 : vector<10000x128xf32>
    %reduce_sum3A = arith.constant dense<0.000000e+00> : vector<128xf32>
    %reduce_sum3A_27 = vector.multi_reduction <add>, %add3A_26, %reduce_sum3A [0] : vector<10000x128xf32> to vector<128xf32>
    %broadcast_in_dim3A = vector.shape_cast %reduce_sum3A_27 : vector<128xf32> to vector<1x128xf32>
    %div3A = arith.constant 1.000000e+04 : f32
    %div3A_28 = vector.broadcast %div3A : f32 to vector<1x128xf32>
    %div3A_29 = arith.divf %broadcast_in_dim3A, %div3A_28 : vector<1x128xf32>
    %sub3A = vector.broadcast %div3A_29 : vector<1x128xf32> to vector<10000x128xf32>
    %sub3A_30 = arith.subf %add3A_26, %sub3A : vector<10000x128xf32>
    %integer_pow3A = arith.mulf %sub3A_30, %sub3A_30 : vector<10000x128xf32>
    %reduce_sum3A_31 = arith.constant dense<0.000000e+00> : vector<128xf32>
    %reduce_sum3A_32 = vector.multi_reduction <add>, %integer_pow3A, %reduce_sum3A_31 [0] : vector<10000x128xf32> to vector<128xf32>
    %broadcast_in_dim3A_33 = vector.shape_cast %reduce_sum3A_32 : vector<128xf32> to vector<1x128xf32>
    %div3A_34 = arith.constant 1.000000e+04 : f32
    %div3A_35 = vector.broadcast %div3A_34 : f32 to vector<1x128xf32>
    %div3A_36 = arith.divf %broadcast_in_dim3A_33, %div3A_35 : vector<1x128xf32>
    %sub3A_37 = vector.broadcast %div3A_29 : vector<1x128xf32> to vector<10000x128xf32>
    %sub3A_38 = arith.subf %add3A_26, %sub3A_37 : vector<10000x128xf32>
    %add3A_39 = arith.constant 9.99999974E-6 : f32
    %add3A_40 = vector.broadcast %add3A_39 : f32 to vector<1x128xf32>
    %add3A_41 = arith.addf %div3A_36, %add3A_40 : vector<1x128xf32>
    %rsqrt3A_42 = math.rsqrt %add3A_41 : vector<1x128xf32>
    %mul3A_43 = vector.broadcast %rsqrt3A_42 : vector<1x128xf32> to vector<10000x128xf32>
    %mul3A_44 = arith.mulf %sub3A_38, %mul3A_43 : vector<10000x128xf32>
    %max3A_45 = arith.constant 0.000000e+00 : f32
    %max3A_46 = vector.broadcast %max3A_45 : f32 to vector<10000x128xf32>
    %max3A_47 = arith.maximumf %mul3A_44, %max3A_46 : vector<10000x128xf32>
    %broadcast_in_dim3A_48 = arith.constant 0.000000e+00 : f32
    %broadcast_in_dim3A_49 = vector.broadcast %broadcast_in_dim3A_48 : f32 to vector<112x128xf32>
    %concatenate3A = tpu.concatenate %max3A_47, %broadcast_in_dim3A_49 in 0 : vector<10000x128xf32>, vector<112x128xf32> -> vector<10112x128xf32>
    %swap3A = arith.constant 0 : index
    %swap3A_50 = arith.constant 0 : index
    %swap3A_51 = vector.load %arg6[%swap3A, %swap3A_50] : memref<10112x128xf32, #tpu.memory_space<vmem>>, vector<10112x128xf32>
    tpu.vector_store %arg6[%swap3A, %swap3A_50], %concatenate3A {strides = array<i32>} : memref<10112x128xf32, #tpu.memory_space<vmem>>, vector<10112x128xf32>,
    return
  }
}

module attributes {stable_mosaic.version = 14 : i64} {
  func.func @_k4_body(%arg0: memref<128x128xf32, #tpu.memory_space<vmem>>, %arg1: memref<128x128xf32, #tpu.memory_space<vmem>>, %arg2: memref<256x128xf32, #tpu.memory_space<vmem>>, %arg3: memref<1x128xf32, #tpu.memory_space<vmem>>, %arg4: memref<128x1xf32, #tpu.memory_space<vmem>>, %arg5: memref<1x1xf32, #tpu.memory_space<vmem>>, %arg6: memref<64x1xf32, #tpu.memory_space<vmem>>) attributes {dimension_semantics = [], scalar_prefetch = 0 : i64, scratch_operands = 0 : i64, tpu.core_type = #tpu.core_type<tc>} {
    %get3A = arith.constant 0 : index
    %get3A_0 = arith.constant 0 : index
    %get3A_1 = vector.load %arg0[%get3A, %get3A_0] : memref<128x128xf32, #tpu.memory_space<vmem>>, vector<128x128xf32>
    %get3A_2 = arith.constant 0 : index
    %get3A_3 = arith.constant 0 : index
    %get3A_4 = vector.load %arg1[%get3A_2, %get3A_3] : memref<128x128xf32, #tpu.memory_space<vmem>>, vector<128x128xf32>
    %add3A = arith.addf %get3A_1, %get3A_4 : vector<128x128xf32>
    %slice3A = vector.extract_strided_slice %add3A {offsets = [64, 0], sizes = [1, 128], strides = [1, 1]} : vector<128x128xf32> to vector<1x128xf32>
    %slice3A_5 = vector.extract_strided_slice %add3A {offsets = [0, 0], sizes = [64, 128], strides = [1, 1]} : vector<128x128xf32> to vector<64x128xf32>
    %get3A_6 = arith.constant 0 : index
    %get3A_7 = arith.constant 0 : index
    %get3A_8 = vector.load %arg2[%get3A_6, %get3A_7] : memref<256x128xf32, #tpu.memory_space<vmem>>, vector<256x128xf32>
    %slice3A_9 = vector.extract_strided_slice %get3A_8 {offsets = [0, 0], sizes = [128, 128], strides = [1, 1]} : vector<256x128xf32> to vector<128x128xf32>
    %get3A_10 = arith.constant 0 : index
    %get3A_11 = arith.constant 0 : index
    %get3A_12 = vector.load %arg2[%get3A_10, %get3A_11] : memref<256x128xf32, #tpu.memory_space<vmem>>, vector<256x128xf32>
    %slice3A_13 = vector.extract_strided_slice %get3A_12 {offsets = [128, 0], sizes = [128, 128], strides = [1, 1]} : vector<256x128xf32> to vector<128x128xf32>
    %dot_general3A = arith.constant dense<0.000000e+00> : vector<64x128xf32>
    %dot_general3A_14 = tpu.matmul %slice3A_5, %slice3A_13, %dot_general3A {dimension_numbers = #tpu.dot_dimension_numbers<[1], [0], [0], [1], [0, 0, 1, 1], [], []>, transpose_lhs_hint = false} : vector<64x128xf32>, vector<128x128xf32>, vector<64x128xf32> -> vector<64x128xf32>
    %dot_general3A_15 = arith.constant dense<0.000000e+00> : vector<1x128xf32>
    %dot_general3A_16 = tpu.matmul %slice3A, %slice3A_9, %dot_general3A_15 {dimension_numbers = #tpu.dot_dimension_numbers<[1], [0], [0], [1], [0, 0, 1, 1], [], []>, transpose_lhs_hint = false} : vector<1x128xf32>, vector<128x128xf32>, vector<1x128xf32> -> vector<1x128xf32>
    %add3A_17 = vector.broadcast %dot_general3A_16 : vector<1x128xf32> to vector<64x128xf32>
    %add3A_18 = arith.addf %dot_general3A_14, %add3A_17 : vector<64x128xf32>
    %get3A_19 = arith.constant 0 : index
    %get3A_20 = arith.constant 0 : index
    %get3A_21 = vector.load %arg3[%get3A_19, %get3A_20] : memref<1x128xf32, #tpu.memory_space<vmem>>, vector<1x128xf32>
    %add3A_22 = vector.broadcast %get3A_21 : vector<1x128xf32> to vector<64x128xf32>
    %add3A_23 = arith.addf %add3A_18, %add3A_22 : vector<64x128xf32>
    %max3A = arith.constant 0.000000e+00 : f32
    %max3A_24 = vector.broadcast %max3A : f32 to vector<64x128xf32>
    %max3A_25 = arith.maximumf %add3A_23, %max3A_24 : vector<64x128xf32>
    %get3A_26 = arith.constant 0 : index
    %get3A_27 = arith.constant 0 : index
    %get3A_28 = vector.load %arg4[%get3A_26, %get3A_27] : memref<128x1xf32, #tpu.memory_space<vmem>>, vector<128x1xf32>
    %dot_general3A_29 = arith.constant dense<0.000000e+00> : vector<64x1xf32>
    %dot_general3A_30 = tpu.matmul %max3A_25, %get3A_28, %dot_general3A_29 {dimension_numbers = #tpu.dot_dimension_numbers<[1], [0], [0], [1], [0, 0, 1, 1], [], []>, transpose_lhs_hint = false} : vector<64x128xf32>, vector<128x1xf32>, vector<64x1xf32> -> vector<64x1xf32>
    %get3A_31 = arith.constant 0 : index
    %get3A_32 = arith.constant 0 : index
    %get3A_33 = vector.load %arg5[%get3A_31, %get3A_32] : memref<1x1xf32, #tpu.memory_space<vmem>>, vector<1x1xf32>
    %add3A_34 = vector.broadcast %get3A_33 : vector<1x1xf32> to vector<64x1xf32>
    %add3A_35 = arith.addf %dot_general3A_30, %add3A_34 : vector<64x1xf32>
    %swap3A = arith.constant 0 : index
    %swap3A_36 = arith.constant 0 : index
    %swap3A_37 = vector.load %arg6[%swap3A, %swap3A_36] : memref<64x1xf32, #tpu.memory_space<vmem>>, vector<64x1xf32>
    tpu.vector_store %arg6[%swap3A, %swap3A_36], %add3A_35 {strides = array<i32>} : memref<64x1xf32, #tpu.memory_space<vmem>>, vector<64x1xf32>,
    return
  }
}

</mosaic_0001>

<sc_bundles>
// kernel: kernel.12.cloned.1.call-start
scs
__scs_entry_jumppad:
0x0: {  	(pc) =	sbr.rel $0x88, $3  }
0x1: {  	(tag) =	ssettag $0x0;
	lr =	simm.s32 $0x1  }
0x2: {  	[smem:$0x3F93] =	sst lr;
	_ =	strace $0xD0000000  }
0x3: {  	_ = 	snop  }
0x4: {  	_ = 	snop  }
0x5: {  	_ = 	snop  }
0x6: {  	_ = 	snop  }
0x7: {  	_ = 	snop  }
__scs_overlays_trampoline_lowered:
0x8: {  	[smem:$0x3FA2] =	sst s0  }
0x9: {  	[smem:$0x3FA3] =	sst s1  }
0xa: {  	[smem:$0x3FA4] =	sst s2  }
0xb: {  	[smem:$0x3FA5] =	sst s3  }
0xc: {  	[smem:$0x3FA6] =	sst s4  }
0xd: {  	[smem:$0x3FA7] =	sst s5  }
0xe: {  	[smem:$0x3FA8] =	sst s6  }
0xf: {  	[smem:$0x3FA9] =	sst s7  }
0x10: {  	[smem:$0x3FAA] =	sst s8  }
0x11: {  	[smem:$0x3FAB] =	sst s9;
	s0 =	simm.s32 @!p0 $0x0  }
0x12: {  	s1 =	sld [smem:$0x3F91];
	s0 =	simm.s32 @p0 $0x1  }
0x13: {  	[smem:$0x3FAC] =	sst s0;
	s0 =	simm.s32 @!p1 $0x0  }
0x14: {  	s2 =	sld [smem:$0x3F90];
	s0 =	simm.s32 @p1 $0x1  }
0x15: {  	[smem:$0x3FAD] =	sst s0;
	s0 =	simm.s32 @!p2 $0x0  }
0x16: {  	s3 =	sld [smem:$0x3FDB];
	s0 =	simm.s32 @p2 $0x1  }
0x17: {  	s4 =	simm.s32 $0x1BF5;
	[smem:$0x3FAF] =	sst s0  }
0x18: {  	s0 =	sld [smem:$0x3F92];
	_ =	swait.ge [sflag:s4], $0x0  }
0x19: {  	s7 =	sld [smem:$0x3F93]  }
0x1a: {  	s8 =	sadd.s32 $0xFFFFE003, lr  }
0x1b: {  	s9 =	sadd.s32 $0xFFFFFEF7, lr;
	s5 =	simm.s32 $0xFFFFFFFF;
	p2 =	slt.u32 s8, $0xFFFFF086  }
0x1c: {  	p1 =	slt.u32 s9, $0xF7A;
	s5 =	simm.s32 @!p2 $0x0  }
0x1d: {  	s5 =	simm.s32 @p1 $0x1;
	p0 =	seq.s32 s7, s2  }
0x1e: {  	s7 =	smul.u32 @!p0 $0xF7A, s2;
	p2 =	seq.s32 @!p0 s5, $0x0  }
0x1f: {  	s9 =	smul.u32 $0xF7A, s1;
	s8 =	simm.s32 @!p0 $0x1BF5;
	p2 =	por !p2, p0  }
0x20: {  	[sflag:s8] =	ssyncset.s32 @!p0 $0xFFFFF086;
	s6 =	sadd.s32 @!p0 s3, s7;
	s7 =	simm.s32 @!p0 $0x108  }
0x21: {  	s3 =	sadd.s32 s3, s9;
	s6 =	sadd.s32 @!p0 $0x88, s6;
	s7 =	simm.s32 @p2 $0x1082  }
0x22: {  	[simem:s7], [sflag:s8] =	dma.local @!p0 [hbm:s6], $0xF7A  }
0x23: {  	s9 =	sor.u32 $0xD0000000, s2;
	s6 =	simm.s32 $0x108;
	_ =	swait.ge @!p0 [sflag:s8], $0x0  }
0x24: {  	s3 =	sadd.s32 $0x88, s3;
	s6 =	simm.s32 @!p1 $0x1082;
	[sflag:s4] =	ssyncset.s32 $0xFFFFF086  }
0x25: {  	[simem:s6], [sflag:s4] =	dma.local [hbm:s3], $0xF7A  }
0x26: {  	[smem:$0x3F93] =	sst s1;
	(tag) =	ssettag s2;
	_ =	strace s9  }
0x27: {  	s1 =	sld [smem:$0x3FA3]  }
0x28: {  	s2 =	sld [smem:$0x3FA4]  }
0x29: {  	s4 =	sld [smem:$0x3FA6]  }
0x2a: {  	p0 =	seq.s32 s5, $0x0;
	s5 =	sld [smem:$0x3FA7]  }
0x2b: {  	s6 =	sld [smem:$0x3FA8]  }
0x2c: {  	s7 =	sld [smem:$0x3FA9]  }
0x2d: {  	s3 =	simm.s32 $0x108;
	s8 =	sld [smem:$0x3FAA]  }
0x2e: {  	s3 =	simm.s32 @!p0 $0x1082;
	s9 =	sld [smem:$0x3FAB]  }
0x2f: {  	lr =	sadd.s32 s0, s3;
	s0 =	sld [smem:$0x3FA2]  }
0x30: {  	s3 =	sld [smem:$0x3FA5]  }
0x31: {  	[smem:$0x3FAE] =	sst s10  }
0x32: {  	s10 =	sld [smem:$0x3FAC];
	_ =	sdelay $0x3  }
0x33: {  	p0 =	seq.s32 s10, $0x1;
	s10 =	sld [smem:$0x3FAE];
	_ =	sdelay $0x3  }
0x34: {  	[smem:$0x3FAE] =	sst s10  }
0x35: {  	s10 =	sld [smem:$0x3FAD];
	_ =	sdelay $0x3  }
0x36: {  	p1 =	seq.s32 s10, $0x1;
	s10 =	sld [smem:$0x3FAE];
	_ =	sdelay $0x3  }
0x37: {  	[smem:$0x3FAE] =	sst s10  }
0x38: {  	s10 =	sld [smem:$0x3FAF]  }
0x39: {  	_ = 	snop;
	(pc) =	sbr.ind lr, $3  }
0x3a: {  	_ = 	snop  }
0x3b: {  	_ = 	snop  }
0x3c: {  	p2 =	seq.s32 s10, $0x1;
	s10 =	sld [smem:$0x3FAE]  }
0x3d: {  	_ =	shalt  }
0x3e: {  	_ =	shalt  }
0x3f: {  	_ =	shalt  }
0x40: {  	_ =	shalt  }
0x41: {  	_ =	shalt  }
0x42: {  	_ =	shalt  }
0x43: {  	_ =	shalt  }
0x44: {  	_ =	shalt  }
0x45: {  	_ =	shalt  }
0x46: {  	_ =	shalt  }
0x47: {  	_ =	shalt  }
0x48: {  	_ =	shalt  }
0x49: {  	_ =	shalt  }
0x4a: {  	_ =	shalt  }
0x4b: {  	_ =	shalt  }
0x4c: {  	_ =	shalt  }
0x4d: {  	_ =	shalt  }
0x4e: {  	_ =	shalt  }
0x4f: {  	_ =	shalt  }
0x50: {  	_ =	shalt  }
0x51: {  	_ =	shalt  }
0x52: {  	_ =	shalt  }
0x53: {  	_ =	shalt  }
0x54: {  	_ =	shalt  }
0x55: {  	_ =	shalt  }
0x56: {  	_ =	shalt  }
0x57: {  	_ =	shalt  }
0x58: {  	_ =	shalt  }
0x59: {  	_ =	shalt  }
0x5a: {  	_ =	shalt  }
0x5b: {  	_ =	shalt  }
0x5c: {  	_ =	shalt  }
0x5d: {  	_ =	shalt  }
0x5e: {  	_ =	shalt  }
0x5f: {  	_ =	shalt  }
0x60: {  	_ =	shalt  }
0x61: {  	_ =	shalt  }
0x62: {  	_ =	shalt  }
0x63: {  	_ =	shalt  }
0x64: {  	_ =	shalt  }
0x65: {  	_ =	shalt  }
0x66: {  	_ =	shalt  }
0x67: {  	_ =	shalt  }
0x68: {  	_ =	shalt  }
0x69: {  	_ =	shalt  }
0x6a: {  	_ =	shalt  }
0x6b: {  	_ =	shalt  }
0x6c: {  	_ =	shalt  }
0x6d: {  	_ =	shalt  }
0x6e: {  	_ =	shalt  }
0x6f: {  	_ =	shalt  }
0x70: {  	_ =	shalt  }
0x71: {  	_ =	shalt  }
0x72: {  	_ =	shalt  }
0x73: {  	_ =	shalt  }
0x74: {  	_ =	shalt  }
0x75: {  	_ =	shalt  }
0x76: {  	_ =	shalt  }
0x77: {  	_ =	shalt  }
0x78: {  	_ =	shalt  }
0x79: {  	_ =	shalt  }
0x7a: {  	_ =	shalt  }
0x7b: {  	_ =	shalt  }
0x7c: {  	_ =	shalt  }
0x7d: {  	_ =	shalt  }
0x7e: {  	_ =	shalt  }
0x7f: {  	_ =	shalt  }
0x80: {  	_ =	shalt  }
0x81: {  	_ =	shalt  }
0x82: {  	_ =	shalt  }
0x83: {  	_ =	shalt  }
0x84: {  	_ =	shalt  }
0x85: {  	_ =	shalt  }
0x86: {  	_ =	shalt  }
0x87: {  	_ =	shalt  }
.Lfunc_end0:
.L_simem_size_0:
called_computation_lowered:
.L_overlay_start_0:
0x88: {  	s2 =	sld [smem:$0x3FD9]  }
0x89: {  	s3 =	sld [smem:$0x3FFE];
	_ =	sdelay $0x1  }
0x8a: {  	s1 =	srdreg.scid  }
0x8b: {  	s0 =	sand.u32 $0x1, s1  }
0x8c: {  	s16 =	sshll.u32 s0, $0xA;
	s2 =	sadd.s32 s3, s2  }
0x8d: {  	s2 =	sadd.s32 s2, s16  }
0x8e: {  	[smem:$0x3FBA] =	sst s2  }
0x8f: {  	_ = 	snop  }
0x90: {  	(tm) =	ssettm $0x1  }
0x91: {  	s17 =	sld [smem:$0x3FFB];
	_ =	sdelay $0x3  }
0x92: {  	_ =	strace s17  }
0x93: {  	s2 =	sld [smem:$0x3FFC];
	_ =	sdelay $0x3  }
0x94: {  	_ =	strace s2  }
0x95: {  	s2 =	sld [smem:$0x3FFD];
	_ =	sdelay $0x3  }
0x96: {  	_ =	strace s2  }
0x97: {  	_ =	strace $0x8FFFFFFF  }
0x98: {  	s18 =	sld [smem:$0x3FDB];
	_ =	sdelay $0x1  }
0x99: {  	s19 =	simm.s32 $_scs_section_size  }
0x9a: {  	s4 =	simm.s32 $_size__tile_overlayer_lowered;
	s5 =	simm.s32 $_tile_overlayer_lowered  }
0x9b: {  	s22 =	simm.s32 $0x1BFF;
	s21 =	sshll.u32 s5, $0x1;
	s2 =	sadd.s32 s19, s18  }
0x9c: {  	s6 =	simm.s32 $0x0;
	s20 =	sshll.u32 s4, $0x1;
	s4 =	sadd.s32 s21, s2  }
0x9d: {  	[timem:s6], [sflag:s22] =	dma.local [hbm:s4], s20  }
0x9e: {  	_ =	swait.ge [sflag:s22], s20  }
0x9f: {  	s3 =	ssub.s32 $0x0, s20;
	[sflag:s22] =	ssyncset.done $0x0  }
0xa0: {  	[sflag:s22] =	ssyncadd.s32 s3;
	_ =	sdelay $0x1  }
0xa1: {  	s23 =	simm.s32 $0x1B8B  }
0xa2: {  	_ =	swait.ge [sflag:s23], $0x1  }
0xa3: {  	[sflag:s23] =	ssyncset.done $0x0  }
0xa4: {  	s25 =	simm.s32 $0x1B8E;
	s24 =	sld [smem:$0x3FFE];
	[sflag:s23] =	ssyncadd.s32 $0xFFFFFFFF  }
0xa5: {  	s26 =	simm.s32 $execute0_lowered;
	[smem:$0x3FD2] =	sst s25  }
0xa6: {  	s4 =	sshll.u32 s26, $0x1;
	_ =	strace $0x80000046;
	[dreg:$0x1] =	wrdreg $0xFFFFFFFF  }
0xa7: {  	s28 =	simm.s32 $_size_execute0_lowered;
	s2 =	sadd.s32 s2, s4;
	[dreg:$0x0] =	wrdreg $0x0  }
0xa8: {  	s4 =	sshll.u32 s28, $0x1;
	[dreg:$0x2] =	wrdreg s2  }
0xa9: {  	[dreg:$0x3] =	wrdreg s4  }
0xaa: {  	[dreg:$0x4] =	wrdreg $0xC0  }
0xab: {  	_ =	task [dreg:s6], $0x5FFFF  }
0xac: {  	[dreg:$0x1] =	wrdreg $0xFFFFFFFF  }
0xad: {  	[dreg:$0x0] =	wrdreg $0x60  }
0xae: {  	[dreg:$0x2] =	wrdreg s24  }
0xaf: {  	[dreg:$0x3] =	wrdreg $0x68000  }
0xb0: {  	[dreg:$0x4] =	wrdreg $0x9  }
0xb1: {  	_ =	task.clear_ibuf [dreg:s6], $0x5FFFF;
	_ =	strace $0x90000046  }
0xb2: {  	s29 =	simm.s32 $0x9;
	_ =	strace $0x80000048  }
0xb3: {  	_ =	swait.ge [sflag:s29], $0x1  }
0xb4: {  	[sflag:s29] =	ssyncadd.s32 $0xFFFFFFFF  }
0xb5: {  	_ =	strace $0x90000048  }
0xb6: {  	_ =	sfence  }
0xb7: {  	s30 =	sld [smem:$0x0];
	_ =	sdelay $0x2  }
0xb8: {  	s31 =	sshll.u32 s1, $0xD;
	s1 =	sshrl.u32 s1, $0x2  }
0xb9: {  	s3 =	sand.u32 $0x4000, s31;
	s1 =	sadd.s32 s1, s30  }
0xba: {  	s0 =	sor.u32 s3, s0;
	s1 =	sshll.u32 s1, $0x11  }
0xbb: {  	s0 =	sor.u32 s1, s0  }
0xbc: {  	s0 =	sadd.s32 $0x8F2B, s0  }
0xbd: {  	[sflag:s0] =	ssyncadd.remote.s32 $0x1  }
0xbe: {  	_ =	sfence.sel $0xFFFF  }
0xbf: {  	[dreg:$0x0] =	wrdreg $0xFFFFFFFF;
	(pc) =	sbr.abs _section_cstart, $3  }
0xc0: {  	[dreg:$0x1] =	wrdreg $0xFFFFFFFF  }
0xc1: {  	_ =	task.clear_ibuf [dreg:s6], $0x2FFFF;
	_ =	strace $0x9FFFFFFF  }
0xc2: {  	(tm) =	ssettm $0x7FFFFFFF  }
0xc3: {  	_ =	shalt  }
tec
execute0_lowered:
.L_overlay_start_1:
0x0: {  	(tag) =	ssettag $0x1  }
0x1: {  	s0 =	srdreg.scid;
	s6 =	rddreg [dreg:$0x0]  }
0x2: {  	s2 =	rddreg [dreg:$0x1];
	s5 =	sand.u32 $0x1, s0;
	s0 =	stileid.u32  }
0x3: {  	s3 =	simm.s32 $0x0;
	s13 =	simm.s32 $0x80;
	s8 =	smul.u32 $0x13C00, s0  }
0x4: {  	s14 =	simm.s32 $0x0;
	[smem:$0x7FF] =	sst s3;
	s9 =	smul.u32 $0x13C000, s5  }
0x5: {  	s1 =	sshll.u32 s5, $0x4;
	s5 =	ssub.s32 $0x2, s5;
	s29 =	smul.u32 $0x4F000, s0  }
0x6: {  	s31 =	sshll.u32 s0, $0x6;
	s4 =	sor.u32 s0, s1;
	s1 =	rddreg [dreg:$0x2]  }
0x7: {  	_ =	strace $0x80000047;
	s11 =	sshrl.u32 s5, $0x1;
	s7 =	smul.u32 $0x500, s4  }
0x8: {  	s4 =	sadd.s32 $0x41800, s6;
	s10 =	sshrl.u32 s8, $0x3;
	s8 =	sadd.s32 s8, s9  }
0x9: {  	s11 =	ssub.s32 s5, s11;
	s30 =	sshrl.u32 s29, $0x2;
	s9 =	simm.s32 $0x1  }
0xa: {  	s10 =	sadd.s32 s10, s6;
	s8 =	sshrl.u32 s8, $0x3;
	s12 =	sadd.s32 s30, s2  }
0xb: {  	s7 =	sadd.s32 s7, s6;
	s8 =	sadd.s32 s8, s6;
	s6 =	sadd.s32 $0x1A000, s10  }
0xc: {  	s10 =	sor.u32 $0x1C01, s31;
	s5 =	sadd.s32 $0x6000, s7;
	s7 =	sadd.s32 $0x42000, s8  }
0xd: {  	s8 =	smax.u32 s11, $0x1;
	s11 =	sshrl.u32 s12, $0x3;
	s12 =	simm.s32 $0x2800  }
.LBB2_1:
0xe: {  	[tilespmem:s3], [sflag:$0x1] =	stream.linear.gather [hbm4b:s5+s3], $0x2800, $0x38;
	[tilespmem:$0x1A400] =	vst v63  }
0xf: {  	_ =	swait.ge [sflag:s9], $0x2800  }
0x10: {  	[sflag:s9] =	ssyncset.done $0x0  }
0x11: {  	[sflag:s9] =	ssyncadd.s32 $0xFFFFD800  }
0x12: {  	[spmem:s11], [sflag:s10] =	dma.local [hbm:s6], $0x2780  }
0x13: {  	_ =	swait.ge [sflag:s9], $0x2780  }
0x14: {  	[sflag:s9] =	ssyncset.done $0x0  }
0x15: {  	[sflag:s9] =	ssyncadd.s32 $0xFFFFD880  }
0x16: {  	[tilespmem:s12], [sflag:$0x1] =	stream.linear.gather [hbm4b:s4+s3], $0x4000, $0x38;
	[tilespmem:$0x1A400] =	vst v63  }
0x17: {  	_ =	swait.ge [sflag:s9], $0x4000  }
0x18: {  	[sflag:s9] =	ssyncset.done $0x0  }
0x19: {  	[sflag:s9] =	ssyncadd.s32 $0xFFFFC000  }
0x1a: {  	s15 =	simm.s32 $0x0;
	[bflag:$0x0] =	sbarrier.arrive $0xFFFF  }
0x1b: {  	[spmem:s2] =	stream.indirect.scatter.add.f32 [tilespmem:s12], [sflag:$0x1], $0x80, s15, s13, $0xb8;
	[tilespmem:$0x1A400] =	vst v63  }
0x1c: {  	_ =	swait.ge [sflag:s9], $0x4000  }
0x1d: {  	s15 =	simm.s32 $0x200;
	[sflag:s9] =	ssyncset.done $0x0  }
.LBB2_2:
0x1e: {  	s16 =	sshra.s32 s15, $0x2;
	[sflag:s9] =	ssyncadd.s32 $0xFFFFC000;
	p0 =	sne.s32 s15, $0x9E00  }
0x1f: {  	[spmem:s2] =	stream.indirect.scatter.add.f32 [tilespmem:s12], [sflag:$0x1], $0x80, s16, s13, $0xb8;
	[tilespmem:$0x1A400] =	vst v63  }
.Ltmp0:
0x20: {  	_ = 	snop;
	(pc) =	sbr.rel @p0 .LBB2_2-.Ltmp0, $4  }
0x21: {  	_ = 	snop  }
0x22: {  	s15 =	sadd.s32 $0x200, s15  }
0x23: {  	_ =	swait.ge [sflag:s9], $0x4000  }
0x24: {  	[sflag:s9] =	ssyncset.done $0x0  }
0x25: {  	s14 =	sadd.s32 $0x1, s14  }
0x26: {  	[sflag:s9] =	ssyncadd.s32 $0xFFFFC000;
	p0 =	sne.s32 s14, s8  }
.Ltmp1:
0x27: {  	[bflag:$0x0] =	sbarrier.arrive $0xFFFF;
	(pc) =	sbr.rel @p0 .LBB2_1-.Ltmp1, $4  }
0x28: {  	[hbm:s7], [sflag:s10] =	dma.local [spmem:s11], $0x2780  }
0x29: {  	_ =	swait.ge [sflag:s9], $0x2780  }
0x2a: {  	[sflag:s9] =	ssyncset.done $0x0  }
0x2b: {  	[sflag:s9] =	ssyncadd.s32 $0xFFFFD880  }
0x2c: {  	_ =	sfence.sel $0x180000  }
0x2d: {  	[bflag:$0x0] =	sbarrier.arrive $0xFFFF  }
0x2e: {  	p0 =	sne.s32 s0, $0x0;
	_ =	strace $0x90000047  }
0x2f: {  	s0 =	sadd.s32 @!p0 $0x100000, s1;
	[bflag:$0x2] =	sbarrier.arrive $0xFFFF  }
0x30: {  	[sflag:s0] =	ssyncadd.tile.s32 @!p0 $0x1;
	_ =	shalt  }
.Lfunc_end2:
_tile_overlayer_lowered:
.L_overlay_start_2:
0x31: {  	(tag) =	ssettag $0x2  }
0x32: {  	s0 =	rddreg [dreg:$0x0];
	s2 =	stileid.u32  }
0x33: {  	s1 =	rddreg [dreg:$0x1];
	p0 =	sne.s32 s2, $0x0  }
0x34: {  	s3 =	rddreg [dreg:$0x2];
	[bflag:$0x3] =	sbarrier.arrive $0xFFFF;
	s2 =	simm.s32 @!p0 $0x1C01  }
0x35: {  	[timem:s3], [sflag:s2] =	dma.local @!p0 [hbm:s0], s1  }
0x36: {  	s0 =	simm.s32 @!p0 $0x1  }
0x37: {  	_ =	swait.ge @!p0 [sflag:s0], s1  }
0x38: {  	s1 =	ssub.s32 @!p0 $0x0, s1;
	[sflag:s0] =	ssyncset.done @!p0 $0x0  }
0x39: {  	[sflag:s0] =	ssyncadd.s32 @!p0 s1  }
0x3a: {  	[bflag:$0x3] =	sbarrier.arrive $0xFFFF  }
0x3b: {  	_ =	shalt  }

// kernel: kernel.15.cloned.1.call-start
scs
__scs_entry_jumppad:
0x0: {  	(pc) =	sbr.rel $0x88, $3  }
0x1: {  	(tag) =	ssettag $0x0;
	lr =	simm.s32 $0x1  }
0x2: {  	[smem:$0x3F93] =	sst lr;
	_ =	strace $0xD0000000  }
0x3: {  	_ = 	snop  }
0x4: {  	_ = 	snop  }
0x5: {  	_ = 	snop  }
0x6: {  	_ = 	snop  }
0x7: {  	_ = 	snop  }
__scs_overlays_trampoline_lowered:
0x8: {  	[smem:$0x3FA2] =	sst s0  }
0x9: {  	[smem:$0x3FA3] =	sst s1  }
0xa: {  	[smem:$0x3FA4] =	sst s2  }
0xb: {  	[smem:$0x3FA5] =	sst s3  }
0xc: {  	[smem:$0x3FA6] =	sst s4  }
0xd: {  	[smem:$0x3FA7] =	sst s5  }
0xe: {  	[smem:$0x3FA8] =	sst s6  }
0xf: {  	[smem:$0x3FA9] =	sst s7  }
0x10: {  	[smem:$0x3FAA] =	sst s8  }
0x11: {  	[smem:$0x3FAB] =	sst s9;
	s0 =	simm.s32 @!p0 $0x0  }
0x12: {  	s1 =	sld [smem:$0x3F91];
	s0 =	simm.s32 @p0 $0x1  }
0x13: {  	[smem:$0x3FAC] =	sst s0;
	s0 =	simm.s32 @!p1 $0x0  }
0x14: {  	s2 =	sld [smem:$0x3F90];
	s0 =	simm.s32 @p1 $0x1  }
0x15: {  	[smem:$0x3FAD] =	sst s0;
	s0 =	simm.s32 @!p2 $0x0  }
0x16: {  	s3 =	sld [smem:$0x3FDB];
	s0 =	simm.s32 @p2 $0x1  }
0x17: {  	s4 =	simm.s32 $0x1BF5;
	[smem:$0x3FAF] =	sst s0  }
0x18: {  	s0 =	sld [smem:$0x3F92];
	_ =	swait.ge [sflag:s4], $0x0  }
0x19: {  	s7 =	sld [smem:$0x3F93]  }
0x1a: {  	s8 =	sadd.s32 $0xFFFFE003, lr  }
0x1b: {  	s9 =	sadd.s32 $0xFFFFFEF7, lr;
	s5 =	simm.s32 $0xFFFFFFFF;
	p2 =	slt.u32 s8, $0xFFFFF086  }
0x1c: {  	p1 =	slt.u32 s9, $0xF7A;
	s5 =	simm.s32 @!p2 $0x0  }
0x1d: {  	s5 =	simm.s32 @p1 $0x1;
	p0 =	seq.s32 s7, s2  }
0x1e: {  	s7 =	smul.u32 @!p0 $0xF7A, s2;
	p2 =	seq.s32 @!p0 s5, $0x0  }
0x1f: {  	s9 =	smul.u32 $0xF7A, s1;
	s8 =	simm.s32 @!p0 $0x1BF5;
	p2 =	por !p2, p0  }
0x20: {  	[sflag:s8] =	ssyncset.s32 @!p0 $0xFFFFF086;
	s6 =	sadd.s32 @!p0 s3, s7;
	s7 =	simm.s32 @!p0 $0x108  }
0x21: {  	s3 =	sadd.s32 s3, s9;
	s6 =	sadd.s32 @!p0 $0x88, s6;
	s7 =	simm.s32 @p2 $0x1082  }
0x22: {  	[simem:s7], [sflag:s8] =	dma.local @!p0 [hbm:s6], $0xF7A  }
0x23: {  	s9 =	sor.u32 $0xD0000000, s2;
	s6 =	simm.s32 $0x108;
	_ =	swait.ge @!p0 [sflag:s8], $0x0  }
0x24: {  	s3 =	sadd.s32 $0x88, s3;
	s6 =	simm.s32 @!p1 $0x1082;
	[sflag:s4] =	ssyncset.s32 $0xFFFFF086  }
0x25: {  	[simem:s6], [sflag:s4] =	dma.local [hbm:s3], $0xF7A  }
0x26: {  	[smem:$0x3F93] =	sst s1;
	(tag) =	ssettag s2;
	_ =	strace s9  }
0x27: {  	s1 =	sld [smem:$0x3FA3]  }
0x28: {  	s2 =	sld [smem:$0x3FA4]  }
0x29: {  	s4 =	sld [smem:$0x3FA6]  }
0x2a: {  	p0 =	seq.s32 s5, $0x0;
	s5 =	sld [smem:$0x3FA7]  }
0x2b: {  	s6 =	sld [smem:$0x3FA8]  }
0x2c: {  	s7 =	sld [smem:$0x3FA9]  }
0x2d: {  	s3 =	simm.s32 $0x108;
	s8 =	sld [smem:$0x3FAA]  }
0x2e: {  	s3 =	simm.s32 @!p0 $0x1082;
	s9 =	sld [smem:$0x3FAB]  }
0x2f: {  	lr =	sadd.s32 s0, s3;
	s0 =	sld [smem:$0x3FA2]  }
0x30: {  	s3 =	sld [smem:$0x3FA5]  }
0x31: {  	[smem:$0x3FAE] =	sst s10  }
0x32: {  	s10 =	sld [smem:$0x3FAC];
	_ =	sdelay $0x3  }
0x33: {  	p0 =	seq.s32 s10, $0x1;
	s10 =	sld [smem:$0x3FAE];
	_ =	sdelay $0x3  }
0x34: {  	[smem:$0x3FAE] =	sst s10  }
0x35: {  	s10 =	sld [smem:$0x3FAD];
	_ =	sdelay $0x3  }
0x36: {  	p1 =	seq.s32 s10, $0x1;
	s10 =	sld [smem:$0x3FAE];
	_ =	sdelay $0x3  }
0x37: {  	[smem:$0x3FAE] =	sst s10  }
0x38: {  	s10 =	sld [smem:$0x3FAF]  }
0x39: {  	_ = 	snop;
	(pc) =	sbr.ind lr, $3  }
0x3a: {  	_ = 	snop  }
0x3b: {  	_ = 	snop  }
0x3c: {  	p2 =	seq.s32 s10, $0x1;
	s10 =	sld [smem:$0x3FAE]  }
0x3d: {  	_ =	shalt  }
0x3e: {  	_ =	shalt  }
0x3f: {  	_ =	shalt  }
0x40: {  	_ =	shalt  }
0x41: {  	_ =	shalt  }
0x42: {  	_ =	shalt  }
0x43: {  	_ =	shalt  }
0x44: {  	_ =	shalt  }
0x45: {  	_ =	shalt  }
0x46: {  	_ =	shalt  }
0x47: {  	_ =	shalt  }
0x48: {  	_ =	shalt  }
0x49: {  	_ =	shalt  }
0x4a: {  	_ =	shalt  }
0x4b: {  	_ =	shalt  }
0x4c: {  	_ =	shalt  }
0x4d: {  	_ =	shalt  }
0x4e: {  	_ =	shalt  }
0x4f: {  	_ =	shalt  }
0x50: {  	_ =	shalt  }
0x51: {  	_ =	shalt  }
0x52: {  	_ =	shalt  }
0x53: {  	_ =	shalt  }
0x54: {  	_ =	shalt  }
0x55: {  	_ =	shalt  }
0x56: {  	_ =	shalt  }
0x57: {  	_ =	shalt  }
0x58: {  	_ =	shalt  }
0x59: {  	_ =	shalt  }
0x5a: {  	_ =	shalt  }
0x5b: {  	_ =	shalt  }
0x5c: {  	_ =	shalt  }
0x5d: {  	_ =	shalt  }
0x5e: {  	_ =	shalt  }
0x5f: {  	_ =	shalt  }
0x60: {  	_ =	shalt  }
0x61: {  	_ =	shalt  }
0x62: {  	_ =	shalt  }
0x63: {  	_ =	shalt  }
0x64: {  	_ =	shalt  }
0x65: {  	_ =	shalt  }
0x66: {  	_ =	shalt  }
0x67: {  	_ =	shalt  }
0x68: {  	_ =	shalt  }
0x69: {  	_ =	shalt  }
0x6a: {  	_ =	shalt  }
0x6b: {  	_ =	shalt  }
0x6c: {  	_ =	shalt  }
0x6d: {  	_ =	shalt  }
0x6e: {  	_ =	shalt  }
0x6f: {  	_ =	shalt  }
0x70: {  	_ =	shalt  }
0x71: {  	_ =	shalt  }
0x72: {  	_ =	shalt  }
0x73: {  	_ =	shalt  }
0x74: {  	_ =	shalt  }
0x75: {  	_ =	shalt  }
0x76: {  	_ =	shalt  }
0x77: {  	_ =	shalt  }
0x78: {  	_ =	shalt  }
0x79: {  	_ =	shalt  }
0x7a: {  	_ =	shalt  }
0x7b: {  	_ =	shalt  }
0x7c: {  	_ =	shalt  }
0x7d: {  	_ =	shalt  }
0x7e: {  	_ =	shalt  }
0x7f: {  	_ =	shalt  }
0x80: {  	_ =	shalt  }
0x81: {  	_ =	shalt  }
0x82: {  	_ =	shalt  }
0x83: {  	_ =	shalt  }
0x84: {  	_ =	shalt  }
0x85: {  	_ =	shalt  }
0x86: {  	_ =	shalt  }
0x87: {  	_ =	shalt  }
.Lfunc_end0:
.L_simem_size_0:
called_computation.1_lowered:
.L_overlay_start_0:
0x88: {  	s2 =	sld [smem:$0x3FD9]  }
0x89: {  	s3 =	sld [smem:$0x3FFE];
	_ =	sdelay $0x1  }
0x8a: {  	s1 =	srdreg.scid  }
0x8b: {  	s0 =	sand.u32 $0x1, s1  }
0x8c: {  	s16 =	sshll.u32 s0, $0xA;
	s2 =	sadd.s32 s3, s2  }
0x8d: {  	s2 =	sadd.s32 s2, s16  }
0x8e: {  	[smem:$0x3FBA] =	sst s2  }
0x8f: {  	_ = 	snop  }
0x90: {  	(tm) =	ssettm $0x1  }
0x91: {  	s17 =	sld [smem:$0x3FFB];
	_ =	sdelay $0x3  }
0x92: {  	_ =	strace s17  }
0x93: {  	s2 =	sld [smem:$0x3FFC];
	_ =	sdelay $0x3  }
0x94: {  	_ =	strace s2  }
0x95: {  	s2 =	sld [smem:$0x3FFD];
	_ =	sdelay $0x3  }
0x96: {  	_ =	strace s2  }
0x97: {  	_ =	strace $0x8FFFFFFF  }
0x98: {  	s18 =	sld [smem:$0x3FDB];
	_ =	sdelay $0x1  }
0x99: {  	s19 =	simm.s32 $_scs_section_size  }
0x9a: {  	s4 =	simm.s32 $_size__tile_overlayer_lowered;
	s5 =	simm.s32 $_tile_overlayer_lowered  }
0x9b: {  	s22 =	simm.s32 $0x1BFF;
	s21 =	sshll.u32 s5, $0x1;
	s2 =	sadd.s32 s19, s18  }
0x9c: {  	s6 =	simm.s32 $0x0;
	s20 =	sshll.u32 s4, $0x1;
	s4 =	sadd.s32 s21, s2  }
0x9d: {  	[timem:s6], [sflag:s22] =	dma.local [hbm:s4], s20  }
0x9e: {  	_ =	swait.ge [sflag:s22], s20  }
0x9f: {  	s3 =	ssub.s32 $0x0, s20;
	[sflag:s22] =	ssyncset.done $0x0  }
0xa0: {  	[sflag:s22] =	ssyncadd.s32 s3;
	_ =	sdelay $0x1  }
0xa1: {  	s23 =	simm.s32 $0x1B8B  }
0xa2: {  	_ =	swait.ge [sflag:s23], $0x1  }
0xa3: {  	[sflag:s23] =	ssyncset.done $0x0  }
0xa4: {  	s25 =	simm.s32 $0x1B8E;
	s24 =	sld [smem:$0x3FFE];
	[sflag:s23] =	ssyncadd.s32 $0xFFFFFFFF  }
0xa5: {  	s26 =	simm.s32 $execute0_lowered;
	[smem:$0x3FD2] =	sst s25  }
0xa6: {  	s4 =	sshll.u32 s26, $0x1;
	_ =	strace $0x80000049;
	[dreg:$0x1] =	wrdreg $0xFFFFFFFF  }
0xa7: {  	s28 =	simm.s32 $_size_execute0_lowered;
	s2 =	sadd.s32 s2, s4;
	[dreg:$0x0] =	wrdreg $0x0  }
0xa8: {  	s4 =	sshll.u32 s28, $0x1;
	[dreg:$0x2] =	wrdreg s2  }
0xa9: {  	[dreg:$0x3] =	wrdreg s4  }
0xaa: {  	[dreg:$0x4] =	wrdreg $0xC0  }
0xab: {  	_ =	task [dreg:s6], $0x5FFFF  }
0xac: {  	[dreg:$0x1] =	wrdreg $0xFFFFFFFF  }
0xad: {  	[dreg:$0x0] =	wrdreg $0x60  }
0xae: {  	[dreg:$0x2] =	wrdreg s24  }
0xaf: {  	[dreg:$0x3] =	wrdreg $0xA8000  }
0xb0: {  	[dreg:$0x4] =	wrdreg $0x9  }
0xb1: {  	_ =	task.clear_ibuf [dreg:s6], $0x5FFFF;
	_ =	strace $0x90000049  }
0xb2: {  	s29 =	simm.s32 $0x9;
	_ =	strace $0x8000004B  }
0xb3: {  	_ =	swait.ge [sflag:s29], $0x1  }
0xb4: {  	[sflag:s29] =	ssyncadd.s32 $0xFFFFFFFF  }
0xb5: {  	_ =	strace $0x9000004B  }
0xb6: {  	_ =	sfence  }
0xb7: {  	s30 =	sld [smem:$0x0];
	_ =	sdelay $0x2  }
0xb8: {  	s31 =	sshll.u32 s1, $0xD;
	s1 =	sshrl.u32 s1, $0x2  }
0xb9: {  	s3 =	sand.u32 $0x4000, s31;
	s1 =	sadd.s32 s1, s30  }
0xba: {  	s0 =	sor.u32 s3, s0;
	s1 =	sshll.u32 s1, $0x11  }
0xbb: {  	s0 =	sor.u32 s1, s0  }
0xbc: {  	s0 =	sadd.s32 $0x8F2B, s0  }
0xbd: {  	[sflag:s0] =	ssyncadd.remote.s32 $0x1  }
0xbe: {  	_ =	sfence.sel $0xFFFF  }
0xbf: {  	[dreg:$0x0] =	wrdreg $0xFFFFFFFF;
	(pc) =	sbr.abs _section_cstart, $3  }
0xc0: {  	[dreg:$0x1] =	wrdreg $0xFFFFFFFF  }
0xc1: {  	_ =	task.clear_ibuf [dreg:s6], $0x2FFFF;
	_ =	strace $0x9FFFFFFF  }
0xc2: {  	(tm) =	ssettm $0x7FFFFFFF  }
0xc3: {  	_ =	shalt  }
tec
execute0_lowered:
.L_overlay_start_1:
0x0: {  	(tag) =	ssettag $0x1  }
0x1: {  	s5 =	rddreg [dreg:$0x0]  }
0x2: {  	s2 =	rddreg [dreg:$0x1]  }
0x3: {  	s0 =	rddreg [dreg:$0x2];
	s3 =	simm.s32 $0x0  }
0x4: {  	s1 =	stileid.u32;
	s4 =	srdreg.scid;
	s17 =	simm.s32 $0x2800  }
0x5: {  	s18 =	simm.s32 $0x1;
	s19 =	simm.s32 $0x6800;
	s20 =	simm.s32 $0x2  }
0x6: {  	s21 =	simm.s32 $0x1380;
	s22 =	simm.s32 $0x2700;
	s23 =	simm.s32 $0x2780  }
0x7: {  	s24 =	simm.s32 $0x0;
	[smem:$0x7FF] =	sst s3;
	s6 =	smul.u32 $0x13C00, s1  }
0x8: {  	s7 =	sand.u32 $0x1, s4;
	s4 =	sadd.s32 $0x8FC00, s5;
	s10 =	sadd.s32 $0x10000, s5  }
0x9: {  	s11 =	sadd.s32 $0x6000, s5;
	s12 =	smul.u32 $0x4F000, s1;
	s29 =	sshll.u32 s1, $0x6  }
0xa: {  	s9 =	smul.u32 $0x13C000, s7;
	s28 =	sshll.u32 s7, $0x4;
	s7 =	ssub.s32 $0x2, s7  }
0xb: {  	_ =	strace $0x8000004A;
	s8 =	sshrl.u32 s6, $0x3;
	s13 =	sshrl.u32 s7, $0x1  }
0xc: {  	s12 =	sshrl.u32 s12, $0x2;
	s6 =	sadd.s32 s6, s9;
	s9 =	sor.u32 s1, s28  }
0xd: {  	s8 =	sadd.s32 s8, s5;
	s13 =	ssub.s32 s7, s13;
	s14 =	smul.u32 $0x2800, s9  }
0xe: {  	s16 =	sadd.s32 s12, s2;
	s6 =	sshrl.u32 s6, $0x3;
	s9 =	smul.u32 $0x500, s9  }
0xf: {  	s12 =	smax.u32 s13, $0x1;
	s13 =	sshrl.u32 s16, $0x3;
	s16 =	simm.s32 $0x80  }
0x10: {  	s15 =	sadd.s32 s6, s5;
	s5 =	sadd.s32 $0x1A000, s8;
	s30 =	sshrl.u32 s14, $0x3  }
0x11: {  	s6 =	sor.u32 $0x1C03, s29;
	s7 =	sadd.s32 s10, s9;
	s31 =	sadd.s32 $0x280, s30  }
0x12: {  	s8 =	sadd.s32 s11, s9;
	s14 =	simm.s32 $0x3;
	s9 =	sadd.s32 s10, s31  }
0x13: {  	s10 =	sadd.s32 s11, s31;
	s11 =	sadd.s32 $0xB6E00, s15;
	s15 =	simm.s32 $0x1400  }
.LBB2_1:
0x14: {  	[spmem:s13], [sflag:s6] =	dma.local [hbm:s5], $0x2780  }
0x15: {  	_ =	swait.ge [sflag:s14], $0x2780  }
0x16: {  	[sflag:s14] =	ssyncset.done $0x0  }
0x17: {  	[sflag:s14] =	ssyncadd.s32 $0xFFFFD880  }
0x18: {  	[bflag:$0x0] =	sbarrier.arrive $0xFFFF  }
0x19: {  	[tilespmem:s3], [sflag:$0x3] =	stream.linear.gather [hbm4b:s7+s3], $0x1400, $0x38;
	[tilespmem:$0x1E400] =	vst v63  }
0x1a: {  	_ =	swait.ge [sflag:s14], $0x1400  }
0x1b: {  	[sflag:s14] =	ssyncset.done $0x0  }
0x1c: {  	[sflag:s14] =	ssyncadd.s32 $0xFFFFEC00  }
0x1d: {  	[tilespmem:s15], [sflag:$0x3] =	stream.linear.gather [hbm4b:s8+s3], $0x1400, $0x38;
	[tilespmem:$0x1E400] =	vst v63  }
0x1e: {  	_ =	swait.ge [sflag:s14], $0x1400  }
0x1f: {  	[sflag:s14] =	ssyncset.done $0x0  }
0x20: {  	[sflag:s14] =	ssyncadd.s32 $0xFFFFEC00  }
0x21: {  	[tilespmem:s17], [sflag:$0x1] =	stream.indirect.gather [hbm4b:s4+s16], $0x80, s3, s16, $0xb8;
	[tilespmem:$0x1E400] =	vst v63  }
0x22: {  	_ =	swait.ge [sflag:s18], $0x4000  }
0x23: {  	[sflag:s18] =	ssyncset.done $0x0  }
0x24: {  	s25 =	simm.s32 $0x80;
	[sflag:s18] =	ssyncadd.s32 $0xFFFFC000  }
0x25: {  	[tilespmem:s19], [sflag:$0x2] =	stream.indirect.gather [hbm4b:s4+s16], $0x80, s25, s16, $0xb8;
	[tilespmem:$0x1E400] =	vst v63  }
0x26: {  	s29 =	simm.s32 $0x1400  }
0x27: {  	[spmem:s2] =	stream.indirect.scatter.add.f32 [tilespmem:s17], [sflag:$0x3], $0x80, s29, s16, $0xb8;
	[tilespmem:$0x1E400] =	vst v63  }
0x28: {  	_ =	swait.ge [sflag:s14], $0x4000  }
0x29: {  	[sflag:s14] =	ssyncset.done $0x0  }
0x2a: {  	[sflag:s14] =	ssyncadd.s32 $0xFFFFC000  }
0x2b: {  	_ =	swait.ge [sflag:s20], $0x4000  }
0x2c: {  	[sflag:s20] =	ssyncset.done $0x0  }
0x2d: {  	s30 =	simm.s32 $0x100;
	[sflag:s20] =	ssyncadd.s32 $0xFFFFC000  }
0x2e: {  	[tilespmem:s17], [sflag:$0x1] =	stream.indirect.gather [hbm4b:s4+s16], $0x80, s30, s16, $0xb8;
	[tilespmem:$0x1E400] =	vst v63  }
0x2f: {  	s31 =	simm.s32 $0x1480  }
0x30: {  	[spmem:s2] =	stream.indirect.scatter.add.f32 [tilespmem:s19], [sflag:$0x3], $0x80, s31, s16, $0xb8;
	[tilespmem:$0x1E400] =	vst v63  }
0x31: {  	_ =	swait.ge [sflag:s14], $0x4000  }
0x32: {  	s25 =	simm.s32 $0x400;
	[sflag:s14] =	ssyncset.done $0x0  }
.LBB2_2:
0x33: {  	p0 =	sne.s32 s25, $0x4800  }
0x34: {  	[sflag:s14] =	ssyncadd.s32 $0xFFFFC000;
	s26 =	smov.u32 s25;
	s25 =	sadd.s32 $0x400, s25  }
0x35: {  	_ = 	snop  }
0x36: {  	_ =	swait.ge [sflag:s18], $0x4000  }
0x37: {  	s26 =	sshra.s32 s26, $0x2;
	[sflag:s18] =	ssyncset.done $0x0  }
0x38: {  	s28 =	sadd.s32 $0x80, s26;
	[sflag:s18] =	ssyncadd.s32 $0xFFFFC000  }
0x39: {  	[tilespmem:s19], [sflag:$0x2] =	stream.indirect.gather [hbm4b:s4+s16], $0x80, s28, s16, $0xb8;
	[tilespmem:$0x1E400] =	vst v63  }
0x3a: {  	s28 =	sadd.s32 $0x1400, s26  }
0x3b: {  	[spmem:s2] =	stream.indirect.scatter.add.f32 [tilespmem:s17], [sflag:$0x3], $0x80, s28, s16, $0xb8;
	[tilespmem:$0x1E400] =	vst v63  }
0x3c: {  	_ =	swait.ge [sflag:s14], $0x4000  }
0x3d: {  	[sflag:s14] =	ssyncset.done $0x0  }
0x3e: {  	[sflag:s14] =	ssyncadd.s32 $0xFFFFC000  }
0x3f: {  	_ =	swait.ge [sflag:s20], $0x4000  }
0x40: {  	[sflag:s20] =	ssyncset.done $0x0  }
0x41: {  	s28 =	sadd.s32 $0x100, s26;
	[sflag:s20] =	ssyncadd.s32 $0xFFFFC000  }
0x42: {  	[tilespmem:s17], [sflag:$0x1] =	stream.indirect.gather [hbm4b:s4+s16], $0x80, s28, s16, $0xb8;
	[tilespmem:$0x1E400] =	vst v63  }
.Ltmp0:
0x43: {  	_ = 	snop;
	(pc) =	sbr.rel @p0 .LBB2_2-.Ltmp0, $4  }
0x44: {  	s26 =	sadd.s32 $0x1480, s26  }
0x45: {  	[spmem:s2] =	stream.indirect.scatter.add.f32 [tilespmem:s19], [sflag:$0x3], $0x80, s26, s16, $0xb8;
	[tilespmem:$0x1E400] =	vst v63  }
0x46: {  	_ =	swait.ge [sflag:s14], $0x4000  }
0x47: {  	[sflag:s14] =	ssyncset.done $0x0  }
0x48: {  	[sflag:s14] =	ssyncadd.s32 $0xFFFFC000  }
0x49: {  	_ =	swait.ge [sflag:s18], $0x4000  }
0x4a: {  	[sflag:s18] =	ssyncset.done $0x0  }
0x4b: {  	[sflag:s18] =	ssyncadd.s32 $0xFFFFC000  }
0x4c: {  	[tilespmem:s19], [sflag:$0x2] =	stream.indirect.gather [hbm4b:s4+s16], $0x80, s21, s16, $0xb8;
	[tilespmem:$0x1E400] =	vst v63  }
0x4d: {  	_ = 	snop  }
0x4e: {  	[spmem:s2] =	stream.indirect.scatter.add.f32 [tilespmem:s17], [sflag:$0x3], $0x80, s22, s16, $0xb8;
	[tilespmem:$0x1E400] =	vst v63  }
0x4f: {  	_ =	swait.ge [sflag:s14], $0x4000  }
0x50: {  	[sflag:s14] =	ssyncset.done $0x0  }
0x51: {  	[sflag:s14] =	ssyncadd.s32 $0xFFFFC000  }
0x52: {  	_ =	swait.ge [sflag:s20], $0x4000  }
0x53: {  	[sflag:s20] =	ssyncset.done $0x0  }
0x54: {  	[sflag:s20] =	ssyncadd.s32 $0xFFFFC000  }
0x55: {  	[spmem:s2] =	stream.indirect.scatter.add.f32 [tilespmem:s19], [sflag:$0x3], $0x80, s23, s16, $0xb8;
	[tilespmem:$0x1E400] =	vst v63  }
0x56: {  	_ =	swait.ge [sflag:s14], $0x4000  }
0x57: {  	[sflag:s14] =	ssyncset.done $0x0  }
0x58: {  	s25 =	simm.s32 $0x0;
	[sflag:s14] =	ssyncadd.s32 $0xFFFFC000  }
0x59: {  	[tilespmem:s25], [sflag:$0x3] =	stream.linear.gather [hbm4b:s9+s25], $0x1400, $0x38;
	[tilespmem:$0x1E400] =	vst v63  }
0x5a: {  	_ =	swait.ge [sflag:s14], $0x1400  }
0x5b: {  	[sflag:s14] =	ssyncset.done $0x0  }
0x5c: {  	[sflag:s14] =	ssyncadd.s32 $0xFFFFEC00  }
0x5d: {  	[tilespmem:s15], [sflag:$0x3] =	stream.linear.gather [hbm4b:s10+s25], $0x1400, $0x38;
	[tilespmem:$0x1E400] =	vst v63  }
0x5e: {  	_ =	swait.ge [sflag:s14], $0x1400  }
0x5f: {  	[sflag:s14] =	ssyncset.done $0x0  }
0x60: {  	[sflag:s14] =	ssyncadd.s32 $0xFFFFEC00  }
0x61: {  	[tilespmem:s17], [sflag:$0x1] =	stream.indirect.gather [hbm4b:s4+s16], $0x80, s25, s16, $0xb8;
	[tilespmem:$0x1E400] =	vst v63  }
0x62: {  	_ =	swait.ge [sflag:s18], $0x4000  }
0x63: {  	[sflag:s18] =	ssyncset.done $0x0  }
0x64: {  	s28 =	simm.s32 $0x80;
	[sflag:s18] =	ssyncadd.s32 $0xFFFFC000  }
0x65: {  	[tilespmem:s19], [sflag:$0x2] =	stream.indirect.gather [hbm4b:s4+s16], $0x80, s28, s16, $0xb8;
	[tilespmem:$0x1E400] =	vst v63  }
0x66: {  	s29 =	simm.s32 $0x1400  }
0x67: {  	[spmem:s2] =	stream.indirect.scatter.add.f32 [tilespmem:s17], [sflag:$0x3], $0x80, s29, s16, $0xb8;
	[tilespmem:$0x1E400] =	vst v63  }
0x68: {  	_ =	swait.ge [sflag:s14], $0x4000  }
0x69: {  	[sflag:s14] =	ssyncset.done $0x0  }
0x6a: {  	[sflag:s14] =	ssyncadd.s32 $0xFFFFC000  }
0x6b: {  	_ =	swait.ge [sflag:s20], $0x4000  }
0x6c: {  	[sflag:s20] =	ssyncset.done $0x0  }
0x6d: {  	s30 =	simm.s32 $0x100;
	[sflag:s20] =	ssyncadd.s32 $0xFFFFC000  }
0x6e: {  	[tilespmem:s17], [sflag:$0x1] =	stream.indirect.gather [hbm4b:s4+s16], $0x80, s30, s16, $0xb8;
	[tilespmem:$0x1E400] =	vst v63  }
0x6f: {  	s31 =	simm.s32 $0x1480  }
0x70: {  	[spmem:s2] =	stream.indirect.scatter.add.f32 [tilespmem:s19], [sflag:$0x3], $0x80, s31, s16, $0xb8;
	[tilespmem:$0x1E400] =	vst v63  }
0x71: {  	_ =	swait.ge [sflag:s14], $0x4000  }
0x72: {  	s25 =	simm.s32 $0x400;
	[sflag:s14] =	ssyncset.done $0x0  }
.LBB2_4:
0x73: {  	p0 =	sne.s32 s25, $0x4800  }
0x74: {  	[sflag:s14] =	ssyncadd.s32 $0xFFFFC000;
	s26 =	smov.u32 s25;
	s25 =	sadd.s32 $0x400, s25  }
0x75: {  	_ = 	snop  }
0x76: {  	_ =	swait.ge [sflag:s18], $0x4000  }
0x77: {  	s26 =	sshra.s32 s26, $0x2;
	[sflag:s18] =	ssyncset.done $0x0  }
0x78: {  	s28 =	sadd.s32 $0x80, s26;
	[sflag:s18] =	ssyncadd.s32 $0xFFFFC000  }
0x79: {  	[tilespmem:s19], [sflag:$0x2] =	stream.indirect.gather [hbm4b:s4+s16], $0x80, s28, s16, $0xb8;
	[tilespmem:$0x1E400] =	vst v63  }
0x7a: {  	s28 =	sadd.s32 $0x1400, s26  }
0x7b: {  	[spmem:s2] =	stream.indirect.scatter.add.f32 [tilespmem:s17], [sflag:$0x3], $0x80, s28, s16, $0xb8;
	[tilespmem:$0x1E400] =	vst v63  }
0x7c: {  	_ =	swait.ge [sflag:s14], $0x4000  }
0x7d: {  	[sflag:s14] =	ssyncset.done $0x0  }
0x7e: {  	[sflag:s14] =	ssyncadd.s32 $0xFFFFC000  }
0x7f: {  	_ =	swait.ge [sflag:s20], $0x4000  }
0x80: {  	[sflag:s20] =	ssyncset.done $0x0  }
0x81: {  	s28 =	sadd.s32 $0x100, s26;
	[sflag:s20] =	ssyncadd.s32 $0xFFFFC000  }
0x82: {  	[tilespmem:s17], [sflag:$0x1] =	stream.indirect.gather [hbm4b:s4+s16], $0x80, s28, s16, $0xb8;
	[tilespmem:$0x1E400] =	vst v63  }
.Ltmp1:
0x83: {  	_ = 	snop;
	(pc) =	sbr.rel @p0 .LBB2_4-.Ltmp1, $4  }
0x84: {  	s26 =	sadd.s32 $0x1480, s26  }
0x85: {  	[spmem:s2] =	stream.indirect.scatter.add.f32 [tilespmem:s19], [sflag:$0x3], $0x80, s26, s16, $0xb8;
	[tilespmem:$0x1E400] =	vst v63  }
0x86: {  	_ =	swait.ge [sflag:s14], $0x4000  }
0x87: {  	[sflag:s14] =	ssyncset.done $0x0  }
0x88: {  	[sflag:s14] =	ssyncadd.s32 $0xFFFFC000  }
0x89: {  	_ =	swait.ge [sflag:s18], $0x4000  }
0x8a: {  	[sflag:s18] =	ssyncset.done $0x0  }
0x8b: {  	[sflag:s18] =	ssyncadd.s32 $0xFFFFC000  }
0x8c: {  	[tilespmem:s19], [sflag:$0x2] =	stream.indirect.gather [hbm4b:s4+s16], $0x80, s21, s16, $0xb8;
	[tilespmem:$0x1E400] =	vst v63  }
0x8d: {  	_ = 	snop  }
0x8e: {  	[spmem:s2] =	stream.indirect.scatter.add.f32 [tilespmem:s17], [sflag:$0x3], $0x80, s22, s16, $0xb8;
	[tilespmem:$0x1E400] =	vst v63  }
0x8f: {  	_ =	swait.ge [sflag:s14], $0x4000  }
0x90: {  	[sflag:s14] =	ssyncset.done $0x0  }
0x91: {  	[sflag:s14] =	ssyncadd.s32 $0xFFFFC000  }
0x92: {  	_ =	swait.ge [sflag:s20], $0x4000  }
0x93: {  	[sflag:s20] =	ssyncset.done $0x0  }
0x94: {  	[sflag:s20] =	ssyncadd.s32 $0xFFFFC000  }
0x95: {  	[spmem:s2] =	stream.indirect.scatter.add.f32 [tilespmem:s19], [sflag:$0x3], $0x80, s23, s16, $0xb8;
	[tilespmem:$0x1E400] =	vst v63  }
0x96: {  	_ =	swait.ge [sflag:s14], $0x4000  }
0x97: {  	s24 =	sadd.s32 $0x1, s24;
	[sflag:s14] =	ssyncset.done $0x0  }
0x98: {  	p0 =	sne.s32 s24, s12;
	[sflag:s14] =	ssyncadd.s32 $0xFFFFC000  }
.Ltmp2:
0x99: {  	[bflag:$0x0] =	sbarrier.arrive $0xFFFF;
	(pc) =	sbr.rel @p0 .LBB2_1-.Ltmp2, $4  }
0x9a: {  	[hbm:s11], [sflag:s6] =	dma.local [spmem:s13], $0x2780  }
0x9b: {  	_ =	swait.ge [sflag:s14], $0x2780  }
0x9c: {  	[sflag:s14] =	ssyncset.done $0x0  }
0x9d: {  	[sflag:s14] =	ssyncadd.s32 $0xFFFFD880  }
0x9e: {  	_ =	sfence.sel $0x180000  }
0x9f: {  	[bflag:$0x0] =	sbarrier.arrive $0xFFFF  }
0xa0: {  	p0 =	sne.s32 s1, $0x0;
	_ =	strace $0x9000004A  }
0xa1: {  	s0 =	sadd.s32 @!p0 $0x100000, s0;
	[bflag:$0x2] =	sbarrier.arrive $0xFFFF  }
0xa2: {  	[sflag:s0] =	ssyncadd.tile.s32 @!p0 $0x1;
	_ =	shalt  }
.Lfunc_end2:
_tile_overlayer_lowered:
.L_overlay_start_2:
0xa3: {  	(tag) =	ssettag $0x2  }
0xa4: {  	s0 =	rddreg [dreg:$0x0];
	s2 =	stileid.u32  }
0xa5: {  	s1 =	rddreg [dreg:$0x1];
	p0 =	sne.s32 s2, $0x0  }
0xa6: {  	s3 =	rddreg [dreg:$0x2];
	[bflag:$0x3] =	sbarrier.arrive $0xFFFF;
	s2 =	simm.s32 @!p0 $0x1C03  }
0xa7: {  	[timem:s3], [sflag:s2] =	dma.local @!p0 [hbm:s0], s1  }
0xa8: {  	s0 =	simm.s32 @!p0 $0x3  }
0xa9: {  	_ =	swait.ge @!p0 [sflag:s0], s1  }
0xaa: {  	s1 =	ssub.s32 @!p0 $0x0, s1;
	[sflag:s0] =	ssyncset.done @!p0 $0x0  }
0xab: {  	[sflag:s0] =	ssyncadd.s32 @!p0 s1  }
0xac: {  	[bflag:$0x3] =	sbarrier.arrive $0xFFFF  }
0xad: {  	_ =	shalt  }

// kernel: kernel.18.cloned.1.call-start
scs
__scs_entry_jumppad:
0x0: {  	(pc) =	sbr.rel $0x88, $3  }
0x1: {  	(tag) =	ssettag $0x0;
	lr =	simm.s32 $0x1  }
0x2: {  	[smem:$0x3F93] =	sst lr;
	_ =	strace $0xD0000000  }
0x3: {  	_ = 	snop  }
0x4: {  	_ = 	snop  }
0x5: {  	_ = 	snop  }
0x6: {  	_ = 	snop  }
0x7: {  	_ = 	snop  }
__scs_overlays_trampoline_lowered:
0x8: {  	[smem:$0x3FA2] =	sst s0  }
0x9: {  	[smem:$0x3FA3] =	sst s1  }
0xa: {  	[smem:$0x3FA4] =	sst s2  }
0xb: {  	[smem:$0x3FA5] =	sst s3  }
0xc: {  	[smem:$0x3FA6] =	sst s4  }
0xd: {  	[smem:$0x3FA7] =	sst s5  }
0xe: {  	[smem:$0x3FA8] =	sst s6  }
0xf: {  	[smem:$0x3FA9] =	sst s7  }
0x10: {  	[smem:$0x3FAA] =	sst s8  }
0x11: {  	[smem:$0x3FAB] =	sst s9;
	s0 =	simm.s32 @!p0 $0x0  }
0x12: {  	s1 =	sld [smem:$0x3F91];
	s0 =	simm.s32 @p0 $0x1  }
0x13: {  	[smem:$0x3FAC] =	sst s0;
	s0 =	simm.s32 @!p1 $0x0  }
0x14: {  	s2 =	sld [smem:$0x3F90];
	s0 =	simm.s32 @p1 $0x1  }
0x15: {  	[smem:$0x3FAD] =	sst s0;
	s0 =	simm.s32 @!p2 $0x0  }
0x16: {  	s3 =	sld [smem:$0x3FDB];
	s0 =	simm.s32 @p2 $0x1  }
0x17: {  	s4 =	simm.s32 $0x1BF5;
	[smem:$0x3FAF] =	sst s0  }
0x18: {  	s0 =	sld [smem:$0x3F92];
	_ =	swait.ge [sflag:s4], $0x0  }
0x19: {  	s7 =	sld [smem:$0x3F93]  }
0x1a: {  	s8 =	sadd.s32 $0xFFFFE003, lr  }
0x1b: {  	s9 =	sadd.s32 $0xFFFFFEF7, lr;
	s5 =	simm.s32 $0xFFFFFFFF;
	p2 =	slt.u32 s8, $0xFFFFF086  }
0x1c: {  	p1 =	slt.u32 s9, $0xF7A;
	s5 =	simm.s32 @!p2 $0x0  }
0x1d: {  	s5 =	simm.s32 @p1 $0x1;
	p0 =	seq.s32 s7, s2  }
0x1e: {  	s7 =	smul.u32 @!p0 $0xF7A, s2;
	p2 =	seq.s32 @!p0 s5, $0x0  }
0x1f: {  	s9 =	smul.u32 $0xF7A, s1;
	s8 =	simm.s32 @!p0 $0x1BF5;
	p2 =	por !p2, p0  }
0x20: {  	[sflag:s8] =	ssyncset.s32 @!p0 $0xFFFFF086;
	s6 =	sadd.s32 @!p0 s3, s7;
	s7 =	simm.s32 @!p0 $0x108  }
0x21: {  	s3 =	sadd.s32 s3, s9;
	s6 =	sadd.s32 @!p0 $0x88, s6;
	s7 =	simm.s32 @p2 $0x1082  }
0x22: {  	[simem:s7], [sflag:s8] =	dma.local @!p0 [hbm:s6], $0xF7A  }
0x23: {  	s9 =	sor.u32 $0xD0000000, s2;
	s6 =	simm.s32 $0x108;
	_ =	swait.ge @!p0 [sflag:s8], $0x0  }
0x24: {  	s3 =	sadd.s32 $0x88, s3;
	s6 =	simm.s32 @!p1 $0x1082;
	[sflag:s4] =	ssyncset.s32 $0xFFFFF086  }
0x25: {  	[simem:s6], [sflag:s4] =	dma.local [hbm:s3], $0xF7A  }
0x26: {  	[smem:$0x3F93] =	sst s1;
	(tag) =	ssettag s2;
	_ =	strace s9  }
0x27: {  	s1 =	sld [smem:$0x3FA3]  }
0x28: {  	s2 =	sld [smem:$0x3FA4]  }
0x29: {  	s4 =	sld [smem:$0x3FA6]  }
0x2a: {  	p0 =	seq.s32 s5, $0x0;
	s5 =	sld [smem:$0x3FA7]  }
0x2b: {  	s6 =	sld [smem:$0x3FA8]  }
0x2c: {  	s7 =	sld [smem:$0x3FA9]  }
0x2d: {  	s3 =	simm.s32 $0x108;
	s8 =	sld [smem:$0x3FAA]  }
0x2e: {  	s3 =	simm.s32 @!p0 $0x1082;
	s9 =	sld [smem:$0x3FAB]  }
0x2f: {  	lr =	sadd.s32 s0, s3;
	s0 =	sld [smem:$0x3FA2]  }
0x30: {  	s3 =	sld [smem:$0x3FA5]  }
0x31: {  	[smem:$0x3FAE] =	sst s10  }
0x32: {  	s10 =	sld [smem:$0x3FAC];
	_ =	sdelay $0x3  }
0x33: {  	p0 =	seq.s32 s10, $0x1;
	s10 =	sld [smem:$0x3FAE];
	_ =	sdelay $0x3  }
0x34: {  	[smem:$0x3FAE] =	sst s10  }
0x35: {  	s10 =	sld [smem:$0x3FAD];
	_ =	sdelay $0x3  }
0x36: {  	p1 =	seq.s32 s10, $0x1;
	s10 =	sld [smem:$0x3FAE];
	_ =	sdelay $0x3  }
0x37: {  	[smem:$0x3FAE] =	sst s10  }
0x38: {  	s10 =	sld [smem:$0x3FAF]  }
0x39: {  	_ = 	snop;
	(pc) =	sbr.ind lr, $3  }
0x3a: {  	_ = 	snop  }
0x3b: {  	_ = 	snop  }
0x3c: {  	p2 =	seq.s32 s10, $0x1;
	s10 =	sld [smem:$0x3FAE]  }
0x3d: {  	_ =	shalt  }
0x3e: {  	_ =	shalt  }
0x3f: {  	_ =	shalt  }
0x40: {  	_ =	shalt  }
0x41: {  	_ =	shalt  }
0x42: {  	_ =	shalt  }
0x43: {  	_ =	shalt  }
0x44: {  	_ =	shalt  }
0x45: {  	_ =	shalt  }
0x46: {  	_ =	shalt  }
0x47: {  	_ =	shalt  }
0x48: {  	_ =	shalt  }
0x49: {  	_ =	shalt  }
0x4a: {  	_ =	shalt  }
0x4b: {  	_ =	shalt  }
0x4c: {  	_ =	shalt  }
0x4d: {  	_ =	shalt  }
0x4e: {  	_ =	shalt  }
0x4f: {  	_ =	shalt  }
0x50: {  	_ =	shalt  }
0x51: {  	_ =	shalt  }
0x52: {  	_ =	shalt  }
0x53: {  	_ =	shalt  }
0x54: {  	_ =	shalt  }
0x55: {  	_ =	shalt  }
0x56: {  	_ =	shalt  }
0x57: {  	_ =	shalt  }
0x58: {  	_ =	shalt  }
0x59: {  	_ =	shalt  }
0x5a: {  	_ =	shalt  }
0x5b: {  	_ =	shalt  }
0x5c: {  	_ =	shalt  }
0x5d: {  	_ =	shalt  }
0x5e: {  	_ =	shalt  }
0x5f: {  	_ =	shalt  }
0x60: {  	_ =	shalt  }
0x61: {  	_ =	shalt  }
0x62: {  	_ =	shalt  }
0x63: {  	_ =	shalt  }
0x64: {  	_ =	shalt  }
0x65: {  	_ =	shalt  }
0x66: {  	_ =	shalt  }
0x67: {  	_ =	shalt  }
0x68: {  	_ =	shalt  }
0x69: {  	_ =	shalt  }
0x6a: {  	_ =	shalt  }
0x6b: {  	_ =	shalt  }
0x6c: {  	_ =	shalt  }
0x6d: {  	_ =	shalt  }
0x6e: {  	_ =	shalt  }
0x6f: {  	_ =	shalt  }
0x70: {  	_ =	shalt  }
0x71: {  	_ =	shalt  }
0x72: {  	_ =	shalt  }
0x73: {  	_ =	shalt  }
0x74: {  	_ =	shalt  }
0x75: {  	_ =	shalt  }
0x76: {  	_ =	shalt  }
0x77: {  	_ =	shalt  }
0x78: {  	_ =	shalt  }
0x79: {  	_ =	shalt  }
0x7a: {  	_ =	shalt  }
0x7b: {  	_ =	shalt  }
0x7c: {  	_ =	shalt  }
0x7d: {  	_ =	shalt  }
0x7e: {  	_ =	shalt  }
0x7f: {  	_ =	shalt  }
0x80: {  	_ =	shalt  }
0x81: {  	_ =	shalt  }
0x82: {  	_ =	shalt  }
0x83: {  	_ =	shalt  }
0x84: {  	_ =	shalt  }
0x85: {  	_ =	shalt  }
0x86: {  	_ =	shalt  }
0x87: {  	_ =	shalt  }
.Lfunc_end0:
.L_simem_size_0:
called_computation.2_lowered:
.L_overlay_start_0:
0x88: {  	s2 =	sld [smem:$0x3FD9]  }
0x89: {  	s3 =	sld [smem:$0x3FFE];
	_ =	sdelay $0x1  }
0x8a: {  	s1 =	srdreg.scid  }
0x8b: {  	s0 =	sand.u32 $0x1, s1  }
0x8c: {  	s16 =	sshll.u32 s0, $0xA;
	s2 =	sadd.s32 s3, s2  }
0x8d: {  	s2 =	sadd.s32 s2, s16  }
0x8e: {  	[smem:$0x3FBA] =	sst s2  }
0x8f: {  	_ = 	snop  }
0x90: {  	(tm) =	ssettm $0x1  }
0x91: {  	s17 =	sld [smem:$0x3FFB];
	_ =	sdelay $0x3  }
0x92: {  	_ =	strace s17  }
0x93: {  	s2 =	sld [smem:$0x3FFC];
	_ =	sdelay $0x3  }
0x94: {  	_ =	strace s2  }
0x95: {  	s2 =	sld [smem:$0x3FFD];
	_ =	sdelay $0x3  }
0x96: {  	_ =	strace s2  }
0x97: {  	_ =	strace $0x8FFFFFFF  }
0x98: {  	s18 =	sld [smem:$0x3FDB];
	_ =	sdelay $0x1  }
0x99: {  	s19 =	simm.s32 $_scs_section_size  }
0x9a: {  	s4 =	simm.s32 $_size__tile_overlayer_lowered;
	s5 =	simm.s32 $_tile_overlayer_lowered  }
0x9b: {  	s22 =	simm.s32 $0x1BFF;
	s21 =	sshll.u32 s5, $0x1;
	s2 =	sadd.s32 s19, s18  }
0x9c: {  	s6 =	simm.s32 $0x0;
	s20 =	sshll.u32 s4, $0x1;
	s4 =	sadd.s32 s21, s2  }
0x9d: {  	[timem:s6], [sflag:s22] =	dma.local [hbm:s4], s20  }
0x9e: {  	_ =	swait.ge [sflag:s22], s20  }
0x9f: {  	s3 =	ssub.s32 $0x0, s20;
	[sflag:s22] =	ssyncset.done $0x0  }
0xa0: {  	[sflag:s22] =	ssyncadd.s32 s3;
	_ =	sdelay $0x1  }
0xa1: {  	s23 =	simm.s32 $0x1B8B  }
0xa2: {  	_ =	swait.ge [sflag:s23], $0x1  }
0xa3: {  	[sflag:s23] =	ssyncset.done $0x0  }
0xa4: {  	s25 =	simm.s32 $0x1B8E;
	s24 =	sld [smem:$0x3FFE];
	[sflag:s23] =	ssyncadd.s32 $0xFFFFFFFF  }
0xa5: {  	s26 =	simm.s32 $execute0_lowered;
	[smem:$0x3FD2] =	sst s25  }
0xa6: {  	s4 =	sshll.u32 s26, $0x1;
	_ =	strace $0x8000004C;
	[dreg:$0x1] =	wrdreg $0xFFFFFFFF  }
0xa7: {  	s28 =	simm.s32 $_size_execute0_lowered;
	s2 =	sadd.s32 s2, s4;
	[dreg:$0x0] =	wrdreg $0x0  }
0xa8: {  	s4 =	sshll.u32 s28, $0x1;
	[dreg:$0x2] =	wrdreg s2  }
0xa9: {  	[dreg:$0x3] =	wrdreg s4  }
0xaa: {  	[dreg:$0x4] =	wrdreg $0xC0  }
0xab: {  	_ =	task [dreg:s6], $0x5FFFF  }
0xac: {  	[dreg:$0x1] =	wrdreg $0xFFFFFFFF  }
0xad: {  	[dreg:$0x0] =	wrdreg $0x60  }
0xae: {  	[dreg:$0x2] =	wrdreg s24  }
0xaf: {  	[dreg:$0x3] =	wrdreg $0xA8000  }
0xb0: {  	[dreg:$0x4] =	wrdreg $0x9  }
0xb1: {  	_ =	task.clear_ibuf [dreg:s6], $0x5FFFF;
	_ =	strace $0x9000004C  }
0xb2: {  	s29 =	simm.s32 $0x9;
	_ =	strace $0x8000004E  }
0xb3: {  	_ =	swait.ge [sflag:s29], $0x1  }
0xb4: {  	[sflag:s29] =	ssyncadd.s32 $0xFFFFFFFF  }
0xb5: {  	_ =	strace $0x9000004E  }
0xb6: {  	_ =	sfence  }
0xb7: {  	s30 =	sld [smem:$0x0];
	_ =	sdelay $0x2  }
0xb8: {  	s31 =	sshll.u32 s1, $0xD;
	s1 =	sshrl.u32 s1, $0x2  }
0xb9: {  	s3 =	sand.u32 $0x4000, s31;
	s1 =	sadd.s32 s1, s30  }
0xba: {  	s0 =	sor.u32 s3, s0;
	s1 =	sshll.u32 s1, $0x11  }
0xbb: {  	s0 =	sor.u32 s1, s0  }
0xbc: {  	s0 =	sadd.s32 $0x8F2B, s0  }
0xbd: {  	[sflag:s0] =	ssyncadd.remote.s32 $0x1  }
0xbe: {  	_ =	sfence.sel $0xFFFF  }
0xbf: {  	[dreg:$0x0] =	wrdreg $0xFFFFFFFF;
	(pc) =	sbr.abs _section_cstart, $3  }
0xc0: {  	[dreg:$0x1] =	wrdreg $0xFFFFFFFF  }
0xc1: {  	_ =	task.clear_ibuf [dreg:s6], $0x2FFFF;
	_ =	strace $0x9FFFFFFF  }
0xc2: {  	(tm) =	ssettm $0x7FFFFFFF  }
0xc3: {  	_ =	shalt  }
tec
execute0_lowered:
.L_overlay_start_1:
0x0: {  	(tag) =	ssettag $0x1  }
0x1: {  	s5 =	rddreg [dreg:$0x0]  }
0x2: {  	s2 =	rddreg [dreg:$0x1]  }
0x3: {  	s0 =	rddreg [dreg:$0x2];
	s3 =	simm.s32 $0x0  }
0x4: {  	s1 =	stileid.u32;
	s4 =	srdreg.scid;
	s17 =	simm.s32 $0x2800  }
0x5: {  	s18 =	simm.s32 $0x1;
	s19 =	simm.s32 $0x6800;
	s20 =	simm.s32 $0x2  }
0x6: {  	s21 =	simm.s32 $0x1380;
	s22 =	simm.s32 $0x2700;
	s23 =	simm.s32 $0x2780  }
0x7: {  	s24 =	simm.s32 $0x0;
	[smem:$0x7FF] =	sst s3;
	s6 =	smul.u32 $0x13C00, s1  }
0x8: {  	s7 =	sand.u32 $0x1, s4;
	s4 =	sadd.s32 $0x8FC00, s5;
	s10 =	sadd.s32 $0x10000, s5  }
0x9: {  	s11 =	sadd.s32 $0x6000, s5;
	s12 =	smul.u32 $0x4F000, s1;
	s29 =	sshll.u32 s1, $0x6  }
0xa: {  	s9 =	smul.u32 $0x13C000, s7;
	s28 =	sshll.u32 s7, $0x4;
	s7 =	ssub.s32 $0x2, s7  }
0xb: {  	_ =	strace $0x8000004D;
	s8 =	sshrl.u32 s6, $0x3;
	s13 =	sshrl.u32 s7, $0x1  }
0xc: {  	s12 =	sshrl.u32 s12, $0x2;
	s6 =	sadd.s32 s6, s9;
	s9 =	sor.u32 s1, s28  }
0xd: {  	s8 =	sadd.s32 s8, s5;
	s13 =	ssub.s32 s7, s13;
	s14 =	smul.u32 $0x2800, s9  }
0xe: {  	s16 =	sadd.s32 s12, s2;
	s6 =	sshrl.u32 s6, $0x3;
	s9 =	smul.u32 $0x500, s9  }
0xf: {  	s12 =	smax.u32 s13, $0x1;
	s13 =	sshrl.u32 s16, $0x3;
	s16 =	simm.s32 $0x80  }
0x10: {  	s15 =	sadd.s32 s6, s5;
	s5 =	sadd.s32 $0x1A000, s8;
	s30 =	sshrl.u32 s14, $0x3  }
0x11: {  	s6 =	sor.u32 $0x1C03, s29;
	s7 =	sadd.s32 s10, s9;
	s31 =	sadd.s32 $0x280, s30  }
0x12: {  	s8 =	sadd.s32 s11, s9;
	s14 =	simm.s32 $0x3;
	s9 =	sadd.s32 s10, s31  }
0x13: {  	s10 =	sadd.s32 s11, s31;
	s11 =	sadd.s32 $0xB6E00, s15;
	s15 =	simm.s32 $0x1400  }
.LBB2_1:
0x14: {  	[spmem:s13], [sflag:s6] =	dma.local [hbm:s5], $0x2780  }
0x15: {  	_ =	swait.ge [sflag:s14], $0x2780  }
0x16: {  	[sflag:s14] =	ssyncset.done $0x0  }
0x17: {  	[sflag:s14] =	ssyncadd.s32 $0xFFFFD880  }
0x18: {  	[bflag:$0x0] =	sbarrier.arrive $0xFFFF  }
0x19: {  	[tilespmem:s3], [sflag:$0x3] =	stream.linear.gather [hbm4b:s7+s3], $0x1400, $0x38;
	[tilespmem:$0x1E400] =	vst v63  }
0x1a: {  	_ =	swait.ge [sflag:s14], $0x1400  }
0x1b: {  	[sflag:s14] =	ssyncset.done $0x0  }
0x1c: {  	[sflag:s14] =	ssyncadd.s32 $0xFFFFEC00  }
0x1d: {  	[tilespmem:s15], [sflag:$0x3] =	stream.linear.gather [hbm4b:s8+s3], $0x1400, $0x38;
	[tilespmem:$0x1E400] =	vst v63  }
0x1e: {  	_ =	swait.ge [sflag:s14], $0x1400  }
0x1f: {  	[sflag:s14] =	ssyncset.done $0x0  }
0x20: {  	[sflag:s14] =	ssyncadd.s32 $0xFFFFEC00  }
0x21: {  	[tilespmem:s17], [sflag:$0x1] =	stream.indirect.gather [hbm4b:s4+s16], $0x80, s3, s16, $0xb8;
	[tilespmem:$0x1E400] =	vst v63  }
0x22: {  	_ =	swait.ge [sflag:s18], $0x4000  }
0x23: {  	[sflag:s18] =	ssyncset.done $0x0  }
0x24: {  	s25 =	simm.s32 $0x80;
	[sflag:s18] =	ssyncadd.s32 $0xFFFFC000  }
0x25: {  	[tilespmem:s19], [sflag:$0x2] =	stream.indirect.gather [hbm4b:s4+s16], $0x80, s25, s16, $0xb8;
	[tilespmem:$0x1E400] =	vst v63  }
0x26: {  	s29 =	simm.s32 $0x1400  }
0x27: {  	[spmem:s2] =	stream.indirect.scatter.add.f32 [tilespmem:s17], [sflag:$0x3], $0x80, s29, s16, $0xb8;
	[tilespmem:$0x1E400] =	vst v63  }
0x28: {  	_ =	swait.ge [sflag:s14], $0x4000  }
0x29: {  	[sflag:s14] =	ssyncset.done $0x0  }
0x2a: {  	[sflag:s14] =	ssyncadd.s32 $0xFFFFC000  }
0x2b: {  	_ =	swait.ge [sflag:s20], $0x4000  }
0x2c: {  	[sflag:s20] =	ssyncset.done $0x0  }
0x2d: {  	s30 =	simm.s32 $0x100;
	[sflag:s20] =	ssyncadd.s32 $0xFFFFC000  }
0x2e: {  	[tilespmem:s17], [sflag:$0x1] =	stream.indirect.gather [hbm4b:s4+s16], $0x80, s30, s16, $0xb8;
	[tilespmem:$0x1E400] =	vst v63  }
0x2f: {  	s31 =	simm.s32 $0x1480  }
0x30: {  	[spmem:s2] =	stream.indirect.scatter.add.f32 [tilespmem:s19], [sflag:$0x3], $0x80, s31, s16, $0xb8;
	[tilespmem:$0x1E400] =	vst v63  }
0x31: {  	_ =	swait.ge [sflag:s14], $0x4000  }
0x32: {  	s25 =	simm.s32 $0x400;
	[sflag:s14] =	ssyncset.done $0x0  }
.LBB2_2:
0x33: {  	p0 =	sne.s32 s25, $0x4800  }
0x34: {  	[sflag:s14] =	ssyncadd.s32 $0xFFFFC000;
	s26 =	smov.u32 s25;
	s25 =	sadd.s32 $0x400, s25  }
0x35: {  	_ = 	snop  }
0x36: {  	_ =	swait.ge [sflag:s18], $0x4000  }
0x37: {  	s26 =	sshra.s32 s26, $0x2;
	[sflag:s18] =	ssyncset.done $0x0  }
0x38: {  	s28 =	sadd.s32 $0x80, s26;
	[sflag:s18] =	ssyncadd.s32 $0xFFFFC000  }
0x39: {  	[tilespmem:s19], [sflag:$0x2] =	stream.indirect.gather [hbm4b:s4+s16], $0x80, s28, s16, $0xb8;
	[tilespmem:$0x1E400] =	vst v63  }
0x3a: {  	s28 =	sadd.s32 $0x1400, s26  }
0x3b: {  	[spmem:s2] =	stream.indirect.scatter.add.f32 [tilespmem:s17], [sflag:$0x3], $0x80, s28, s16, $0xb8;
	[tilespmem:$0x1E400] =	vst v63  }
0x3c: {  	_ =	swait.ge [sflag:s14], $0x4000  }
0x3d: {  	[sflag:s14] =	ssyncset.done $0x0  }
0x3e: {  	[sflag:s14] =	ssyncadd.s32 $0xFFFFC000  }
0x3f: {  	_ =	swait.ge [sflag:s20], $0x4000  }
0x40: {  	[sflag:s20] =	ssyncset.done $0x0  }
0x41: {  	s28 =	sadd.s32 $0x100, s26;
	[sflag:s20] =	ssyncadd.s32 $0xFFFFC000  }
0x42: {  	[tilespmem:s17], [sflag:$0x1] =	stream.indirect.gather [hbm4b:s4+s16], $0x80, s28, s16, $0xb8;
	[tilespmem:$0x1E400] =	vst v63  }
.Ltmp0:
0x43: {  	_ = 	snop;
	(pc) =	sbr.rel @p0 .LBB2_2-.Ltmp0, $4  }
0x44: {  	s26 =	sadd.s32 $0x1480, s26  }
0x45: {  	[spmem:s2] =	stream.indirect.scatter.add.f32 [tilespmem:s19], [sflag:$0x3], $0x80, s26, s16, $0xb8;
	[tilespmem:$0x1E400] =	vst v63  }
0x46: {  	_ =	swait.ge [sflag:s14], $0x4000  }
0x47: {  	[sflag:s14] =	ssyncset.done $0x0  }
0x48: {  	[sflag:s14] =	ssyncadd.s32 $0xFFFFC000  }
0x49: {  	_ =	swait.ge [sflag:s18], $0x4000  }
0x4a: {  	[sflag:s18] =	ssyncset.done $0x0  }
0x4b: {  	[sflag:s18] =	ssyncadd.s32 $0xFFFFC000  }
0x4c: {  	[tilespmem:s19], [sflag:$0x2] =	stream.indirect.gather [hbm4b:s4+s16], $0x80, s21, s16, $0xb8;
	[tilespmem:$0x1E400] =	vst v63  }
0x4d: {  	_ = 	snop  }
0x4e: {  	[spmem:s2] =	stream.indirect.scatter.add.f32 [tilespmem:s17], [sflag:$0x3], $0x80, s22, s16, $0xb8;
	[tilespmem:$0x1E400] =	vst v63  }
0x4f: {  	_ =	swait.ge [sflag:s14], $0x4000  }
0x50: {  	[sflag:s14] =	ssyncset.done $0x0  }
0x51: {  	[sflag:s14] =	ssyncadd.s32 $0xFFFFC000  }
0x52: {  	_ =	swait.ge [sflag:s20], $0x4000  }
0x53: {  	[sflag:s20] =	ssyncset.done $0x0  }
0x54: {  	[sflag:s20] =	ssyncadd.s32 $0xFFFFC000  }
0x55: {  	[spmem:s2] =	stream.indirect.scatter.add.f32 [tilespmem:s19], [sflag:$0x3], $0x80, s23, s16, $0xb8;
	[tilespmem:$0x1E400] =	vst v63  }
0x56: {  	_ =	swait.ge [sflag:s14], $0x4000  }
0x57: {  	[sflag:s14] =	ssyncset.done $0x0  }
0x58: {  	s25 =	simm.s32 $0x0;
	[sflag:s14] =	ssyncadd.s32 $0xFFFFC000  }
0x59: {  	[tilespmem:s25], [sflag:$0x3] =	stream.linear.gather [hbm4b:s9+s25], $0x1400, $0x38;
	[tilespmem:$0x1E400] =	vst v63  }
0x5a: {  	_ =	swait.ge [sflag:s14], $0x1400  }
0x5b: {  	[sflag:s14] =	ssyncset.done $0x0  }
0x5c: {  	[sflag:s14] =	ssyncadd.s32 $0xFFFFEC00  }
0x5d: {  	[tilespmem:s15], [sflag:$0x3] =	stream.linear.gather [hbm4b:s10+s25], $0x1400, $0x38;
	[tilespmem:$0x1E400] =	vst v63  }
0x5e: {  	_ =	swait.ge [sflag:s14], $0x1400  }
0x5f: {  	[sflag:s14] =	ssyncset.done $0x0  }
0x60: {  	[sflag:s14] =	ssyncadd.s32 $0xFFFFEC00  }
0x61: {  	[tilespmem:s17], [sflag:$0x1] =	stream.indirect.gather [hbm4b:s4+s16], $0x80, s25, s16, $0xb8;
	[tilespmem:$0x1E400] =	vst v63  }
0x62: {  	_ =	swait.ge [sflag:s18], $0x4000  }
0x63: {  	[sflag:s18] =	ssyncset.done $0x0  }
0x64: {  	s28 =	simm.s32 $0x80;
	[sflag:s18] =	ssyncadd.s32 $0xFFFFC000  }
0x65: {  	[tilespmem:s19], [sflag:$0x2] =	stream.indirect.gather [hbm4b:s4+s16], $0x80, s28, s16, $0xb8;
	[tilespmem:$0x1E400] =	vst v63  }
0x66: {  	s29 =	simm.s32 $0x1400  }
0x67: {  	[spmem:s2] =	stream.indirect.scatter.add.f32 [tilespmem:s17], [sflag:$0x3], $0x80, s29, s16, $0xb8;
	[tilespmem:$0x1E400] =	vst v63  }
0x68: {  	_ =	swait.ge [sflag:s14], $0x4000  }
0x69: {  	[sflag:s14] =	ssyncset.done $0x0  }
0x6a: {  	[sflag:s14] =	ssyncadd.s32 $0xFFFFC000  }
0x6b: {  	_ =	swait.ge [sflag:s20], $0x4000  }
0x6c: {  	[sflag:s20] =	ssyncset.done $0x0  }
0x6d: {  	s30 =	simm.s32 $0x100;
	[sflag:s20] =	ssyncadd.s32 $0xFFFFC000  }
0x6e: {  	[tilespmem:s17], [sflag:$0x1] =	stream.indirect.gather [hbm4b:s4+s16], $0x80, s30, s16, $0xb8;
	[tilespmem:$0x1E400] =	vst v63  }
0x6f: {  	s31 =	simm.s32 $0x1480  }
0x70: {  	[spmem:s2] =	stream.indirect.scatter.add.f32 [tilespmem:s19], [sflag:$0x3], $0x80, s31, s16, $0xb8;
	[tilespmem:$0x1E400] =	vst v63  }
0x71: {  	_ =	swait.ge [sflag:s14], $0x4000  }
0x72: {  	s25 =	simm.s32 $0x400;
	[sflag:s14] =	ssyncset.done $0x0  }
.LBB2_4:
0x73: {  	p0 =	sne.s32 s25, $0x4800  }
0x74: {  	[sflag:s14] =	ssyncadd.s32 $0xFFFFC000;
	s26 =	smov.u32 s25;
	s25 =	sadd.s32 $0x400, s25  }
0x75: {  	_ = 	snop  }
0x76: {  	_ =	swait.ge [sflag:s18], $0x4000  }
0x77: {  	s26 =	sshra.s32 s26, $0x2;
	[sflag:s18] =	ssyncset.done $0x0  }
0x78: {  	s28 =	sadd.s32 $0x80, s26;
	[sflag:s18] =	ssyncadd.s32 $0xFFFFC000  }
0x79: {  	[tilespmem:s19], [sflag:$0x2] =	stream.indirect.gather [hbm4b:s4+s16], $0x80, s28, s16, $0xb8;
	[tilespmem:$0x1E400] =	vst v63  }
0x7a: {  	s28 =	sadd.s32 $0x1400, s26  }
0x7b: {  	[spmem:s2] =	stream.indirect.scatter.add.f32 [tilespmem:s17], [sflag:$0x3], $0x80, s28, s16, $0xb8;
	[tilespmem:$0x1E400] =	vst v63  }
0x7c: {  	_ =	swait.ge [sflag:s14], $0x4000  }
0x7d: {  	[sflag:s14] =	ssyncset.done $0x0  }
0x7e: {  	[sflag:s14] =	ssyncadd.s32 $0xFFFFC000  }
0x7f: {  	_ =	swait.ge [sflag:s20], $0x4000  }
0x80: {  	[sflag:s20] =	ssyncset.done $0x0  }
0x81: {  	s28 =	sadd.s32 $0x100, s26;
	[sflag:s20] =	ssyncadd.s32 $0xFFFFC000  }
0x82: {  	[tilespmem:s17], [sflag:$0x1] =	stream.indirect.gather [hbm4b:s4+s16], $0x80, s28, s16, $0xb8;
	[tilespmem:$0x1E400] =	vst v63  }
.Ltmp1:
0x83: {  	_ = 	snop;
	(pc) =	sbr.rel @p0 .LBB2_4-.Ltmp1, $4  }
0x84: {  	s26 =	sadd.s32 $0x1480, s26  }
0x85: {  	[spmem:s2] =	stream.indirect.scatter.add.f32 [tilespmem:s19], [sflag:$0x3], $0x80, s26, s16, $0xb8;
	[tilespmem:$0x1E400] =	vst v63  }
0x86: {  	_ =	swait.ge [sflag:s14], $0x4000  }
0x87: {  	[sflag:s14] =	ssyncset.done $0x0  }
0x88: {  	[sflag:s14] =	ssyncadd.s32 $0xFFFFC000  }
0x89: {  	_ =	swait.ge [sflag:s18], $0x4000  }
0x8a: {  	[sflag:s18] =	ssyncset.done $0x0  }
0x8b: {  	[sflag:s18] =	ssyncadd.s32 $0xFFFFC000  }
0x8c: {  	[tilespmem:s19], [sflag:$0x2] =	stream.indirect.gather [hbm4b:s4+s16], $0x80, s21, s16, $0xb8;
	[tilespmem:$0x1E400] =	vst v63  }
0x8d: {  	_ = 	snop  }
0x8e: {  	[spmem:s2] =	stream.indirect.scatter.add.f32 [tilespmem:s17], [sflag:$0x3], $0x80, s22, s16, $0xb8;
	[tilespmem:$0x1E400] =	vst v63  }
0x8f: {  	_ =	swait.ge [sflag:s14], $0x4000  }
0x90: {  	[sflag:s14] =	ssyncset.done $0x0  }
0x91: {  	[sflag:s14] =	ssyncadd.s32 $0xFFFFC000  }
0x92: {  	_ =	swait.ge [sflag:s20], $0x4000  }
0x93: {  	[sflag:s20] =	ssyncset.done $0x0  }
0x94: {  	[sflag:s20] =	ssyncadd.s32 $0xFFFFC000  }
0x95: {  	[spmem:s2] =	stream.indirect.scatter.add.f32 [tilespmem:s19], [sflag:$0x3], $0x80, s23, s16, $0xb8;
	[tilespmem:$0x1E400] =	vst v63  }
0x96: {  	_ =	swait.ge [sflag:s14], $0x4000  }
0x97: {  	s24 =	sadd.s32 $0x1, s24;
	[sflag:s14] =	ssyncset.done $0x0  }
0x98: {  	p0 =	sne.s32 s24, s12;
	[sflag:s14] =	ssyncadd.s32 $0xFFFFC000  }
.Ltmp2:
0x99: {  	[bflag:$0x0] =	sbarrier.arrive $0xFFFF;
	(pc) =	sbr.rel @p0 .LBB2_1-.Ltmp2, $4  }
0x9a: {  	[hbm:s11], [sflag:s6] =	dma.local [spmem:s13], $0x2780  }
0x9b: {  	_ =	swait.ge [sflag:s14], $0x2780  }
0x9c: {  	[sflag:s14] =	ssyncset.done $0x0  }
0x9d: {  	[sflag:s14] =	ssyncadd.s32 $0xFFFFD880  }
0x9e: {  	_ =	sfence.sel $0x180000  }
0x9f: {  	[bflag:$0x0] =	sbarrier.arrive $0xFFFF  }
0xa0: {  	p0 =	sne.s32 s1, $0x0;
	_ =	strace $0x9000004D  }
0xa1: {  	s0 =	sadd.s32 @!p0 $0x100000, s0;
	[bflag:$0x2] =	sbarrier.arrive $0xFFFF  }
0xa2: {  	[sflag:s0] =	ssyncadd.tile.s32 @!p0 $0x1;
	_ =	shalt  }
.Lfunc_end2:
_tile_overlayer_lowered:
.L_overlay_start_2:
0xa3: {  	(tag) =	ssettag $0x2  }
0xa4: {  	s0 =	rddreg [dreg:$0x0];
	s2 =	stileid.u32  }
0xa5: {  	s1 =	rddreg [dreg:$0x1];
	p0 =	sne.s32 s2, $0x0  }
0xa6: {  	s3 =	rddreg [dreg:$0x2];
	[bflag:$0x3] =	sbarrier.arrive $0xFFFF;
	s2 =	simm.s32 @!p0 $0x1C03  }
0xa7: {  	[timem:s3], [sflag:s2] =	dma.local @!p0 [hbm:s0], s1  }
0xa8: {  	s0 =	simm.s32 @!p0 $0x3  }
0xa9: {  	_ =	swait.ge @!p0 [sflag:s0], s1  }
0xaa: {  	s1 =	ssub.s32 @!p0 $0x0, s1;
	[sflag:s0] =	ssyncset.done @!p0 $0x0  }
0xab: {  	[sflag:s0] =	ssyncadd.s32 @!p0 s1  }
0xac: {  	[bflag:$0x3] =	sbarrier.arrive $0xFFFF  }
0xad: {  	_ =	shalt  }

// kernel: kernel.21.cloned.1.call-start
scs
__scs_entry_jumppad:
0x0: {  	(pc) =	sbr.rel $0x88, $3  }
0x1: {  	(tag) =	ssettag $0x0;
	lr =	simm.s32 $0x1  }
0x2: {  	[smem:$0x3F93] =	sst lr;
	_ =	strace $0xD0000000  }
0x3: {  	_ = 	snop  }
0x4: {  	_ = 	snop  }
0x5: {  	_ = 	snop  }
0x6: {  	_ = 	snop  }
0x7: {  	_ = 	snop  }
__scs_overlays_trampoline_lowered:
0x8: {  	[smem:$0x3FA2] =	sst s0  }
0x9: {  	[smem:$0x3FA3] =	sst s1  }
0xa: {  	[smem:$0x3FA4] =	sst s2  }
0xb: {  	[smem:$0x3FA5] =	sst s3  }
0xc: {  	[smem:$0x3FA6] =	sst s4  }
0xd: {  	[smem:$0x3FA7] =	sst s5  }
0xe: {  	[smem:$0x3FA8] =	sst s6  }
0xf: {  	[smem:$0x3FA9] =	sst s7  }
0x10: {  	[smem:$0x3FAA] =	sst s8  }
0x11: {  	[smem:$0x3FAB] =	sst s9;
	s0 =	simm.s32 @!p0 $0x0  }
0x12: {  	s1 =	sld [smem:$0x3F91];
	s0 =	simm.s32 @p0 $0x1  }
0x13: {  	[smem:$0x3FAC] =	sst s0;
	s0 =	simm.s32 @!p1 $0x0  }
0x14: {  	s2 =	sld [smem:$0x3F90];
	s0 =	simm.s32 @p1 $0x1  }
0x15: {  	[smem:$0x3FAD] =	sst s0;
	s0 =	simm.s32 @!p2 $0x0  }
0x16: {  	s3 =	sld [smem:$0x3FDB];
	s0 =	simm.s32 @p2 $0x1  }
0x17: {  	s4 =	simm.s32 $0x1BF5;
	[smem:$0x3FAF] =	sst s0  }
0x18: {  	s0 =	sld [smem:$0x3F92];
	_ =	swait.ge [sflag:s4], $0x0  }
0x19: {  	s7 =	sld [smem:$0x3F93]  }
0x1a: {  	s8 =	sadd.s32 $0xFFFFE003, lr  }
0x1b: {  	s9 =	sadd.s32 $0xFFFFFEF7, lr;
	s5 =	simm.s32 $0xFFFFFFFF;
	p2 =	slt.u32 s8, $0xFFFFF086  }
0x1c: {  	p1 =	slt.u32 s9, $0xF7A;
	s5 =	simm.s32 @!p2 $0x0  }
0x1d: {  	s5 =	simm.s32 @p1 $0x1;
	p0 =	seq.s32 s7, s2  }
0x1e: {  	s7 =	smul.u32 @!p0 $0xF7A, s2;
	p2 =	seq.s32 @!p0 s5, $0x0  }
0x1f: {  	s9 =	smul.u32 $0xF7A, s1;
	s8 =	simm.s32 @!p0 $0x1BF5;
	p2 =	por !p2, p0  }
0x20: {  	[sflag:s8] =	ssyncset.s32 @!p0 $0xFFFFF086;
	s6 =	sadd.s32 @!p0 s3, s7;
	s7 =	simm.s32 @!p0 $0x108  }
0x21: {  	s3 =	sadd.s32 s3, s9;
	s6 =	sadd.s32 @!p0 $0x88, s6;
	s7 =	simm.s32 @p2 $0x1082  }
0x22: {  	[simem:s7], [sflag:s8] =	dma.local @!p0 [hbm:s6], $0xF7A  }
0x23: {  	s9 =	sor.u32 $0xD0000000, s2;
	s6 =	simm.s32 $0x108;
	_ =	swait.ge @!p0 [sflag:s8], $0x0  }
0x24: {  	s3 =	sadd.s32 $0x88, s3;
	s6 =	simm.s32 @!p1 $0x1082;
	[sflag:s4] =	ssyncset.s32 $0xFFFFF086  }
0x25: {  	[simem:s6], [sflag:s4] =	dma.local [hbm:s3], $0xF7A  }
0x26: {  	[smem:$0x3F93] =	sst s1;
	(tag) =	ssettag s2;
	_ =	strace s9  }
0x27: {  	s1 =	sld [smem:$0x3FA3]  }
0x28: {  	s2 =	sld [smem:$0x3FA4]  }
0x29: {  	s4 =	sld [smem:$0x3FA6]  }
0x2a: {  	p0 =	seq.s32 s5, $0x0;
	s5 =	sld [smem:$0x3FA7]  }
0x2b: {  	s6 =	sld [smem:$0x3FA8]  }
0x2c: {  	s7 =	sld [smem:$0x3FA9]  }
0x2d: {  	s3 =	simm.s32 $0x108;
	s8 =	sld [smem:$0x3FAA]  }
0x2e: {  	s3 =	simm.s32 @!p0 $0x1082;
	s9 =	sld [smem:$0x3FAB]  }
0x2f: {  	lr =	sadd.s32 s0, s3;
	s0 =	sld [smem:$0x3FA2]  }
0x30: {  	s3 =	sld [smem:$0x3FA5]  }
0x31: {  	[smem:$0x3FAE] =	sst s10  }
0x32: {  	s10 =	sld [smem:$0x3FAC];
	_ =	sdelay $0x3  }
0x33: {  	p0 =	seq.s32 s10, $0x1;
	s10 =	sld [smem:$0x3FAE];
	_ =	sdelay $0x3  }
0x34: {  	[smem:$0x3FAE] =	sst s10  }
0x35: {  	s10 =	sld [smem:$0x3FAD];
	_ =	sdelay $0x3  }
0x36: {  	p1 =	seq.s32 s10, $0x1;
	s10 =	sld [smem:$0x3FAE];
	_ =	sdelay $0x3  }
0x37: {  	[smem:$0x3FAE] =	sst s10  }
0x38: {  	s10 =	sld [smem:$0x3FAF]  }
0x39: {  	_ = 	snop;
	(pc) =	sbr.ind lr, $3  }
0x3a: {  	_ = 	snop  }
0x3b: {  	_ = 	snop  }
0x3c: {  	p2 =	seq.s32 s10, $0x1;
	s10 =	sld [smem:$0x3FAE]  }
0x3d: {  	_ =	shalt  }
0x3e: {  	_ =	shalt  }
0x3f: {  	_ =	shalt  }
0x40: {  	_ =	shalt  }
0x41: {  	_ =	shalt  }
0x42: {  	_ =	shalt  }
0x43: {  	_ =	shalt  }
0x44: {  	_ =	shalt  }
0x45: {  	_ =	shalt  }
0x46: {  	_ =	shalt  }
0x47: {  	_ =	shalt  }
0x48: {  	_ =	shalt  }
0x49: {  	_ =	shalt  }
0x4a: {  	_ =	shalt  }
0x4b: {  	_ =	shalt  }
0x4c: {  	_ =	shalt  }
0x4d: {  	_ =	shalt  }
0x4e: {  	_ =	shalt  }
0x4f: {  	_ =	shalt  }
0x50: {  	_ =	shalt  }
0x51: {  	_ =	shalt  }
0x52: {  	_ =	shalt  }
0x53: {  	_ =	shalt  }
0x54: {  	_ =	shalt  }
0x55: {  	_ =	shalt  }
0x56: {  	_ =	shalt  }
0x57: {  	_ =	shalt  }
0x58: {  	_ =	shalt  }
0x59: {  	_ =	shalt  }
0x5a: {  	_ =	shalt  }
0x5b: {  	_ =	shalt  }
0x5c: {  	_ =	shalt  }
0x5d: {  	_ =	shalt  }
0x5e: {  	_ =	shalt  }
0x5f: {  	_ =	shalt  }
0x60: {  	_ =	shalt  }
0x61: {  	_ =	shalt  }
0x62: {  	_ =	shalt  }
0x63: {  	_ =	shalt  }
0x64: {  	_ =	shalt  }
0x65: {  	_ =	shalt  }
0x66: {  	_ =	shalt  }
0x67: {  	_ =	shalt  }
0x68: {  	_ =	shalt  }
0x69: {  	_ =	shalt  }
0x6a: {  	_ =	shalt  }
0x6b: {  	_ =	shalt  }
0x6c: {  	_ =	shalt  }
0x6d: {  	_ =	shalt  }
0x6e: {  	_ =	shalt  }
0x6f: {  	_ =	shalt  }
0x70: {  	_ =	shalt  }
0x71: {  	_ =	shalt  }
0x72: {  	_ =	shalt  }
0x73: {  	_ =	shalt  }
0x74: {  	_ =	shalt  }
0x75: {  	_ =	shalt  }
0x76: {  	_ =	shalt  }
0x77: {  	_ =	shalt  }
0x78: {  	_ =	shalt  }
0x79: {  	_ =	shalt  }
0x7a: {  	_ =	shalt  }
0x7b: {  	_ =	shalt  }
0x7c: {  	_ =	shalt  }
0x7d: {  	_ =	shalt  }
0x7e: {  	_ =	shalt  }
0x7f: {  	_ =	shalt  }
0x80: {  	_ =	shalt  }
0x81: {  	_ =	shalt  }
0x82: {  	_ =	shalt  }
0x83: {  	_ =	shalt  }
0x84: {  	_ =	shalt  }
0x85: {  	_ =	shalt  }
0x86: {  	_ =	shalt  }
0x87: {  	_ =	shalt  }
.Lfunc_end0:
.L_simem_size_0:
called_computation.3_lowered:
.L_overlay_start_0:
0x88: {  	s2 =	sld [smem:$0x3FD9]  }
0x89: {  	s3 =	sld [smem:$0x3FFE];
	_ =	sdelay $0x1  }
0x8a: {  	s1 =	srdreg.scid  }
0x8b: {  	s0 =	sand.u32 $0x1, s1  }
0x8c: {  	s16 =	sshll.u32 s0, $0xA;
	s2 =	sadd.s32 s3, s2  }
0x8d: {  	s2 =	sadd.s32 s2, s16  }
0x8e: {  	[smem:$0x3FBA] =	sst s2  }
0x8f: {  	_ = 	snop  }
0x90: {  	(tm) =	ssettm $0x1  }
0x91: {  	s17 =	sld [smem:$0x3FFB];
	_ =	sdelay $0x3  }
0x92: {  	_ =	strace s17  }
0x93: {  	s2 =	sld [smem:$0x3FFC];
	_ =	sdelay $0x3  }
0x94: {  	_ =	strace s2  }
0x95: {  	s2 =	sld [smem:$0x3FFD];
	_ =	sdelay $0x3  }
0x96: {  	_ =	strace s2  }
0x97: {  	_ =	strace $0x8FFFFFFF  }
0x98: {  	s18 =	sld [smem:$0x3FDB];
	_ =	sdelay $0x1  }
0x99: {  	s19 =	simm.s32 $_scs_section_size  }
0x9a: {  	s4 =	simm.s32 $_size__tile_overlayer_lowered;
	s5 =	simm.s32 $_tile_overlayer_lowered  }
0x9b: {  	s22 =	simm.s32 $0x1BFF;
	s21 =	sshll.u32 s5, $0x1;
	s2 =	sadd.s32 s19, s18  }
0x9c: {  	s6 =	simm.s32 $0x0;
	s20 =	sshll.u32 s4, $0x1;
	s4 =	sadd.s32 s21, s2  }
0x9d: {  	[timem:s6], [sflag:s22] =	dma.local [hbm:s4], s20  }
0x9e: {  	_ =	swait.ge [sflag:s22], s20  }
0x9f: {  	s3 =	ssub.s32 $0x0, s20;
	[sflag:s22] =	ssyncset.done $0x0  }
0xa0: {  	[sflag:s22] =	ssyncadd.s32 s3;
	_ =	sdelay $0x1  }
0xa1: {  	s23 =	simm.s32 $0x1B8B  }
0xa2: {  	_ =	swait.ge [sflag:s23], $0x1  }
0xa3: {  	[sflag:s23] =	ssyncset.done $0x0  }
0xa4: {  	s25 =	simm.s32 $0x1B8E;
	s24 =	sld [smem:$0x3FFE];
	[sflag:s23] =	ssyncadd.s32 $0xFFFFFFFF  }
0xa5: {  	s26 =	simm.s32 $execute0_lowered;
	[smem:$0x3FD2] =	sst s25  }
0xa6: {  	s4 =	sshll.u32 s26, $0x1;
	_ =	strace $0x8000004F;
	[dreg:$0x1] =	wrdreg $0xFFFFFFFF  }
0xa7: {  	s28 =	simm.s32 $_size_execute0_lowered;
	s2 =	sadd.s32 s2, s4;
	[dreg:$0x0] =	wrdreg $0x0  }
0xa8: {  	s4 =	sshll.u32 s28, $0x1;
	[dreg:$0x2] =	wrdreg s2  }
0xa9: {  	[dreg:$0x3] =	wrdreg s4  }
0xaa: {  	[dreg:$0x4] =	wrdreg $0xC0  }
0xab: {  	_ =	task [dreg:s6], $0x5FFFF  }
0xac: {  	[dreg:$0x1] =	wrdreg $0xFFFFFFFF  }
0xad: {  	[dreg:$0x0] =	wrdreg $0x60  }
0xae: {  	[dreg:$0x2] =	wrdreg s24  }
0xaf: {  	[dreg:$0x3] =	wrdreg $0xA8000  }
0xb0: {  	[dreg:$0x4] =	wrdreg $0x9  }
0xb1: {  	_ =	task.clear_ibuf [dreg:s6], $0x5FFFF;
	_ =	strace $0x9000004F  }
0xb2: {  	s29 =	simm.s32 $0x9;
	_ =	strace $0x80000051  }
0xb3: {  	_ =	swait.ge [sflag:s29], $0x1  }
0xb4: {  	[sflag:s29] =	ssyncadd.s32 $0xFFFFFFFF  }
0xb5: {  	_ =	strace $0x90000051  }
0xb6: {  	_ =	sfence  }
0xb7: {  	s30 =	sld [smem:$0x0];
	_ =	sdelay $0x2  }
0xb8: {  	s31 =	sshll.u32 s1, $0xD;
	s1 =	sshrl.u32 s1, $0x2  }
0xb9: {  	s3 =	sand.u32 $0x4000, s31;
	s1 =	sadd.s32 s1, s30  }
0xba: {  	s0 =	sor.u32 s3, s0;
	s1 =	sshll.u32 s1, $0x11  }
0xbb: {  	s0 =	sor.u32 s1, s0  }
0xbc: {  	s0 =	sadd.s32 $0x8F2B, s0  }
0xbd: {  	[sflag:s0] =	ssyncadd.remote.s32 $0x1  }
0xbe: {  	_ =	sfence.sel $0xFFFF  }
0xbf: {  	[dreg:$0x0] =	wrdreg $0xFFFFFFFF;
	(pc) =	sbr.abs _section_cstart, $3  }
0xc0: {  	[dreg:$0x1] =	wrdreg $0xFFFFFFFF  }
0xc1: {  	_ =	task.clear_ibuf [dreg:s6], $0x2FFFF;
	_ =	strace $0x9FFFFFFF  }
0xc2: {  	(tm) =	ssettm $0x7FFFFFFF  }
0xc3: {  	_ =	shalt  }
tec
execute0_lowered:
.L_overlay_start_1:
0x0: {  	(tag) =	ssettag $0x1  }
0x1: {  	s5 =	rddreg [dreg:$0x0]  }
0x2: {  	s2 =	rddreg [dreg:$0x1]  }
0x3: {  	s0 =	rddreg [dreg:$0x2];
	s3 =	simm.s32 $0x0  }
0x4: {  	s1 =	stileid.u32;
	s4 =	srdreg.scid;
	s17 =	simm.s32 $0x2800  }
0x5: {  	s18 =	simm.s32 $0x1;
	s19 =	simm.s32 $0x6800;
	s20 =	simm.s32 $0x2  }
0x6: {  	s21 =	simm.s32 $0x1380;
	s22 =	simm.s32 $0x2700;
	s23 =	simm.s32 $0x2780  }
0x7: {  	s24 =	simm.s32 $0x0;
	[smem:$0x7FF] =	sst s3;
	s6 =	smul.u32 $0x13C00, s1  }
0x8: {  	s7 =	sand.u32 $0x1, s4;
	s4 =	sadd.s32 $0x8FC00, s5;
	s10 =	sadd.s32 $0x10000, s5  }
0x9: {  	s11 =	sadd.s32 $0x6000, s5;
	s12 =	smul.u32 $0x4F000, s1;
	s29 =	sshll.u32 s1, $0x6  }
0xa: {  	s9 =	smul.u32 $0x13C000, s7;
	s28 =	sshll.u32 s7, $0x4;
	s7 =	ssub.s32 $0x2, s7  }
0xb: {  	_ =	strace $0x80000050;
	s8 =	sshrl.u32 s6, $0x3;
	s13 =	sshrl.u32 s7, $0x1  }
0xc: {  	s12 =	sshrl.u32 s12, $0x2;
	s6 =	sadd.s32 s6, s9;
	s9 =	sor.u32 s1, s28  }
0xd: {  	s8 =	sadd.s32 s8, s5;
	s13 =	ssub.s32 s7, s13;
	s14 =	smul.u32 $0x2800, s9  }
0xe: {  	s16 =	sadd.s32 s12, s2;
	s6 =	sshrl.u32 s6, $0x3;
	s9 =	smul.u32 $0x500, s9  }
0xf: {  	s12 =	smax.u32 s13, $0x1;
	s13 =	sshrl.u32 s16, $0x3;
	s16 =	simm.s32 $0x80  }
0x10: {  	s15 =	sadd.s32 s6, s5;
	s5 =	sadd.s32 $0x1A000, s8;
	s30 =	sshrl.u32 s14, $0x3  }
0x11: {  	s6 =	sor.u32 $0x1C03, s29;
	s7 =	sadd.s32 s10, s9;
	s31 =	sadd.s32 $0x280, s30  }
0x12: {  	s8 =	sadd.s32 s11, s9;
	s14 =	simm.s32 $0x3;
	s9 =	sadd.s32 s10, s31  }
0x13: {  	s10 =	sadd.s32 s11, s31;
	s11 =	sadd.s32 $0xB6E00, s15;
	s15 =	simm.s32 $0x1400  }
.LBB2_1:
0x14: {  	[spmem:s13], [sflag:s6] =	dma.local [hbm:s5], $0x2780  }
0x15: {  	_ =	swait.ge [sflag:s14], $0x2780  }
0x16: {  	[sflag:s14] =	ssyncset.done $0x0  }
0x17: {  	[sflag:s14] =	ssyncadd.s32 $0xFFFFD880  }
0x18: {  	[bflag:$0x0] =	sbarrier.arrive $0xFFFF  }
0x19: {  	[tilespmem:s3], [sflag:$0x3] =	stream.linear.gather [hbm4b:s7+s3], $0x1400, $0x38;
	[tilespmem:$0x1E400] =	vst v63  }
0x1a: {  	_ =	swait.ge [sflag:s14], $0x1400  }
0x1b: {  	[sflag:s14] =	ssyncset.done $0x0  }
0x1c: {  	[sflag:s14] =	ssyncadd.s32 $0xFFFFEC00  }
0x1d: {  	[tilespmem:s15], [sflag:$0x3] =	stream.linear.gather [hbm4b:s8+s3], $0x1400, $0x38;
	[tilespmem:$0x1E400] =	vst v63  }
0x1e: {  	_ =	swait.ge [sflag:s14], $0x1400  }
0x1f: {  	[sflag:s14] =	ssyncset.done $0x0  }
0x20: {  	[sflag:s14] =	ssyncadd.s32 $0xFFFFEC00  }
0x21: {  	[tilespmem:s17], [sflag:$0x1] =	stream.indirect.gather [hbm4b:s4+s16], $0x80, s3, s16, $0xb8;
	[tilespmem:$0x1E400] =	vst v63  }
0x22: {  	_ =	swait.ge [sflag:s18], $0x4000  }
0x23: {  	[sflag:s18] =	ssyncset.done $0x0  }
0x24: {  	s25 =	simm.s32 $0x80;
	[sflag:s18] =	ssyncadd.s32 $0xFFFFC000  }
0x25: {  	[tilespmem:s19], [sflag:$0x2] =	stream.indirect.gather [hbm4b:s4+s16], $0x80, s25, s16, $0xb8;
	[tilespmem:$0x1E400] =	vst v63  }
0x26: {  	s29 =	simm.s32 $0x1400  }
0x27: {  	[spmem:s2] =	stream.indirect.scatter.add.f32 [tilespmem:s17], [sflag:$0x3], $0x80, s29, s16, $0xb8;
	[tilespmem:$0x1E400] =	vst v63  }
0x28: {  	_ =	swait.ge [sflag:s14], $0x4000  }
0x29: {  	[sflag:s14] =	ssyncset.done $0x0  }
0x2a: {  	[sflag:s14] =	ssyncadd.s32 $0xFFFFC000  }
0x2b: {  	_ =	swait.ge [sflag:s20], $0x4000  }
0x2c: {  	[sflag:s20] =	ssyncset.done $0x0  }
0x2d: {  	s30 =	simm.s32 $0x100;
	[sflag:s20] =	ssyncadd.s32 $0xFFFFC000  }
0x2e: {  	[tilespmem:s17], [sflag:$0x1] =	stream.indirect.gather [hbm4b:s4+s16], $0x80, s30, s16, $0xb8;
	[tilespmem:$0x1E400] =	vst v63  }
0x2f: {  	s31 =	simm.s32 $0x1480  }
0x30: {  	[spmem:s2] =	stream.indirect.scatter.add.f32 [tilespmem:s19], [sflag:$0x3], $0x80, s31, s16, $0xb8;
	[tilespmem:$0x1E400] =	vst v63  }
0x31: {  	_ =	swait.ge [sflag:s14], $0x4000  }
0x32: {  	s25 =	simm.s32 $0x400;
	[sflag:s14] =	ssyncset.done $0x0  }
.LBB2_2:
0x33: {  	p0 =	sne.s32 s25, $0x4800  }
0x34: {  	[sflag:s14] =	ssyncadd.s32 $0xFFFFC000;
	s26 =	smov.u32 s25;
	s25 =	sadd.s32 $0x400, s25  }
0x35: {  	_ = 	snop  }
0x36: {  	_ =	swait.ge [sflag:s18], $0x4000  }
0x37: {  	s26 =	sshra.s32 s26, $0x2;
	[sflag:s18] =	ssyncset.done $0x0  }
0x38: {  	s28 =	sadd.s32 $0x80, s26;
	[sflag:s18] =	ssyncadd.s32 $0xFFFFC000  }
0x39: {  	[tilespmem:s19], [sflag:$0x2] =	stream.indirect.gather [hbm4b:s4+s16], $0x80, s28, s16, $0xb8;
	[tilespmem:$0x1E400] =	vst v63  }
0x3a: {  	s28 =	sadd.s32 $0x1400, s26  }
0x3b: {  	[spmem:s2] =	stream.indirect.scatter.add.f32 [tilespmem:s17], [sflag:$0x3], $0x80, s28, s16, $0xb8;
	[tilespmem:$0x1E400] =	vst v63  }
0x3c: {  	_ =	swait.ge [sflag:s14], $0x4000  }
0x3d: {  	[sflag:s14] =	ssyncset.done $0x0  }
0x3e: {  	[sflag:s14] =	ssyncadd.s32 $0xFFFFC000  }
0x3f: {  	_ =	swait.ge [sflag:s20], $0x4000  }
0x40: {  	[sflag:s20] =	ssyncset.done $0x0  }
0x41: {  	s28 =	sadd.s32 $0x100, s26;
	[sflag:s20] =	ssyncadd.s32 $0xFFFFC000  }
0x42: {  	[tilespmem:s17], [sflag:$0x1] =	stream.indirect.gather [hbm4b:s4+s16], $0x80, s28, s16, $0xb8;
	[tilespmem:$0x1E400] =	vst v63  }
.Ltmp0:
0x43: {  	_ = 	snop;
	(pc) =	sbr.rel @p0 .LBB2_2-.Ltmp0, $4  }
0x44: {  	s26 =	sadd.s32 $0x1480, s26  }
0x45: {  	[spmem:s2] =	stream.indirect.scatter.add.f32 [tilespmem:s19], [sflag:$0x3], $0x80, s26, s16, $0xb8;
	[tilespmem:$0x1E400] =	vst v63  }
0x46: {  	_ =	swait.ge [sflag:s14], $0x4000  }
0x47: {  	[sflag:s14] =	ssyncset.done $0x0  }
0x48: {  	[sflag:s14] =	ssyncadd.s32 $0xFFFFC000  }
0x49: {  	_ =	swait.ge [sflag:s18], $0x4000  }
0x4a: {  	[sflag:s18] =	ssyncset.done $0x0  }
0x4b: {  	[sflag:s18] =	ssyncadd.s32 $0xFFFFC000  }
0x4c: {  	[tilespmem:s19], [sflag:$0x2] =	stream.indirect.gather [hbm4b:s4+s16], $0x80, s21, s16, $0xb8;
	[tilespmem:$0x1E400] =	vst v63  }
0x4d: {  	_ = 	snop  }
0x4e: {  	[spmem:s2] =	stream.indirect.scatter.add.f32 [tilespmem:s17], [sflag:$0x3], $0x80, s22, s16, $0xb8;
	[tilespmem:$0x1E400] =	vst v63  }
0x4f: {  	_ =	swait.ge [sflag:s14], $0x4000  }
0x50: {  	[sflag:s14] =	ssyncset.done $0x0  }
0x51: {  	[sflag:s14] =	ssyncadd.s32 $0xFFFFC000  }
0x52: {  	_ =	swait.ge [sflag:s20], $0x4000  }
0x53: {  	[sflag:s20] =	ssyncset.done $0x0  }
0x54: {  	[sflag:s20] =	ssyncadd.s32 $0xFFFFC000  }
0x55: {  	[spmem:s2] =	stream.indirect.scatter.add.f32 [tilespmem:s19], [sflag:$0x3], $0x80, s23, s16, $0xb8;
	[tilespmem:$0x1E400] =	vst v63  }
0x56: {  	_ =	swait.ge [sflag:s14], $0x4000  }
0x57: {  	[sflag:s14] =	ssyncset.done $0x0  }
0x58: {  	s25 =	simm.s32 $0x0;
	[sflag:s14] =	ssyncadd.s32 $0xFFFFC000  }
0x59: {  	[tilespmem:s25], [sflag:$0x3] =	stream.linear.gather [hbm4b:s9+s25], $0x1400, $0x38;
	[tilespmem:$0x1E400] =	vst v63  }
0x5a: {  	_ =	swait.ge [sflag:s14], $0x1400  }
0x5b: {  	[sflag:s14] =	ssyncset.done $0x0  }
0x5c: {  	[sflag:s14] =	ssyncadd.s32 $0xFFFFEC00  }
0x5d: {  	[tilespmem:s15], [sflag:$0x3] =	stream.linear.gather [hbm4b:s10+s25], $0x1400, $0x38;
	[tilespmem:$0x1E400] =	vst v63  }
0x5e: {  	_ =	swait.ge [sflag:s14], $0x1400  }
0x5f: {  	[sflag:s14] =	ssyncset.done $0x0  }
0x60: {  	[sflag:s14] =	ssyncadd.s32 $0xFFFFEC00  }
0x61: {  	[tilespmem:s17], [sflag:$0x1] =	stream.indirect.gather [hbm4b:s4+s16], $0x80, s25, s16, $0xb8;
	[tilespmem:$0x1E400] =	vst v63  }
0x62: {  	_ =	swait.ge [sflag:s18], $0x4000  }
0x63: {  	[sflag:s18] =	ssyncset.done $0x0  }
0x64: {  	s28 =	simm.s32 $0x80;
	[sflag:s18] =	ssyncadd.s32 $0xFFFFC000  }
0x65: {  	[tilespmem:s19], [sflag:$0x2] =	stream.indirect.gather [hbm4b:s4+s16], $0x80, s28, s16, $0xb8;
	[tilespmem:$0x1E400] =	vst v63  }
0x66: {  	s29 =	simm.s32 $0x1400  }
0x67: {  	[spmem:s2] =	stream.indirect.scatter.add.f32 [tilespmem:s17], [sflag:$0x3], $0x80, s29, s16, $0xb8;
	[tilespmem:$0x1E400] =	vst v63  }
0x68: {  	_ =	swait.ge [sflag:s14], $0x4000  }
0x69: {  	[sflag:s14] =	ssyncset.done $0x0  }
0x6a: {  	[sflag:s14] =	ssyncadd.s32 $0xFFFFC000  }
0x6b: {  	_ =	swait.ge [sflag:s20], $0x4000  }
0x6c: {  	[sflag:s20] =	ssyncset.done $0x0  }
0x6d: {  	s30 =	simm.s32 $0x100;
	[sflag:s20] =	ssyncadd.s32 $0xFFFFC000  }
0x6e: {  	[tilespmem:s17], [sflag:$0x1] =	stream.indirect.gather [hbm4b:s4+s16], $0x80, s30, s16, $0xb8;
	[tilespmem:$0x1E400] =	vst v63  }
0x6f: {  	s31 =	simm.s32 $0x1480  }
0x70: {  	[spmem:s2] =	stream.indirect.scatter.add.f32 [tilespmem:s19], [sflag:$0x3], $0x80, s31, s16, $0xb8;
	[tilespmem:$0x1E400] =	vst v63  }
0x71: {  	_ =	swait.ge [sflag:s14], $0x4000  }
0x72: {  	s25 =	simm.s32 $0x400;
	[sflag:s14] =	ssyncset.done $0x0  }
.LBB2_4:
0x73: {  	p0 =	sne.s32 s25, $0x4800  }
0x74: {  	[sflag:s14] =	ssyncadd.s32 $0xFFFFC000;
	s26 =	smov.u32 s25;
	s25 =	sadd.s32 $0x400, s25  }
0x75: {  	_ = 	snop  }
0x76: {  	_ =	swait.ge [sflag:s18], $0x4000  }
0x77: {  	s26 =	sshra.s32 s26, $0x2;
	[sflag:s18] =	ssyncset.done $0x0  }
0x78: {  	s28 =	sadd.s32 $0x80, s26;
	[sflag:s18] =	ssyncadd.s32 $0xFFFFC000  }
0x79: {  	[tilespmem:s19], [sflag:$0x2] =	stream.indirect.gather [hbm4b:s4+s16], $0x80, s28, s16, $0xb8;
	[tilespmem:$0x1E400] =	vst v63  }
0x7a: {  	s28 =	sadd.s32 $0x1400, s26  }
0x7b: {  	[spmem:s2] =	stream.indirect.scatter.add.f32 [tilespmem:s17], [sflag:$0x3], $0x80, s28, s16, $0xb8;
	[tilespmem:$0x1E400] =	vst v63  }
0x7c: {  	_ =	swait.ge [sflag:s14], $0x4000  }
0x7d: {  	[sflag:s14] =	ssyncset.done $0x0  }
0x7e: {  	[sflag:s14] =	ssyncadd.s32 $0xFFFFC000  }
0x7f: {  	_ =	swait.ge [sflag:s20], $0x4000  }
0x80: {  	[sflag:s20] =	ssyncset.done $0x0  }
0x81: {  	s28 =	sadd.s32 $0x100, s26;
	[sflag:s20] =	ssyncadd.s32 $0xFFFFC000  }
0x82: {  	[tilespmem:s17], [sflag:$0x1] =	stream.indirect.gather [hbm4b:s4+s16], $0x80, s28, s16, $0xb8;
	[tilespmem:$0x1E400] =	vst v63  }
.Ltmp1:
0x83: {  	_ = 	snop;
	(pc) =	sbr.rel @p0 .LBB2_4-.Ltmp1, $4  }
0x84: {  	s26 =	sadd.s32 $0x1480, s26  }
0x85: {  	[spmem:s2] =	stream.indirect.scatter.add.f32 [tilespmem:s19], [sflag:$0x3], $0x80, s26, s16, $0xb8;
	[tilespmem:$0x1E400] =	vst v63  }
0x86: {  	_ =	swait.ge [sflag:s14], $0x4000  }
0x87: {  	[sflag:s14] =	ssyncset.done $0x0  }
0x88: {  	[sflag:s14] =	ssyncadd.s32 $0xFFFFC000  }
0x89: {  	_ =	swait.ge [sflag:s18], $0x4000  }
0x8a: {  	[sflag:s18] =	ssyncset.done $0x0  }
0x8b: {  	[sflag:s18] =	ssyncadd.s32 $0xFFFFC000  }
0x8c: {  	[tilespmem:s19], [sflag:$0x2] =	stream.indirect.gather [hbm4b:s4+s16], $0x80, s21, s16, $0xb8;
	[tilespmem:$0x1E400] =	vst v63  }
0x8d: {  	_ = 	snop  }
0x8e: {  	[spmem:s2] =	stream.indirect.scatter.add.f32 [tilespmem:s17], [sflag:$0x3], $0x80, s22, s16, $0xb8;
	[tilespmem:$0x1E400] =	vst v63  }
0x8f: {  	_ =	swait.ge [sflag:s14], $0x4000  }
0x90: {  	[sflag:s14] =	ssyncset.done $0x0  }
0x91: {  	[sflag:s14] =	ssyncadd.s32 $0xFFFFC000  }
0x92: {  	_ =	swait.ge [sflag:s20], $0x4000  }
0x93: {  	[sflag:s20] =	ssyncset.done $0x0  }
0x94: {  	[sflag:s20] =	ssyncadd.s32 $0xFFFFC000  }
0x95: {  	[spmem:s2] =	stream.indirect.scatter.add.f32 [tilespmem:s19], [sflag:$0x3], $0x80, s23, s16, $0xb8;
	[tilespmem:$0x1E400] =	vst v63  }
0x96: {  	_ =	swait.ge [sflag:s14], $0x4000  }
0x97: {  	s24 =	sadd.s32 $0x1, s24;
	[sflag:s14] =	ssyncset.done $0x0  }
0x98: {  	p0 =	sne.s32 s24, s12;
	[sflag:s14] =	ssyncadd.s32 $0xFFFFC000  }
.Ltmp2:
0x99: {  	[bflag:$0x0] =	sbarrier.arrive $0xFFFF;
	(pc) =	sbr.rel @p0 .LBB2_1-.Ltmp2, $4  }
0x9a: {  	[hbm:s11], [sflag:s6] =	dma.local [spmem:s13], $0x2780  }
0x9b: {  	_ =	swait.ge [sflag:s14], $0x2780  }
0x9c: {  	[sflag:s14] =	ssyncset.done $0x0  }
0x9d: {  	[sflag:s14] =	ssyncadd.s32 $0xFFFFD880  }
0x9e: {  	_ =	sfence.sel $0x180000  }
0x9f: {  	[bflag:$0x0] =	sbarrier.arrive $0xFFFF  }
0xa0: {  	p0 =	sne.s32 s1, $0x0;
	_ =	strace $0x90000050  }
0xa1: {  	s0 =	sadd.s32 @!p0 $0x100000, s0;
	[bflag:$0x2] =	sbarrier.arrive $0xFFFF  }
0xa2: {  	[sflag:s0] =	ssyncadd.tile.s32 @!p0 $0x1;
	_ =	shalt  }
.Lfunc_end2:
_tile_overlayer_lowered:
.L_overlay_start_2:
0xa3: {  	(tag) =	ssettag $0x2  }
0xa4: {  	s0 =	rddreg [dreg:$0x0];
	s2 =	stileid.u32  }
0xa5: {  	s1 =	rddreg [dreg:$0x1];
	p0 =	sne.s32 s2, $0x0  }
0xa6: {  	s3 =	rddreg [dreg:$0x2];
	[bflag:$0x3] =	sbarrier.arrive $0xFFFF;
	s2 =	simm.s32 @!p0 $0x1C03  }
0xa7: {  	[timem:s3], [sflag:s2] =	dma.local @!p0 [hbm:s0], s1  }
0xa8: {  	s0 =	simm.s32 @!p0 $0x3  }
0xa9: {  	_ =	swait.ge @!p0 [sflag:s0], s1  }
0xaa: {  	s1 =	ssub.s32 @!p0 $0x0, s1;
	[sflag:s0] =	ssyncset.done @!p0 $0x0  }
0xab: {  	[sflag:s0] =	ssyncadd.s32 @!p0 s1  }
0xac: {  	[bflag:$0x3] =	sbarrier.arrive $0xFFFF  }
0xad: {  	_ =	shalt  }

// kernel: kernel.24.cloned.1.call-start
scs
__scs_entry_jumppad:
0x0: {  	(pc) =	sbr.rel $0x88, $3  }
0x1: {  	(tag) =	ssettag $0x0;
	lr =	simm.s32 $0x1  }
0x2: {  	[smem:$0x3F93] =	sst lr;
	_ =	strace $0xD0000000  }
0x3: {  	_ = 	snop  }
0x4: {  	_ = 	snop  }
0x5: {  	_ = 	snop  }
0x6: {  	_ = 	snop  }
0x7: {  	_ = 	snop  }
__scs_overlays_trampoline_lowered:
0x8: {  	[smem:$0x3FA2] =	sst s0  }
0x9: {  	[smem:$0x3FA3] =	sst s1  }
0xa: {  	[smem:$0x3FA4] =	sst s2  }
0xb: {  	[smem:$0x3FA5] =	sst s3  }
0xc: {  	[smem:$0x3FA6] =	sst s4  }
0xd: {  	[smem:$0x3FA7] =	sst s5  }
0xe: {  	[smem:$0x3FA8] =	sst s6  }
0xf: {  	[smem:$0x3FA9] =	sst s7  }
0x10: {  	[smem:$0x3FAA] =	sst s8  }
0x11: {  	[smem:$0x3FAB] =	sst s9;
	s0 =	simm.s32 @!p0 $0x0  }
0x12: {  	s1 =	sld [smem:$0x3F91];
	s0 =	simm.s32 @p0 $0x1  }
0x13: {  	[smem:$0x3FAC] =	sst s0;
	s0 =	simm.s32 @!p1 $0x0  }
0x14: {  	s2 =	sld [smem:$0x3F90];
	s0 =	simm.s32 @p1 $0x1  }
0x15: {  	[smem:$0x3FAD] =	sst s0;
	s0 =	simm.s32 @!p2 $0x0  }
0x16: {  	s3 =	sld [smem:$0x3FDB];
	s0 =	simm.s32 @p2 $0x1  }
0x17: {  	s4 =	simm.s32 $0x1BF5;
	[smem:$0x3FAF] =	sst s0  }
0x18: {  	s0 =	sld [smem:$0x3F92];
	_ =	swait.ge [sflag:s4], $0x0  }
0x19: {  	s7 =	sld [smem:$0x3F93]  }
0x1a: {  	s8 =	sadd.s32 $0xFFFFE003, lr  }
0x1b: {  	s9 =	sadd.s32 $0xFFFFFEF7, lr;
	s5 =	simm.s32 $0xFFFFFFFF;
	p2 =	slt.u32 s8, $0xFFFFF086  }
0x1c: {  	p1 =	slt.u32 s9, $0xF7A;
	s5 =	simm.s32 @!p2 $0x0  }
0x1d: {  	s5 =	simm.s32 @p1 $0x1;
	p0 =	seq.s32 s7, s2  }
0x1e: {  	s7 =	smul.u32 @!p0 $0xF7A, s2;
	p2 =	seq.s32 @!p0 s5, $0x0  }
0x1f: {  	s9 =	smul.u32 $0xF7A, s1;
	s8 =	simm.s32 @!p0 $0x1BF5;
	p2 =	por !p2, p0  }
0x20: {  	[sflag:s8] =	ssyncset.s32 @!p0 $0xFFFFF086;
	s6 =	sadd.s32 @!p0 s3, s7;
	s7 =	simm.s32 @!p0 $0x108  }
0x21: {  	s3 =	sadd.s32 s3, s9;
	s6 =	sadd.s32 @!p0 $0x88, s6;
	s7 =	simm.s32 @p2 $0x1082  }
0x22: {  	[simem:s7], [sflag:s8] =	dma.local @!p0 [hbm:s6], $0xF7A  }
0x23: {  	s9 =	sor.u32 $0xD0000000, s2;
	s6 =	simm.s32 $0x108;
	_ =	swait.ge @!p0 [sflag:s8], $0x0  }
0x24: {  	s3 =	sadd.s32 $0x88, s3;
	s6 =	simm.s32 @!p1 $0x1082;
	[sflag:s4] =	ssyncset.s32 $0xFFFFF086  }
0x25: {  	[simem:s6], [sflag:s4] =	dma.local [hbm:s3], $0xF7A  }
0x26: {  	[smem:$0x3F93] =	sst s1;
	(tag) =	ssettag s2;
	_ =	strace s9  }
0x27: {  	s1 =	sld [smem:$0x3FA3]  }
0x28: {  	s2 =	sld [smem:$0x3FA4]  }
0x29: {  	s4 =	sld [smem:$0x3FA6]  }
0x2a: {  	p0 =	seq.s32 s5, $0x0;
	s5 =	sld [smem:$0x3FA7]  }
0x2b: {  	s6 =	sld [smem:$0x3FA8]  }
0x2c: {  	s7 =	sld [smem:$0x3FA9]  }
0x2d: {  	s3 =	simm.s32 $0x108;
	s8 =	sld [smem:$0x3FAA]  }
0x2e: {  	s3 =	simm.s32 @!p0 $0x1082;
	s9 =	sld [smem:$0x3FAB]  }
0x2f: {  	lr =	sadd.s32 s0, s3;
	s0 =	sld [smem:$0x3FA2]  }
0x30: {  	s3 =	sld [smem:$0x3FA5]  }
0x31: {  	[smem:$0x3FAE] =	sst s10  }
0x32: {  	s10 =	sld [smem:$0x3FAC];
	_ =	sdelay $0x3  }
0x33: {  	p0 =	seq.s32 s10, $0x1;
	s10 =	sld [smem:$0x3FAE];
	_ =	sdelay $0x3  }
0x34: {  	[smem:$0x3FAE] =	sst s10  }
0x35: {  	s10 =	sld [smem:$0x3FAD];
	_ =	sdelay $0x3  }
0x36: {  	p1 =	seq.s32 s10, $0x1;
	s10 =	sld [smem:$0x3FAE];
	_ =	sdelay $0x3  }
0x37: {  	[smem:$0x3FAE] =	sst s10  }
0x38: {  	s10 =	sld [smem:$0x3FAF]  }
0x39: {  	_ = 	snop;
	(pc) =	sbr.ind lr, $3  }
0x3a: {  	_ = 	snop  }
0x3b: {  	_ = 	snop  }
0x3c: {  	p2 =	seq.s32 s10, $0x1;
	s10 =	sld [smem:$0x3FAE]  }
0x3d: {  	_ =	shalt  }
0x3e: {  	_ =	shalt  }
0x3f: {  	_ =	shalt  }
0x40: {  	_ =	shalt  }
0x41: {  	_ =	shalt  }
0x42: {  	_ =	shalt  }
0x43: {  	_ =	shalt  }
0x44: {  	_ =	shalt  }
0x45: {  	_ =	shalt  }
0x46: {  	_ =	shalt  }
0x47: {  	_ =	shalt  }
0x48: {  	_ =	shalt  }
0x49: {  	_ =	shalt  }
0x4a: {  	_ =	shalt  }
0x4b: {  	_ =	shalt  }
0x4c: {  	_ =	shalt  }
0x4d: {  	_ =	shalt  }
0x4e: {  	_ =	shalt  }
0x4f: {  	_ =	shalt  }
0x50: {  	_ =	shalt  }
0x51: {  	_ =	shalt  }
0x52: {  	_ =	shalt  }
0x53: {  	_ =	shalt  }
0x54: {  	_ =	shalt  }
0x55: {  	_ =	shalt  }
0x56: {  	_ =	shalt  }
0x57: {  	_ =	shalt  }
0x58: {  	_ =	shalt  }
0x59: {  	_ =	shalt  }
0x5a: {  	_ =	shalt  }
0x5b: {  	_ =	shalt  }
0x5c: {  	_ =	shalt  }
0x5d: {  	_ =	shalt  }
0x5e: {  	_ =	shalt  }
0x5f: {  	_ =	shalt  }
0x60: {  	_ =	shalt  }
0x61: {  	_ =	shalt  }
0x62: {  	_ =	shalt  }
0x63: {  	_ =	shalt  }
0x64: {  	_ =	shalt  }
0x65: {  	_ =	shalt  }
0x66: {  	_ =	shalt  }
0x67: {  	_ =	shalt  }
0x68: {  	_ =	shalt  }
0x69: {  	_ =	shalt  }
0x6a: {  	_ =	shalt  }
0x6b: {  	_ =	shalt  }
0x6c: {  	_ =	shalt  }
0x6d: {  	_ =	shalt  }
0x6e: {  	_ =	shalt  }
0x6f: {  	_ =	shalt  }
0x70: {  	_ =	shalt  }
0x71: {  	_ =	shalt  }
0x72: {  	_ =	shalt  }
0x73: {  	_ =	shalt  }
0x74: {  	_ =	shalt  }
0x75: {  	_ =	shalt  }
0x76: {  	_ =	shalt  }
0x77: {  	_ =	shalt  }
0x78: {  	_ =	shalt  }
0x79: {  	_ =	shalt  }
0x7a: {  	_ =	shalt  }
0x7b: {  	_ =	shalt  }
0x7c: {  	_ =	shalt  }
0x7d: {  	_ =	shalt  }
0x7e: {  	_ =	shalt  }
0x7f: {  	_ =	shalt  }
0x80: {  	_ =	shalt  }
0x81: {  	_ =	shalt  }
0x82: {  	_ =	shalt  }
0x83: {  	_ =	shalt  }
0x84: {  	_ =	shalt  }
0x85: {  	_ =	shalt  }
0x86: {  	_ =	shalt  }
0x87: {  	_ =	shalt  }
.Lfunc_end0:
.L_simem_size_0:
called_computation.4_lowered:
.L_overlay_start_0:
0x88: {  	s2 =	sld [smem:$0x3FD9]  }
0x89: {  	s3 =	sld [smem:$0x3FFE];
	_ =	sdelay $0x1  }
0x8a: {  	s1 =	srdreg.scid  }
0x8b: {  	s0 =	sand.u32 $0x1, s1  }
0x8c: {  	s16 =	sshll.u32 s0, $0xA;
	s2 =	sadd.s32 s3, s2  }
0x8d: {  	s2 =	sadd.s32 s2, s16  }
0x8e: {  	[smem:$0x3FBA] =	sst s2  }
0x8f: {  	_ = 	snop  }
0x90: {  	(tm) =	ssettm $0x1  }
0x91: {  	s17 =	sld [smem:$0x3FFB];
	_ =	sdelay $0x3  }
0x92: {  	_ =	strace s17  }
0x93: {  	s2 =	sld [smem:$0x3FFC];
	_ =	sdelay $0x3  }
0x94: {  	_ =	strace s2  }
0x95: {  	s2 =	sld [smem:$0x3FFD];
	_ =	sdelay $0x3  }
0x96: {  	_ =	strace s2  }
0x97: {  	_ =	strace $0x8FFFFFFF  }
0x98: {  	s18 =	sld [smem:$0x3FDB];
	_ =	sdelay $0x1  }
0x99: {  	s19 =	simm.s32 $_scs_section_size  }
0x9a: {  	s4 =	simm.s32 $_size__tile_overlayer_lowered;
	s5 =	simm.s32 $_tile_overlayer_lowered  }
0x9b: {  	s22 =	simm.s32 $0x1BFF;
	s21 =	sshll.u32 s5, $0x1;
	s2 =	sadd.s32 s19, s18  }
0x9c: {  	s6 =	simm.s32 $0x0;
	s20 =	sshll.u32 s4, $0x1;
	s4 =	sadd.s32 s21, s2  }
0x9d: {  	[timem:s6], [sflag:s22] =	dma.local [hbm:s4], s20  }
0x9e: {  	_ =	swait.ge [sflag:s22], s20  }
0x9f: {  	s3 =	ssub.s32 $0x0, s20;
	[sflag:s22] =	ssyncset.done $0x0  }
0xa0: {  	[sflag:s22] =	ssyncadd.s32 s3;
	_ =	sdelay $0x1  }
0xa1: {  	s23 =	simm.s32 $0x1B8B  }
0xa2: {  	_ =	swait.ge [sflag:s23], $0x1  }
0xa3: {  	[sflag:s23] =	ssyncset.done $0x0  }
0xa4: {  	s25 =	simm.s32 $0x1B8E;
	s24 =	sld [smem:$0x3FFE];
	[sflag:s23] =	ssyncadd.s32 $0xFFFFFFFF  }
0xa5: {  	s26 =	simm.s32 $execute0_lowered;
	[smem:$0x3FD2] =	sst s25  }
0xa6: {  	s4 =	sshll.u32 s26, $0x1;
	_ =	strace $0x80000052;
	[dreg:$0x1] =	wrdreg $0xFFFFFFFF  }
0xa7: {  	s28 =	simm.s32 $_size_execute0_lowered;
	s2 =	sadd.s32 s2, s4;
	[dreg:$0x0] =	wrdreg $0x0  }
0xa8: {  	s4 =	sshll.u32 s28, $0x1;
	[dreg:$0x2] =	wrdreg s2  }
0xa9: {  	[dreg:$0x3] =	wrdreg s4  }
0xaa: {  	[dreg:$0x4] =	wrdreg $0xC0  }
0xab: {  	_ =	task [dreg:s6], $0x5FFFF  }
0xac: {  	[dreg:$0x1] =	wrdreg $0xFFFFFFFF  }
0xad: {  	[dreg:$0x0] =	wrdreg $0x60  }
0xae: {  	[dreg:$0x2] =	wrdreg s24  }
0xaf: {  	[dreg:$0x3] =	wrdreg $0x88000  }
0xb0: {  	[dreg:$0x4] =	wrdreg $0x9  }
0xb1: {  	_ =	task.clear_ibuf [dreg:s6], $0x5FFFF;
	_ =	strace $0x90000052  }
0xb2: {  	s29 =	simm.s32 $0x9;
	_ =	strace $0x80000054  }
0xb3: {  	_ =	swait.ge [sflag:s29], $0x1  }
0xb4: {  	[sflag:s29] =	ssyncadd.s32 $0xFFFFFFFF  }
0xb5: {  	_ =	strace $0x90000054  }
0xb6: {  	_ =	sfence  }
0xb7: {  	s30 =	sld [smem:$0x0];
	_ =	sdelay $0x2  }
0xb8: {  	s31 =	sshll.u32 s1, $0xD;
	s1 =	sshrl.u32 s1, $0x2  }
0xb9: {  	s3 =	sand.u32 $0x4000, s31;
	s1 =	sadd.s32 s1, s30  }
0xba: {  	s0 =	sor.u32 s3, s0;
	s1 =	sshll.u32 s1, $0x11  }
0xbb: {  	s0 =	sor.u32 s1, s0  }
0xbc: {  	s0 =	sadd.s32 $0x8F2B, s0  }
0xbd: {  	[sflag:s0] =	ssyncadd.remote.s32 $0x1  }
0xbe: {  	_ =	sfence.sel $0xFFFF  }
0xbf: {  	[dreg:$0x0] =	wrdreg $0xFFFFFFFF;
	(pc) =	sbr.abs _section_cstart, $3  }
0xc0: {  	[dreg:$0x1] =	wrdreg $0xFFFFFFFF  }
0xc1: {  	_ =	task.clear_ibuf [dreg:s6], $0x2FFFF;
	_ =	strace $0x9FFFFFFF  }
0xc2: {  	(tm) =	ssettm $0x7FFFFFFF  }
0xc3: {  	_ =	shalt  }
tec
execute0_lowered:
.L_overlay_start_1:
0x0: {  	(tag) =	ssettag $0x1  }
0x1: {  	s10 =	rddreg [dreg:$0x0]  }
0x2: {  	s2 =	rddreg [dreg:$0x1];
	s1 =	stileid.u32;
	s3 =	simm.s32 $0x0  }
0x3: {  	s23 =	srdreg.scid;
	s7 =	sshll.u32 s1, $0x7;
	[smem:$0x7FF] =	sst s3  }
0x4: {  	s5 =	sshll.u32 s1, $0xA;
	s30 =	sand.u32 $0x1, s23;
	s4 =	sadd.s32 s7, s10  }
0x5: {  	s25 =	sshll.u32 s1, $0x6;
	_ =	strace $0x80000053;
	s4 =	sadd.s32 $0x2D800, s4  }
0x6: {  	s24 =	sadd.s32 s5, s2;
	s5 =	sor.u32 $0x1C03, s25;
	[dreg:$0x3] =	wrdreg s4  }
0x7: {  	s6 =	sshrl.u32 s24, $0x3;
	s4 =	simm.s32 $0x3;
	s8 =	rddreg [dreg:$0x3]  }
0x8: {  	[spmem:s6], [sflag:s5] =	dma.local [hbm:s8], $0x80  }
0x9: {  	s26 =	sshll.u32 s30, $0xB;
	_ =	swait.ge [sflag:s4], $0x80  }
0xa: {  	s7 =	sor.u32 s7, s26;
	[sflag:s4] =	ssyncset.done $0x0  }
0xb: {  	s31 =	sadd.s32 s7, s10;
	[sflag:s4] =	ssyncadd.s32 $0xFFFFFF80  }
0xc: {  	s7 =	sadd.s32 $0x105E00, s31;
	[bflag:$0x0] =	sbarrier.arrive $0xFFFF  }
0xd: {  	[tilespmem:s3], [sflag:$0x3] =	stream.linear.gather [hbm4b:s7+s3], $0x400, $0x38;
	[tilespmem:$0x8C00] =	vst v63  }
0xe: {  	_ =	swait.ge [sflag:s4], $0x400  }
0xf: {  	[sflag:s4] =	ssyncset.done $0x0  }
0x10: {  	s9 =	simm.s32 $0x400;
	s8 =	sadd.s32 $0x106E00, s31;
	[sflag:s4] =	ssyncadd.s32 $0xFFFFFC00  }
0x11: {  	[tilespmem:s9], [sflag:$0x3] =	stream.linear.gather [hbm4b:s8+s3], $0x400, $0x38;
	[tilespmem:$0x8C00] =	vst v63  }
0x12: {  	_ =	swait.ge [sflag:s4], $0x400  }
0x13: {  	s11 =	simm.s32 $0x80;
	s12 =	simm.s32 $0x800;
	[sflag:s4] =	ssyncset.done $0x0  }
0x14: {  	s13 =	simm.s32 $0x1;
	s10 =	sadd.s32 $0x6000, s10;
	[sflag:s4] =	ssyncadd.s32 $0xFFFFFC00  }
0x15: {  	[tilespmem:s12], [sflag:$0x1] =	stream.indirect.gather [hbm4b:s10+s11], $0x80, s3, s11, $0xb8;
	[tilespmem:$0x8C00] =	vst v63  }
0x16: {  	_ =	swait.ge [sflag:s13], $0x4000  }
0x17: {  	[sflag:s13] =	ssyncset.done $0x0  }
0x18: {  	s14 =	simm.s32 $0x4800;
	[sflag:s13] =	ssyncadd.s32 $0xFFFFC000  }
0x19: {  	[tilespmem:s14], [sflag:$0x2] =	stream.indirect.gather [hbm4b:s10+s11], $0x80, s11, s11, $0xb8;
	[tilespmem:$0x8C00] =	vst v63  }
0x1a: {  	_ = 	snop  }
0x1b: {  	[spmem:s2] =	stream.indirect.scatter.add.f32 [tilespmem:s12], [sflag:$0x3], $0x80, s9, s11, $0xb8;
	[tilespmem:$0x8C00] =	vst v63  }
0x1c: {  	_ =	swait.ge [sflag:s4], $0x4000  }
0x1d: {  	[sflag:s4] =	ssyncset.done $0x0  }
0x1e: {  	s15 =	simm.s32 $0x2;
	[sflag:s4] =	ssyncadd.s32 $0xFFFFC000  }
0x1f: {  	_ =	swait.ge [sflag:s15], $0x4000  }
0x20: {  	[sflag:s15] =	ssyncset.done $0x0  }
0x21: {  	s16 =	simm.s32 $0x100;
	[sflag:s15] =	ssyncadd.s32 $0xFFFFC000  }
0x22: {  	[tilespmem:s12], [sflag:$0x1] =	stream.indirect.gather [hbm4b:s10+s11], $0x80, s16, s11, $0xb8;
	[tilespmem:$0x8C00] =	vst v63  }
0x23: {  	s17 =	simm.s32 $0x480  }
0x24: {  	[spmem:s2] =	stream.indirect.scatter.add.f32 [tilespmem:s14], [sflag:$0x3], $0x80, s17, s11, $0xb8;
	[tilespmem:$0x8C00] =	vst v63  }
0x25: {  	_ =	swait.ge [sflag:s4], $0x4000  }
0x26: {  	[sflag:s4] =	ssyncset.done $0x0  }
0x27: {  	[sflag:s4] =	ssyncadd.s32 $0xFFFFC000  }
0x28: {  	_ =	swait.ge [sflag:s13], $0x4000  }
0x29: {  	[sflag:s13] =	ssyncset.done $0x0  }
0x2a: {  	s18 =	simm.s32 $0x180;
	[sflag:s13] =	ssyncadd.s32 $0xFFFFC000  }
0x2b: {  	[tilespmem:s14], [sflag:$0x2] =	stream.indirect.gather [hbm4b:s10+s11], $0x80, s18, s11, $0xb8;
	[tilespmem:$0x8C00] =	vst v63  }
0x2c: {  	s19 =	simm.s32 $0x500  }
0x2d: {  	[spmem:s2] =	stream.indirect.scatter.add.f32 [tilespmem:s12], [sflag:$0x3], $0x80, s19, s11, $0xb8;
	[tilespmem:$0x8C00] =	vst v63  }
0x2e: {  	_ =	swait.ge [sflag:s4], $0x4000  }
0x2f: {  	[sflag:s4] =	ssyncset.done $0x0  }
0x30: {  	[sflag:s4] =	ssyncadd.s32 $0xFFFFC000  }
0x31: {  	_ =	swait.ge [sflag:s15], $0x4000  }
0x32: {  	[sflag:s15] =	ssyncset.done $0x0  }
0x33: {  	s20 =	simm.s32 $0x200;
	[sflag:s15] =	ssyncadd.s32 $0xFFFFC000  }
0x34: {  	[tilespmem:s12], [sflag:$0x1] =	stream.indirect.gather [hbm4b:s10+s11], $0x80, s20, s11, $0xb8;
	[tilespmem:$0x8C00] =	vst v63  }
0x35: {  	s21 =	simm.s32 $0x580  }
0x36: {  	[spmem:s2] =	stream.indirect.scatter.add.f32 [tilespmem:s14], [sflag:$0x3], $0x80, s21, s11, $0xb8;
	[tilespmem:$0x8C00] =	vst v63  }
0x37: {  	_ =	swait.ge [sflag:s4], $0x4000  }
0x38: {  	[sflag:s4] =	ssyncset.done $0x0  }
0x39: {  	[sflag:s4] =	ssyncadd.s32 $0xFFFFC000  }
0x3a: {  	_ =	swait.ge [sflag:s13], $0x4000  }
0x3b: {  	[sflag:s13] =	ssyncset.done $0x0  }
0x3c: {  	s22 =	simm.s32 $0x280;
	[sflag:s13] =	ssyncadd.s32 $0xFFFFC000  }
0x3d: {  	[tilespmem:s14], [sflag:$0x2] =	stream.indirect.gather [hbm4b:s10+s11], $0x80, s22, s11, $0xb8;
	[tilespmem:$0x8C00] =	vst v63  }
0x3e: {  	s23 =	simm.s32 $0x600  }
0x3f: {  	[spmem:s2] =	stream.indirect.scatter.add.f32 [tilespmem:s12], [sflag:$0x3], $0x80, s23, s11, $0xb8;
	[tilespmem:$0x8C00] =	vst v63  }
0x40: {  	_ =	swait.ge [sflag:s4], $0x4000  }
0x41: {  	[sflag:s4] =	ssyncset.done $0x0  }
0x42: {  	[sflag:s4] =	ssyncadd.s32 $0xFFFFC000  }
0x43: {  	_ =	swait.ge [sflag:s15], $0x4000  }
0x44: {  	[sflag:s15] =	ssyncset.done $0x0  }
0x45: {  	s24 =	simm.s32 $0x300;
	[sflag:s15] =	ssyncadd.s32 $0xFFFFC000  }
0x46: {  	[tilespmem:s12], [sflag:$0x1] =	stream.indirect.gather [hbm4b:s10+s11], $0x80, s24, s11, $0xb8;
	[tilespmem:$0x8C00] =	vst v63  }
0x47: {  	s25 =	simm.s32 $0x680  }
0x48: {  	[spmem:s2] =	stream.indirect.scatter.add.f32 [tilespmem:s14], [sflag:$0x3], $0x80, s25, s11, $0xb8;
	[tilespmem:$0x8C00] =	vst v63  }
0x49: {  	_ =	swait.ge [sflag:s4], $0x4000  }
0x4a: {  	[sflag:s4] =	ssyncset.done $0x0  }
0x4b: {  	[sflag:s4] =	ssyncadd.s32 $0xFFFFC000  }
0x4c: {  	_ =	swait.ge [sflag:s13], $0x4000  }
0x4d: {  	[sflag:s13] =	ssyncset.done $0x0  }
0x4e: {  	s26 =	simm.s32 $0x380;
	[sflag:s13] =	ssyncadd.s32 $0xFFFFC000  }
0x4f: {  	[tilespmem:s14], [sflag:$0x2] =	stream.indirect.gather [hbm4b:s10+s11], $0x80, s26, s11, $0xb8;
	[tilespmem:$0x8C00] =	vst v63  }
0x50: {  	s28 =	simm.s32 $0x700  }
0x51: {  	[spmem:s2] =	stream.indirect.scatter.add.f32 [tilespmem:s12], [sflag:$0x3], $0x80, s28, s11, $0xb8;
	[tilespmem:$0x8C00] =	vst v63  }
0x52: {  	_ =	swait.ge [sflag:s4], $0x4000  }
0x53: {  	[sflag:s4] =	ssyncset.done $0x0  }
0x54: {  	s30 =	ssub.s32 $0x2, s30;
	[sflag:s4] =	ssyncadd.s32 $0xFFFFC000  }
0x55: {  	s0 =	sshrl.u32 s30, $0x1;
	_ =	swait.ge [sflag:s15], $0x4000  }
0x56: {  	s0 =	ssub.s32 s30, s0;
	[sflag:s15] =	ssyncset.done $0x0  }
0x57: {  	s29 =	simm.s32 $0x780;
	s0 =	smax.u32 s0, $0x1;
	[sflag:s15] =	ssyncadd.s32 $0xFFFFC000  }
0x58: {  	[spmem:s2] =	stream.indirect.scatter.add.f32 [tilespmem:s14], [sflag:$0x3], $0x80, s29, s11, $0xb8;
	[tilespmem:$0x8C00] =	vst v63  }
0x59: {  	p0 =	sne.s32 s0, $0x1;
	_ =	swait.ge [sflag:s4], $0x4000  }
.Ltmp0:
0x5a: {  	[sflag:s4] =	ssyncset.done $0x0;
	(pc) =	sbr.rel @!p0 .LBB2_2-.Ltmp0, $4  }
0x5b: {  	[sflag:s4] =	ssyncadd.s32 $0xFFFFC000  }
0x5c: {  	s30 =	sadd.s32 $0x2E000, s31;
	[bflag:$0x0] =	sbarrier.arrive $0xFFFF  }
0x5d: {  	[hbm:s30], [sflag:s5] =	dma.local [spmem:s6], $0x80  }
0x5e: {  	s31 =	sadd.s32 $0xFFFFFFFF, s0;
	_ =	swait.ge [sflag:s4], $0x80  }
.LBB2_1:
0x5f: {  	[sflag:s4] =	ssyncset.done $0x0  }
0x60: {  	s0 =	rddreg [dreg:$0x3];
	[sflag:s4] =	ssyncadd.s32 $0xFFFFFF80  }
0x61: {  	[spmem:s6], [sflag:s5] =	dma.local [hbm:s0], $0x80  }
0x62: {  	_ =	swait.ge [sflag:s4], $0x80  }
0x63: {  	[sflag:s4] =	ssyncset.done $0x0  }
0x64: {  	[sflag:s4] =	ssyncadd.s32 $0xFFFFFF80  }
0x65: {  	[bflag:$0x0] =	sbarrier.arrive $0xFFFF  }
0x66: {  	[tilespmem:s3], [sflag:$0x3] =	stream.linear.gather [hbm4b:s7+s3], $0x400, $0x38;
	[tilespmem:$0x8C00] =	vst v63  }
0x67: {  	_ =	swait.ge [sflag:s4], $0x400  }
0x68: {  	[sflag:s4] =	ssyncset.done $0x0  }
0x69: {  	[sflag:s4] =	ssyncadd.s32 $0xFFFFFC00  }
0x6a: {  	[tilespmem:s9], [sflag:$0x3] =	stream.linear.gather [hbm4b:s8+s3], $0x400, $0x38;
	[tilespmem:$0x8C00] =	vst v63  }
0x6b: {  	_ =	swait.ge [sflag:s4], $0x400  }
0x6c: {  	[sflag:s4] =	ssyncset.done $0x0  }
0x6d: {  	[sflag:s4] =	ssyncadd.s32 $0xFFFFFC00  }
0x6e: {  	[tilespmem:s12], [sflag:$0x1] =	stream.indirect.gather [hbm4b:s10+s11], $0x80, s3, s11, $0xb8;
	[tilespmem:$0x8C00] =	vst v63  }
0x6f: {  	_ =	swait.ge [sflag:s13], $0x4000  }
0x70: {  	[sflag:s13] =	ssyncset.done $0x0  }
0x71: {  	[sflag:s13] =	ssyncadd.s32 $0xFFFFC000  }
0x72: {  	[tilespmem:s14], [sflag:$0x2] =	stream.indirect.gather [hbm4b:s10+s11], $0x80, s11, s11, $0xb8;
	[tilespmem:$0x8C00] =	vst v63  }
0x73: {  	_ = 	snop  }
0x74: {  	[spmem:s2] =	stream.indirect.scatter.add.f32 [tilespmem:s12], [sflag:$0x3], $0x80, s9, s11, $0xb8;
	[tilespmem:$0x8C00] =	vst v63  }
0x75: {  	_ =	swait.ge [sflag:s4], $0x4000  }
0x76: {  	[sflag:s4] =	ssyncset.done $0x0  }
0x77: {  	[sflag:s4] =	ssyncadd.s32 $0xFFFFC000  }
0x78: {  	_ =	swait.ge [sflag:s15], $0x4000  }
0x79: {  	[sflag:s15] =	ssyncset.done $0x0  }
0x7a: {  	[sflag:s15] =	ssyncadd.s32 $0xFFFFC000  }
0x7b: {  	[tilespmem:s12], [sflag:$0x1] =	stream.indirect.gather [hbm4b:s10+s11], $0x80, s16, s11, $0xb8;
	[tilespmem:$0x8C00] =	vst v63  }
0x7c: {  	_ = 	snop  }
0x7d: {  	[spmem:s2] =	stream.indirect.scatter.add.f32 [tilespmem:s14], [sflag:$0x3], $0x80, s17, s11, $0xb8;
	[tilespmem:$0x8C00] =	vst v63  }
0x7e: {  	_ =	swait.ge [sflag:s4], $0x4000  }
0x7f: {  	[sflag:s4] =	ssyncset.done $0x0  }
0x80: {  	[sflag:s4] =	ssyncadd.s32 $0xFFFFC000  }
0x81: {  	_ =	swait.ge [sflag:s13], $0x4000  }
0x82: {  	[sflag:s13] =	ssyncset.done $0x0  }
0x83: {  	[sflag:s13] =	ssyncadd.s32 $0xFFFFC000  }
0x84: {  	[tilespmem:s14], [sflag:$0x2] =	stream.indirect.gather [hbm4b:s10+s11], $0x80, s18, s11, $0xb8;
	[tilespmem:$0x8C00] =	vst v63  }
0x85: {  	_ = 	snop  }
0x86: {  	[spmem:s2] =	stream.indirect.scatter.add.f32 [tilespmem:s12], [sflag:$0x3], $0x80, s19, s11, $0xb8;
	[tilespmem:$0x8C00] =	vst v63  }
0x87: {  	_ =	swait.ge [sflag:s4], $0x4000  }
0x88: {  	[sflag:s4] =	ssyncset.done $0x0  }
0x89: {  	[sflag:s4] =	ssyncadd.s32 $0xFFFFC000  }
0x8a: {  	_ =	swait.ge [sflag:s15], $0x4000  }
0x8b: {  	[sflag:s15] =	ssyncset.done $0x0  }
0x8c: {  	[sflag:s15] =	ssyncadd.s32 $0xFFFFC000  }
0x8d: {  	[tilespmem:s12], [sflag:$0x1] =	stream.indirect.gather [hbm4b:s10+s11], $0x80, s20, s11, $0xb8;
	[tilespmem:$0x8C00] =	vst v63  }
0x8e: {  	_ = 	snop  }
0x8f: {  	[spmem:s2] =	stream.indirect.scatter.add.f32 [tilespmem:s14], [sflag:$0x3], $0x80, s21, s11, $0xb8;
	[tilespmem:$0x8C00] =	vst v63  }
0x90: {  	_ =	swait.ge [sflag:s4], $0x4000  }
0x91: {  	[sflag:s4] =	ssyncset.done $0x0  }
0x92: {  	[sflag:s4] =	ssyncadd.s32 $0xFFFFC000  }
0x93: {  	_ =	swait.ge [sflag:s13], $0x4000  }
0x94: {  	[sflag:s13] =	ssyncset.done $0x0  }
0x95: {  	[sflag:s13] =	ssyncadd.s32 $0xFFFFC000  }
0x96: {  	[tilespmem:s14], [sflag:$0x2] =	stream.indirect.gather [hbm4b:s10+s11], $0x80, s22, s11, $0xb8;
	[tilespmem:$0x8C00] =	vst v63  }
0x97: {  	_ = 	snop  }
0x98: {  	[spmem:s2] =	stream.indirect.scatter.add.f32 [tilespmem:s12], [sflag:$0x3], $0x80, s23, s11, $0xb8;
	[tilespmem:$0x8C00] =	vst v63  }
0x99: {  	_ =	swait.ge [sflag:s4], $0x4000  }
0x9a: {  	[sflag:s4] =	ssyncset.done $0x0  }
0x9b: {  	[sflag:s4] =	ssyncadd.s32 $0xFFFFC000  }
0x9c: {  	_ =	swait.ge [sflag:s15], $0x4000  }
0x9d: {  	[sflag:s15] =	ssyncset.done $0x0  }
0x9e: {  	[sflag:s15] =	ssyncadd.s32 $0xFFFFC000  }
0x9f: {  	[tilespmem:s12], [sflag:$0x1] =	stream.indirect.gather [hbm4b:s10+s11], $0x80, s24, s11, $0xb8;
	[tilespmem:$0x8C00] =	vst v63  }
0xa0: {  	_ = 	snop  }
0xa1: {  	[spmem:s2] =	stream.indirect.scatter.add.f32 [tilespmem:s14], [sflag:$0x3], $0x80, s25, s11, $0xb8;
	[tilespmem:$0x8C00] =	vst v63  }
0xa2: {  	_ =	swait.ge [sflag:s4], $0x4000  }
0xa3: {  	[sflag:s4] =	ssyncset.done $0x0  }
0xa4: {  	[sflag:s4] =	ssyncadd.s32 $0xFFFFC000  }
0xa5: {  	_ =	swait.ge [sflag:s13], $0x4000  }
0xa6: {  	[sflag:s13] =	ssyncset.done $0x0  }
0xa7: {  	[sflag:s13] =	ssyncadd.s32 $0xFFFFC000  }
0xa8: {  	[tilespmem:s14], [sflag:$0x2] =	stream.indirect.gather [hbm4b:s10+s11], $0x80, s26, s11, $0xb8;
	[tilespmem:$0x8C00] =	vst v63  }
0xa9: {  	_ = 	snop  }
0xaa: {  	[spmem:s2] =	stream.indirect.scatter.add.f32 [tilespmem:s12], [sflag:$0x3], $0x80, s28, s11, $0xb8;
	[tilespmem:$0x8C00] =	vst v63  }
0xab: {  	_ =	swait.ge [sflag:s4], $0x4000  }
0xac: {  	[sflag:s4] =	ssyncset.done $0x0  }
0xad: {  	[sflag:s4] =	ssyncadd.s32 $0xFFFFC000  }
0xae: {  	_ =	swait.ge [sflag:s15], $0x4000  }
0xaf: {  	[sflag:s15] =	ssyncset.done $0x0  }
0xb0: {  	[sflag:s15] =	ssyncadd.s32 $0xFFFFC000  }
0xb1: {  	[spmem:s2] =	stream.indirect.scatter.add.f32 [tilespmem:s14], [sflag:$0x3], $0x80, s29, s11, $0xb8;
	[tilespmem:$0x8C00] =	vst v63  }
0xb2: {  	p0 =	sne.s32 s31, $0x1;
	_ =	swait.ge [sflag:s4], $0x4000  }
.Ltmp1:
0xb3: {  	[sflag:s4] =	ssyncset.done $0x0;
	(pc) =	sbr.rel @p0 .LBB2_1-.Ltmp1, $4  }
0xb4: {  	[sflag:s4] =	ssyncadd.s32 $0xFFFFC000  }
0xb5: {  	[bflag:$0x0] =	sbarrier.arrive $0xFFFF  }
0xb6: {  	[hbm:s30], [sflag:s5] =	dma.local [spmem:s6], $0x80  }
0xb7: {  	s31 =	sadd.s32 $0xFFFFFFFF, s31;
	_ =	swait.ge [sflag:s4], $0x80  }
.LBB2_2:
0xb8: {  	[sflag:s4] =	ssyncset.done $0x0  }
0xb9: {  	[sflag:s4] =	ssyncadd.s32 $0xFFFFFF80  }
0xba: {  	_ =	sfence.sel $0x180000  }
0xbb: {  	[bflag:$0x0] =	sbarrier.arrive $0xFFFF  }
0xbc: {  	_ =	strace $0x90000053  }
0xbd: {  	[bflag:$0x2] =	sbarrier.arrive $0xFFFF  }
0xbe: {  	p0 =	sne.s32 s1, $0x0;
	s0 =	rddreg [dreg:$0x2]  }
0xbf: {  	s0 =	sadd.s32 @!p0 $0x100000, s0  }
0xc0: {  	[sflag:s0] =	ssyncadd.tile.s32 @!p0 $0x1;
	_ =	shalt  }
.Lfunc_end2:
_tile_overlayer_lowered:
.L_overlay_start_2:
0xc1: {  	(tag) =	ssettag $0x2  }
0xc2: {  	s0 =	rddreg [dreg:$0x0];
	s2 =	stileid.u32  }
0xc3: {  	s1 =	rddreg [dreg:$0x1];
	p0 =	sne.s32 s2, $0x0  }
0xc4: {  	s3 =	rddreg [dreg:$0x2];
	[bflag:$0x3] =	sbarrier.arrive $0xFFFF;
	s2 =	simm.s32 @!p0 $0x1C03  }
0xc5: {  	[timem:s3], [sflag:s2] =	dma.local @!p0 [hbm:s0], s1  }
0xc6: {  	s0 =	simm.s32 @!p0 $0x3  }
0xc7: {  	_ =	swait.ge @!p0 [sflag:s0], s1  }
0xc8: {  	s1 =	ssub.s32 @!p0 $0x0, s1;
	[sflag:s0] =	ssyncset.done @!p0 $0x0  }
0xc9: {  	[sflag:s0] =	ssyncadd.s32 @!p0 s1  }
0xca: {  	[bflag:$0x3] =	sbarrier.arrive $0xFFFF  }
0xcb: {  	_ =	shalt  }

</sc_bundles>
